<compile_context>
chip_gen: v7x
topology: tpu7x:2x2x1
jax: 0.10.2.dev20260603
libtpu: 0.0.44.dev20260713+nightly
codegen_flags: <defaults>
</compile_context>

<pallas_src>
import functools

import numpy as np
import jax
import jax.numpy as jnp
from jax import lax
from jax.experimental import pallas as pl
from jax.experimental.pallas import tpu as pltpu
from jax.experimental.pallas import tpu_sc as plsc

_B, _N, _DP = 8, 4096, 64
_NP = 512
_NS = 32
_CB = 128
_T04 = np.float32(0.2 ** 2)


def _fps_body(xyz_ref, init_ref, t_ref, w_ref, cx_ref, cy_ref, cz_ref,
              dist_ref, g_ref, dbuf0, dbuf1, dsem):
    g_ref[...] = lax.dot_general(
        t_ref[...], w_ref[...], (((1,), (0,)), ((), ())),
        preferred_element_type=jnp.float32)
    X = xyz_ref[:, 0, :]
    Y = xyz_ref[:, 1, :]
    Z = xyz_ref[:, 2, :]
    iota = lax.broadcasted_iota(jnp.int32, (_B, _N), 1)
    slot = lax.broadcasted_iota(jnp.int32, (_B, _NP), 1)
    zero = jnp.zeros((_B, _N), jnp.float32)
    zc = jnp.zeros((_B, _NP), jnp.float32)

    def pick(sel):
        px = jnp.sum(jnp.where(sel, X, zero), axis=1, keepdims=True)
        py = jnp.sum(jnp.where(sel, Y, zero), axis=1, keepdims=True)
        pz = jnp.sum(jnp.where(sel, Z, zero), axis=1, keepdims=True)
        return px, py, pz

    init_i = init_ref[...].astype(jnp.int32)
    px, py, pz = pick(iota == init_i)
    cxs = jnp.where(slot == 0, px, zc)
    cys = jnp.where(slot == 0, py, zc)
    czs = jnp.where(slot == 0, pz, zc)
    mask = jnp.ones((_B, _N), jnp.float32)

    def dist_row(px, py, pz):
        dx = X - px
        dy = Y - py
        dz = Z - pz
        return jnp.sqrt(dx * dx + dy * dy + dz * dz)

    bufs = (dbuf0, dbuf1)

    def drain(s, i):
        pltpu.make_async_copy(bufs[s], dist_ref.at[:, pl.ds(i, 1), :],
                              dsem.at[s]).wait()

    def emit(s, i, d):
        bufs[s][...] = jnp.minimum(d, _T04)[:, None, :]
        pltpu.make_async_copy(bufs[s], dist_ref.at[:, pl.ds(i, 1), :],
                              dsem.at[s]).start()

    def body(i, carry):
        px, py, pz, cxs, cys, czs, mask = carry
        d = dist_row(px, py, pz)
        par = lax.rem(i, 2)
        for s in (0, 1):
            @pl.when((par == s) & (i >= 2))
            def _(s=s):
                drain(s, i - 2)

            @pl.when(par == s)
            def _(s=s):
                emit(s, i, d)

        dm = d * mask
        mx = jnp.max(dm, axis=1, keepdims=True)
        idx = jnp.min(jnp.where(dm == mx, iota, jnp.int32(_N)), axis=1,
                      keepdims=True)
        npx, npy, npz = pick(iota == idx)
        nmask = jnp.minimum(dm * mask * jnp.float32(1e11), mask)
        w = slot == (i + 1)
        cxs = jnp.where(w, npx, cxs)
        cys = jnp.where(w, npy, cys)
        czs = jnp.where(w, npz, czs)
        return (npx, npy, npz, cxs, cys, czs, nmask)

    carry = (px, py, pz, cxs, cys, czs, mask)
    px, py, pz, cxs, cys, czs, _ = lax.fori_loop(0, _NP - 1, body, carry)
    drain(0, _NP - 2)
    drain(1, _NP - 3)
    emit(0, _NP - 1, dist_row(px, py, pz))
    drain(0, _NP - 1)
    cx_ref[...] = cxs
    cy_ref[...] = cys
    cz_ref[...] = czs


def _make_ballq(boff):
    def _ballq_body(dist_ref, out_ref, key_scr):
        b = pl.program_id(0) + boff
        j = pl.program_id(1)
        c0 = pl.multiple_of(j * _CB, 128)
        dc = dist_ref[0]
        iota = lax.broadcasted_iota(jnp.int32, (_CB, _N), 1)
        key = jnp.where(dc < _T04, dc, jnp.float32(1.0) + iota.astype(jnp.float32))
        key_scr[...] = key
        base = b * _N
        kcol = lax.broadcasted_iota(jnp.int32, (_CB, _NS), 1)
        one = jnp.float32(1.0)
        inf = jnp.float32(jnp.inf)

        def p1_cond(carry):
            _, _, mn = carry
            return jnp.min(mn) < one

        def p1_body(carry):
            acc, cnt, mn = carry
            key = key_scr[...]
            idx = jnp.min(jnp.where(key == mn[:, None], iota, jnp.int32(_N)),
                          axis=1)
            act = mn < one
            acc = jnp.where((kcol == cnt[:, None]) & act[:, None],
                            (idx + base)[:, None], acc)
            cnt = cnt + act.astype(jnp.int32)
            key = jnp.where((iota == idx[:, None]) & act[:, None], inf, key)
            key_scr[...] = key
            return (acc, cnt, jnp.min(key, axis=1))

        acc0 = jnp.zeros((_CB, _NS), jnp.int32)
        cnt0 = jnp.zeros((_CB,), jnp.int32)
        mn0 = jnp.min(key, axis=1)
        acc, cnt, _ = lax.while_loop(p1_cond, p1_body, (acc0, cnt0, mn0))

        iota64 = lax.broadcasted_iota(jnp.int32, (_CB, 64), 1)
        sub = key_scr[:, :64]
        av = (sub < jnp.float32(1e30)).astype(jnp.int32)
        pc = av
        for sh in (1, 2, 4, 8, 16, 32):
            pc = pc + jnp.concatenate(
                [jnp.zeros((_CB, sh), jnp.int32), pc[:, :64 - sh]], axis=1)
        slotv = cnt[:, None] + (pc - av)
        commit = (av > 0) & (slotv < _NS)
        val = iota64 + base
        big = jnp.int32(1 << 30)
        for s in range(_NS):
            v = jnp.min(jnp.where(commit & (slotv == s), val, big), axis=1)
            acc = jnp.where((kcol == s) & (v[:, None] < big), v[:, None], acc)
        out_ref[0, :, :] = acc
    return _ballq_body


def _mlp_body(x_ref, b1_ref, w2_ref, b2_ref, w3_ref, b3_ref, out_ref):
    dn = (((1,), (0,)), ((), ()))
    h = jnp.maximum(x_ref[...] + b1_ref[...], jnp.float32(0.0))
    h = lax.dot_general(h, w2_ref[...], dn,
                        preferred_element_type=jnp.float32)
    h = jnp.maximum(h + b2_ref[...], jnp.float32(0.0))
    h = lax.dot_general(h, w3_ref[...], dn,
                        preferred_element_type=jnp.float32)
    h = jnp.maximum(h + b3_ref[...], jnp.float32(0.0))
    out_ref[...] = jnp.max(h.reshape(-1, _NS, 128), axis=1)


def _sc_gather(g, idx):
    info = plsc.get_sparse_core_info()
    ncores = info.num_cores
    nw = ncores * info.num_subcores
    rows = idx.shape[0]
    per_w = rows // nw
    chunk = 128
    nchunks = per_w // chunk
    mesh = plsc.VectorSubcoreMesh(core_axis_name="c", subcore_axis_name="s")

    @functools.partial(
        pl.kernel, mesh=mesh,
        out_type=jax.ShapeDtypeStruct((rows, g.shape[1]), jnp.float32),
        scratch_types=[
            pltpu.VMEM((chunk,), jnp.int32),
            pltpu.VMEM((chunk,), jnp.int32),
            pltpu.VMEM((chunk, g.shape[1]), jnp.float32),
            pltpu.VMEM((chunk, g.shape[1]), jnp.float32),
            pltpu.SemaphoreType.DMA,
            pltpu.SemaphoreType.DMA,
        ],
    )
    def k(g_hbm, idx_hbm, out_hbm, iv0, iv1, rv0, rv1, sg0, sg1):
        wid = lax.axis_index("s") * ncores + lax.axis_index("c")
        base = wid * per_w
        iv = (iv0, iv1)
        rv = (rv0, rv1)
        sg = (sg0, sg1)

        pltpu.sync_copy(idx_hbm.at[pl.ds(base, chunk)], iv0)
        copies = [pltpu.async_copy(g_hbm.at[iv0], rv0, sg0), None]
        pltpu.sync_copy(idx_hbm.at[pl.ds(base + chunk, chunk)], iv1)
        for c in range(nchunks):
            cur, nxt = c % 2, (c + 1) % 2
            copies[cur].wait()
            if c + 1 < nchunks:
                copies[nxt] = pltpu.async_copy(g_hbm.at[iv[nxt]], rv[nxt],
                                               sg[nxt])
            pltpu.sync_copy(rv[cur], out_hbm.at[pl.ds(base + c * chunk,
                                                      chunk)])
            if c + 2 < nchunks:
                pltpu.sync_copy(idx_hbm.at[pl.ds(base + (c + 2) * chunk,
                                                 chunk)], iv[cur])

    return k(g, idx)


def kernel(xyz, points, W1, b1, W2, b2, W3, b3):
    B, N, _ = xyz.shape
    f32 = jnp.float32
    init_id = jax.random.randint(jax.random.key(42), (B,), 0, N - 1)
    init_f = init_id.astype(f32).reshape(B, 1)
    xyz_t = jnp.transpose(xyz, (0, 2, 1))

    W1p = jnp.pad(W1, ((0, 0), (0, 64)))
    T = jnp.concatenate([xyz, points], axis=-1).reshape(B * N, 3 + _DP)
    cshape = jax.ShapeDtypeStruct((B, _NP), f32)
    cx, cy, cz, dist, G = pl.pallas_call(
        _fps_body,
        out_shape=[cshape, cshape, cshape,
                   jax.ShapeDtypeStruct((B, _NP, N), f32),
                   jax.ShapeDtypeStruct((B * N, 128), f32)],
        out_specs=[pl.BlockSpec(), pl.BlockSpec(), pl.BlockSpec(),
                   pl.BlockSpec(memory_space=pltpu.HBM), pl.BlockSpec()],
        scratch_shapes=[pltpu.VMEM((B, 1, N), f32),
                        pltpu.VMEM((B, 1, N), f32),
                        pltpu.SemaphoreType.DMA((2,))],
    )(xyz_t, init_f, T, W1p)

    b1p = jnp.pad(b1, (0, 64))
    W2p = jnp.pad(W2, ((0, 64), (0, 0)))

    HB = B // 2
    MB = 4096
    outs = []
    for h in (0, 1):
        gidx = pl.pallas_call(
            _make_ballq(h * HB),
            grid=(HB, _NP // _CB),
            in_specs=[pl.BlockSpec((1, _CB, N),
                                   lambda b, j, h=h: (b + h * HB, j, 0))],
            out_specs=pl.BlockSpec((1, _CB, _NS), lambda b, j: (b, j, 0)),
            out_shape=jax.ShapeDtypeStruct((HB, _NP, _NS), jnp.int32),
            scratch_shapes=[pltpu.VMEM((_CB, _N), f32)],
        )(dist)
        X1 = _sc_gather(G, gidx.reshape(-1))
        out_h = pl.pallas_call(
            _mlp_body,
            grid=(HB * _NP * _NS // MB,),
            in_specs=[
                pl.BlockSpec((MB, 128), lambda i: (i, 0)),
                pl.BlockSpec((1, 128), lambda i: (0, 0)),
                pl.BlockSpec((128, 64), lambda i: (0, 0)),
                pl.BlockSpec((1, 64), lambda i: (0, 0)),
                pl.BlockSpec((64, 128), lambda i: (0, 0)),
                pl.BlockSpec((1, 128), lambda i: (0, 0)),
            ],
            out_specs=pl.BlockSpec((128, 128), lambda i: (i, 0)),
            out_shape=jax.ShapeDtypeStruct((HB * _NP, 128), f32),
        )(X1, b1p.reshape(1, 128), W2p, b2.reshape(1, 64), W3,
          b3.reshape(1, 128))
        outs.append(out_h)

    out = jnp.concatenate(outs, axis=0)
    cent_xyz = jnp.stack([cx, cy, cz], axis=-1)
    return (cent_xyz, out.reshape(B, _NP, 128))

# --- scband reference (transcript-rebuilt; emitter-appended) ---
"""Pipeline reference for scband-set-abstraction-15479062135522 (READ-ONLY COPY).

The authoritative reference and input builder live on the scoring server;
editing this copy changes nothing except your own understanding.
"""

import jax, jax.numpy as jnp
import numpy as np

N_POINTS = 512
N_SAMPLES = 32
RADIUS = 0.2


def farthest_point_sampling(xyz, n_points, key):
    B, N, D = xyz.shape
    init_id = jax.random.randint(key, (B,), 0, N - 1).astype(jnp.int32)
    ids = jnp.zeros((B, n_points), dtype=jnp.int32).at[:, 0].set(init_id)
    mask = jnp.ones((B, N), dtype=xyz.dtype)
    barange = jnp.arange(B)

    def body(i, carry):
        ids, mask = carry
        added_id = ids[:, i]
        added_point = xyz[barange, added_id]
        dist = jnp.linalg.norm(xyz - added_point[:, None, :], axis=2)
        dist = dist * mask
        max_idx = jnp.argmax(dist, axis=1).astype(jnp.int32)
        ids = ids.at[:, i + 1].set(max_idx)
        mask = jnp.minimum(dist * mask * 1e11, mask)
        return (ids, mask)

    ids, _ = jax.lax.fori_loop(0, n_points - 1, body, (ids, mask))
    return ids


def gather_points(x, idx):
    # x: [B, N, D]; idx: [B, n] or [B, n, s]
    return jax.vmap(lambda a, i: a[i])(x, idx)


def query_ball_point(radius, n_samples, xyz, cent_xyz):
    # Faithful to the TF code (including the radius**2 clipping on the norm)
    dist = jnp.linalg.norm(xyz[:, None, :, :] - cent_xyz[:, :, None, :], axis=3)
    dist = jnp.minimum(dist, radius ** 2)
    return jnp.argsort(dist, axis=2)[:, :, :n_samples]


def setup_inputs(seed: int = 0):
    key = jax.random.key(seed)
    ks = jax.random.split(key, 8)
    B, N, Dp = 8, 4096, 64
    xyz = jax.random.uniform(ks[0], (B, N, 3), dtype=jnp.float32)
    points = jax.random.normal(ks[1], (B, N, Dp), dtype=jnp.float32)
    W1 = jax.random.normal(ks[2], (3 + Dp, 64), dtype=jnp.float32) * 0.05
    b1 = jnp.zeros((64,), dtype=jnp.float32)
    W2 = jax.random.normal(ks[3], (64, 64), dtype=jnp.float32) * 0.05
    b2 = jnp.zeros((64,), dtype=jnp.float32)
    W3 = jax.random.normal(ks[4], (64, 128), dtype=jnp.float32) * 0.05
    b3 = jnp.zeros((128,), dtype=jnp.float32)
    return {"xyz": xyz, "points": points, "W1": W1, "b1": b1, "W2": W2, "b2": b2, "W3": W3, "b3": b3}


def reference(xyz, points, W1, b1, W2, b2, W3, b3):
    fps_key = jax.random.key(42)
    cent_idx = farthest_point_sampling(xyz, N_POINTS, fps_key)
    cent_xyz = gather_points(xyz, cent_idx)
    group_idx = query_ball_point(RADIUS, N_SAMPLES, xyz, cent_xyz)
    group_xyz = gather_points(xyz, group_idx)
    group_points = gather_points(points, group_idx)
    new_points = jnp.concatenate([group_xyz, group_points], axis=-1)
    h = jax.nn.relu(new_points @ W1 + b1)
    h = jax.nn.relu(h @ W2 + b2)
    h = jax.nn.relu(h @ W3 + b3)
    out = jnp.max(h, axis=2)
    return (cent_xyz, out)

if __name__ == "__main__":
    import jax
    _d = setup_inputs()
    print(jax.jit(kernel)(*tuple(_d.values())))

</pallas_src>

<mosaic_0001>
#map = affine_map<(d0, d1) -> (0, 0)>
#map1 = affine_map<(d0, d1) -> (0)>
module attributes {stable_mosaic.version = 14 : i64} {
  func.func @k(%arg0: i32, %arg1: i32, %arg2: memref<32768x128xf32, #tpu.memory_space<hbm>>, %arg3: memref<65536xi32, #tpu.memory_space<hbm>>, %arg4: memref<65536x128xf32, #tpu.memory_space<hbm>>, %arg5: memref<128xi32, #tpu.memory_space<vmem>>, %arg6: memref<128xi32, #tpu.memory_space<vmem>>, %arg7: memref<128x128xf32, #tpu.memory_space<vmem>>, %arg8: memref<128x128xf32, #tpu.memory_space<vmem>>, %arg9: memref<!tpu.dma_semaphore, #tpu.memory_space<semaphore_mem>>, %arg10: memref<!tpu.dma_semaphore, #tpu.memory_space<semaphore_mem>>) attributes {dimension_semantics = [#tpu.dimension_semantics<core_parallel>, #tpu.dimension_semantics<subcore_parallel>], iteration_bounds = array<i64: 2, 16>, scalar_prefetch = 0 : i64, scratch_operands = 6 : i64, tpu.core_type = #tpu.core_type<sc_vector_subcore>, window_params = [{transform_indices = #map}, {transform_indices = #map1}, {transform_indices = #map}]} {
    %mul3A = arith.constant 2 : i32
    %mul3A_0 = arith.muli %arg1, %mul3A : i32
    %add3A = arith.addi %mul3A_0, %arg0 : i32
    %mul3A_1 = arith.constant 2048 : i32
    %mul3A_2 = arith.muli %add3A, %mul3A_1 : i32
    "tpu.region"() ({
      %run_scoped3A = tpu.sem_alloc : memref<!tpu.dma_semaphore, #tpu.memory_space<semaphore_mem>>
      %dma_start3A_159 = tpu.memref_slice %arg3[%mul3A_2] : memref<65536xi32, #tpu.memory_space<hbm>> -> memref<128xi32, #tpu.memory_space<hbm>>
      %dma_start3A_160 = tpu.memref_slice %arg3[%mul3A_2] : memref<65536xi32, #tpu.memory_space<hbm>> -> memref<128xi32, #tpu.memory_space<hbm>>
      tpu.enqueue_dma source(%dma_start3A_160 : memref<128xi32, #tpu.memory_space<hbm>>) target(%arg5 : memref<128xi32, #tpu.memory_space<vmem>>) target_semaphore(%run_scoped3A : memref<!tpu.dma_semaphore, #tpu.memory_space<semaphore_mem>>)
      %dma_wait3A_161 = tpu.memref_slice %arg3[%mul3A_2] : memref<65536xi32, #tpu.memory_space<hbm>> -> memref<128xi32, #tpu.memory_space<hbm>>
      %dma_wait3A_162 = tpu.memref_slice %arg3[%mul3A_2] : memref<65536xi32, #tpu.memory_space<hbm>> -> memref<128xi32, #tpu.memory_space<hbm>>
      tpu.wait_dma2 semaphore(%run_scoped3A : memref<!tpu.dma_semaphore, #tpu.memory_space<semaphore_mem>>) src(%dma_wait3A_162 : memref<128xi32, #tpu.memory_space<hbm>>) dst(%arg5 : memref<128xi32, #tpu.memory_space<vmem>>)
      tpu.yield
    }) : () -> ()
    %dma_start3A = arith.constant 0 : i32
    %dma_start3A_3 = arith.constant 0 : i32
    %dma_start3A_4 = tpu.memref_slice %arg2[%dma_start3A, %dma_start3A_3] : memref<32768x128xf32, #tpu.memory_space<hbm>> -> memref<32768x128xf32, #tpu.memory_space<hbm>>
    tpu.enqueue_indirect_dma source(%dma_start3A_4 : memref<32768x128xf32, #tpu.memory_space<hbm>>) target(%arg7 : memref<128x128xf32, #tpu.memory_space<vmem>>) offsets(%arg5 : memref<128xi32, #tpu.memory_space<vmem>>) semaphore(%arg9 : memref<!tpu.dma_semaphore, #tpu.memory_space<semaphore_mem>>)
    %add3A_5 = arith.constant 128 : i32
    %add3A_6 = arith.addi %mul3A_2, %add3A_5 : i32
    "tpu.region"() ({
      %run_scoped3A = tpu.sem_alloc : memref<!tpu.dma_semaphore, #tpu.memory_space<semaphore_mem>>
      %dma_start3A_159 = tpu.memref_slice %arg3[%add3A_6] : memref<65536xi32, #tpu.memory_space<hbm>> -> memref<128xi32, #tpu.memory_space<hbm>>
      %dma_start3A_160 = tpu.memref_slice %arg3[%add3A_6] : memref<65536xi32, #tpu.memory_space<hbm>> -> memref<128xi32, #tpu.memory_space<hbm>>
      tpu.enqueue_dma source(%dma_start3A_160 : memref<128xi32, #tpu.memory_space<hbm>>) target(%arg6 : memref<128xi32, #tpu.memory_space<vmem>>) target_semaphore(%run_scoped3A : memref<!tpu.dma_semaphore, #tpu.memory_space<semaphore_mem>>)
      %dma_wait3A_161 = tpu.memref_slice %arg3[%add3A_6] : memref<65536xi32, #tpu.memory_space<hbm>> -> memref<128xi32, #tpu.memory_space<hbm>>
      %dma_wait3A_162 = tpu.memref_slice %arg3[%add3A_6] : memref<65536xi32, #tpu.memory_space<hbm>> -> memref<128xi32, #tpu.memory_space<hbm>>
      tpu.wait_dma2 semaphore(%run_scoped3A : memref<!tpu.dma_semaphore, #tpu.memory_space<semaphore_mem>>) src(%dma_wait3A_162 : memref<128xi32, #tpu.memory_space<hbm>>) dst(%arg6 : memref<128xi32, #tpu.memory_space<vmem>>)
      tpu.yield
    }) : () -> ()
    %dma_wait3A = arith.constant 0 : i32
    %dma_wait3A_7 = arith.constant 0 : i32
    %dma_wait3A_8 = tpu.memref_slice %arg2[%dma_wait3A, %dma_wait3A_7] : memref<32768x128xf32, #tpu.memory_space<hbm>> -> memref<32768x128xf32, #tpu.memory_space<hbm>>
    tpu.wait_indirect_dma semaphore(%arg9 : memref<!tpu.dma_semaphore, #tpu.memory_space<semaphore_mem>>) src(%dma_wait3A_8 : memref<32768x128xf32, #tpu.memory_space<hbm>>) dst(%arg7 : memref<128x128xf32, #tpu.memory_space<vmem>>)
    %dma_start3A_9 = arith.constant 0 : i32
    %dma_start3A_10 = arith.constant 0 : i32
    %dma_start3A_11 = tpu.memref_slice %arg2[%dma_start3A_9, %dma_start3A_10] : memref<32768x128xf32, #tpu.memory_space<hbm>> -> memref<32768x128xf32, #tpu.memory_space<hbm>>
    tpu.enqueue_indirect_dma source(%dma_start3A_11 : memref<32768x128xf32, #tpu.memory_space<hbm>>) target(%arg8 : memref<128x128xf32, #tpu.memory_space<vmem>>) offsets(%arg6 : memref<128xi32, #tpu.memory_space<vmem>>) semaphore(%arg10 : memref<!tpu.dma_semaphore, #tpu.memory_space<semaphore_mem>>)
    %add3A_12 = arith.constant 0 : i32
    %add3A_13 = arith.addi %mul3A_2, %add3A_12 : i32
    "tpu.region"() ({
      %run_scoped3A = tpu.sem_alloc : memref<!tpu.dma_semaphore, #tpu.memory_space<semaphore_mem>>
      %dma_start3A_159 = arith.constant 0 : i32
      %dma_start3A_160 = tpu.memref_slice %arg4[%add3A_13, %dma_start3A_159] : memref<65536x128xf32, #tpu.memory_space<hbm>> -> memref<128x128xf32, #tpu.memory_space<hbm>>
      %dma_start3A_161 = arith.constant 0 : i32
      %dma_start3A_162 = tpu.memref_slice %arg4[%add3A_13, %dma_start3A_161] : memref<65536x128xf32, #tpu.memory_space<hbm>> -> memref<128x128xf32, #tpu.memory_space<hbm>>
      tpu.enqueue_dma source(%arg7 : memref<128x128xf32, #tpu.memory_space<vmem>>) target(%dma_start3A_162 : memref<128x128xf32, #tpu.memory_space<hbm>>) target_semaphore(%run_scoped3A : memref<!tpu.dma_semaphore, #tpu.memory_space<semaphore_mem>>)
      %dma_wait3A_163 = arith.constant 0 : i32
      %dma_wait3A_164 = tpu.memref_slice %arg4[%add3A_13, %dma_wait3A_163] : memref<65536x128xf32, #tpu.memory_space<hbm>> -> memref<128x128xf32, #tpu.memory_space<hbm>>
      %dma_wait3A_165 = arith.constant 0 : i32
      %dma_wait3A_166 = tpu.memref_slice %arg4[%add3A_13, %dma_wait3A_165] : memref<65536x128xf32, #tpu.memory_space<hbm>> -> memref<128x128xf32, #tpu.memory_space<hbm>>
      tpu.wait_dma2 semaphore(%run_scoped3A : memref<!tpu.dma_semaphore, #tpu.memory_space<semaphore_mem>>) src(%arg7 : memref<128x128xf32, #tpu.memory_space<vmem>>) dst(%dma_wait3A_166 : memref<128x128xf32, #tpu.memory_space<hbm>>)
      tpu.yield
    }) : () -> ()
    %add3A_14 = arith.constant 256 : i32
    %add3A_15 = arith.addi %mul3A_2, %add3A_14 : i32
    "tpu.region"() ({
      %run_scoped3A = tpu.sem_alloc : memref<!tpu.dma_semaphore, #tpu.memory_space<semaphore_mem>>
      %dma_start3A_159 = tpu.memref_slice %arg3[%add3A_15] : memref<65536xi32, #tpu.memory_space<hbm>> -> memref<128xi32, #tpu.memory_space<hbm>>
      %dma_start3A_160 = tpu.memref_slice %arg3[%add3A_15] : memref<65536xi32, #tpu.memory_space<hbm>> -> memref<128xi32, #tpu.memory_space<hbm>>
      tpu.enqueue_dma source(%dma_start3A_160 : memref<128xi32, #tpu.memory_space<hbm>>) target(%arg5 : memref<128xi32, #tpu.memory_space<vmem>>) target_semaphore(%run_scoped3A : memref<!tpu.dma_semaphore, #tpu.memory_space<semaphore_mem>>)
      %dma_wait3A_161 = tpu.memref_slice %arg3[%add3A_15] : memref<65536xi32, #tpu.memory_space<hbm>> -> memref<128xi32, #tpu.memory_space<hbm>>
      %dma_wait3A_162 = tpu.memref_slice %arg3[%add3A_15] : memref<65536xi32, #tpu.memory_space<hbm>> -> memref<128xi32, #tpu.memory_space<hbm>>
      tpu.wait_dma2 semaphore(%run_scoped3A : memref<!tpu.dma_semaphore, #tpu.memory_space<semaphore_mem>>) src(%dma_wait3A_162 : memref<128xi32, #tpu.memory_space<hbm>>) dst(%arg5 : memref<128xi32, #tpu.memory_space<vmem>>)
      tpu.yield
    }) : () -> ()
    %dma_wait3A_16 = arith.constant 0 : i32
    %dma_wait3A_17 = arith.constant 0 : i32
    %dma_wait3A_18 = tpu.memref_slice %arg2[%dma_wait3A_16, %dma_wait3A_17] : memref<32768x128xf32, #tpu.memory_space<hbm>> -> memref<32768x128xf32, #tpu.memory_space<hbm>>
    tpu.wait_indirect_dma semaphore(%arg10 : memref<!tpu.dma_semaphore, #tpu.memory_space<semaphore_mem>>) src(%dma_wait3A_18 : memref<32768x128xf32, #tpu.memory_space<hbm>>) dst(%arg8 : memref<128x128xf32, #tpu.memory_space<vmem>>)
    %dma_start3A_19 = arith.constant 0 : i32
    %dma_start3A_20 = arith.constant 0 : i32
    %dma_start3A_21 = tpu.memref_slice %arg2[%dma_start3A_19, %dma_start3A_20] : memref<32768x128xf32, #tpu.memory_space<hbm>> -> memref<32768x128xf32, #tpu.memory_space<hbm>>
    tpu.enqueue_indirect_dma source(%dma_start3A_21 : memref<32768x128xf32, #tpu.memory_space<hbm>>) target(%arg7 : memref<128x128xf32, #tpu.memory_space<vmem>>) offsets(%arg5 : memref<128xi32, #tpu.memory_space<vmem>>) semaphore(%arg9 : memref<!tpu.dma_semaphore, #tpu.memory_space<semaphore_mem>>)
    %add3A_22 = arith.constant 128 : i32
    %add3A_23 = arith.addi %mul3A_2, %add3A_22 : i32
    "tpu.region"() ({
      %run_scoped3A = tpu.sem_alloc : memref<!tpu.dma_semaphore, #tpu.memory_space<semaphore_mem>>
      %dma_start3A_159 = arith.constant 0 : i32
      %dma_start3A_160 = tpu.memref_slice %arg4[%add3A_23, %dma_start3A_159] : memref<65536x128xf32, #tpu.memory_space<hbm>> -> memref<128x128xf32, #tpu.memory_space<hbm>>
      %dma_start3A_161 = arith.constant 0 : i32
      %dma_start3A_162 = tpu.memref_slice %arg4[%add3A_23, %dma_start3A_161] : memref<65536x128xf32, #tpu.memory_space<hbm>> -> memref<128x128xf32, #tpu.memory_space<hbm>>
      tpu.enqueue_dma source(%arg8 : memref<128x128xf32, #tpu.memory_space<vmem>>) target(%dma_start3A_162 : memref<128x128xf32, #tpu.memory_space<hbm>>) target_semaphore(%run_scoped3A : memref<!tpu.dma_semaphore, #tpu.memory_space<semaphore_mem>>)
      %dma_wait3A_163 = arith.constant 0 : i32
      %dma_wait3A_164 = tpu.memref_slice %arg4[%add3A_23, %dma_wait3A_163] : memref<65536x128xf32, #tpu.memory_space<hbm>> -> memref<128x128xf32, #tpu.memory_space<hbm>>
      %dma_wait3A_165 = arith.constant 0 : i32
      %dma_wait3A_166 = tpu.memref_slice %arg4[%add3A_23, %dma_wait3A_165] : memref<65536x128xf32, #tpu.memory_space<hbm>> -> memref<128x128xf32, #tpu.memory_space<hbm>>
      tpu.wait_dma2 semaphore(%run_scoped3A : memref<!tpu.dma_semaphore, #tpu.memory_space<semaphore_mem>>) src(%arg8 : memref<128x128xf32, #tpu.memory_space<vmem>>) dst(%dma_wait3A_166 : memref<128x128xf32, #tpu.memory_space<hbm>>)
      tpu.yield
    }) : () -> ()
    %add3A_24 = arith.constant 384 : i32
    %add3A_25 = arith.addi %mul3A_2, %add3A_24 : i32
    "tpu.region"() ({
      %run_scoped3A = tpu.sem_alloc : memref<!tpu.dma_semaphore, #tpu.memory_space<semaphore_mem>>
      %dma_start3A_159 = tpu.memref_slice %arg3[%add3A_25] : memref<65536xi32, #tpu.memory_space<hbm>> -> memref<128xi32, #tpu.memory_space<hbm>>
      %dma_start3A_160 = tpu.memref_slice %arg3[%add3A_25] : memref<65536xi32, #tpu.memory_space<hbm>> -> memref<128xi32, #tpu.memory_space<hbm>>
      tpu.enqueue_dma source(%dma_start3A_160 : memref<128xi32, #tpu.memory_space<hbm>>) target(%arg6 : memref<128xi32, #tpu.memory_space<vmem>>) target_semaphore(%run_scoped3A : memref<!tpu.dma_semaphore, #tpu.memory_space<semaphore_mem>>)
      %dma_wait3A_161 = tpu.memref_slice %arg3[%add3A_25] : memref<65536xi32, #tpu.memory_space<hbm>> -> memref<128xi32, #tpu.memory_space<hbm>>
      %dma_wait3A_162 = tpu.memref_slice %arg3[%add3A_25] : memref<65536xi32, #tpu.memory_space<hbm>> -> memref<128xi32, #tpu.memory_space<hbm>>
      tpu.wait_dma2 semaphore(%run_scoped3A : memref<!tpu.dma_semaphore, #tpu.memory_space<semaphore_mem>>) src(%dma_wait3A_162 : memref<128xi32, #tpu.memory_space<hbm>>) dst(%arg6 : memref<128xi32, #tpu.memory_space<vmem>>)
      tpu.yield
    }) : () -> ()
    %dma_wait3A_26 = arith.constant 0 : i32
    %dma_wait3A_27 = arith.constant 0 : i32
    %dma_wait3A_28 = tpu.memref_slice %arg2[%dma_wait3A_26, %dma_wait3A_27] : memref<32768x128xf32, #tpu.memory_space<hbm>> -> memref<32768x128xf32, #tpu.memory_space<hbm>>
    tpu.wait_indirect_dma semaphore(%arg9 : memref<!tpu.dma_semaphore, #tpu.memory_space<semaphore_mem>>) src(%dma_wait3A_28 : memref<32768x128xf32, #tpu.memory_space<hbm>>) dst(%arg7 : memref<128x128xf32, #tpu.memory_space<vmem>>)
    %dma_start3A_29 = arith.constant 0 : i32
    %dma_start3A_30 = arith.constant 0 : i32
    %dma_start3A_31 = tpu.memref_slice %arg2[%dma_start3A_29, %dma_start3A_30] : memref<32768x128xf32, #tpu.memory_space<hbm>> -> memref<32768x128xf32, #tpu.memory_space<hbm>>
    tpu.enqueue_indirect_dma source(%dma_start3A_31 : memref<32768x128xf32, #tpu.memory_space<hbm>>) target(%arg8 : memref<128x128xf32, #tpu.memory_space<vmem>>) offsets(%arg6 : memref<128xi32, #tpu.memory_space<vmem>>) semaphore(%arg10 : memref<!tpu.dma_semaphore, #tpu.memory_space<semaphore_mem>>)
    %add3A_32 = arith.constant 256 : i32
    %add3A_33 = arith.addi %mul3A_2, %add3A_32 : i32
    "tpu.region"() ({
      %run_scoped3A = tpu.sem_alloc : memref<!tpu.dma_semaphore, #tpu.memory_space<semaphore_mem>>
      %dma_start3A_159 = arith.constant 0 : i32
      %dma_start3A_160 = tpu.memref_slice %arg4[%add3A_33, %dma_start3A_159] : memref<65536x128xf32, #tpu.memory_space<hbm>> -> memref<128x128xf32, #tpu.memory_space<hbm>>
      %dma_start3A_161 = arith.constant 0 : i32
      %dma_start3A_162 = tpu.memref_slice %arg4[%add3A_33, %dma_start3A_161] : memref<65536x128xf32, #tpu.memory_space<hbm>> -> memref<128x128xf32, #tpu.memory_space<hbm>>
      tpu.enqueue_dma source(%arg7 : memref<128x128xf32, #tpu.memory_space<vmem>>) target(%dma_start3A_162 : memref<128x128xf32, #tpu.memory_space<hbm>>) target_semaphore(%run_scoped3A : memref<!tpu.dma_semaphore, #tpu.memory_space<semaphore_mem>>)
      %dma_wait3A_163 = arith.constant 0 : i32
      %dma_wait3A_164 = tpu.memref_slice %arg4[%add3A_33, %dma_wait3A_163] : memref<65536x128xf32, #tpu.memory_space<hbm>> -> memref<128x128xf32, #tpu.memory_space<hbm>>
      %dma_wait3A_165 = arith.constant 0 : i32
      %dma_wait3A_166 = tpu.memref_slice %arg4[%add3A_33, %dma_wait3A_165] : memref<65536x128xf32, #tpu.memory_space<hbm>> -> memref<128x128xf32, #tpu.memory_space<hbm>>
      tpu.wait_dma2 semaphore(%run_scoped3A : memref<!tpu.dma_semaphore, #tpu.memory_space<semaphore_mem>>) src(%arg7 : memref<128x128xf32, #tpu.memory_space<vmem>>) dst(%dma_wait3A_166 : memref<128x128xf32, #tpu.memory_space<hbm>>)
      tpu.yield
    }) : () -> ()
    %add3A_34 = arith.constant 512 : i32
    %add3A_35 = arith.addi %mul3A_2, %add3A_34 : i32
    "tpu.region"() ({
      %run_scoped3A = tpu.sem_alloc : memref<!tpu.dma_semaphore, #tpu.memory_space<semaphore_mem>>
      %dma_start3A_159 = tpu.memref_slice %arg3[%add3A_35] : memref<65536xi32, #tpu.memory_space<hbm>> -> memref<128xi32, #tpu.memory_space<hbm>>
      %dma_start3A_160 = tpu.memref_slice %arg3[%add3A_35] : memref<65536xi32, #tpu.memory_space<hbm>> -> memref<128xi32, #tpu.memory_space<hbm>>
      tpu.enqueue_dma source(%dma_start3A_160 : memref<128xi32, #tpu.memory_space<hbm>>) target(%arg5 : memref<128xi32, #tpu.memory_space<vmem>>) target_semaphore(%run_scoped3A : memref<!tpu.dma_semaphore, #tpu.memory_space<semaphore_mem>>)
      %dma_wait3A_161 = tpu.memref_slice %arg3[%add3A_35] : memref<65536xi32, #tpu.memory_space<hbm>> -> memref<128xi32, #tpu.memory_space<hbm>>
      %dma_wait3A_162 = tpu.memref_slice %arg3[%add3A_35] : memref<65536xi32, #tpu.memory_space<hbm>> -> memref<128xi32, #tpu.memory_space<hbm>>
      tpu.wait_dma2 semaphore(%run_scoped3A : memref<!tpu.dma_semaphore, #tpu.memory_space<semaphore_mem>>) src(%dma_wait3A_162 : memref<128xi32, #tpu.memory_space<hbm>>) dst(%arg5 : memref<128xi32, #tpu.memory_space<vmem>>)
      tpu.yield
    }) : () -> ()
    %dma_wait3A_36 = arith.constant 0 : i32
    %dma_wait3A_37 = arith.constant 0 : i32
    %dma_wait3A_38 = tpu.memref_slice %arg2[%dma_wait3A_36, %dma_wait3A_37] : memref<32768x128xf32, #tpu.memory_space<hbm>> -> memref<32768x128xf32, #tpu.memory_space<hbm>>
    tpu.wait_indirect_dma semaphore(%arg10 : memref<!tpu.dma_semaphore, #tpu.memory_space<semaphore_mem>>) src(%dma_wait3A_38 : memref<32768x128xf32, #tpu.memory_space<hbm>>) dst(%arg8 : memref<128x128xf32, #tpu.memory_space<vmem>>)
    %dma_start3A_39 = arith.constant 0 : i32
    %dma_start3A_40 = arith.constant 0 : i32
    %dma_start3A_41 = tpu.memref_slice %arg2[%dma_start3A_39, %dma_start3A_40] : memref<32768x128xf32, #tpu.memory_space<hbm>> -> memref<32768x128xf32, #tpu.memory_space<hbm>>
    tpu.enqueue_indirect_dma source(%dma_start3A_41 : memref<32768x128xf32, #tpu.memory_space<hbm>>) target(%arg7 : memref<128x128xf32, #tpu.memory_space<vmem>>) offsets(%arg5 : memref<128xi32, #tpu.memory_space<vmem>>) semaphore(%arg9 : memref<!tpu.dma_semaphore, #tpu.memory_space<semaphore_mem>>)
    %add3A_42 = arith.constant 384 : i32
    %add3A_43 = arith.addi %mul3A_2, %add3A_42 : i32
    "tpu.region"() ({
      %run_scoped3A = tpu.sem_alloc : memref<!tpu.dma_semaphore, #tpu.memory_space<semaphore_mem>>
      %dma_start3A_159 = arith.constant 0 : i32
      %dma_start3A_160 = tpu.memref_slice %arg4[%add3A_43, %dma_start3A_159] : memref<65536x128xf32, #tpu.memory_space<hbm>> -> memref<128x128xf32, #tpu.memory_space<hbm>>
      %dma_start3A_161 = arith.constant 0 : i32
      %dma_start3A_162 = tpu.memref_slice %arg4[%add3A_43, %dma_start3A_161] : memref<65536x128xf32, #tpu.memory_space<hbm>> -> memref<128x128xf32, #tpu.memory_space<hbm>>
      tpu.enqueue_dma source(%arg8 : memref<128x128xf32, #tpu.memory_space<vmem>>) target(%dma_start3A_162 : memref<128x128xf32, #tpu.memory_space<hbm>>) target_semaphore(%run_scoped3A : memref<!tpu.dma_semaphore, #tpu.memory_space<semaphore_mem>>)
      %dma_wait3A_163 = arith.constant 0 : i32
      %dma_wait3A_164 = tpu.memref_slice %arg4[%add3A_43, %dma_wait3A_163] : memref<65536x128xf32, #tpu.memory_space<hbm>> -> memref<128x128xf32, #tpu.memory_space<hbm>>
      %dma_wait3A_165 = arith.constant 0 : i32
      %dma_wait3A_166 = tpu.memref_slice %arg4[%add3A_43, %dma_wait3A_165] : memref<65536x128xf32, #tpu.memory_space<hbm>> -> memref<128x128xf32, #tpu.memory_space<hbm>>
      tpu.wait_dma2 semaphore(%run_scoped3A : memref<!tpu.dma_semaphore, #tpu.memory_space<semaphore_mem>>) src(%arg8 : memref<128x128xf32, #tpu.memory_space<vmem>>) dst(%dma_wait3A_166 : memref<128x128xf32, #tpu.memory_space<hbm>>)
      tpu.yield
    }) : () -> ()
    %add3A_44 = arith.constant 640 : i32
    %add3A_45 = arith.addi %mul3A_2, %add3A_44 : i32
    "tpu.region"() ({
      %run_scoped3A = tpu.sem_alloc : memref<!tpu.dma_semaphore, #tpu.memory_space<semaphore_mem>>
      %dma_start3A_159 = tpu.memref_slice %arg3[%add3A_45] : memref<65536xi32, #tpu.memory_space<hbm>> -> memref<128xi32, #tpu.memory_space<hbm>>
      %dma_start3A_160 = tpu.memref_slice %arg3[%add3A_45] : memref<65536xi32, #tpu.memory_space<hbm>> -> memref<128xi32, #tpu.memory_space<hbm>>
      tpu.enqueue_dma source(%dma_start3A_160 : memref<128xi32, #tpu.memory_space<hbm>>) target(%arg6 : memref<128xi32, #tpu.memory_space<vmem>>) target_semaphore(%run_scoped3A : memref<!tpu.dma_semaphore, #tpu.memory_space<semaphore_mem>>)
      %dma_wait3A_161 = tpu.memref_slice %arg3[%add3A_45] : memref<65536xi32, #tpu.memory_space<hbm>> -> memref<128xi32, #tpu.memory_space<hbm>>
      %dma_wait3A_162 = tpu.memref_slice %arg3[%add3A_45] : memref<65536xi32, #tpu.memory_space<hbm>> -> memref<128xi32, #tpu.memory_space<hbm>>
      tpu.wait_dma2 semaphore(%run_scoped3A : memref<!tpu.dma_semaphore, #tpu.memory_space<semaphore_mem>>) src(%dma_wait3A_162 : memref<128xi32, #tpu.memory_space<hbm>>) dst(%arg6 : memref<128xi32, #tpu.memory_space<vmem>>)
      tpu.yield
    }) : () -> ()
    %dma_wait3A_46 = arith.constant 0 : i32
    %dma_wait3A_47 = arith.constant 0 : i32
    %dma_wait3A_48 = tpu.memref_slice %arg2[%dma_wait3A_46, %dma_wait3A_47] : memref<32768x128xf32, #tpu.memory_space<hbm>> -> memref<32768x128xf32, #tpu.memory_space<hbm>>
    tpu.wait_indirect_dma semaphore(%arg9 : memref<!tpu.dma_semaphore, #tpu.memory_space<semaphore_mem>>) src(%dma_wait3A_48 : memref<32768x128xf32, #tpu.memory_space<hbm>>) dst(%arg7 : memref<128x128xf32, #tpu.memory_space<vmem>>)
    %dma_start3A_49 = arith.constant 0 : i32
    %dma_start3A_50 = arith.constant 0 : i32
    %dma_start3A_51 = tpu.memref_slice %arg2[%dma_start3A_49, %dma_start3A_50] : memref<32768x128xf32, #tpu.memory_space<hbm>> -> memref<32768x128xf32, #tpu.memory_space<hbm>>
    tpu.enqueue_indirect_dma source(%dma_start3A_51 : memref<32768x128xf32, #tpu.memory_space<hbm>>) target(%arg8 : memref<128x128xf32, #tpu.memory_space<vmem>>) offsets(%arg6 : memref<128xi32, #tpu.memory_space<vmem>>) semaphore(%arg10 : memref<!tpu.dma_semaphore, #tpu.memory_space<semaphore_mem>>)
    %add3A_52 = arith.constant 512 : i32
    %add3A_53 = arith.addi %mul3A_2, %add3A_52 : i32
    "tpu.region"() ({
      %run_scoped3A = tpu.sem_alloc : memref<!tpu.dma_semaphore, #tpu.memory_space<semaphore_mem>>
      %dma_start3A_159 = arith.constant 0 : i32
      %dma_start3A_160 = tpu.memref_slice %arg4[%add3A_53, %dma_start3A_159] : memref<65536x128xf32, #tpu.memory_space<hbm>> -> memref<128x128xf32, #tpu.memory_space<hbm>>
      %dma_start3A_161 = arith.constant 0 : i32
      %dma_start3A_162 = tpu.memref_slice %arg4[%add3A_53, %dma_start3A_161] : memref<65536x128xf32, #tpu.memory_space<hbm>> -> memref<128x128xf32, #tpu.memory_space<hbm>>
      tpu.enqueue_dma source(%arg7 : memref<128x128xf32, #tpu.memory_space<vmem>>) target(%dma_start3A_162 : memref<128x128xf32, #tpu.memory_space<hbm>>) target_semaphore(%run_scoped3A : memref<!tpu.dma_semaphore, #tpu.memory_space<semaphore_mem>>)
      %dma_wait3A_163 = arith.constant 0 : i32
      %dma_wait3A_164 = tpu.memref_slice %arg4[%add3A_53, %dma_wait3A_163] : memref<65536x128xf32, #tpu.memory_space<hbm>> -> memref<128x128xf32, #tpu.memory_space<hbm>>
      %dma_wait3A_165 = arith.constant 0 : i32
      %dma_wait3A_166 = tpu.memref_slice %arg4[%add3A_53, %dma_wait3A_165] : memref<65536x128xf32, #tpu.memory_space<hbm>> -> memref<128x128xf32, #tpu.memory_space<hbm>>
      tpu.wait_dma2 semaphore(%run_scoped3A : memref<!tpu.dma_semaphore, #tpu.memory_space<semaphore_mem>>) src(%arg7 : memref<128x128xf32, #tpu.memory_space<vmem>>) dst(%dma_wait3A_166 : memref<128x128xf32, #tpu.memory_space<hbm>>)
      tpu.yield
    }) : () -> ()
    %add3A_54 = arith.constant 768 : i32
    %add3A_55 = arith.addi %mul3A_2, %add3A_54 : i32
    "tpu.region"() ({
      %run_scoped3A = tpu.sem_alloc : memref<!tpu.dma_semaphore, #tpu.memory_space<semaphore_mem>>
      %dma_start3A_159 = tpu.memref_slice %arg3[%add3A_55] : memref<65536xi32, #tpu.memory_space<hbm>> -> memref<128xi32, #tpu.memory_space<hbm>>
      %dma_start3A_160 = tpu.memref_slice %arg3[%add3A_55] : memref<65536xi32, #tpu.memory_space<hbm>> -> memref<128xi32, #tpu.memory_space<hbm>>
      tpu.enqueue_dma source(%dma_start3A_160 : memref<128xi32, #tpu.memory_space<hbm>>) target(%arg5 : memref<128xi32, #tpu.memory_space<vmem>>) target_semaphore(%run_scoped3A : memref<!tpu.dma_semaphore, #tpu.memory_space<semaphore_mem>>)
      %dma_wait3A_161 = tpu.memref_slice %arg3[%add3A_55] : memref<65536xi32, #tpu.memory_space<hbm>> -> memref<128xi32, #tpu.memory_space<hbm>>
      %dma_wait3A_162 = tpu.memref_slice %arg3[%add3A_55] : memref<65536xi32, #tpu.memory_space<hbm>> -> memref<128xi32, #tpu.memory_space<hbm>>
      tpu.wait_dma2 semaphore(%run_scoped3A : memref<!tpu.dma_semaphore, #tpu.memory_space<semaphore_mem>>) src(%dma_wait3A_162 : memref<128xi32, #tpu.memory_space<hbm>>) dst(%arg5 : memref<128xi32, #tpu.memory_space<vmem>>)
      tpu.yield
    }) : () -> ()
    %dma_wait3A_56 = arith.constant 0 : i32
    %dma_wait3A_57 = arith.constant 0 : i32
    %dma_wait3A_58 = tpu.memref_slice %arg2[%dma_wait3A_56, %dma_wait3A_57] : memref<32768x128xf32, #tpu.memory_space<hbm>> -> memref<32768x128xf32, #tpu.memory_space<hbm>>
    tpu.wait_indirect_dma semaphore(%arg10 : memref<!tpu.dma_semaphore, #tpu.memory_space<semaphore_mem>>) src(%dma_wait3A_58 : memref<32768x128xf32, #tpu.memory_space<hbm>>) dst(%arg8 : memref<128x128xf32, #tpu.memory_space<vmem>>)
    %dma_start3A_59 = arith.constant 0 : i32
    %dma_start3A_60 = arith.constant 0 : i32
    %dma_start3A_61 = tpu.memref_slice %arg2[%dma_start3A_59, %dma_start3A_60] : memref<32768x128xf32, #tpu.memory_space<hbm>> -> memref<32768x128xf32, #tpu.memory_space<hbm>>
    tpu.enqueue_indirect_dma source(%dma_start3A_61 : memref<32768x128xf32, #tpu.memory_space<hbm>>) target(%arg7 : memref<128x128xf32, #tpu.memory_space<vmem>>) offsets(%arg5 : memref<128xi32, #tpu.memory_space<vmem>>) semaphore(%arg9 : memref<!tpu.dma_semaphore, #tpu.memory_space<semaphore_mem>>)
    %add3A_62 = arith.constant 640 : i32
    %add3A_63 = arith.addi %mul3A_2, %add3A_62 : i32
    "tpu.region"() ({
      %run_scoped3A = tpu.sem_alloc : memref<!tpu.dma_semaphore, #tpu.memory_space<semaphore_mem>>
      %dma_start3A_159 = arith.constant 0 : i32
      %dma_start3A_160 = tpu.memref_slice %arg4[%add3A_63, %dma_start3A_159] : memref<65536x128xf32, #tpu.memory_space<hbm>> -> memref<128x128xf32, #tpu.memory_space<hbm>>
      %dma_start3A_161 = arith.constant 0 : i32
      %dma_start3A_162 = tpu.memref_slice %arg4[%add3A_63, %dma_start3A_161] : memref<65536x128xf32, #tpu.memory_space<hbm>> -> memref<128x128xf32, #tpu.memory_space<hbm>>
      tpu.enqueue_dma source(%arg8 : memref<128x128xf32, #tpu.memory_space<vmem>>) target(%dma_start3A_162 : memref<128x128xf32, #tpu.memory_space<hbm>>) target_semaphore(%run_scoped3A : memref<!tpu.dma_semaphore, #tpu.memory_space<semaphore_mem>>)
      %dma_wait3A_163 = arith.constant 0 : i32
      %dma_wait3A_164 = tpu.memref_slice %arg4[%add3A_63, %dma_wait3A_163] : memref<65536x128xf32, #tpu.memory_space<hbm>> -> memref<128x128xf32, #tpu.memory_space<hbm>>
      %dma_wait3A_165 = arith.constant 0 : i32
      %dma_wait3A_166 = tpu.memref_slice %arg4[%add3A_63, %dma_wait3A_165] : memref<65536x128xf32, #tpu.memory_space<hbm>> -> memref<128x128xf32, #tpu.memory_space<hbm>>
      tpu.wait_dma2 semaphore(%run_scoped3A : memref<!tpu.dma_semaphore, #tpu.memory_space<semaphore_mem>>) src(%arg8 : memref<128x128xf32, #tpu.memory_space<vmem>>) dst(%dma_wait3A_166 : memref<128x128xf32, #tpu.memory_space<hbm>>)
      tpu.yield
    }) : () -> ()
    %add3A_64 = arith.constant 896 : i32
    %add3A_65 = arith.addi %mul3A_2, %add3A_64 : i32
    "tpu.region"() ({
      %run_scoped3A = tpu.sem_alloc : memref<!tpu.dma_semaphore, #tpu.memory_space<semaphore_mem>>
      %dma_start3A_159 = tpu.memref_slice %arg3[%add3A_65] : memref<65536xi32, #tpu.memory_space<hbm>> -> memref<128xi32, #tpu.memory_space<hbm>>
      %dma_start3A_160 = tpu.memref_slice %arg3[%add3A_65] : memref<65536xi32, #tpu.memory_space<hbm>> -> memref<128xi32, #tpu.memory_space<hbm>>
      tpu.enqueue_dma source(%dma_start3A_160 : memref<128xi32, #tpu.memory_space<hbm>>) target(%arg6 : memref<128xi32, #tpu.memory_space<vmem>>) target_semaphore(%run_scoped3A : memref<!tpu.dma_semaphore, #tpu.memory_space<semaphore_mem>>)
      %dma_wait3A_161 = tpu.memref_slice %arg3[%add3A_65] : memref<65536xi32, #tpu.memory_space<hbm>> -> memref<128xi32, #tpu.memory_space<hbm>>
      %dma_wait3A_162 = tpu.memref_slice %arg3[%add3A_65] : memref<65536xi32, #tpu.memory_space<hbm>> -> memref<128xi32, #tpu.memory_space<hbm>>
      tpu.wait_dma2 semaphore(%run_scoped3A : memref<!tpu.dma_semaphore, #tpu.memory_space<semaphore_mem>>) src(%dma_wait3A_162 : memref<128xi32, #tpu.memory_space<hbm>>) dst(%arg6 : memref<128xi32, #tpu.memory_space<vmem>>)
      tpu.yield
    }) : () -> ()
    %dma_wait3A_66 = arith.constant 0 : i32
    %dma_wait3A_67 = arith.constant 0 : i32
    %dma_wait3A_68 = tpu.memref_slice %arg2[%dma_wait3A_66, %dma_wait3A_67] : memref<32768x128xf32, #tpu.memory_space<hbm>> -> memref<32768x128xf32, #tpu.memory_space<hbm>>
    tpu.wait_indirect_dma semaphore(%arg9 : memref<!tpu.dma_semaphore, #tpu.memory_space<semaphore_mem>>) src(%dma_wait3A_68 : memref<32768x128xf32, #tpu.memory_space<hbm>>) dst(%arg7 : memref<128x128xf32, #tpu.memory_space<vmem>>)
    %dma_start3A_69 = arith.constant 0 : i32
    %dma_start3A_70 = arith.constant 0 : i32
    %dma_start3A_71 = tpu.memref_slice %arg2[%dma_start3A_69, %dma_start3A_70] : memref<32768x128xf32, #tpu.memory_space<hbm>> -> memref<32768x128xf32, #tpu.memory_space<hbm>>
    tpu.enqueue_indirect_dma source(%dma_start3A_71 : memref<32768x128xf32, #tpu.memory_space<hbm>>) target(%arg8 : memref<128x128xf32, #tpu.memory_space<vmem>>) offsets(%arg6 : memref<128xi32, #tpu.memory_space<vmem>>) semaphore(%arg10 : memref<!tpu.dma_semaphore, #tpu.memory_space<semaphore_mem>>)
    %add3A_72 = arith.constant 768 : i32
    %add3A_73 = arith.addi %mul3A_2, %add3A_72 : i32
    "tpu.region"() ({
      %run_scoped3A = tpu.sem_alloc : memref<!tpu.dma_semaphore, #tpu.memory_space<semaphore_mem>>
      %dma_start3A_159 = arith.constant 0 : i32
      %dma_start3A_160 = tpu.memref_slice %arg4[%add3A_73, %dma_start3A_159] : memref<65536x128xf32, #tpu.memory_space<hbm>> -> memref<128x128xf32, #tpu.memory_space<hbm>>
      %dma_start3A_161 = arith.constant 0 : i32
      %dma_start3A_162 = tpu.memref_slice %arg4[%add3A_73, %dma_start3A_161] : memref<65536x128xf32, #tpu.memory_space<hbm>> -> memref<128x128xf32, #tpu.memory_space<hbm>>
      tpu.enqueue_dma source(%arg7 : memref<128x128xf32, #tpu.memory_space<vmem>>) target(%dma_start3A_162 : memref<128x128xf32, #tpu.memory_space<hbm>>) target_semaphore(%run_scoped3A : memref<!tpu.dma_semaphore, #tpu.memory_space<semaphore_mem>>)
      %dma_wait3A_163 = arith.constant 0 : i32
      %dma_wait3A_164 = tpu.memref_slice %arg4[%add3A_73, %dma_wait3A_163] : memref<65536x128xf32, #tpu.memory_space<hbm>> -> memref<128x128xf32, #tpu.memory_space<hbm>>
      %dma_wait3A_165 = arith.constant 0 : i32
      %dma_wait3A_166 = tpu.memref_slice %arg4[%add3A_73, %dma_wait3A_165] : memref<65536x128xf32, #tpu.memory_space<hbm>> -> memref<128x128xf32, #tpu.memory_space<hbm>>
      tpu.wait_dma2 semaphore(%run_scoped3A : memref<!tpu.dma_semaphore, #tpu.memory_space<semaphore_mem>>) src(%arg7 : memref<128x128xf32, #tpu.memory_space<vmem>>) dst(%dma_wait3A_166 : memref<128x128xf32, #tpu.memory_space<hbm>>)
      tpu.yield
    }) : () -> ()
    %add3A_74 = arith.constant 1024 : i32
    %add3A_75 = arith.addi %mul3A_2, %add3A_74 : i32
    "tpu.region"() ({
      %run_scoped3A = tpu.sem_alloc : memref<!tpu.dma_semaphore, #tpu.memory_space<semaphore_mem>>
      %dma_start3A_159 = tpu.memref_slice %arg3[%add3A_75] : memref<65536xi32, #tpu.memory_space<hbm>> -> memref<128xi32, #tpu.memory_space<hbm>>
      %dma_start3A_160 = tpu.memref_slice %arg3[%add3A_75] : memref<65536xi32, #tpu.memory_space<hbm>> -> memref<128xi32, #tpu.memory_space<hbm>>
      tpu.enqueue_dma source(%dma_start3A_160 : memref<128xi32, #tpu.memory_space<hbm>>) target(%arg5 : memref<128xi32, #tpu.memory_space<vmem>>) target_semaphore(%run_scoped3A : memref<!tpu.dma_semaphore, #tpu.memory_space<semaphore_mem>>)
      %dma_wait3A_161 = tpu.memref_slice %arg3[%add3A_75] : memref<65536xi32, #tpu.memory_space<hbm>> -> memref<128xi32, #tpu.memory_space<hbm>>
      %dma_wait3A_162 = tpu.memref_slice %arg3[%add3A_75] : memref<65536xi32, #tpu.memory_space<hbm>> -> memref<128xi32, #tpu.memory_space<hbm>>
      tpu.wait_dma2 semaphore(%run_scoped3A : memref<!tpu.dma_semaphore, #tpu.memory_space<semaphore_mem>>) src(%dma_wait3A_162 : memref<128xi32, #tpu.memory_space<hbm>>) dst(%arg5 : memref<128xi32, #tpu.memory_space<vmem>>)
      tpu.yield
    }) : () -> ()
    %dma_wait3A_76 = arith.constant 0 : i32
    %dma_wait3A_77 = arith.constant 0 : i32
    %dma_wait3A_78 = tpu.memref_slice %arg2[%dma_wait3A_76, %dma_wait3A_77] : memref<32768x128xf32, #tpu.memory_space<hbm>> -> memref<32768x128xf32, #tpu.memory_space<hbm>>
    tpu.wait_indirect_dma semaphore(%arg10 : memref<!tpu.dma_semaphore, #tpu.memory_space<semaphore_mem>>) src(%dma_wait3A_78 : memref<32768x128xf32, #tpu.memory_space<hbm>>) dst(%arg8 : memref<128x128xf32, #tpu.memory_space<vmem>>)
    %dma_start3A_79 = arith.constant 0 : i32
    %dma_start3A_80 = arith.constant 0 : i32
    %dma_start3A_81 = tpu.memref_slice %arg2[%dma_start3A_79, %dma_start3A_80] : memref<32768x128xf32, #tpu.memory_space<hbm>> -> memref<32768x128xf32, #tpu.memory_space<hbm>>
    tpu.enqueue_indirect_dma source(%dma_start3A_81 : memref<32768x128xf32, #tpu.memory_space<hbm>>) target(%arg7 : memref<128x128xf32, #tpu.memory_space<vmem>>) offsets(%arg5 : memref<128xi32, #tpu.memory_space<vmem>>) semaphore(%arg9 : memref<!tpu.dma_semaphore, #tpu.memory_space<semaphore_mem>>)
    %add3A_82 = arith.constant 896 : i32
    %add3A_83 = arith.addi %mul3A_2, %add3A_82 : i32
    "tpu.region"() ({
      %run_scoped3A = tpu.sem_alloc : memref<!tpu.dma_semaphore, #tpu.memory_space<semaphore_mem>>
      %dma_start3A_159 = arith.constant 0 : i32
      %dma_start3A_160 = tpu.memref_slice %arg4[%add3A_83, %dma_start3A_159] : memref<65536x128xf32, #tpu.memory_space<hbm>> -> memref<128x128xf32, #tpu.memory_space<hbm>>
      %dma_start3A_161 = arith.constant 0 : i32
      %dma_start3A_162 = tpu.memref_slice %arg4[%add3A_83, %dma_start3A_161] : memref<65536x128xf32, #tpu.memory_space<hbm>> -> memref<128x128xf32, #tpu.memory_space<hbm>>
      tpu.enqueue_dma source(%arg8 : memref<128x128xf32, #tpu.memory_space<vmem>>) target(%dma_start3A_162 : memref<128x128xf32, #tpu.memory_space<hbm>>) target_semaphore(%run_scoped3A : memref<!tpu.dma_semaphore, #tpu.memory_space<semaphore_mem>>)
      %dma_wait3A_163 = arith.constant 0 : i32
      %dma_wait3A_164 = tpu.memref_slice %arg4[%add3A_83, %dma_wait3A_163] : memref<65536x128xf32, #tpu.memory_space<hbm>> -> memref<128x128xf32, #tpu.memory_space<hbm>>
      %dma_wait3A_165 = arith.constant 0 : i32
      %dma_wait3A_166 = tpu.memref_slice %arg4[%add3A_83, %dma_wait3A_165] : memref<65536x128xf32, #tpu.memory_space<hbm>> -> memref<128x128xf32, #tpu.memory_space<hbm>>
      tpu.wait_dma2 semaphore(%run_scoped3A : memref<!tpu.dma_semaphore, #tpu.memory_space<semaphore_mem>>) src(%arg8 : memref<128x128xf32, #tpu.memory_space<vmem>>) dst(%dma_wait3A_166 : memref<128x128xf32, #tpu.memory_space<hbm>>)
      tpu.yield
    }) : () -> ()
    %add3A_84 = arith.constant 1152 : i32
    %add3A_85 = arith.addi %mul3A_2, %add3A_84 : i32
    "tpu.region"() ({
      %run_scoped3A = tpu.sem_alloc : memref<!tpu.dma_semaphore, #tpu.memory_space<semaphore_mem>>
      %dma_start3A_159 = tpu.memref_slice %arg3[%add3A_85] : memref<65536xi32, #tpu.memory_space<hbm>> -> memref<128xi32, #tpu.memory_space<hbm>>
      %dma_start3A_160 = tpu.memref_slice %arg3[%add3A_85] : memref<65536xi32, #tpu.memory_space<hbm>> -> memref<128xi32, #tpu.memory_space<hbm>>
      tpu.enqueue_dma source(%dma_start3A_160 : memref<128xi32, #tpu.memory_space<hbm>>) target(%arg6 : memref<128xi32, #tpu.memory_space<vmem>>) target_semaphore(%run_scoped3A : memref<!tpu.dma_semaphore, #tpu.memory_space<semaphore_mem>>)
      %dma_wait3A_161 = tpu.memref_slice %arg3[%add3A_85] : memref<65536xi32, #tpu.memory_space<hbm>> -> memref<128xi32, #tpu.memory_space<hbm>>
      %dma_wait3A_162 = tpu.memref_slice %arg3[%add3A_85] : memref<65536xi32, #tpu.memory_space<hbm>> -> memref<128xi32, #tpu.memory_space<hbm>>
      tpu.wait_dma2 semaphore(%run_scoped3A : memref<!tpu.dma_semaphore, #tpu.memory_space<semaphore_mem>>) src(%dma_wait3A_162 : memref<128xi32, #tpu.memory_space<hbm>>) dst(%arg6 : memref<128xi32, #tpu.memory_space<vmem>>)
      tpu.yield
    }) : () -> ()
    %dma_wait3A_86 = arith.constant 0 : i32
    %dma_wait3A_87 = arith.constant 0 : i32
    %dma_wait3A_88 = tpu.memref_slice %arg2[%dma_wait3A_86, %dma_wait3A_87] : memref<32768x128xf32, #tpu.memory_space<hbm>> -> memref<32768x128xf32, #tpu.memory_space<hbm>>
    tpu.wait_indirect_dma semaphore(%arg9 : memref<!tpu.dma_semaphore, #tpu.memory_space<semaphore_mem>>) src(%dma_wait3A_88 : memref<32768x128xf32, #tpu.memory_space<hbm>>) dst(%arg7 : memref<128x128xf32, #tpu.memory_space<vmem>>)
    %dma_start3A_89 = arith.constant 0 : i32
    %dma_start3A_90 = arith.constant 0 : i32
    %dma_start3A_91 = tpu.memref_slice %arg2[%dma_start3A_89, %dma_start3A_90] : memref<32768x128xf32, #tpu.memory_space<hbm>> -> memref<32768x128xf32, #tpu.memory_space<hbm>>
    tpu.enqueue_indirect_dma source(%dma_start3A_91 : memref<32768x128xf32, #tpu.memory_space<hbm>>) target(%arg8 : memref<128x128xf32, #tpu.memory_space<vmem>>) offsets(%arg6 : memref<128xi32, #tpu.memory_space<vmem>>) semaphore(%arg10 : memref<!tpu.dma_semaphore, #tpu.memory_space<semaphore_mem>>)
    %add3A_92 = arith.constant 1024 : i32
    %add3A_93 = arith.addi %mul3A_2, %add3A_92 : i32
    "tpu.region"() ({
      %run_scoped3A = tpu.sem_alloc : memref<!tpu.dma_semaphore, #tpu.memory_space<semaphore_mem>>
      %dma_start3A_159 = arith.constant 0 : i32
      %dma_start3A_160 = tpu.memref_slice %arg4[%add3A_93, %dma_start3A_159] : memref<65536x128xf32, #tpu.memory_space<hbm>> -> memref<128x128xf32, #tpu.memory_space<hbm>>
      %dma_start3A_161 = arith.constant 0 : i32
      %dma_start3A_162 = tpu.memref_slice %arg4[%add3A_93, %dma_start3A_161] : memref<65536x128xf32, #tpu.memory_space<hbm>> -> memref<128x128xf32, #tpu.memory_space<hbm>>
      tpu.enqueue_dma source(%arg7 : memref<128x128xf32, #tpu.memory_space<vmem>>) target(%dma_start3A_162 : memref<128x128xf32, #tpu.memory_space<hbm>>) target_semaphore(%run_scoped3A : memref<!tpu.dma_semaphore, #tpu.memory_space<semaphore_mem>>)
      %dma_wait3A_163 = arith.constant 0 : i32
      %dma_wait3A_164 = tpu.memref_slice %arg4[%add3A_93, %dma_wait3A_163] : memref<65536x128xf32, #tpu.memory_space<hbm>> -> memref<128x128xf32, #tpu.memory_space<hbm>>
      %dma_wait3A_165 = arith.constant 0 : i32
      %dma_wait3A_166 = tpu.memref_slice %arg4[%add3A_93, %dma_wait3A_165] : memref<65536x128xf32, #tpu.memory_space<hbm>> -> memref<128x128xf32, #tpu.memory_space<hbm>>
      tpu.wait_dma2 semaphore(%run_scoped3A : memref<!tpu.dma_semaphore, #tpu.memory_space<semaphore_mem>>) src(%arg7 : memref<128x128xf32, #tpu.memory_space<vmem>>) dst(%dma_wait3A_166 : memref<128x128xf32, #tpu.memory_space<hbm>>)
      tpu.yield
    }) : () -> ()
    %add3A_94 = arith.constant 1280 : i32
    %add3A_95 = arith.addi %mul3A_2, %add3A_94 : i32
    "tpu.region"() ({
      %run_scoped3A = tpu.sem_alloc : memref<!tpu.dma_semaphore, #tpu.memory_space<semaphore_mem>>
      %dma_start3A_159 = tpu.memref_slice %arg3[%add3A_95] : memref<65536xi32, #tpu.memory_space<hbm>> -> memref<128xi32, #tpu.memory_space<hbm>>
      %dma_start3A_160 = tpu.memref_slice %arg3[%add3A_95] : memref<65536xi32, #tpu.memory_space<hbm>> -> memref<128xi32, #tpu.memory_space<hbm>>
      tpu.enqueue_dma source(%dma_start3A_160 : memref<128xi32, #tpu.memory_space<hbm>>) target(%arg5 : memref<128xi32, #tpu.memory_space<vmem>>) target_semaphore(%run_scoped3A : memref<!tpu.dma_semaphore, #tpu.memory_space<semaphore_mem>>)
      %dma_wait3A_161 = tpu.memref_slice %arg3[%add3A_95] : memref<65536xi32, #tpu.memory_space<hbm>> -> memref<128xi32, #tpu.memory_space<hbm>>
      %dma_wait3A_162 = tpu.memref_slice %arg3[%add3A_95] : memref<65536xi32, #tpu.memory_space<hbm>> -> memref<128xi32, #tpu.memory_space<hbm>>
      tpu.wait_dma2 semaphore(%run_scoped3A : memref<!tpu.dma_semaphore, #tpu.memory_space<semaphore_mem>>) src(%dma_wait3A_162 : memref<128xi32, #tpu.memory_space<hbm>>) dst(%arg5 : memref<128xi32, #tpu.memory_space<vmem>>)
      tpu.yield
    }) : () -> ()
    %dma_wait3A_96 = arith.constant 0 : i32
    %dma_wait3A_97 = arith.constant 0 : i32
    %dma_wait3A_98 = tpu.memref_slice %arg2[%dma_wait3A_96, %dma_wait3A_97] : memref<32768x128xf32, #tpu.memory_space<hbm>> -> memref<32768x128xf32, #tpu.memory_space<hbm>>
    tpu.wait_indirect_dma semaphore(%arg10 : memref<!tpu.dma_semaphore, #tpu.memory_space<semaphore_mem>>) src(%dma_wait3A_98 : memref<32768x128xf32, #tpu.memory_space<hbm>>) dst(%arg8 : memref<128x128xf32, #tpu.memory_space<vmem>>)
    %dma_start3A_99 = arith.constant 0 : i32
    %dma_start3A_100 = arith.constant 0 : i32
    %dma_start3A_101 = tpu.memref_slice %arg2[%dma_start3A_99, %dma_start3A_100] : memref<32768x128xf32, #tpu.memory_space<hbm>> -> memref<32768x128xf32, #tpu.memory_space<hbm>>
    tpu.enqueue_indirect_dma source(%dma_start3A_101 : memref<32768x128xf32, #tpu.memory_space<hbm>>) target(%arg7 : memref<128x128xf32, #tpu.memory_space<vmem>>) offsets(%arg5 : memref<128xi32, #tpu.memory_space<vmem>>) semaphore(%arg9 : memref<!tpu.dma_semaphore, #tpu.memory_space<semaphore_mem>>)
    %add3A_102 = arith.constant 1152 : i32
    %add3A_103 = arith.addi %mul3A_2, %add3A_102 : i32
    "tpu.region"() ({
      %run_scoped3A = tpu.sem_alloc : memref<!tpu.dma_semaphore, #tpu.memory_space<semaphore_mem>>
      %dma_start3A_159 = arith.constant 0 : i32
      %dma_start3A_160 = tpu.memref_slice %arg4[%add3A_103, %dma_start3A_159] : memref<65536x128xf32, #tpu.memory_space<hbm>> -> memref<128x128xf32, #tpu.memory_space<hbm>>
      %dma_start3A_161 = arith.constant 0 : i32
      %dma_start3A_162 = tpu.memref_slice %arg4[%add3A_103, %dma_start3A_161] : memref<65536x128xf32, #tpu.memory_space<hbm>> -> memref<128x128xf32, #tpu.memory_space<hbm>>
      tpu.enqueue_dma source(%arg8 : memref<128x128xf32, #tpu.memory_space<vmem>>) target(%dma_start3A_162 : memref<128x128xf32, #tpu.memory_space<hbm>>) target_semaphore(%run_scoped3A : memref<!tpu.dma_semaphore, #tpu.memory_space<semaphore_mem>>)
      %dma_wait3A_163 = arith.constant 0 : i32
      %dma_wait3A_164 = tpu.memref_slice %arg4[%add3A_103, %dma_wait3A_163] : memref<65536x128xf32, #tpu.memory_space<hbm>> -> memref<128x128xf32, #tpu.memory_space<hbm>>
      %dma_wait3A_165 = arith.constant 0 : i32
      %dma_wait3A_166 = tpu.memref_slice %arg4[%add3A_103, %dma_wait3A_165] : memref<65536x128xf32, #tpu.memory_space<hbm>> -> memref<128x128xf32, #tpu.memory_space<hbm>>
      tpu.wait_dma2 semaphore(%run_scoped3A : memref<!tpu.dma_semaphore, #tpu.memory_space<semaphore_mem>>) src(%arg8 : memref<128x128xf32, #tpu.memory_space<vmem>>) dst(%dma_wait3A_166 : memref<128x128xf32, #tpu.memory_space<hbm>>)
      tpu.yield
    }) : () -> ()
    %add3A_104 = arith.constant 1408 : i32
    %add3A_105 = arith.addi %mul3A_2, %add3A_104 : i32
    "tpu.region"() ({
      %run_scoped3A = tpu.sem_alloc : memref<!tpu.dma_semaphore, #tpu.memory_space<semaphore_mem>>
      %dma_start3A_159 = tpu.memref_slice %arg3[%add3A_105] : memref<65536xi32, #tpu.memory_space<hbm>> -> memref<128xi32, #tpu.memory_space<hbm>>
      %dma_start3A_160 = tpu.memref_slice %arg3[%add3A_105] : memref<65536xi32, #tpu.memory_space<hbm>> -> memref<128xi32, #tpu.memory_space<hbm>>
      tpu.enqueue_dma source(%dma_start3A_160 : memref<128xi32, #tpu.memory_space<hbm>>) target(%arg6 : memref<128xi32, #tpu.memory_space<vmem>>) target_semaphore(%run_scoped3A : memref<!tpu.dma_semaphore, #tpu.memory_space<semaphore_mem>>)
      %dma_wait3A_161 = tpu.memref_slice %arg3[%add3A_105] : memref<65536xi32, #tpu.memory_space<hbm>> -> memref<128xi32, #tpu.memory_space<hbm>>
      %dma_wait3A_162 = tpu.memref_slice %arg3[%add3A_105] : memref<65536xi32, #tpu.memory_space<hbm>> -> memref<128xi32, #tpu.memory_space<hbm>>
      tpu.wait_dma2 semaphore(%run_scoped3A : memref<!tpu.dma_semaphore, #tpu.memory_space<semaphore_mem>>) src(%dma_wait3A_162 : memref<128xi32, #tpu.memory_space<hbm>>) dst(%arg6 : memref<128xi32, #tpu.memory_space<vmem>>)
      tpu.yield
    }) : () -> ()
    %dma_wait3A_106 = arith.constant 0 : i32
    %dma_wait3A_107 = arith.constant 0 : i32
    %dma_wait3A_108 = tpu.memref_slice %arg2[%dma_wait3A_106, %dma_wait3A_107] : memref<32768x128xf32, #tpu.memory_space<hbm>> -> memref<32768x128xf32, #tpu.memory_space<hbm>>
    tpu.wait_indirect_dma semaphore(%arg9 : memref<!tpu.dma_semaphore, #tpu.memory_space<semaphore_mem>>) src(%dma_wait3A_108 : memref<32768x128xf32, #tpu.memory_space<hbm>>) dst(%arg7 : memref<128x128xf32, #tpu.memory_space<vmem>>)
    %dma_start3A_109 = arith.constant 0 : i32
    %dma_start3A_110 = arith.constant 0 : i32
    %dma_start3A_111 = tpu.memref_slice %arg2[%dma_start3A_109, %dma_start3A_110] : memref<32768x128xf32, #tpu.memory_space<hbm>> -> memref<32768x128xf32, #tpu.memory_space<hbm>>
    tpu.enqueue_indirect_dma source(%dma_start3A_111 : memref<32768x128xf32, #tpu.memory_space<hbm>>) target(%arg8 : memref<128x128xf32, #tpu.memory_space<vmem>>) offsets(%arg6 : memref<128xi32, #tpu.memory_space<vmem>>) semaphore(%arg10 : memref<!tpu.dma_semaphore, #tpu.memory_space<semaphore_mem>>)
    %add3A_112 = arith.constant 1280 : i32
    %add3A_113 = arith.addi %mul3A_2, %add3A_112 : i32
    "tpu.region"() ({
      %run_scoped3A = tpu.sem_alloc : memref<!tpu.dma_semaphore, #tpu.memory_space<semaphore_mem>>
      %dma_start3A_159 = arith.constant 0 : i32
      %dma_start3A_160 = tpu.memref_slice %arg4[%add3A_113, %dma_start3A_159] : memref<65536x128xf32, #tpu.memory_space<hbm>> -> memref<128x128xf32, #tpu.memory_space<hbm>>
      %dma_start3A_161 = arith.constant 0 : i32
      %dma_start3A_162 = tpu.memref_slice %arg4[%add3A_113, %dma_start3A_161] : memref<65536x128xf32, #tpu.memory_space<hbm>> -> memref<128x128xf32, #tpu.memory_space<hbm>>
      tpu.enqueue_dma source(%arg7 : memref<128x128xf32, #tpu.memory_space<vmem>>) target(%dma_start3A_162 : memref<128x128xf32, #tpu.memory_space<hbm>>) target_semaphore(%run_scoped3A : memref<!tpu.dma_semaphore, #tpu.memory_space<semaphore_mem>>)
      %dma_wait3A_163 = arith.constant 0 : i32
      %dma_wait3A_164 = tpu.memref_slice %arg4[%add3A_113, %dma_wait3A_163] : memref<65536x128xf32, #tpu.memory_space<hbm>> -> memref<128x128xf32, #tpu.memory_space<hbm>>
      %dma_wait3A_165 = arith.constant 0 : i32
      %dma_wait3A_166 = tpu.memref_slice %arg4[%add3A_113, %dma_wait3A_165] : memref<65536x128xf32, #tpu.memory_space<hbm>> -> memref<128x128xf32, #tpu.memory_space<hbm>>
      tpu.wait_dma2 semaphore(%run_scoped3A : memref<!tpu.dma_semaphore, #tpu.memory_space<semaphore_mem>>) src(%arg7 : memref<128x128xf32, #tpu.memory_space<vmem>>) dst(%dma_wait3A_166 : memref<128x128xf32, #tpu.memory_space<hbm>>)
      tpu.yield
    }) : () -> ()
    %add3A_114 = arith.constant 1536 : i32
    %add3A_115 = arith.addi %mul3A_2, %add3A_114 : i32
    "tpu.region"() ({
      %run_scoped3A = tpu.sem_alloc : memref<!tpu.dma_semaphore, #tpu.memory_space<semaphore_mem>>
      %dma_start3A_159 = tpu.memref_slice %arg3[%add3A_115] : memref<65536xi32, #tpu.memory_space<hbm>> -> memref<128xi32, #tpu.memory_space<hbm>>
      %dma_start3A_160 = tpu.memref_slice %arg3[%add3A_115] : memref<65536xi32, #tpu.memory_space<hbm>> -> memref<128xi32, #tpu.memory_space<hbm>>
      tpu.enqueue_dma source(%dma_start3A_160 : memref<128xi32, #tpu.memory_space<hbm>>) target(%arg5 : memref<128xi32, #tpu.memory_space<vmem>>) target_semaphore(%run_scoped3A : memref<!tpu.dma_semaphore, #tpu.memory_space<semaphore_mem>>)
      %dma_wait3A_161 = tpu.memref_slice %arg3[%add3A_115] : memref<65536xi32, #tpu.memory_space<hbm>> -> memref<128xi32, #tpu.memory_space<hbm>>
      %dma_wait3A_162 = tpu.memref_slice %arg3[%add3A_115] : memref<65536xi32, #tpu.memory_space<hbm>> -> memref<128xi32, #tpu.memory_space<hbm>>
      tpu.wait_dma2 semaphore(%run_scoped3A : memref<!tpu.dma_semaphore, #tpu.memory_space<semaphore_mem>>) src(%dma_wait3A_162 : memref<128xi32, #tpu.memory_space<hbm>>) dst(%arg5 : memref<128xi32, #tpu.memory_space<vmem>>)
      tpu.yield
    }) : () -> ()
    %dma_wait3A_116 = arith.constant 0 : i32
    %dma_wait3A_117 = arith.constant 0 : i32
    %dma_wait3A_118 = tpu.memref_slice %arg2[%dma_wait3A_116, %dma_wait3A_117] : memref<32768x128xf32, #tpu.memory_space<hbm>> -> memref<32768x128xf32, #tpu.memory_space<hbm>>
    tpu.wait_indirect_dma semaphore(%arg10 : memref<!tpu.dma_semaphore, #tpu.memory_space<semaphore_mem>>) src(%dma_wait3A_118 : memref<32768x128xf32, #tpu.memory_space<hbm>>) dst(%arg8 : memref<128x128xf32, #tpu.memory_space<vmem>>)
    %dma_start3A_119 = arith.constant 0 : i32
    %dma_start3A_120 = arith.constant 0 : i32
    %dma_start3A_121 = tpu.memref_slice %arg2[%dma_start3A_119, %dma_start3A_120] : memref<32768x128xf32, #tpu.memory_space<hbm>> -> memref<32768x128xf32, #tpu.memory_space<hbm>>
    tpu.enqueue_indirect_dma source(%dma_start3A_121 : memref<32768x128xf32, #tpu.memory_space<hbm>>) target(%arg7 : memref<128x128xf32, #tpu.memory_space<vmem>>) offsets(%arg5 : memref<128xi32, #tpu.memory_space<vmem>>) semaphore(%arg9 : memref<!tpu.dma_semaphore, #tpu.memory_space<semaphore_mem>>)
    %add3A_122 = arith.constant 1408 : i32
    %add3A_123 = arith.addi %mul3A_2, %add3A_122 : i32
    "tpu.region"() ({
      %run_scoped3A = tpu.sem_alloc : memref<!tpu.dma_semaphore, #tpu.memory_space<semaphore_mem>>
      %dma_start3A_159 = arith.constant 0 : i32
      %dma_start3A_160 = tpu.memref_slice %arg4[%add3A_123, %dma_start3A_159] : memref<65536x128xf32, #tpu.memory_space<hbm>> -> memref<128x128xf32, #tpu.memory_space<hbm>>
      %dma_start3A_161 = arith.constant 0 : i32
      %dma_start3A_162 = tpu.memref_slice %arg4[%add3A_123, %dma_start3A_161] : memref<65536x128xf32, #tpu.memory_space<hbm>> -> memref<128x128xf32, #tpu.memory_space<hbm>>
      tpu.enqueue_dma source(%arg8 : memref<128x128xf32, #tpu.memory_space<vmem>>) target(%dma_start3A_162 : memref<128x128xf32, #tpu.memory_space<hbm>>) target_semaphore(%run_scoped3A : memref<!tpu.dma_semaphore, #tpu.memory_space<semaphore_mem>>)
      %dma_wait3A_163 = arith.constant 0 : i32
      %dma_wait3A_164 = tpu.memref_slice %arg4[%add3A_123, %dma_wait3A_163] : memref<65536x128xf32, #tpu.memory_space<hbm>> -> memref<128x128xf32, #tpu.memory_space<hbm>>
      %dma_wait3A_165 = arith.constant 0 : i32
      %dma_wait3A_166 = tpu.memref_slice %arg4[%add3A_123, %dma_wait3A_165] : memref<65536x128xf32, #tpu.memory_space<hbm>> -> memref<128x128xf32, #tpu.memory_space<hbm>>
      tpu.wait_dma2 semaphore(%run_scoped3A : memref<!tpu.dma_semaphore, #tpu.memory_space<semaphore_mem>>) src(%arg8 : memref<128x128xf32, #tpu.memory_space<vmem>>) dst(%dma_wait3A_166 : memref<128x128xf32, #tpu.memory_space<hbm>>)
      tpu.yield
    }) : () -> ()
    %add3A_124 = arith.constant 1664 : i32
    %add3A_125 = arith.addi %mul3A_2, %add3A_124 : i32
    "tpu.region"() ({
      %run_scoped3A = tpu.sem_alloc : memref<!tpu.dma_semaphore, #tpu.memory_space<semaphore_mem>>
      %dma_start3A_159 = tpu.memref_slice %arg3[%add3A_125] : memref<65536xi32, #tpu.memory_space<hbm>> -> memref<128xi32, #tpu.memory_space<hbm>>
      %dma_start3A_160 = tpu.memref_slice %arg3[%add3A_125] : memref<65536xi32, #tpu.memory_space<hbm>> -> memref<128xi32, #tpu.memory_space<hbm>>
      tpu.enqueue_dma source(%dma_start3A_160 : memref<128xi32, #tpu.memory_space<hbm>>) target(%arg6 : memref<128xi32, #tpu.memory_space<vmem>>) target_semaphore(%run_scoped3A : memref<!tpu.dma_semaphore, #tpu.memory_space<semaphore_mem>>)
      %dma_wait3A_161 = tpu.memref_slice %arg3[%add3A_125] : memref<65536xi32, #tpu.memory_space<hbm>> -> memref<128xi32, #tpu.memory_space<hbm>>
      %dma_wait3A_162 = tpu.memref_slice %arg3[%add3A_125] : memref<65536xi32, #tpu.memory_space<hbm>> -> memref<128xi32, #tpu.memory_space<hbm>>
      tpu.wait_dma2 semaphore(%run_scoped3A : memref<!tpu.dma_semaphore, #tpu.memory_space<semaphore_mem>>) src(%dma_wait3A_162 : memref<128xi32, #tpu.memory_space<hbm>>) dst(%arg6 : memref<128xi32, #tpu.memory_space<vmem>>)
      tpu.yield
    }) : () -> ()
    %dma_wait3A_126 = arith.constant 0 : i32
    %dma_wait3A_127 = arith.constant 0 : i32
    %dma_wait3A_128 = tpu.memref_slice %arg2[%dma_wait3A_126, %dma_wait3A_127] : memref<32768x128xf32, #tpu.memory_space<hbm>> -> memref<32768x128xf32, #tpu.memory_space<hbm>>
    tpu.wait_indirect_dma semaphore(%arg9 : memref<!tpu.dma_semaphore, #tpu.memory_space<semaphore_mem>>) src(%dma_wait3A_128 : memref<32768x128xf32, #tpu.memory_space<hbm>>) dst(%arg7 : memref<128x128xf32, #tpu.memory_space<vmem>>)
    %dma_start3A_129 = arith.constant 0 : i32
    %dma_start3A_130 = arith.constant 0 : i32
    %dma_start3A_131 = tpu.memref_slice %arg2[%dma_start3A_129, %dma_start3A_130] : memref<32768x128xf32, #tpu.memory_space<hbm>> -> memref<32768x128xf32, #tpu.memory_space<hbm>>
    tpu.enqueue_indirect_dma source(%dma_start3A_131 : memref<32768x128xf32, #tpu.memory_space<hbm>>) target(%arg8 : memref<128x128xf32, #tpu.memory_space<vmem>>) offsets(%arg6 : memref<128xi32, #tpu.memory_space<vmem>>) semaphore(%arg10 : memref<!tpu.dma_semaphore, #tpu.memory_space<semaphore_mem>>)
    %add3A_132 = arith.constant 1536 : i32
    %add3A_133 = arith.addi %mul3A_2, %add3A_132 : i32
    "tpu.region"() ({
      %run_scoped3A = tpu.sem_alloc : memref<!tpu.dma_semaphore, #tpu.memory_space<semaphore_mem>>
      %dma_start3A_159 = arith.constant 0 : i32
      %dma_start3A_160 = tpu.memref_slice %arg4[%add3A_133, %dma_start3A_159] : memref<65536x128xf32, #tpu.memory_space<hbm>> -> memref<128x128xf32, #tpu.memory_space<hbm>>
      %dma_start3A_161 = arith.constant 0 : i32
      %dma_start3A_162 = tpu.memref_slice %arg4[%add3A_133, %dma_start3A_161] : memref<65536x128xf32, #tpu.memory_space<hbm>> -> memref<128x128xf32, #tpu.memory_space<hbm>>
      tpu.enqueue_dma source(%arg7 : memref<128x128xf32, #tpu.memory_space<vmem>>) target(%dma_start3A_162 : memref<128x128xf32, #tpu.memory_space<hbm>>) target_semaphore(%run_scoped3A : memref<!tpu.dma_semaphore, #tpu.memory_space<semaphore_mem>>)
      %dma_wait3A_163 = arith.constant 0 : i32
      %dma_wait3A_164 = tpu.memref_slice %arg4[%add3A_133, %dma_wait3A_163] : memref<65536x128xf32, #tpu.memory_space<hbm>> -> memref<128x128xf32, #tpu.memory_space<hbm>>
      %dma_wait3A_165 = arith.constant 0 : i32
      %dma_wait3A_166 = tpu.memref_slice %arg4[%add3A_133, %dma_wait3A_165] : memref<65536x128xf32, #tpu.memory_space<hbm>> -> memref<128x128xf32, #tpu.memory_space<hbm>>
      tpu.wait_dma2 semaphore(%run_scoped3A : memref<!tpu.dma_semaphore, #tpu.memory_space<semaphore_mem>>) src(%arg7 : memref<128x128xf32, #tpu.memory_space<vmem>>) dst(%dma_wait3A_166 : memref<128x128xf32, #tpu.memory_space<hbm>>)
      tpu.yield
    }) : () -> ()
    %add3A_134 = arith.constant 1792 : i32
    %add3A_135 = arith.addi %mul3A_2, %add3A_134 : i32
    "tpu.region"() ({
      %run_scoped3A = tpu.sem_alloc : memref<!tpu.dma_semaphore, #tpu.memory_space<semaphore_mem>>
      %dma_start3A_159 = tpu.memref_slice %arg3[%add3A_135] : memref<65536xi32, #tpu.memory_space<hbm>> -> memref<128xi32, #tpu.memory_space<hbm>>
      %dma_start3A_160 = tpu.memref_slice %arg3[%add3A_135] : memref<65536xi32, #tpu.memory_space<hbm>> -> memref<128xi32, #tpu.memory_space<hbm>>
      tpu.enqueue_dma source(%dma_start3A_160 : memref<128xi32, #tpu.memory_space<hbm>>) target(%arg5 : memref<128xi32, #tpu.memory_space<vmem>>) target_semaphore(%run_scoped3A : memref<!tpu.dma_semaphore, #tpu.memory_space<semaphore_mem>>)
      %dma_wait3A_161 = tpu.memref_slice %arg3[%add3A_135] : memref<65536xi32, #tpu.memory_space<hbm>> -> memref<128xi32, #tpu.memory_space<hbm>>
      %dma_wait3A_162 = tpu.memref_slice %arg3[%add3A_135] : memref<65536xi32, #tpu.memory_space<hbm>> -> memref<128xi32, #tpu.memory_space<hbm>>
      tpu.wait_dma2 semaphore(%run_scoped3A : memref<!tpu.dma_semaphore, #tpu.memory_space<semaphore_mem>>) src(%dma_wait3A_162 : memref<128xi32, #tpu.memory_space<hbm>>) dst(%arg5 : memref<128xi32, #tpu.memory_space<vmem>>)
      tpu.yield
    }) : () -> ()
    %dma_wait3A_136 = arith.constant 0 : i32
    %dma_wait3A_137 = arith.constant 0 : i32
    %dma_wait3A_138 = tpu.memref_slice %arg2[%dma_wait3A_136, %dma_wait3A_137] : memref<32768x128xf32, #tpu.memory_space<hbm>> -> memref<32768x128xf32, #tpu.memory_space<hbm>>
    tpu.wait_indirect_dma semaphore(%arg10 : memref<!tpu.dma_semaphore, #tpu.memory_space<semaphore_mem>>) src(%dma_wait3A_138 : memref<32768x128xf32, #tpu.memory_space<hbm>>) dst(%arg8 : memref<128x128xf32, #tpu.memory_space<vmem>>)
    %dma_start3A_139 = arith.constant 0 : i32
    %dma_start3A_140 = arith.constant 0 : i32
    %dma_start3A_141 = tpu.memref_slice %arg2[%dma_start3A_139, %dma_start3A_140] : memref<32768x128xf32, #tpu.memory_space<hbm>> -> memref<32768x128xf32, #tpu.memory_space<hbm>>
    tpu.enqueue_indirect_dma source(%dma_start3A_141 : memref<32768x128xf32, #tpu.memory_space<hbm>>) target(%arg7 : memref<128x128xf32, #tpu.memory_space<vmem>>) offsets(%arg5 : memref<128xi32, #tpu.memory_space<vmem>>) semaphore(%arg9 : memref<!tpu.dma_semaphore, #tpu.memory_space<semaphore_mem>>)
    %add3A_142 = arith.constant 1664 : i32
    %add3A_143 = arith.addi %mul3A_2, %add3A_142 : i32
    "tpu.region"() ({
      %run_scoped3A = tpu.sem_alloc : memref<!tpu.dma_semaphore, #tpu.memory_space<semaphore_mem>>
      %dma_start3A_159 = arith.constant 0 : i32
      %dma_start3A_160 = tpu.memref_slice %arg4[%add3A_143, %dma_start3A_159] : memref<65536x128xf32, #tpu.memory_space<hbm>> -> memref<128x128xf32, #tpu.memory_space<hbm>>
      %dma_start3A_161 = arith.constant 0 : i32
      %dma_start3A_162 = tpu.memref_slice %arg4[%add3A_143, %dma_start3A_161] : memref<65536x128xf32, #tpu.memory_space<hbm>> -> memref<128x128xf32, #tpu.memory_space<hbm>>
      tpu.enqueue_dma source(%arg8 : memref<128x128xf32, #tpu.memory_space<vmem>>) target(%dma_start3A_162 : memref<128x128xf32, #tpu.memory_space<hbm>>) target_semaphore(%run_scoped3A : memref<!tpu.dma_semaphore, #tpu.memory_space<semaphore_mem>>)
      %dma_wait3A_163 = arith.constant 0 : i32
      %dma_wait3A_164 = tpu.memref_slice %arg4[%add3A_143, %dma_wait3A_163] : memref<65536x128xf32, #tpu.memory_space<hbm>> -> memref<128x128xf32, #tpu.memory_space<hbm>>
      %dma_wait3A_165 = arith.constant 0 : i32
      %dma_wait3A_166 = tpu.memref_slice %arg4[%add3A_143, %dma_wait3A_165] : memref<65536x128xf32, #tpu.memory_space<hbm>> -> memref<128x128xf32, #tpu.memory_space<hbm>>
      tpu.wait_dma2 semaphore(%run_scoped3A : memref<!tpu.dma_semaphore, #tpu.memory_space<semaphore_mem>>) src(%arg8 : memref<128x128xf32, #tpu.memory_space<vmem>>) dst(%dma_wait3A_166 : memref<128x128xf32, #tpu.memory_space<hbm>>)
      tpu.yield
    }) : () -> ()
    %add3A_144 = arith.constant 1920 : i32
    %add3A_145 = arith.addi %mul3A_2, %add3A_144 : i32
    "tpu.region"() ({
      %run_scoped3A = tpu.sem_alloc : memref<!tpu.dma_semaphore, #tpu.memory_space<semaphore_mem>>
      %dma_start3A_159 = tpu.memref_slice %arg3[%add3A_145] : memref<65536xi32, #tpu.memory_space<hbm>> -> memref<128xi32, #tpu.memory_space<hbm>>
      %dma_start3A_160 = tpu.memref_slice %arg3[%add3A_145] : memref<65536xi32, #tpu.memory_space<hbm>> -> memref<128xi32, #tpu.memory_space<hbm>>
      tpu.enqueue_dma source(%dma_start3A_160 : memref<128xi32, #tpu.memory_space<hbm>>) target(%arg6 : memref<128xi32, #tpu.memory_space<vmem>>) target_semaphore(%run_scoped3A : memref<!tpu.dma_semaphore, #tpu.memory_space<semaphore_mem>>)
      %dma_wait3A_161 = tpu.memref_slice %arg3[%add3A_145] : memref<65536xi32, #tpu.memory_space<hbm>> -> memref<128xi32, #tpu.memory_space<hbm>>
      %dma_wait3A_162 = tpu.memref_slice %arg3[%add3A_145] : memref<65536xi32, #tpu.memory_space<hbm>> -> memref<128xi32, #tpu.memory_space<hbm>>
      tpu.wait_dma2 semaphore(%run_scoped3A : memref<!tpu.dma_semaphore, #tpu.memory_space<semaphore_mem>>) src(%dma_wait3A_162 : memref<128xi32, #tpu.memory_space<hbm>>) dst(%arg6 : memref<128xi32, #tpu.memory_space<vmem>>)
      tpu.yield
    }) : () -> ()
    %dma_wait3A_146 = arith.constant 0 : i32
    %dma_wait3A_147 = arith.constant 0 : i32
    %dma_wait3A_148 = tpu.memref_slice %arg2[%dma_wait3A_146, %dma_wait3A_147] : memref<32768x128xf32, #tpu.memory_space<hbm>> -> memref<32768x128xf32, #tpu.memory_space<hbm>>
    tpu.wait_indirect_dma semaphore(%arg9 : memref<!tpu.dma_semaphore, #tpu.memory_space<semaphore_mem>>) src(%dma_wait3A_148 : memref<32768x128xf32, #tpu.memory_space<hbm>>) dst(%arg7 : memref<128x128xf32, #tpu.memory_space<vmem>>)
    %dma_start3A_149 = arith.constant 0 : i32
    %dma_start3A_150 = arith.constant 0 : i32
    %dma_start3A_151 = tpu.memref_slice %arg2[%dma_start3A_149, %dma_start3A_150] : memref<32768x128xf32, #tpu.memory_space<hbm>> -> memref<32768x128xf32, #tpu.memory_space<hbm>>
    tpu.enqueue_indirect_dma source(%dma_start3A_151 : memref<32768x128xf32, #tpu.memory_space<hbm>>) target(%arg8 : memref<128x128xf32, #tpu.memory_space<vmem>>) offsets(%arg6 : memref<128xi32, #tpu.memory_space<vmem>>) semaphore(%arg10 : memref<!tpu.dma_semaphore, #tpu.memory_space<semaphore_mem>>)
    %add3A_152 = arith.constant 1792 : i32
    %add3A_153 = arith.addi %mul3A_2, %add3A_152 : i32
    "tpu.region"() ({
      %run_scoped3A = tpu.sem_alloc : memref<!tpu.dma_semaphore, #tpu.memory_space<semaphore_mem>>
      %dma_start3A_159 = arith.constant 0 : i32
      %dma_start3A_160 = tpu.memref_slice %arg4[%add3A_153, %dma_start3A_159] : memref<65536x128xf32, #tpu.memory_space<hbm>> -> memref<128x128xf32, #tpu.memory_space<hbm>>
      %dma_start3A_161 = arith.constant 0 : i32
      %dma_start3A_162 = tpu.memref_slice %arg4[%add3A_153, %dma_start3A_161] : memref<65536x128xf32, #tpu.memory_space<hbm>> -> memref<128x128xf32, #tpu.memory_space<hbm>>
      tpu.enqueue_dma source(%arg7 : memref<128x128xf32, #tpu.memory_space<vmem>>) target(%dma_start3A_162 : memref<128x128xf32, #tpu.memory_space<hbm>>) target_semaphore(%run_scoped3A : memref<!tpu.dma_semaphore, #tpu.memory_space<semaphore_mem>>)
      %dma_wait3A_163 = arith.constant 0 : i32
      %dma_wait3A_164 = tpu.memref_slice %arg4[%add3A_153, %dma_wait3A_163] : memref<65536x128xf32, #tpu.memory_space<hbm>> -> memref<128x128xf32, #tpu.memory_space<hbm>>
      %dma_wait3A_165 = arith.constant 0 : i32
      %dma_wait3A_166 = tpu.memref_slice %arg4[%add3A_153, %dma_wait3A_165] : memref<65536x128xf32, #tpu.memory_space<hbm>> -> memref<128x128xf32, #tpu.memory_space<hbm>>
      tpu.wait_dma2 semaphore(%run_scoped3A : memref<!tpu.dma_semaphore, #tpu.memory_space<semaphore_mem>>) src(%arg7 : memref<128x128xf32, #tpu.memory_space<vmem>>) dst(%dma_wait3A_166 : memref<128x128xf32, #tpu.memory_space<hbm>>)
      tpu.yield
    }) : () -> ()
    %dma_wait3A_154 = arith.constant 0 : i32
    %dma_wait3A_155 = arith.constant 0 : i32
    %dma_wait3A_156 = tpu.memref_slice %arg2[%dma_wait3A_154, %dma_wait3A_155] : memref<32768x128xf32, #tpu.memory_space<hbm>> -> memref<32768x128xf32, #tpu.memory_space<hbm>>
    tpu.wait_indirect_dma semaphore(%arg10 : memref<!tpu.dma_semaphore, #tpu.memory_space<semaphore_mem>>) src(%dma_wait3A_156 : memref<32768x128xf32, #tpu.memory_space<hbm>>) dst(%arg8 : memref<128x128xf32, #tpu.memory_space<vmem>>)
    %add3A_157 = arith.constant 1920 : i32
    %add3A_158 = arith.addi %mul3A_2, %add3A_157 : i32
    "tpu.region"() ({
      %run_scoped3A = tpu.sem_alloc : memref<!tpu.dma_semaphore, #tpu.memory_space<semaphore_mem>>
      %dma_start3A_159 = arith.constant 0 : i32
      %dma_start3A_160 = tpu.memref_slice %arg4[%add3A_158, %dma_start3A_159] : memref<65536x128xf32, #tpu.memory_space<hbm>> -> memref<128x128xf32, #tpu.memory_space<hbm>>
      %dma_start3A_161 = arith.constant 0 : i32
      %dma_start3A_162 = tpu.memref_slice %arg4[%add3A_158, %dma_start3A_161] : memref<65536x128xf32, #tpu.memory_space<hbm>> -> memref<128x128xf32, #tpu.memory_space<hbm>>
      tpu.enqueue_dma source(%arg8 : memref<128x128xf32, #tpu.memory_space<vmem>>) target(%dma_start3A_162 : memref<128x128xf32, #tpu.memory_space<hbm>>) target_semaphore(%run_scoped3A : memref<!tpu.dma_semaphore, #tpu.memory_space<semaphore_mem>>)
      %dma_wait3A_163 = arith.constant 0 : i32
      %dma_wait3A_164 = tpu.memref_slice %arg4[%add3A_158, %dma_wait3A_163] : memref<65536x128xf32, #tpu.memory_space<hbm>> -> memref<128x128xf32, #tpu.memory_space<hbm>>
      %dma_wait3A_165 = arith.constant 0 : i32
      %dma_wait3A_166 = tpu.memref_slice %arg4[%add3A_158, %dma_wait3A_165] : memref<65536x128xf32, #tpu.memory_space<hbm>> -> memref<128x128xf32, #tpu.memory_space<hbm>>
      tpu.wait_dma2 semaphore(%run_scoped3A : memref<!tpu.dma_semaphore, #tpu.memory_space<semaphore_mem>>) src(%arg8 : memref<128x128xf32, #tpu.memory_space<vmem>>) dst(%dma_wait3A_166 : memref<128x128xf32, #tpu.memory_space<hbm>>)
      tpu.yield
    }) : () -> ()
    return
  }
}

#map = affine_map<(d0, d1) -> (0, 0)>
#map1 = affine_map<(d0, d1) -> (0)>
module attributes {stable_mosaic.version = 14 : i64} {
  func.func @k(%arg0: i32, %arg1: i32, %arg2: memref<32768x128xf32, #tpu.memory_space<hbm>>, %arg3: memref<65536xi32, #tpu.memory_space<hbm>>, %arg4: memref<65536x128xf32, #tpu.memory_space<hbm>>, %arg5: memref<128xi32, #tpu.memory_space<vmem>>, %arg6: memref<128xi32, #tpu.memory_space<vmem>>, %arg7: memref<128x128xf32, #tpu.memory_space<vmem>>, %arg8: memref<128x128xf32, #tpu.memory_space<vmem>>, %arg9: memref<!tpu.dma_semaphore, #tpu.memory_space<semaphore_mem>>, %arg10: memref<!tpu.dma_semaphore, #tpu.memory_space<semaphore_mem>>) attributes {dimension_semantics = [#tpu.dimension_semantics<core_parallel>, #tpu.dimension_semantics<subcore_parallel>], iteration_bounds = array<i64: 2, 16>, scalar_prefetch = 0 : i64, scratch_operands = 6 : i64, tpu.core_type = #tpu.core_type<sc_vector_subcore>, window_params = [{transform_indices = #map}, {transform_indices = #map1}, {transform_indices = #map}]} {
    %mul3A = arith.constant 2 : i32
    %mul3A_0 = arith.muli %arg1, %mul3A : i32
    %add3A = arith.addi %mul3A_0, %arg0 : i32
    %mul3A_1 = arith.constant 2048 : i32
    %mul3A_2 = arith.muli %add3A, %mul3A_1 : i32
    "tpu.region"() ({
      %run_scoped3A = tpu.sem_alloc : memref<!tpu.dma_semaphore, #tpu.memory_space<semaphore_mem>>
      %dma_start3A_159 = tpu.memref_slice %arg3[%mul3A_2] : memref<65536xi32, #tpu.memory_space<hbm>> -> memref<128xi32, #tpu.memory_space<hbm>>
      %dma_start3A_160 = tpu.memref_slice %arg3[%mul3A_2] : memref<65536xi32, #tpu.memory_space<hbm>> -> memref<128xi32, #tpu.memory_space<hbm>>
      tpu.enqueue_dma source(%dma_start3A_160 : memref<128xi32, #tpu.memory_space<hbm>>) target(%arg5 : memref<128xi32, #tpu.memory_space<vmem>>) target_semaphore(%run_scoped3A : memref<!tpu.dma_semaphore, #tpu.memory_space<semaphore_mem>>)
      %dma_wait3A_161 = tpu.memref_slice %arg3[%mul3A_2] : memref<65536xi32, #tpu.memory_space<hbm>> -> memref<128xi32, #tpu.memory_space<hbm>>
      %dma_wait3A_162 = tpu.memref_slice %arg3[%mul3A_2] : memref<65536xi32, #tpu.memory_space<hbm>> -> memref<128xi32, #tpu.memory_space<hbm>>
      tpu.wait_dma2 semaphore(%run_scoped3A : memref<!tpu.dma_semaphore, #tpu.memory_space<semaphore_mem>>) src(%dma_wait3A_162 : memref<128xi32, #tpu.memory_space<hbm>>) dst(%arg5 : memref<128xi32, #tpu.memory_space<vmem>>)
      tpu.yield
    }) : () -> ()
    %dma_start3A = arith.constant 0 : i32
    %dma_start3A_3 = arith.constant 0 : i32
    %dma_start3A_4 = tpu.memref_slice %arg2[%dma_start3A, %dma_start3A_3] : memref<32768x128xf32, #tpu.memory_space<hbm>> -> memref<32768x128xf32, #tpu.memory_space<hbm>>
    tpu.enqueue_indirect_dma source(%dma_start3A_4 : memref<32768x128xf32, #tpu.memory_space<hbm>>) target(%arg7 : memref<128x128xf32, #tpu.memory_space<vmem>>) offsets(%arg5 : memref<128xi32, #tpu.memory_space<vmem>>) semaphore(%arg9 : memref<!tpu.dma_semaphore, #tpu.memory_space<semaphore_mem>>)
    %add3A_5 = arith.constant 128 : i32
    %add3A_6 = arith.addi %mul3A_2, %add3A_5 : i32
    "tpu.region"() ({
      %run_scoped3A = tpu.sem_alloc : memref<!tpu.dma_semaphore, #tpu.memory_space<semaphore_mem>>
      %dma_start3A_159 = tpu.memref_slice %arg3[%add3A_6] : memref<65536xi32, #tpu.memory_space<hbm>> -> memref<128xi32, #tpu.memory_space<hbm>>
      %dma_start3A_160 = tpu.memref_slice %arg3[%add3A_6] : memref<65536xi32, #tpu.memory_space<hbm>> -> memref<128xi32, #tpu.memory_space<hbm>>
      tpu.enqueue_dma source(%dma_start3A_160 : memref<128xi32, #tpu.memory_space<hbm>>) target(%arg6 : memref<128xi32, #tpu.memory_space<vmem>>) target_semaphore(%run_scoped3A : memref<!tpu.dma_semaphore, #tpu.memory_space<semaphore_mem>>)
      %dma_wait3A_161 = tpu.memref_slice %arg3[%add3A_6] : memref<65536xi32, #tpu.memory_space<hbm>> -> memref<128xi32, #tpu.memory_space<hbm>>
      %dma_wait3A_162 = tpu.memref_slice %arg3[%add3A_6] : memref<65536xi32, #tpu.memory_space<hbm>> -> memref<128xi32, #tpu.memory_space<hbm>>
      tpu.wait_dma2 semaphore(%run_scoped3A : memref<!tpu.dma_semaphore, #tpu.memory_space<semaphore_mem>>) src(%dma_wait3A_162 : memref<128xi32, #tpu.memory_space<hbm>>) dst(%arg6 : memref<128xi32, #tpu.memory_space<vmem>>)
      tpu.yield
    }) : () -> ()
    %dma_wait3A = arith.constant 0 : i32
    %dma_wait3A_7 = arith.constant 0 : i32
    %dma_wait3A_8 = tpu.memref_slice %arg2[%dma_wait3A, %dma_wait3A_7] : memref<32768x128xf32, #tpu.memory_space<hbm>> -> memref<32768x128xf32, #tpu.memory_space<hbm>>
    tpu.wait_indirect_dma semaphore(%arg9 : memref<!tpu.dma_semaphore, #tpu.memory_space<semaphore_mem>>) src(%dma_wait3A_8 : memref<32768x128xf32, #tpu.memory_space<hbm>>) dst(%arg7 : memref<128x128xf32, #tpu.memory_space<vmem>>)
    %dma_start3A_9 = arith.constant 0 : i32
    %dma_start3A_10 = arith.constant 0 : i32
    %dma_start3A_11 = tpu.memref_slice %arg2[%dma_start3A_9, %dma_start3A_10] : memref<32768x128xf32, #tpu.memory_space<hbm>> -> memref<32768x128xf32, #tpu.memory_space<hbm>>
    tpu.enqueue_indirect_dma source(%dma_start3A_11 : memref<32768x128xf32, #tpu.memory_space<hbm>>) target(%arg8 : memref<128x128xf32, #tpu.memory_space<vmem>>) offsets(%arg6 : memref<128xi32, #tpu.memory_space<vmem>>) semaphore(%arg10 : memref<!tpu.dma_semaphore, #tpu.memory_space<semaphore_mem>>)
    %add3A_12 = arith.constant 0 : i32
    %add3A_13 = arith.addi %mul3A_2, %add3A_12 : i32
    "tpu.region"() ({
      %run_scoped3A = tpu.sem_alloc : memref<!tpu.dma_semaphore, #tpu.memory_space<semaphore_mem>>
      %dma_start3A_159 = arith.constant 0 : i32
      %dma_start3A_160 = tpu.memref_slice %arg4[%add3A_13, %dma_start3A_159] : memref<65536x128xf32, #tpu.memory_space<hbm>> -> memref<128x128xf32, #tpu.memory_space<hbm>>
      %dma_start3A_161 = arith.constant 0 : i32
      %dma_start3A_162 = tpu.memref_slice %arg4[%add3A_13, %dma_start3A_161] : memref<65536x128xf32, #tpu.memory_space<hbm>> -> memref<128x128xf32, #tpu.memory_space<hbm>>
      tpu.enqueue_dma source(%arg7 : memref<128x128xf32, #tpu.memory_space<vmem>>) target(%dma_start3A_162 : memref<128x128xf32, #tpu.memory_space<hbm>>) target_semaphore(%run_scoped3A : memref<!tpu.dma_semaphore, #tpu.memory_space<semaphore_mem>>)
      %dma_wait3A_163 = arith.constant 0 : i32
      %dma_wait3A_164 = tpu.memref_slice %arg4[%add3A_13, %dma_wait3A_163] : memref<65536x128xf32, #tpu.memory_space<hbm>> -> memref<128x128xf32, #tpu.memory_space<hbm>>
      %dma_wait3A_165 = arith.constant 0 : i32
      %dma_wait3A_166 = tpu.memref_slice %arg4[%add3A_13, %dma_wait3A_165] : memref<65536x128xf32, #tpu.memory_space<hbm>> -> memref<128x128xf32, #tpu.memory_space<hbm>>
      tpu.wait_dma2 semaphore(%run_scoped3A : memref<!tpu.dma_semaphore, #tpu.memory_space<semaphore_mem>>) src(%arg7 : memref<128x128xf32, #tpu.memory_space<vmem>>) dst(%dma_wait3A_166 : memref<128x128xf32, #tpu.memory_space<hbm>>)
      tpu.yield
    }) : () -> ()
    %add3A_14 = arith.constant 256 : i32
    %add3A_15 = arith.addi %mul3A_2, %add3A_14 : i32
    "tpu.region"() ({
      %run_scoped3A = tpu.sem_alloc : memref<!tpu.dma_semaphore, #tpu.memory_space<semaphore_mem>>
      %dma_start3A_159 = tpu.memref_slice %arg3[%add3A_15] : memref<65536xi32, #tpu.memory_space<hbm>> -> memref<128xi32, #tpu.memory_space<hbm>>
      %dma_start3A_160 = tpu.memref_slice %arg3[%add3A_15] : memref<65536xi32, #tpu.memory_space<hbm>> -> memref<128xi32, #tpu.memory_space<hbm>>
      tpu.enqueue_dma source(%dma_start3A_160 : memref<128xi32, #tpu.memory_space<hbm>>) target(%arg5 : memref<128xi32, #tpu.memory_space<vmem>>) target_semaphore(%run_scoped3A : memref<!tpu.dma_semaphore, #tpu.memory_space<semaphore_mem>>)
      %dma_wait3A_161 = tpu.memref_slice %arg3[%add3A_15] : memref<65536xi32, #tpu.memory_space<hbm>> -> memref<128xi32, #tpu.memory_space<hbm>>
      %dma_wait3A_162 = tpu.memref_slice %arg3[%add3A_15] : memref<65536xi32, #tpu.memory_space<hbm>> -> memref<128xi32, #tpu.memory_space<hbm>>
      tpu.wait_dma2 semaphore(%run_scoped3A : memref<!tpu.dma_semaphore, #tpu.memory_space<semaphore_mem>>) src(%dma_wait3A_162 : memref<128xi32, #tpu.memory_space<hbm>>) dst(%arg5 : memref<128xi32, #tpu.memory_space<vmem>>)
      tpu.yield
    }) : () -> ()
    %dma_wait3A_16 = arith.constant 0 : i32
    %dma_wait3A_17 = arith.constant 0 : i32
    %dma_wait3A_18 = tpu.memref_slice %arg2[%dma_wait3A_16, %dma_wait3A_17] : memref<32768x128xf32, #tpu.memory_space<hbm>> -> memref<32768x128xf32, #tpu.memory_space<hbm>>
    tpu.wait_indirect_dma semaphore(%arg10 : memref<!tpu.dma_semaphore, #tpu.memory_space<semaphore_mem>>) src(%dma_wait3A_18 : memref<32768x128xf32, #tpu.memory_space<hbm>>) dst(%arg8 : memref<128x128xf32, #tpu.memory_space<vmem>>)
    %dma_start3A_19 = arith.constant 0 : i32
    %dma_start3A_20 = arith.constant 0 : i32
    %dma_start3A_21 = tpu.memref_slice %arg2[%dma_start3A_19, %dma_start3A_20] : memref<32768x128xf32, #tpu.memory_space<hbm>> -> memref<32768x128xf32, #tpu.memory_space<hbm>>
    tpu.enqueue_indirect_dma source(%dma_start3A_21 : memref<32768x128xf32, #tpu.memory_space<hbm>>) target(%arg7 : memref<128x128xf32, #tpu.memory_space<vmem>>) offsets(%arg5 : memref<128xi32, #tpu.memory_space<vmem>>) semaphore(%arg9 : memref<!tpu.dma_semaphore, #tpu.memory_space<semaphore_mem>>)
    %add3A_22 = arith.constant 128 : i32
    %add3A_23 = arith.addi %mul3A_2, %add3A_22 : i32
    "tpu.region"() ({
      %run_scoped3A = tpu.sem_alloc : memref<!tpu.dma_semaphore, #tpu.memory_space<semaphore_mem>>
      %dma_start3A_159 = arith.constant 0 : i32
      %dma_start3A_160 = tpu.memref_slice %arg4[%add3A_23, %dma_start3A_159] : memref<65536x128xf32, #tpu.memory_space<hbm>> -> memref<128x128xf32, #tpu.memory_space<hbm>>
      %dma_start3A_161 = arith.constant 0 : i32
      %dma_start3A_162 = tpu.memref_slice %arg4[%add3A_23, %dma_start3A_161] : memref<65536x128xf32, #tpu.memory_space<hbm>> -> memref<128x128xf32, #tpu.memory_space<hbm>>
      tpu.enqueue_dma source(%arg8 : memref<128x128xf32, #tpu.memory_space<vmem>>) target(%dma_start3A_162 : memref<128x128xf32, #tpu.memory_space<hbm>>) target_semaphore(%run_scoped3A : memref<!tpu.dma_semaphore, #tpu.memory_space<semaphore_mem>>)
      %dma_wait3A_163 = arith.constant 0 : i32
      %dma_wait3A_164 = tpu.memref_slice %arg4[%add3A_23, %dma_wait3A_163] : memref<65536x128xf32, #tpu.memory_space<hbm>> -> memref<128x128xf32, #tpu.memory_space<hbm>>
      %dma_wait3A_165 = arith.constant 0 : i32
      %dma_wait3A_166 = tpu.memref_slice %arg4[%add3A_23, %dma_wait3A_165] : memref<65536x128xf32, #tpu.memory_space<hbm>> -> memref<128x128xf32, #tpu.memory_space<hbm>>
      tpu.wait_dma2 semaphore(%run_scoped3A : memref<!tpu.dma_semaphore, #tpu.memory_space<semaphore_mem>>) src(%arg8 : memref<128x128xf32, #tpu.memory_space<vmem>>) dst(%dma_wait3A_166 : memref<128x128xf32, #tpu.memory_space<hbm>>)
      tpu.yield
    }) : () -> ()
    %add3A_24 = arith.constant 384 : i32
    %add3A_25 = arith.addi %mul3A_2, %add3A_24 : i32
    "tpu.region"() ({
      %run_scoped3A = tpu.sem_alloc : memref<!tpu.dma_semaphore, #tpu.memory_space<semaphore_mem>>
      %dma_start3A_159 = tpu.memref_slice %arg3[%add3A_25] : memref<65536xi32, #tpu.memory_space<hbm>> -> memref<128xi32, #tpu.memory_space<hbm>>
      %dma_start3A_160 = tpu.memref_slice %arg3[%add3A_25] : memref<65536xi32, #tpu.memory_space<hbm>> -> memref<128xi32, #tpu.memory_space<hbm>>
      tpu.enqueue_dma source(%dma_start3A_160 : memref<128xi32, #tpu.memory_space<hbm>>) target(%arg6 : memref<128xi32, #tpu.memory_space<vmem>>) target_semaphore(%run_scoped3A : memref<!tpu.dma_semaphore, #tpu.memory_space<semaphore_mem>>)
      %dma_wait3A_161 = tpu.memref_slice %arg3[%add3A_25] : memref<65536xi32, #tpu.memory_space<hbm>> -> memref<128xi32, #tpu.memory_space<hbm>>
      %dma_wait3A_162 = tpu.memref_slice %arg3[%add3A_25] : memref<65536xi32, #tpu.memory_space<hbm>> -> memref<128xi32, #tpu.memory_space<hbm>>
      tpu.wait_dma2 semaphore(%run_scoped3A : memref<!tpu.dma_semaphore, #tpu.memory_space<semaphore_mem>>) src(%dma_wait3A_162 : memref<128xi32, #tpu.memory_space<hbm>>) dst(%arg6 : memref<128xi32, #tpu.memory_space<vmem>>)
      tpu.yield
    }) : () -> ()
    %dma_wait3A_26 = arith.constant 0 : i32
    %dma_wait3A_27 = arith.constant 0 : i32
    %dma_wait3A_28 = tpu.memref_slice %arg2[%dma_wait3A_26, %dma_wait3A_27] : memref<32768x128xf32, #tpu.memory_space<hbm>> -> memref<32768x128xf32, #tpu.memory_space<hbm>>
    tpu.wait_indirect_dma semaphore(%arg9 : memref<!tpu.dma_semaphore, #tpu.memory_space<semaphore_mem>>) src(%dma_wait3A_28 : memref<32768x128xf32, #tpu.memory_space<hbm>>) dst(%arg7 : memref<128x128xf32, #tpu.memory_space<vmem>>)
    %dma_start3A_29 = arith.constant 0 : i32
    %dma_start3A_30 = arith.constant 0 : i32
    %dma_start3A_31 = tpu.memref_slice %arg2[%dma_start3A_29, %dma_start3A_30] : memref<32768x128xf32, #tpu.memory_space<hbm>> -> memref<32768x128xf32, #tpu.memory_space<hbm>>
    tpu.enqueue_indirect_dma source(%dma_start3A_31 : memref<32768x128xf32, #tpu.memory_space<hbm>>) target(%arg8 : memref<128x128xf32, #tpu.memory_space<vmem>>) offsets(%arg6 : memref<128xi32, #tpu.memory_space<vmem>>) semaphore(%arg10 : memref<!tpu.dma_semaphore, #tpu.memory_space<semaphore_mem>>)
    %add3A_32 = arith.constant 256 : i32
    %add3A_33 = arith.addi %mul3A_2, %add3A_32 : i32
    "tpu.region"() ({
      %run_scoped3A = tpu.sem_alloc : memref<!tpu.dma_semaphore, #tpu.memory_space<semaphore_mem>>
      %dma_start3A_159 = arith.constant 0 : i32
      %dma_start3A_160 = tpu.memref_slice %arg4[%add3A_33, %dma_start3A_159] : memref<65536x128xf32, #tpu.memory_space<hbm>> -> memref<128x128xf32, #tpu.memory_space<hbm>>
      %dma_start3A_161 = arith.constant 0 : i32
      %dma_start3A_162 = tpu.memref_slice %arg4[%add3A_33, %dma_start3A_161] : memref<65536x128xf32, #tpu.memory_space<hbm>> -> memref<128x128xf32, #tpu.memory_space<hbm>>
      tpu.enqueue_dma source(%arg7 : memref<128x128xf32, #tpu.memory_space<vmem>>) target(%dma_start3A_162 : memref<128x128xf32, #tpu.memory_space<hbm>>) target_semaphore(%run_scoped3A : memref<!tpu.dma_semaphore, #tpu.memory_space<semaphore_mem>>)
      %dma_wait3A_163 = arith.constant 0 : i32
      %dma_wait3A_164 = tpu.memref_slice %arg4[%add3A_33, %dma_wait3A_163] : memref<65536x128xf32, #tpu.memory_space<hbm>> -> memref<128x128xf32, #tpu.memory_space<hbm>>
      %dma_wait3A_165 = arith.constant 0 : i32
      %dma_wait3A_166 = tpu.memref_slice %arg4[%add3A_33, %dma_wait3A_165] : memref<65536x128xf32, #tpu.memory_space<hbm>> -> memref<128x128xf32, #tpu.memory_space<hbm>>
      tpu.wait_dma2 semaphore(%run_scoped3A : memref<!tpu.dma_semaphore, #tpu.memory_space<semaphore_mem>>) src(%arg7 : memref<128x128xf32, #tpu.memory_space<vmem>>) dst(%dma_wait3A_166 : memref<128x128xf32, #tpu.memory_space<hbm>>)
      tpu.yield
    }) : () -> ()
    %add3A_34 = arith.constant 512 : i32
    %add3A_35 = arith.addi %mul3A_2, %add3A_34 : i32
    "tpu.region"() ({
      %run_scoped3A = tpu.sem_alloc : memref<!tpu.dma_semaphore, #tpu.memory_space<semaphore_mem>>
      %dma_start3A_159 = tpu.memref_slice %arg3[%add3A_35] : memref<65536xi32, #tpu.memory_space<hbm>> -> memref<128xi32, #tpu.memory_space<hbm>>
      %dma_start3A_160 = tpu.memref_slice %arg3[%add3A_35] : memref<65536xi32, #tpu.memory_space<hbm>> -> memref<128xi32, #tpu.memory_space<hbm>>
      tpu.enqueue_dma source(%dma_start3A_160 : memref<128xi32, #tpu.memory_space<hbm>>) target(%arg5 : memref<128xi32, #tpu.memory_space<vmem>>) target_semaphore(%run_scoped3A : memref<!tpu.dma_semaphore, #tpu.memory_space<semaphore_mem>>)
      %dma_wait3A_161 = tpu.memref_slice %arg3[%add3A_35] : memref<65536xi32, #tpu.memory_space<hbm>> -> memref<128xi32, #tpu.memory_space<hbm>>
      %dma_wait3A_162 = tpu.memref_slice %arg3[%add3A_35] : memref<65536xi32, #tpu.memory_space<hbm>> -> memref<128xi32, #tpu.memory_space<hbm>>
      tpu.wait_dma2 semaphore(%run_scoped3A : memref<!tpu.dma_semaphore, #tpu.memory_space<semaphore_mem>>) src(%dma_wait3A_162 : memref<128xi32, #tpu.memory_space<hbm>>) dst(%arg5 : memref<128xi32, #tpu.memory_space<vmem>>)
      tpu.yield
    }) : () -> ()
    %dma_wait3A_36 = arith.constant 0 : i32
    %dma_wait3A_37 = arith.constant 0 : i32
    %dma_wait3A_38 = tpu.memref_slice %arg2[%dma_wait3A_36, %dma_wait3A_37] : memref<32768x128xf32, #tpu.memory_space<hbm>> -> memref<32768x128xf32, #tpu.memory_space<hbm>>
    tpu.wait_indirect_dma semaphore(%arg10 : memref<!tpu.dma_semaphore, #tpu.memory_space<semaphore_mem>>) src(%dma_wait3A_38 : memref<32768x128xf32, #tpu.memory_space<hbm>>) dst(%arg8 : memref<128x128xf32, #tpu.memory_space<vmem>>)
    %dma_start3A_39 = arith.constant 0 : i32
    %dma_start3A_40 = arith.constant 0 : i32
    %dma_start3A_41 = tpu.memref_slice %arg2[%dma_start3A_39, %dma_start3A_40] : memref<32768x128xf32, #tpu.memory_space<hbm>> -> memref<32768x128xf32, #tpu.memory_space<hbm>>
    tpu.enqueue_indirect_dma source(%dma_start3A_41 : memref<32768x128xf32, #tpu.memory_space<hbm>>) target(%arg7 : memref<128x128xf32, #tpu.memory_space<vmem>>) offsets(%arg5 : memref<128xi32, #tpu.memory_space<vmem>>) semaphore(%arg9 : memref<!tpu.dma_semaphore, #tpu.memory_space<semaphore_mem>>)
    %add3A_42 = arith.constant 384 : i32
    %add3A_43 = arith.addi %mul3A_2, %add3A_42 : i32
    "tpu.region"() ({
      %run_scoped3A = tpu.sem_alloc : memref<!tpu.dma_semaphore, #tpu.memory_space<semaphore_mem>>
      %dma_start3A_159 = arith.constant 0 : i32
      %dma_start3A_160 = tpu.memref_slice %arg4[%add3A_43, %dma_start3A_159] : memref<65536x128xf32, #tpu.memory_space<hbm>> -> memref<128x128xf32, #tpu.memory_space<hbm>>
      %dma_start3A_161 = arith.constant 0 : i32
      %dma_start3A_162 = tpu.memref_slice %arg4[%add3A_43, %dma_start3A_161] : memref<65536x128xf32, #tpu.memory_space<hbm>> -> memref<128x128xf32, #tpu.memory_space<hbm>>
      tpu.enqueue_dma source(%arg8 : memref<128x128xf32, #tpu.memory_space<vmem>>) target(%dma_start3A_162 : memref<128x128xf32, #tpu.memory_space<hbm>>) target_semaphore(%run_scoped3A : memref<!tpu.dma_semaphore, #tpu.memory_space<semaphore_mem>>)
      %dma_wait3A_163 = arith.constant 0 : i32
      %dma_wait3A_164 = tpu.memref_slice %arg4[%add3A_43, %dma_wait3A_163] : memref<65536x128xf32, #tpu.memory_space<hbm>> -> memref<128x128xf32, #tpu.memory_space<hbm>>
      %dma_wait3A_165 = arith.constant 0 : i32
      %dma_wait3A_166 = tpu.memref_slice %arg4[%add3A_43, %dma_wait3A_165] : memref<65536x128xf32, #tpu.memory_space<hbm>> -> memref<128x128xf32, #tpu.memory_space<hbm>>
      tpu.wait_dma2 semaphore(%run_scoped3A : memref<!tpu.dma_semaphore, #tpu.memory_space<semaphore_mem>>) src(%arg8 : memref<128x128xf32, #tpu.memory_space<vmem>>) dst(%dma_wait3A_166 : memref<128x128xf32, #tpu.memory_space<hbm>>)
      tpu.yield
    }) : () -> ()
    %add3A_44 = arith.constant 640 : i32
    %add3A_45 = arith.addi %mul3A_2, %add3A_44 : i32
    "tpu.region"() ({
      %run_scoped3A = tpu.sem_alloc : memref<!tpu.dma_semaphore, #tpu.memory_space<semaphore_mem>>
      %dma_start3A_159 = tpu.memref_slice %arg3[%add3A_45] : memref<65536xi32, #tpu.memory_space<hbm>> -> memref<128xi32, #tpu.memory_space<hbm>>
      %dma_start3A_160 = tpu.memref_slice %arg3[%add3A_45] : memref<65536xi32, #tpu.memory_space<hbm>> -> memref<128xi32, #tpu.memory_space<hbm>>
      tpu.enqueue_dma source(%dma_start3A_160 : memref<128xi32, #tpu.memory_space<hbm>>) target(%arg6 : memref<128xi32, #tpu.memory_space<vmem>>) target_semaphore(%run_scoped3A : memref<!tpu.dma_semaphore, #tpu.memory_space<semaphore_mem>>)
      %dma_wait3A_161 = tpu.memref_slice %arg3[%add3A_45] : memref<65536xi32, #tpu.memory_space<hbm>> -> memref<128xi32, #tpu.memory_space<hbm>>
      %dma_wait3A_162 = tpu.memref_slice %arg3[%add3A_45] : memref<65536xi32, #tpu.memory_space<hbm>> -> memref<128xi32, #tpu.memory_space<hbm>>
      tpu.wait_dma2 semaphore(%run_scoped3A : memref<!tpu.dma_semaphore, #tpu.memory_space<semaphore_mem>>) src(%dma_wait3A_162 : memref<128xi32, #tpu.memory_space<hbm>>) dst(%arg6 : memref<128xi32, #tpu.memory_space<vmem>>)
      tpu.yield
    }) : () -> ()
    %dma_wait3A_46 = arith.constant 0 : i32
    %dma_wait3A_47 = arith.constant 0 : i32
    %dma_wait3A_48 = tpu.memref_slice %arg2[%dma_wait3A_46, %dma_wait3A_47] : memref<32768x128xf32, #tpu.memory_space<hbm>> -> memref<32768x128xf32, #tpu.memory_space<hbm>>
    tpu.wait_indirect_dma semaphore(%arg9 : memref<!tpu.dma_semaphore, #tpu.memory_space<semaphore_mem>>) src(%dma_wait3A_48 : memref<32768x128xf32, #tpu.memory_space<hbm>>) dst(%arg7 : memref<128x128xf32, #tpu.memory_space<vmem>>)
    %dma_start3A_49 = arith.constant 0 : i32
    %dma_start3A_50 = arith.constant 0 : i32
    %dma_start3A_51 = tpu.memref_slice %arg2[%dma_start3A_49, %dma_start3A_50] : memref<32768x128xf32, #tpu.memory_space<hbm>> -> memref<32768x128xf32, #tpu.memory_space<hbm>>
    tpu.enqueue_indirect_dma source(%dma_start3A_51 : memref<32768x128xf32, #tpu.memory_space<hbm>>) target(%arg8 : memref<128x128xf32, #tpu.memory_space<vmem>>) offsets(%arg6 : memref<128xi32, #tpu.memory_space<vmem>>) semaphore(%arg10 : memref<!tpu.dma_semaphore, #tpu.memory_space<semaphore_mem>>)
    %add3A_52 = arith.constant 512 : i32
    %add3A_53 = arith.addi %mul3A_2, %add3A_52 : i32
    "tpu.region"() ({
      %run_scoped3A = tpu.sem_alloc : memref<!tpu.dma_semaphore, #tpu.memory_space<semaphore_mem>>
      %dma_start3A_159 = arith.constant 0 : i32
      %dma_start3A_160 = tpu.memref_slice %arg4[%add3A_53, %dma_start3A_159] : memref<65536x128xf32, #tpu.memory_space<hbm>> -> memref<128x128xf32, #tpu.memory_space<hbm>>
      %dma_start3A_161 = arith.constant 0 : i32
      %dma_start3A_162 = tpu.memref_slice %arg4[%add3A_53, %dma_start3A_161] : memref<65536x128xf32, #tpu.memory_space<hbm>> -> memref<128x128xf32, #tpu.memory_space<hbm>>
      tpu.enqueue_dma source(%arg7 : memref<128x128xf32, #tpu.memory_space<vmem>>) target(%dma_start3A_162 : memref<128x128xf32, #tpu.memory_space<hbm>>) target_semaphore(%run_scoped3A : memref<!tpu.dma_semaphore, #tpu.memory_space<semaphore_mem>>)
      %dma_wait3A_163 = arith.constant 0 : i32
      %dma_wait3A_164 = tpu.memref_slice %arg4[%add3A_53, %dma_wait3A_163] : memref<65536x128xf32, #tpu.memory_space<hbm>> -> memref<128x128xf32, #tpu.memory_space<hbm>>
      %dma_wait3A_165 = arith.constant 0 : i32
      %dma_wait3A_166 = tpu.memref_slice %arg4[%add3A_53, %dma_wait3A_165] : memref<65536x128xf32, #tpu.memory_space<hbm>> -> memref<128x128xf32, #tpu.memory_space<hbm>>
      tpu.wait_dma2 semaphore(%run_scoped3A : memref<!tpu.dma_semaphore, #tpu.memory_space<semaphore_mem>>) src(%arg7 : memref<128x128xf32, #tpu.memory_space<vmem>>) dst(%dma_wait3A_166 : memref<128x128xf32, #tpu.memory_space<hbm>>)
      tpu.yield
    }) : () -> ()
    %add3A_54 = arith.constant 768 : i32
    %add3A_55 = arith.addi %mul3A_2, %add3A_54 : i32
    "tpu.region"() ({
      %run_scoped3A = tpu.sem_alloc : memref<!tpu.dma_semaphore, #tpu.memory_space<semaphore_mem>>
      %dma_start3A_159 = tpu.memref_slice %arg3[%add3A_55] : memref<65536xi32, #tpu.memory_space<hbm>> -> memref<128xi32, #tpu.memory_space<hbm>>
      %dma_start3A_160 = tpu.memref_slice %arg3[%add3A_55] : memref<65536xi32, #tpu.memory_space<hbm>> -> memref<128xi32, #tpu.memory_space<hbm>>
      tpu.enqueue_dma source(%dma_start3A_160 : memref<128xi32, #tpu.memory_space<hbm>>) target(%arg5 : memref<128xi32, #tpu.memory_space<vmem>>) target_semaphore(%run_scoped3A : memref<!tpu.dma_semaphore, #tpu.memory_space<semaphore_mem>>)
      %dma_wait3A_161 = tpu.memref_slice %arg3[%add3A_55] : memref<65536xi32, #tpu.memory_space<hbm>> -> memref<128xi32, #tpu.memory_space<hbm>>
      %dma_wait3A_162 = tpu.memref_slice %arg3[%add3A_55] : memref<65536xi32, #tpu.memory_space<hbm>> -> memref<128xi32, #tpu.memory_space<hbm>>
      tpu.wait_dma2 semaphore(%run_scoped3A : memref<!tpu.dma_semaphore, #tpu.memory_space<semaphore_mem>>) src(%dma_wait3A_162 : memref<128xi32, #tpu.memory_space<hbm>>) dst(%arg5 : memref<128xi32, #tpu.memory_space<vmem>>)
      tpu.yield
    }) : () -> ()
    %dma_wait3A_56 = arith.constant 0 : i32
    %dma_wait3A_57 = arith.constant 0 : i32
    %dma_wait3A_58 = tpu.memref_slice %arg2[%dma_wait3A_56, %dma_wait3A_57] : memref<32768x128xf32, #tpu.memory_space<hbm>> -> memref<32768x128xf32, #tpu.memory_space<hbm>>
    tpu.wait_indirect_dma semaphore(%arg10 : memref<!tpu.dma_semaphore, #tpu.memory_space<semaphore_mem>>) src(%dma_wait3A_58 : memref<32768x128xf32, #tpu.memory_space<hbm>>) dst(%arg8 : memref<128x128xf32, #tpu.memory_space<vmem>>)
    %dma_start3A_59 = arith.constant 0 : i32
    %dma_start3A_60 = arith.constant 0 : i32
    %dma_start3A_61 = tpu.memref_slice %arg2[%dma_start3A_59, %dma_start3A_60] : memref<32768x128xf32, #tpu.memory_space<hbm>> -> memref<32768x128xf32, #tpu.memory_space<hbm>>
    tpu.enqueue_indirect_dma source(%dma_start3A_61 : memref<32768x128xf32, #tpu.memory_space<hbm>>) target(%arg7 : memref<128x128xf32, #tpu.memory_space<vmem>>) offsets(%arg5 : memref<128xi32, #tpu.memory_space<vmem>>) semaphore(%arg9 : memref<!tpu.dma_semaphore, #tpu.memory_space<semaphore_mem>>)
    %add3A_62 = arith.constant 640 : i32
    %add3A_63 = arith.addi %mul3A_2, %add3A_62 : i32
    "tpu.region"() ({
      %run_scoped3A = tpu.sem_alloc : memref<!tpu.dma_semaphore, #tpu.memory_space<semaphore_mem>>
      %dma_start3A_159 = arith.constant 0 : i32
      %dma_start3A_160 = tpu.memref_slice %arg4[%add3A_63, %dma_start3A_159] : memref<65536x128xf32, #tpu.memory_space<hbm>> -> memref<128x128xf32, #tpu.memory_space<hbm>>
      %dma_start3A_161 = arith.constant 0 : i32
      %dma_start3A_162 = tpu.memref_slice %arg4[%add3A_63, %dma_start3A_161] : memref<65536x128xf32, #tpu.memory_space<hbm>> -> memref<128x128xf32, #tpu.memory_space<hbm>>
      tpu.enqueue_dma source(%arg8 : memref<128x128xf32, #tpu.memory_space<vmem>>) target(%dma_start3A_162 : memref<128x128xf32, #tpu.memory_space<hbm>>) target_semaphore(%run_scoped3A : memref<!tpu.dma_semaphore, #tpu.memory_space<semaphore_mem>>)
      %dma_wait3A_163 = arith.constant 0 : i32
      %dma_wait3A_164 = tpu.memref_slice %arg4[%add3A_63, %dma_wait3A_163] : memref<65536x128xf32, #tpu.memory_space<hbm>> -> memref<128x128xf32, #tpu.memory_space<hbm>>
      %dma_wait3A_165 = arith.constant 0 : i32
      %dma_wait3A_166 = tpu.memref_slice %arg4[%add3A_63, %dma_wait3A_165] : memref<65536x128xf32, #tpu.memory_space<hbm>> -> memref<128x128xf32, #tpu.memory_space<hbm>>
      tpu.wait_dma2 semaphore(%run_scoped3A : memref<!tpu.dma_semaphore, #tpu.memory_space<semaphore_mem>>) src(%arg8 : memref<128x128xf32, #tpu.memory_space<vmem>>) dst(%dma_wait3A_166 : memref<128x128xf32, #tpu.memory_space<hbm>>)
      tpu.yield
    }) : () -> ()
    %add3A_64 = arith.constant 896 : i32
    %add3A_65 = arith.addi %mul3A_2, %add3A_64 : i32
    "tpu.region"() ({
      %run_scoped3A = tpu.sem_alloc : memref<!tpu.dma_semaphore, #tpu.memory_space<semaphore_mem>>
      %dma_start3A_159 = tpu.memref_slice %arg3[%add3A_65] : memref<65536xi32, #tpu.memory_space<hbm>> -> memref<128xi32, #tpu.memory_space<hbm>>
      %dma_start3A_160 = tpu.memref_slice %arg3[%add3A_65] : memref<65536xi32, #tpu.memory_space<hbm>> -> memref<128xi32, #tpu.memory_space<hbm>>
      tpu.enqueue_dma source(%dma_start3A_160 : memref<128xi32, #tpu.memory_space<hbm>>) target(%arg6 : memref<128xi32, #tpu.memory_space<vmem>>) target_semaphore(%run_scoped3A : memref<!tpu.dma_semaphore, #tpu.memory_space<semaphore_mem>>)
      %dma_wait3A_161 = tpu.memref_slice %arg3[%add3A_65] : memref<65536xi32, #tpu.memory_space<hbm>> -> memref<128xi32, #tpu.memory_space<hbm>>
      %dma_wait3A_162 = tpu.memref_slice %arg3[%add3A_65] : memref<65536xi32, #tpu.memory_space<hbm>> -> memref<128xi32, #tpu.memory_space<hbm>>
      tpu.wait_dma2 semaphore(%run_scoped3A : memref<!tpu.dma_semaphore, #tpu.memory_space<semaphore_mem>>) src(%dma_wait3A_162 : memref<128xi32, #tpu.memory_space<hbm>>) dst(%arg6 : memref<128xi32, #tpu.memory_space<vmem>>)
      tpu.yield
    }) : () -> ()
    %dma_wait3A_66 = arith.constant 0 : i32
    %dma_wait3A_67 = arith.constant 0 : i32
    %dma_wait3A_68 = tpu.memref_slice %arg2[%dma_wait3A_66, %dma_wait3A_67] : memref<32768x128xf32, #tpu.memory_space<hbm>> -> memref<32768x128xf32, #tpu.memory_space<hbm>>
    tpu.wait_indirect_dma semaphore(%arg9 : memref<!tpu.dma_semaphore, #tpu.memory_space<semaphore_mem>>) src(%dma_wait3A_68 : memref<32768x128xf32, #tpu.memory_space<hbm>>) dst(%arg7 : memref<128x128xf32, #tpu.memory_space<vmem>>)
    %dma_start3A_69 = arith.constant 0 : i32
    %dma_start3A_70 = arith.constant 0 : i32
    %dma_start3A_71 = tpu.memref_slice %arg2[%dma_start3A_69, %dma_start3A_70] : memref<32768x128xf32, #tpu.memory_space<hbm>> -> memref<32768x128xf32, #tpu.memory_space<hbm>>
    tpu.enqueue_indirect_dma source(%dma_start3A_71 : memref<32768x128xf32, #tpu.memory_space<hbm>>) target(%arg8 : memref<128x128xf32, #tpu.memory_space<vmem>>) offsets(%arg6 : memref<128xi32, #tpu.memory_space<vmem>>) semaphore(%arg10 : memref<!tpu.dma_semaphore, #tpu.memory_space<semaphore_mem>>)
    %add3A_72 = arith.constant 768 : i32
    %add3A_73 = arith.addi %mul3A_2, %add3A_72 : i32
    "tpu.region"() ({
      %run_scoped3A = tpu.sem_alloc : memref<!tpu.dma_semaphore, #tpu.memory_space<semaphore_mem>>
      %dma_start3A_159 = arith.constant 0 : i32
      %dma_start3A_160 = tpu.memref_slice %arg4[%add3A_73, %dma_start3A_159] : memref<65536x128xf32, #tpu.memory_space<hbm>> -> memref<128x128xf32, #tpu.memory_space<hbm>>
      %dma_start3A_161 = arith.constant 0 : i32
      %dma_start3A_162 = tpu.memref_slice %arg4[%add3A_73, %dma_start3A_161] : memref<65536x128xf32, #tpu.memory_space<hbm>> -> memref<128x128xf32, #tpu.memory_space<hbm>>
      tpu.enqueue_dma source(%arg7 : memref<128x128xf32, #tpu.memory_space<vmem>>) target(%dma_start3A_162 : memref<128x128xf32, #tpu.memory_space<hbm>>) target_semaphore(%run_scoped3A : memref<!tpu.dma_semaphore, #tpu.memory_space<semaphore_mem>>)
      %dma_wait3A_163 = arith.constant 0 : i32
      %dma_wait3A_164 = tpu.memref_slice %arg4[%add3A_73, %dma_wait3A_163] : memref<65536x128xf32, #tpu.memory_space<hbm>> -> memref<128x128xf32, #tpu.memory_space<hbm>>
      %dma_wait3A_165 = arith.constant 0 : i32
      %dma_wait3A_166 = tpu.memref_slice %arg4[%add3A_73, %dma_wait3A_165] : memref<65536x128xf32, #tpu.memory_space<hbm>> -> memref<128x128xf32, #tpu.memory_space<hbm>>
      tpu.wait_dma2 semaphore(%run_scoped3A : memref<!tpu.dma_semaphore, #tpu.memory_space<semaphore_mem>>) src(%arg7 : memref<128x128xf32, #tpu.memory_space<vmem>>) dst(%dma_wait3A_166 : memref<128x128xf32, #tpu.memory_space<hbm>>)
      tpu.yield
    }) : () -> ()
    %add3A_74 = arith.constant 1024 : i32
    %add3A_75 = arith.addi %mul3A_2, %add3A_74 : i32
    "tpu.region"() ({
      %run_scoped3A = tpu.sem_alloc : memref<!tpu.dma_semaphore, #tpu.memory_space<semaphore_mem>>
      %dma_start3A_159 = tpu.memref_slice %arg3[%add3A_75] : memref<65536xi32, #tpu.memory_space<hbm>> -> memref<128xi32, #tpu.memory_space<hbm>>
      %dma_start3A_160 = tpu.memref_slice %arg3[%add3A_75] : memref<65536xi32, #tpu.memory_space<hbm>> -> memref<128xi32, #tpu.memory_space<hbm>>
      tpu.enqueue_dma source(%dma_start3A_160 : memref<128xi32, #tpu.memory_space<hbm>>) target(%arg5 : memref<128xi32, #tpu.memory_space<vmem>>) target_semaphore(%run_scoped3A : memref<!tpu.dma_semaphore, #tpu.memory_space<semaphore_mem>>)
      %dma_wait3A_161 = tpu.memref_slice %arg3[%add3A_75] : memref<65536xi32, #tpu.memory_space<hbm>> -> memref<128xi32, #tpu.memory_space<hbm>>
      %dma_wait3A_162 = tpu.memref_slice %arg3[%add3A_75] : memref<65536xi32, #tpu.memory_space<hbm>> -> memref<128xi32, #tpu.memory_space<hbm>>
      tpu.wait_dma2 semaphore(%run_scoped3A : memref<!tpu.dma_semaphore, #tpu.memory_space<semaphore_mem>>) src(%dma_wait3A_162 : memref<128xi32, #tpu.memory_space<hbm>>) dst(%arg5 : memref<128xi32, #tpu.memory_space<vmem>>)
      tpu.yield
    }) : () -> ()
    %dma_wait3A_76 = arith.constant 0 : i32
    %dma_wait3A_77 = arith.constant 0 : i32
    %dma_wait3A_78 = tpu.memref_slice %arg2[%dma_wait3A_76, %dma_wait3A_77] : memref<32768x128xf32, #tpu.memory_space<hbm>> -> memref<32768x128xf32, #tpu.memory_space<hbm>>
    tpu.wait_indirect_dma semaphore(%arg10 : memref<!tpu.dma_semaphore, #tpu.memory_space<semaphore_mem>>) src(%dma_wait3A_78 : memref<32768x128xf32, #tpu.memory_space<hbm>>) dst(%arg8 : memref<128x128xf32, #tpu.memory_space<vmem>>)
    %dma_start3A_79 = arith.constant 0 : i32
    %dma_start3A_80 = arith.constant 0 : i32
    %dma_start3A_81 = tpu.memref_slice %arg2[%dma_start3A_79, %dma_start3A_80] : memref<32768x128xf32, #tpu.memory_space<hbm>> -> memref<32768x128xf32, #tpu.memory_space<hbm>>
    tpu.enqueue_indirect_dma source(%dma_start3A_81 : memref<32768x128xf32, #tpu.memory_space<hbm>>) target(%arg7 : memref<128x128xf32, #tpu.memory_space<vmem>>) offsets(%arg5 : memref<128xi32, #tpu.memory_space<vmem>>) semaphore(%arg9 : memref<!tpu.dma_semaphore, #tpu.memory_space<semaphore_mem>>)
    %add3A_82 = arith.constant 896 : i32
    %add3A_83 = arith.addi %mul3A_2, %add3A_82 : i32
    "tpu.region"() ({
      %run_scoped3A = tpu.sem_alloc : memref<!tpu.dma_semaphore, #tpu.memory_space<semaphore_mem>>
      %dma_start3A_159 = arith.constant 0 : i32
      %dma_start3A_160 = tpu.memref_slice %arg4[%add3A_83, %dma_start3A_159] : memref<65536x128xf32, #tpu.memory_space<hbm>> -> memref<128x128xf32, #tpu.memory_space<hbm>>
      %dma_start3A_161 = arith.constant 0 : i32
      %dma_start3A_162 = tpu.memref_slice %arg4[%add3A_83, %dma_start3A_161] : memref<65536x128xf32, #tpu.memory_space<hbm>> -> memref<128x128xf32, #tpu.memory_space<hbm>>
      tpu.enqueue_dma source(%arg8 : memref<128x128xf32, #tpu.memory_space<vmem>>) target(%dma_start3A_162 : memref<128x128xf32, #tpu.memory_space<hbm>>) target_semaphore(%run_scoped3A : memref<!tpu.dma_semaphore, #tpu.memory_space<semaphore_mem>>)
      %dma_wait3A_163 = arith.constant 0 : i32
      %dma_wait3A_164 = tpu.memref_slice %arg4[%add3A_83, %dma_wait3A_163] : memref<65536x128xf32, #tpu.memory_space<hbm>> -> memref<128x128xf32, #tpu.memory_space<hbm>>
      %dma_wait3A_165 = arith.constant 0 : i32
      %dma_wait3A_166 = tpu.memref_slice %arg4[%add3A_83, %dma_wait3A_165] : memref<65536x128xf32, #tpu.memory_space<hbm>> -> memref<128x128xf32, #tpu.memory_space<hbm>>
      tpu.wait_dma2 semaphore(%run_scoped3A : memref<!tpu.dma_semaphore, #tpu.memory_space<semaphore_mem>>) src(%arg8 : memref<128x128xf32, #tpu.memory_space<vmem>>) dst(%dma_wait3A_166 : memref<128x128xf32, #tpu.memory_space<hbm>>)
      tpu.yield
    }) : () -> ()
    %add3A_84 = arith.constant 1152 : i32
    %add3A_85 = arith.addi %mul3A_2, %add3A_84 : i32
    "tpu.region"() ({
      %run_scoped3A = tpu.sem_alloc : memref<!tpu.dma_semaphore, #tpu.memory_space<semaphore_mem>>
      %dma_start3A_159 = tpu.memref_slice %arg3[%add3A_85] : memref<65536xi32, #tpu.memory_space<hbm>> -> memref<128xi32, #tpu.memory_space<hbm>>
      %dma_start3A_160 = tpu.memref_slice %arg3[%add3A_85] : memref<65536xi32, #tpu.memory_space<hbm>> -> memref<128xi32, #tpu.memory_space<hbm>>
      tpu.enqueue_dma source(%dma_start3A_160 : memref<128xi32, #tpu.memory_space<hbm>>) target(%arg6 : memref<128xi32, #tpu.memory_space<vmem>>) target_semaphore(%run_scoped3A : memref<!tpu.dma_semaphore, #tpu.memory_space<semaphore_mem>>)
      %dma_wait3A_161 = tpu.memref_slice %arg3[%add3A_85] : memref<65536xi32, #tpu.memory_space<hbm>> -> memref<128xi32, #tpu.memory_space<hbm>>
      %dma_wait3A_162 = tpu.memref_slice %arg3[%add3A_85] : memref<65536xi32, #tpu.memory_space<hbm>> -> memref<128xi32, #tpu.memory_space<hbm>>
      tpu.wait_dma2 semaphore(%run_scoped3A : memref<!tpu.dma_semaphore, #tpu.memory_space<semaphore_mem>>) src(%dma_wait3A_162 : memref<128xi32, #tpu.memory_space<hbm>>) dst(%arg6 : memref<128xi32, #tpu.memory_space<vmem>>)
      tpu.yield
    }) : () -> ()
    %dma_wait3A_86 = arith.constant 0 : i32
    %dma_wait3A_87 = arith.constant 0 : i32
    %dma_wait3A_88 = tpu.memref_slice %arg2[%dma_wait3A_86, %dma_wait3A_87] : memref<32768x128xf32, #tpu.memory_space<hbm>> -> memref<32768x128xf32, #tpu.memory_space<hbm>>
    tpu.wait_indirect_dma semaphore(%arg9 : memref<!tpu.dma_semaphore, #tpu.memory_space<semaphore_mem>>) src(%dma_wait3A_88 : memref<32768x128xf32, #tpu.memory_space<hbm>>) dst(%arg7 : memref<128x128xf32, #tpu.memory_space<vmem>>)
    %dma_start3A_89 = arith.constant 0 : i32
    %dma_start3A_90 = arith.constant 0 : i32
    %dma_start3A_91 = tpu.memref_slice %arg2[%dma_start3A_89, %dma_start3A_90] : memref<32768x128xf32, #tpu.memory_space<hbm>> -> memref<32768x128xf32, #tpu.memory_space<hbm>>
    tpu.enqueue_indirect_dma source(%dma_start3A_91 : memref<32768x128xf32, #tpu.memory_space<hbm>>) target(%arg8 : memref<128x128xf32, #tpu.memory_space<vmem>>) offsets(%arg6 : memref<128xi32, #tpu.memory_space<vmem>>) semaphore(%arg10 : memref<!tpu.dma_semaphore, #tpu.memory_space<semaphore_mem>>)
    %add3A_92 = arith.constant 1024 : i32
    %add3A_93 = arith.addi %mul3A_2, %add3A_92 : i32
    "tpu.region"() ({
      %run_scoped3A = tpu.sem_alloc : memref<!tpu.dma_semaphore, #tpu.memory_space<semaphore_mem>>
      %dma_start3A_159 = arith.constant 0 : i32
      %dma_start3A_160 = tpu.memref_slice %arg4[%add3A_93, %dma_start3A_159] : memref<65536x128xf32, #tpu.memory_space<hbm>> -> memref<128x128xf32, #tpu.memory_space<hbm>>
      %dma_start3A_161 = arith.constant 0 : i32
      %dma_start3A_162 = tpu.memref_slice %arg4[%add3A_93, %dma_start3A_161] : memref<65536x128xf32, #tpu.memory_space<hbm>> -> memref<128x128xf32, #tpu.memory_space<hbm>>
      tpu.enqueue_dma source(%arg7 : memref<128x128xf32, #tpu.memory_space<vmem>>) target(%dma_start3A_162 : memref<128x128xf32, #tpu.memory_space<hbm>>) target_semaphore(%run_scoped3A : memref<!tpu.dma_semaphore, #tpu.memory_space<semaphore_mem>>)
      %dma_wait3A_163 = arith.constant 0 : i32
      %dma_wait3A_164 = tpu.memref_slice %arg4[%add3A_93, %dma_wait3A_163] : memref<65536x128xf32, #tpu.memory_space<hbm>> -> memref<128x128xf32, #tpu.memory_space<hbm>>
      %dma_wait3A_165 = arith.constant 0 : i32
      %dma_wait3A_166 = tpu.memref_slice %arg4[%add3A_93, %dma_wait3A_165] : memref<65536x128xf32, #tpu.memory_space<hbm>> -> memref<128x128xf32, #tpu.memory_space<hbm>>
      tpu.wait_dma2 semaphore(%run_scoped3A : memref<!tpu.dma_semaphore, #tpu.memory_space<semaphore_mem>>) src(%arg7 : memref<128x128xf32, #tpu.memory_space<vmem>>) dst(%dma_wait3A_166 : memref<128x128xf32, #tpu.memory_space<hbm>>)
      tpu.yield
    }) : () -> ()
    %add3A_94 = arith.constant 1280 : i32
    %add3A_95 = arith.addi %mul3A_2, %add3A_94 : i32
    "tpu.region"() ({
      %run_scoped3A = tpu.sem_alloc : memref<!tpu.dma_semaphore, #tpu.memory_space<semaphore_mem>>
      %dma_start3A_159 = tpu.memref_slice %arg3[%add3A_95] : memref<65536xi32, #tpu.memory_space<hbm>> -> memref<128xi32, #tpu.memory_space<hbm>>
      %dma_start3A_160 = tpu.memref_slice %arg3[%add3A_95] : memref<65536xi32, #tpu.memory_space<hbm>> -> memref<128xi32, #tpu.memory_space<hbm>>
      tpu.enqueue_dma source(%dma_start3A_160 : memref<128xi32, #tpu.memory_space<hbm>>) target(%arg5 : memref<128xi32, #tpu.memory_space<vmem>>) target_semaphore(%run_scoped3A : memref<!tpu.dma_semaphore, #tpu.memory_space<semaphore_mem>>)
      %dma_wait3A_161 = tpu.memref_slice %arg3[%add3A_95] : memref<65536xi32, #tpu.memory_space<hbm>> -> memref<128xi32, #tpu.memory_space<hbm>>
      %dma_wait3A_162 = tpu.memref_slice %arg3[%add3A_95] : memref<65536xi32, #tpu.memory_space<hbm>> -> memref<128xi32, #tpu.memory_space<hbm>>
      tpu.wait_dma2 semaphore(%run_scoped3A : memref<!tpu.dma_semaphore, #tpu.memory_space<semaphore_mem>>) src(%dma_wait3A_162 : memref<128xi32, #tpu.memory_space<hbm>>) dst(%arg5 : memref<128xi32, #tpu.memory_space<vmem>>)
      tpu.yield
    }) : () -> ()
    %dma_wait3A_96 = arith.constant 0 : i32
    %dma_wait3A_97 = arith.constant 0 : i32
    %dma_wait3A_98 = tpu.memref_slice %arg2[%dma_wait3A_96, %dma_wait3A_97] : memref<32768x128xf32, #tpu.memory_space<hbm>> -> memref<32768x128xf32, #tpu.memory_space<hbm>>
    tpu.wait_indirect_dma semaphore(%arg10 : memref<!tpu.dma_semaphore, #tpu.memory_space<semaphore_mem>>) src(%dma_wait3A_98 : memref<32768x128xf32, #tpu.memory_space<hbm>>) dst(%arg8 : memref<128x128xf32, #tpu.memory_space<vmem>>)
    %dma_start3A_99 = arith.constant 0 : i32
    %dma_start3A_100 = arith.constant 0 : i32
    %dma_start3A_101 = tpu.memref_slice %arg2[%dma_start3A_99, %dma_start3A_100] : memref<32768x128xf32, #tpu.memory_space<hbm>> -> memref<32768x128xf32, #tpu.memory_space<hbm>>
    tpu.enqueue_indirect_dma source(%dma_start3A_101 : memref<32768x128xf32, #tpu.memory_space<hbm>>) target(%arg7 : memref<128x128xf32, #tpu.memory_space<vmem>>) offsets(%arg5 : memref<128xi32, #tpu.memory_space<vmem>>) semaphore(%arg9 : memref<!tpu.dma_semaphore, #tpu.memory_space<semaphore_mem>>)
    %add3A_102 = arith.constant 1152 : i32
    %add3A_103 = arith.addi %mul3A_2, %add3A_102 : i32
    "tpu.region"() ({
      %run_scoped3A = tpu.sem_alloc : memref<!tpu.dma_semaphore, #tpu.memory_space<semaphore_mem>>
      %dma_start3A_159 = arith.constant 0 : i32
      %dma_start3A_160 = tpu.memref_slice %arg4[%add3A_103, %dma_start3A_159] : memref<65536x128xf32, #tpu.memory_space<hbm>> -> memref<128x128xf32, #tpu.memory_space<hbm>>
      %dma_start3A_161 = arith.constant 0 : i32
      %dma_start3A_162 = tpu.memref_slice %arg4[%add3A_103, %dma_start3A_161] : memref<65536x128xf32, #tpu.memory_space<hbm>> -> memref<128x128xf32, #tpu.memory_space<hbm>>
      tpu.enqueue_dma source(%arg8 : memref<128x128xf32, #tpu.memory_space<vmem>>) target(%dma_start3A_162 : memref<128x128xf32, #tpu.memory_space<hbm>>) target_semaphore(%run_scoped3A : memref<!tpu.dma_semaphore, #tpu.memory_space<semaphore_mem>>)
      %dma_wait3A_163 = arith.constant 0 : i32
      %dma_wait3A_164 = tpu.memref_slice %arg4[%add3A_103, %dma_wait3A_163] : memref<65536x128xf32, #tpu.memory_space<hbm>> -> memref<128x128xf32, #tpu.memory_space<hbm>>
      %dma_wait3A_165 = arith.constant 0 : i32
      %dma_wait3A_166 = tpu.memref_slice %arg4[%add3A_103, %dma_wait3A_165] : memref<65536x128xf32, #tpu.memory_space<hbm>> -> memref<128x128xf32, #tpu.memory_space<hbm>>
      tpu.wait_dma2 semaphore(%run_scoped3A : memref<!tpu.dma_semaphore, #tpu.memory_space<semaphore_mem>>) src(%arg8 : memref<128x128xf32, #tpu.memory_space<vmem>>) dst(%dma_wait3A_166 : memref<128x128xf32, #tpu.memory_space<hbm>>)
      tpu.yield
    }) : () -> ()
    %add3A_104 = arith.constant 1408 : i32
    %add3A_105 = arith.addi %mul3A_2, %add3A_104 : i32
    "tpu.region"() ({
      %run_scoped3A = tpu.sem_alloc : memref<!tpu.dma_semaphore, #tpu.memory_space<semaphore_mem>>
      %dma_start3A_159 = tpu.memref_slice %arg3[%add3A_105] : memref<65536xi32, #tpu.memory_space<hbm>> -> memref<128xi32, #tpu.memory_space<hbm>>
      %dma_start3A_160 = tpu.memref_slice %arg3[%add3A_105] : memref<65536xi32, #tpu.memory_space<hbm>> -> memref<128xi32, #tpu.memory_space<hbm>>
      tpu.enqueue_dma source(%dma_start3A_160 : memref<128xi32, #tpu.memory_space<hbm>>) target(%arg6 : memref<128xi32, #tpu.memory_space<vmem>>) target_semaphore(%run_scoped3A : memref<!tpu.dma_semaphore, #tpu.memory_space<semaphore_mem>>)
      %dma_wait3A_161 = tpu.memref_slice %arg3[%add3A_105] : memref<65536xi32, #tpu.memory_space<hbm>> -> memref<128xi32, #tpu.memory_space<hbm>>
      %dma_wait3A_162 = tpu.memref_slice %arg3[%add3A_105] : memref<65536xi32, #tpu.memory_space<hbm>> -> memref<128xi32, #tpu.memory_space<hbm>>
      tpu.wait_dma2 semaphore(%run_scoped3A : memref<!tpu.dma_semaphore, #tpu.memory_space<semaphore_mem>>) src(%dma_wait3A_162 : memref<128xi32, #tpu.memory_space<hbm>>) dst(%arg6 : memref<128xi32, #tpu.memory_space<vmem>>)
      tpu.yield
    }) : () -> ()
    %dma_wait3A_106 = arith.constant 0 : i32
    %dma_wait3A_107 = arith.constant 0 : i32
    %dma_wait3A_108 = tpu.memref_slice %arg2[%dma_wait3A_106, %dma_wait3A_107] : memref<32768x128xf32, #tpu.memory_space<hbm>> -> memref<32768x128xf32, #tpu.memory_space<hbm>>
    tpu.wait_indirect_dma semaphore(%arg9 : memref<!tpu.dma_semaphore, #tpu.memory_space<semaphore_mem>>) src(%dma_wait3A_108 : memref<32768x128xf32, #tpu.memory_space<hbm>>) dst(%arg7 : memref<128x128xf32, #tpu.memory_space<vmem>>)
    %dma_start3A_109 = arith.constant 0 : i32
    %dma_start3A_110 = arith.constant 0 : i32
    %dma_start3A_111 = tpu.memref_slice %arg2[%dma_start3A_109, %dma_start3A_110] : memref<32768x128xf32, #tpu.memory_space<hbm>> -> memref<32768x128xf32, #tpu.memory_space<hbm>>
    tpu.enqueue_indirect_dma source(%dma_start3A_111 : memref<32768x128xf32, #tpu.memory_space<hbm>>) target(%arg8 : memref<128x128xf32, #tpu.memory_space<vmem>>) offsets(%arg6 : memref<128xi32, #tpu.memory_space<vmem>>) semaphore(%arg10 : memref<!tpu.dma_semaphore, #tpu.memory_space<semaphore_mem>>)
    %add3A_112 = arith.constant 1280 : i32
    %add3A_113 = arith.addi %mul3A_2, %add3A_112 : i32
    "tpu.region"() ({
      %run_scoped3A = tpu.sem_alloc : memref<!tpu.dma_semaphore, #tpu.memory_space<semaphore_mem>>
      %dma_start3A_159 = arith.constant 0 : i32
      %dma_start3A_160 = tpu.memref_slice %arg4[%add3A_113, %dma_start3A_159] : memref<65536x128xf32, #tpu.memory_space<hbm>> -> memref<128x128xf32, #tpu.memory_space<hbm>>
      %dma_start3A_161 = arith.constant 0 : i32
      %dma_start3A_162 = tpu.memref_slice %arg4[%add3A_113, %dma_start3A_161] : memref<65536x128xf32, #tpu.memory_space<hbm>> -> memref<128x128xf32, #tpu.memory_space<hbm>>
      tpu.enqueue_dma source(%arg7 : memref<128x128xf32, #tpu.memory_space<vmem>>) target(%dma_start3A_162 : memref<128x128xf32, #tpu.memory_space<hbm>>) target_semaphore(%run_scoped3A : memref<!tpu.dma_semaphore, #tpu.memory_space<semaphore_mem>>)
      %dma_wait3A_163 = arith.constant 0 : i32
      %dma_wait3A_164 = tpu.memref_slice %arg4[%add3A_113, %dma_wait3A_163] : memref<65536x128xf32, #tpu.memory_space<hbm>> -> memref<128x128xf32, #tpu.memory_space<hbm>>
      %dma_wait3A_165 = arith.constant 0 : i32
      %dma_wait3A_166 = tpu.memref_slice %arg4[%add3A_113, %dma_wait3A_165] : memref<65536x128xf32, #tpu.memory_space<hbm>> -> memref<128x128xf32, #tpu.memory_space<hbm>>
      tpu.wait_dma2 semaphore(%run_scoped3A : memref<!tpu.dma_semaphore, #tpu.memory_space<semaphore_mem>>) src(%arg7 : memref<128x128xf32, #tpu.memory_space<vmem>>) dst(%dma_wait3A_166 : memref<128x128xf32, #tpu.memory_space<hbm>>)
      tpu.yield
    }) : () -> ()
    %add3A_114 = arith.constant 1536 : i32
    %add3A_115 = arith.addi %mul3A_2, %add3A_114 : i32
    "tpu.region"() ({
      %run_scoped3A = tpu.sem_alloc : memref<!tpu.dma_semaphore, #tpu.memory_space<semaphore_mem>>
      %dma_start3A_159 = tpu.memref_slice %arg3[%add3A_115] : memref<65536xi32, #tpu.memory_space<hbm>> -> memref<128xi32, #tpu.memory_space<hbm>>
      %dma_start3A_160 = tpu.memref_slice %arg3[%add3A_115] : memref<65536xi32, #tpu.memory_space<hbm>> -> memref<128xi32, #tpu.memory_space<hbm>>
      tpu.enqueue_dma source(%dma_start3A_160 : memref<128xi32, #tpu.memory_space<hbm>>) target(%arg5 : memref<128xi32, #tpu.memory_space<vmem>>) target_semaphore(%run_scoped3A : memref<!tpu.dma_semaphore, #tpu.memory_space<semaphore_mem>>)
      %dma_wait3A_161 = tpu.memref_slice %arg3[%add3A_115] : memref<65536xi32, #tpu.memory_space<hbm>> -> memref<128xi32, #tpu.memory_space<hbm>>
      %dma_wait3A_162 = tpu.memref_slice %arg3[%add3A_115] : memref<65536xi32, #tpu.memory_space<hbm>> -> memref<128xi32, #tpu.memory_space<hbm>>
      tpu.wait_dma2 semaphore(%run_scoped3A : memref<!tpu.dma_semaphore, #tpu.memory_space<semaphore_mem>>) src(%dma_wait3A_162 : memref<128xi32, #tpu.memory_space<hbm>>) dst(%arg5 : memref<128xi32, #tpu.memory_space<vmem>>)
      tpu.yield
    }) : () -> ()
    %dma_wait3A_116 = arith.constant 0 : i32
    %dma_wait3A_117 = arith.constant 0 : i32
    %dma_wait3A_118 = tpu.memref_slice %arg2[%dma_wait3A_116, %dma_wait3A_117] : memref<32768x128xf32, #tpu.memory_space<hbm>> -> memref<32768x128xf32, #tpu.memory_space<hbm>>
    tpu.wait_indirect_dma semaphore(%arg10 : memref<!tpu.dma_semaphore, #tpu.memory_space<semaphore_mem>>) src(%dma_wait3A_118 : memref<32768x128xf32, #tpu.memory_space<hbm>>) dst(%arg8 : memref<128x128xf32, #tpu.memory_space<vmem>>)
    %dma_start3A_119 = arith.constant 0 : i32
    %dma_start3A_120 = arith.constant 0 : i32
    %dma_start3A_121 = tpu.memref_slice %arg2[%dma_start3A_119, %dma_start3A_120] : memref<32768x128xf32, #tpu.memory_space<hbm>> -> memref<32768x128xf32, #tpu.memory_space<hbm>>
    tpu.enqueue_indirect_dma source(%dma_start3A_121 : memref<32768x128xf32, #tpu.memory_space<hbm>>) target(%arg7 : memref<128x128xf32, #tpu.memory_space<vmem>>) offsets(%arg5 : memref<128xi32, #tpu.memory_space<vmem>>) semaphore(%arg9 : memref<!tpu.dma_semaphore, #tpu.memory_space<semaphore_mem>>)
    %add3A_122 = arith.constant 1408 : i32
    %add3A_123 = arith.addi %mul3A_2, %add3A_122 : i32
    "tpu.region"() ({
      %run_scoped3A = tpu.sem_alloc : memref<!tpu.dma_semaphore, #tpu.memory_space<semaphore_mem>>
      %dma_start3A_159 = arith.constant 0 : i32
      %dma_start3A_160 = tpu.memref_slice %arg4[%add3A_123, %dma_start3A_159] : memref<65536x128xf32, #tpu.memory_space<hbm>> -> memref<128x128xf32, #tpu.memory_space<hbm>>
      %dma_start3A_161 = arith.constant 0 : i32
      %dma_start3A_162 = tpu.memref_slice %arg4[%add3A_123, %dma_start3A_161] : memref<65536x128xf32, #tpu.memory_space<hbm>> -> memref<128x128xf32, #tpu.memory_space<hbm>>
      tpu.enqueue_dma source(%arg8 : memref<128x128xf32, #tpu.memory_space<vmem>>) target(%dma_start3A_162 : memref<128x128xf32, #tpu.memory_space<hbm>>) target_semaphore(%run_scoped3A : memref<!tpu.dma_semaphore, #tpu.memory_space<semaphore_mem>>)
      %dma_wait3A_163 = arith.constant 0 : i32
      %dma_wait3A_164 = tpu.memref_slice %arg4[%add3A_123, %dma_wait3A_163] : memref<65536x128xf32, #tpu.memory_space<hbm>> -> memref<128x128xf32, #tpu.memory_space<hbm>>
      %dma_wait3A_165 = arith.constant 0 : i32
      %dma_wait3A_166 = tpu.memref_slice %arg4[%add3A_123, %dma_wait3A_165] : memref<65536x128xf32, #tpu.memory_space<hbm>> -> memref<128x128xf32, #tpu.memory_space<hbm>>
      tpu.wait_dma2 semaphore(%run_scoped3A : memref<!tpu.dma_semaphore, #tpu.memory_space<semaphore_mem>>) src(%arg8 : memref<128x128xf32, #tpu.memory_space<vmem>>) dst(%dma_wait3A_166 : memref<128x128xf32, #tpu.memory_space<hbm>>)
      tpu.yield
    }) : () -> ()
    %add3A_124 = arith.constant 1664 : i32
    %add3A_125 = arith.addi %mul3A_2, %add3A_124 : i32
    "tpu.region"() ({
      %run_scoped3A = tpu.sem_alloc : memref<!tpu.dma_semaphore, #tpu.memory_space<semaphore_mem>>
      %dma_start3A_159 = tpu.memref_slice %arg3[%add3A_125] : memref<65536xi32, #tpu.memory_space<hbm>> -> memref<128xi32, #tpu.memory_space<hbm>>
      %dma_start3A_160 = tpu.memref_slice %arg3[%add3A_125] : memref<65536xi32, #tpu.memory_space<hbm>> -> memref<128xi32, #tpu.memory_space<hbm>>
      tpu.enqueue_dma source(%dma_start3A_160 : memref<128xi32, #tpu.memory_space<hbm>>) target(%arg6 : memref<128xi32, #tpu.memory_space<vmem>>) target_semaphore(%run_scoped3A : memref<!tpu.dma_semaphore, #tpu.memory_space<semaphore_mem>>)
      %dma_wait3A_161 = tpu.memref_slice %arg3[%add3A_125] : memref<65536xi32, #tpu.memory_space<hbm>> -> memref<128xi32, #tpu.memory_space<hbm>>
      %dma_wait3A_162 = tpu.memref_slice %arg3[%add3A_125] : memref<65536xi32, #tpu.memory_space<hbm>> -> memref<128xi32, #tpu.memory_space<hbm>>
      tpu.wait_dma2 semaphore(%run_scoped3A : memref<!tpu.dma_semaphore, #tpu.memory_space<semaphore_mem>>) src(%dma_wait3A_162 : memref<128xi32, #tpu.memory_space<hbm>>) dst(%arg6 : memref<128xi32, #tpu.memory_space<vmem>>)
      tpu.yield
    }) : () -> ()
    %dma_wait3A_126 = arith.constant 0 : i32
    %dma_wait3A_127 = arith.constant 0 : i32
    %dma_wait3A_128 = tpu.memref_slice %arg2[%dma_wait3A_126, %dma_wait3A_127] : memref<32768x128xf32, #tpu.memory_space<hbm>> -> memref<32768x128xf32, #tpu.memory_space<hbm>>
    tpu.wait_indirect_dma semaphore(%arg9 : memref<!tpu.dma_semaphore, #tpu.memory_space<semaphore_mem>>) src(%dma_wait3A_128 : memref<32768x128xf32, #tpu.memory_space<hbm>>) dst(%arg7 : memref<128x128xf32, #tpu.memory_space<vmem>>)
    %dma_start3A_129 = arith.constant 0 : i32
    %dma_start3A_130 = arith.constant 0 : i32
    %dma_start3A_131 = tpu.memref_slice %arg2[%dma_start3A_129, %dma_start3A_130] : memref<32768x128xf32, #tpu.memory_space<hbm>> -> memref<32768x128xf32, #tpu.memory_space<hbm>>
    tpu.enqueue_indirect_dma source(%dma_start3A_131 : memref<32768x128xf32, #tpu.memory_space<hbm>>) target(%arg8 : memref<128x128xf32, #tpu.memory_space<vmem>>) offsets(%arg6 : memref<128xi32, #tpu.memory_space<vmem>>) semaphore(%arg10 : memref<!tpu.dma_semaphore, #tpu.memory_space<semaphore_mem>>)
    %add3A_132 = arith.constant 1536 : i32
    %add3A_133 = arith.addi %mul3A_2, %add3A_132 : i32
    "tpu.region"() ({
      %run_scoped3A = tpu.sem_alloc : memref<!tpu.dma_semaphore, #tpu.memory_space<semaphore_mem>>
      %dma_start3A_159 = arith.constant 0 : i32
      %dma_start3A_160 = tpu.memref_slice %arg4[%add3A_133, %dma_start3A_159] : memref<65536x128xf32, #tpu.memory_space<hbm>> -> memref<128x128xf32, #tpu.memory_space<hbm>>
      %dma_start3A_161 = arith.constant 0 : i32
      %dma_start3A_162 = tpu.memref_slice %arg4[%add3A_133, %dma_start3A_161] : memref<65536x128xf32, #tpu.memory_space<hbm>> -> memref<128x128xf32, #tpu.memory_space<hbm>>
      tpu.enqueue_dma source(%arg7 : memref<128x128xf32, #tpu.memory_space<vmem>>) target(%dma_start3A_162 : memref<128x128xf32, #tpu.memory_space<hbm>>) target_semaphore(%run_scoped3A : memref<!tpu.dma_semaphore, #tpu.memory_space<semaphore_mem>>)
      %dma_wait3A_163 = arith.constant 0 : i32
      %dma_wait3A_164 = tpu.memref_slice %arg4[%add3A_133, %dma_wait3A_163] : memref<65536x128xf32, #tpu.memory_space<hbm>> -> memref<128x128xf32, #tpu.memory_space<hbm>>
      %dma_wait3A_165 = arith.constant 0 : i32
      %dma_wait3A_166 = tpu.memref_slice %arg4[%add3A_133, %dma_wait3A_165] : memref<65536x128xf32, #tpu.memory_space<hbm>> -> memref<128x128xf32, #tpu.memory_space<hbm>>
      tpu.wait_dma2 semaphore(%run_scoped3A : memref<!tpu.dma_semaphore, #tpu.memory_space<semaphore_mem>>) src(%arg7 : memref<128x128xf32, #tpu.memory_space<vmem>>) dst(%dma_wait3A_166 : memref<128x128xf32, #tpu.memory_space<hbm>>)
      tpu.yield
    }) : () -> ()
    %add3A_134 = arith.constant 1792 : i32
    %add3A_135 = arith.addi %mul3A_2, %add3A_134 : i32
    "tpu.region"() ({
      %run_scoped3A = tpu.sem_alloc : memref<!tpu.dma_semaphore, #tpu.memory_space<semaphore_mem>>
      %dma_start3A_159 = tpu.memref_slice %arg3[%add3A_135] : memref<65536xi32, #tpu.memory_space<hbm>> -> memref<128xi32, #tpu.memory_space<hbm>>
      %dma_start3A_160 = tpu.memref_slice %arg3[%add3A_135] : memref<65536xi32, #tpu.memory_space<hbm>> -> memref<128xi32, #tpu.memory_space<hbm>>
      tpu.enqueue_dma source(%dma_start3A_160 : memref<128xi32, #tpu.memory_space<hbm>>) target(%arg5 : memref<128xi32, #tpu.memory_space<vmem>>) target_semaphore(%run_scoped3A : memref<!tpu.dma_semaphore, #tpu.memory_space<semaphore_mem>>)
      %dma_wait3A_161 = tpu.memref_slice %arg3[%add3A_135] : memref<65536xi32, #tpu.memory_space<hbm>> -> memref<128xi32, #tpu.memory_space<hbm>>
      %dma_wait3A_162 = tpu.memref_slice %arg3[%add3A_135] : memref<65536xi32, #tpu.memory_space<hbm>> -> memref<128xi32, #tpu.memory_space<hbm>>
      tpu.wait_dma2 semaphore(%run_scoped3A : memref<!tpu.dma_semaphore, #tpu.memory_space<semaphore_mem>>) src(%dma_wait3A_162 : memref<128xi32, #tpu.memory_space<hbm>>) dst(%arg5 : memref<128xi32, #tpu.memory_space<vmem>>)
      tpu.yield
    }) : () -> ()
    %dma_wait3A_136 = arith.constant 0 : i32
    %dma_wait3A_137 = arith.constant 0 : i32
    %dma_wait3A_138 = tpu.memref_slice %arg2[%dma_wait3A_136, %dma_wait3A_137] : memref<32768x128xf32, #tpu.memory_space<hbm>> -> memref<32768x128xf32, #tpu.memory_space<hbm>>
    tpu.wait_indirect_dma semaphore(%arg10 : memref<!tpu.dma_semaphore, #tpu.memory_space<semaphore_mem>>) src(%dma_wait3A_138 : memref<32768x128xf32, #tpu.memory_space<hbm>>) dst(%arg8 : memref<128x128xf32, #tpu.memory_space<vmem>>)
    %dma_start3A_139 = arith.constant 0 : i32
    %dma_start3A_140 = arith.constant 0 : i32
    %dma_start3A_141 = tpu.memref_slice %arg2[%dma_start3A_139, %dma_start3A_140] : memref<32768x128xf32, #tpu.memory_space<hbm>> -> memref<32768x128xf32, #tpu.memory_space<hbm>>
    tpu.enqueue_indirect_dma source(%dma_start3A_141 : memref<32768x128xf32, #tpu.memory_space<hbm>>) target(%arg7 : memref<128x128xf32, #tpu.memory_space<vmem>>) offsets(%arg5 : memref<128xi32, #tpu.memory_space<vmem>>) semaphore(%arg9 : memref<!tpu.dma_semaphore, #tpu.memory_space<semaphore_mem>>)
    %add3A_142 = arith.constant 1664 : i32
    %add3A_143 = arith.addi %mul3A_2, %add3A_142 : i32
    "tpu.region"() ({
      %run_scoped3A = tpu.sem_alloc : memref<!tpu.dma_semaphore, #tpu.memory_space<semaphore_mem>>
      %dma_start3A_159 = arith.constant 0 : i32
      %dma_start3A_160 = tpu.memref_slice %arg4[%add3A_143, %dma_start3A_159] : memref<65536x128xf32, #tpu.memory_space<hbm>> -> memref<128x128xf32, #tpu.memory_space<hbm>>
      %dma_start3A_161 = arith.constant 0 : i32
      %dma_start3A_162 = tpu.memref_slice %arg4[%add3A_143, %dma_start3A_161] : memref<65536x128xf32, #tpu.memory_space<hbm>> -> memref<128x128xf32, #tpu.memory_space<hbm>>
      tpu.enqueue_dma source(%arg8 : memref<128x128xf32, #tpu.memory_space<vmem>>) target(%dma_start3A_162 : memref<128x128xf32, #tpu.memory_space<hbm>>) target_semaphore(%run_scoped3A : memref<!tpu.dma_semaphore, #tpu.memory_space<semaphore_mem>>)
      %dma_wait3A_163 = arith.constant 0 : i32
      %dma_wait3A_164 = tpu.memref_slice %arg4[%add3A_143, %dma_wait3A_163] : memref<65536x128xf32, #tpu.memory_space<hbm>> -> memref<128x128xf32, #tpu.memory_space<hbm>>
      %dma_wait3A_165 = arith.constant 0 : i32
      %dma_wait3A_166 = tpu.memref_slice %arg4[%add3A_143, %dma_wait3A_165] : memref<65536x128xf32, #tpu.memory_space<hbm>> -> memref<128x128xf32, #tpu.memory_space<hbm>>
      tpu.wait_dma2 semaphore(%run_scoped3A : memref<!tpu.dma_semaphore, #tpu.memory_space<semaphore_mem>>) src(%arg8 : memref<128x128xf32, #tpu.memory_space<vmem>>) dst(%dma_wait3A_166 : memref<128x128xf32, #tpu.memory_space<hbm>>)
      tpu.yield
    }) : () -> ()
    %add3A_144 = arith.constant 1920 : i32
    %add3A_145 = arith.addi %mul3A_2, %add3A_144 : i32
    "tpu.region"() ({
      %run_scoped3A = tpu.sem_alloc : memref<!tpu.dma_semaphore, #tpu.memory_space<semaphore_mem>>
      %dma_start3A_159 = tpu.memref_slice %arg3[%add3A_145] : memref<65536xi32, #tpu.memory_space<hbm>> -> memref<128xi32, #tpu.memory_space<hbm>>
      %dma_start3A_160 = tpu.memref_slice %arg3[%add3A_145] : memref<65536xi32, #tpu.memory_space<hbm>> -> memref<128xi32, #tpu.memory_space<hbm>>
      tpu.enqueue_dma source(%dma_start3A_160 : memref<128xi32, #tpu.memory_space<hbm>>) target(%arg6 : memref<128xi32, #tpu.memory_space<vmem>>) target_semaphore(%run_scoped3A : memref<!tpu.dma_semaphore, #tpu.memory_space<semaphore_mem>>)
      %dma_wait3A_161 = tpu.memref_slice %arg3[%add3A_145] : memref<65536xi32, #tpu.memory_space<hbm>> -> memref<128xi32, #tpu.memory_space<hbm>>
      %dma_wait3A_162 = tpu.memref_slice %arg3[%add3A_145] : memref<65536xi32, #tpu.memory_space<hbm>> -> memref<128xi32, #tpu.memory_space<hbm>>
      tpu.wait_dma2 semaphore(%run_scoped3A : memref<!tpu.dma_semaphore, #tpu.memory_space<semaphore_mem>>) src(%dma_wait3A_162 : memref<128xi32, #tpu.memory_space<hbm>>) dst(%arg6 : memref<128xi32, #tpu.memory_space<vmem>>)
      tpu.yield
    }) : () -> ()
    %dma_wait3A_146 = arith.constant 0 : i32
    %dma_wait3A_147 = arith.constant 0 : i32
    %dma_wait3A_148 = tpu.memref_slice %arg2[%dma_wait3A_146, %dma_wait3A_147] : memref<32768x128xf32, #tpu.memory_space<hbm>> -> memref<32768x128xf32, #tpu.memory_space<hbm>>
    tpu.wait_indirect_dma semaphore(%arg9 : memref<!tpu.dma_semaphore, #tpu.memory_space<semaphore_mem>>) src(%dma_wait3A_148 : memref<32768x128xf32, #tpu.memory_space<hbm>>) dst(%arg7 : memref<128x128xf32, #tpu.memory_space<vmem>>)
    %dma_start3A_149 = arith.constant 0 : i32
    %dma_start3A_150 = arith.constant 0 : i32
    %dma_start3A_151 = tpu.memref_slice %arg2[%dma_start3A_149, %dma_start3A_150] : memref<32768x128xf32, #tpu.memory_space<hbm>> -> memref<32768x128xf32, #tpu.memory_space<hbm>>
    tpu.enqueue_indirect_dma source(%dma_start3A_151 : memref<32768x128xf32, #tpu.memory_space<hbm>>) target(%arg8 : memref<128x128xf32, #tpu.memory_space<vmem>>) offsets(%arg6 : memref<128xi32, #tpu.memory_space<vmem>>) semaphore(%arg10 : memref<!tpu.dma_semaphore, #tpu.memory_space<semaphore_mem>>)
    %add3A_152 = arith.constant 1792 : i32
    %add3A_153 = arith.addi %mul3A_2, %add3A_152 : i32
    "tpu.region"() ({
      %run_scoped3A = tpu.sem_alloc : memref<!tpu.dma_semaphore, #tpu.memory_space<semaphore_mem>>
      %dma_start3A_159 = arith.constant 0 : i32
      %dma_start3A_160 = tpu.memref_slice %arg4[%add3A_153, %dma_start3A_159] : memref<65536x128xf32, #tpu.memory_space<hbm>> -> memref<128x128xf32, #tpu.memory_space<hbm>>
      %dma_start3A_161 = arith.constant 0 : i32
      %dma_start3A_162 = tpu.memref_slice %arg4[%add3A_153, %dma_start3A_161] : memref<65536x128xf32, #tpu.memory_space<hbm>> -> memref<128x128xf32, #tpu.memory_space<hbm>>
      tpu.enqueue_dma source(%arg7 : memref<128x128xf32, #tpu.memory_space<vmem>>) target(%dma_start3A_162 : memref<128x128xf32, #tpu.memory_space<hbm>>) target_semaphore(%run_scoped3A : memref<!tpu.dma_semaphore, #tpu.memory_space<semaphore_mem>>)
      %dma_wait3A_163 = arith.constant 0 : i32
      %dma_wait3A_164 = tpu.memref_slice %arg4[%add3A_153, %dma_wait3A_163] : memref<65536x128xf32, #tpu.memory_space<hbm>> -> memref<128x128xf32, #tpu.memory_space<hbm>>
      %dma_wait3A_165 = arith.constant 0 : i32
      %dma_wait3A_166 = tpu.memref_slice %arg4[%add3A_153, %dma_wait3A_165] : memref<65536x128xf32, #tpu.memory_space<hbm>> -> memref<128x128xf32, #tpu.memory_space<hbm>>
      tpu.wait_dma2 semaphore(%run_scoped3A : memref<!tpu.dma_semaphore, #tpu.memory_space<semaphore_mem>>) src(%arg7 : memref<128x128xf32, #tpu.memory_space<vmem>>) dst(%dma_wait3A_166 : memref<128x128xf32, #tpu.memory_space<hbm>>)
      tpu.yield
    }) : () -> ()
    %dma_wait3A_154 = arith.constant 0 : i32
    %dma_wait3A_155 = arith.constant 0 : i32
    %dma_wait3A_156 = tpu.memref_slice %arg2[%dma_wait3A_154, %dma_wait3A_155] : memref<32768x128xf32, #tpu.memory_space<hbm>> -> memref<32768x128xf32, #tpu.memory_space<hbm>>
    tpu.wait_indirect_dma semaphore(%arg10 : memref<!tpu.dma_semaphore, #tpu.memory_space<semaphore_mem>>) src(%dma_wait3A_156 : memref<32768x128xf32, #tpu.memory_space<hbm>>) dst(%arg8 : memref<128x128xf32, #tpu.memory_space<vmem>>)
    %add3A_157 = arith.constant 1920 : i32
    %add3A_158 = arith.addi %mul3A_2, %add3A_157 : i32
    "tpu.region"() ({
      %run_scoped3A = tpu.sem_alloc : memref<!tpu.dma_semaphore, #tpu.memory_space<semaphore_mem>>
      %dma_start3A_159 = arith.constant 0 : i32
      %dma_start3A_160 = tpu.memref_slice %arg4[%add3A_158, %dma_start3A_159] : memref<65536x128xf32, #tpu.memory_space<hbm>> -> memref<128x128xf32, #tpu.memory_space<hbm>>
      %dma_start3A_161 = arith.constant 0 : i32
      %dma_start3A_162 = tpu.memref_slice %arg4[%add3A_158, %dma_start3A_161] : memref<65536x128xf32, #tpu.memory_space<hbm>> -> memref<128x128xf32, #tpu.memory_space<hbm>>
      tpu.enqueue_dma source(%arg8 : memref<128x128xf32, #tpu.memory_space<vmem>>) target(%dma_start3A_162 : memref<128x128xf32, #tpu.memory_space<hbm>>) target_semaphore(%run_scoped3A : memref<!tpu.dma_semaphore, #tpu.memory_space<semaphore_mem>>)
      %dma_wait3A_163 = arith.constant 0 : i32
      %dma_wait3A_164 = tpu.memref_slice %arg4[%add3A_158, %dma_wait3A_163] : memref<65536x128xf32, #tpu.memory_space<hbm>> -> memref<128x128xf32, #tpu.memory_space<hbm>>
      %dma_wait3A_165 = arith.constant 0 : i32
      %dma_wait3A_166 = tpu.memref_slice %arg4[%add3A_158, %dma_wait3A_165] : memref<65536x128xf32, #tpu.memory_space<hbm>> -> memref<128x128xf32, #tpu.memory_space<hbm>>
      tpu.wait_dma2 semaphore(%run_scoped3A : memref<!tpu.dma_semaphore, #tpu.memory_space<semaphore_mem>>) src(%arg8 : memref<128x128xf32, #tpu.memory_space<vmem>>) dst(%dma_wait3A_166 : memref<128x128xf32, #tpu.memory_space<hbm>>)
      tpu.yield
    }) : () -> ()
    return
  }
}

module attributes {stable_mosaic.version = 14 : i64} {
  func.func @_fps_body(%arg0: memref<8x3x4096xf32, #tpu.memory_space<vmem>>, %arg1: memref<8x1xf32, #tpu.memory_space<vmem>>, %arg2: memref<32768x67xf32, #tpu.memory_space<vmem>>, %arg3: memref<67x128xf32, #tpu.memory_space<vmem>>, %arg4: memref<8x512xf32, #tpu.memory_space<vmem>>, %arg5: memref<8x512xf32, #tpu.memory_space<vmem>>, %arg6: memref<8x512xf32, #tpu.memory_space<vmem>>, %arg7: memref<8x512x4096xf32, #tpu.memory_space<hbm>>, %arg8: memref<32768x128xf32, #tpu.memory_space<vmem>>, %arg9: memref<8x1x4096xf32, #tpu.memory_space<vmem>>, %arg10: memref<8x1x4096xf32, #tpu.memory_space<vmem>>, %arg11: memref<2x!tpu.dma_semaphore, #tpu.memory_space<semaphore_mem>>) attributes {dimension_semantics = [], scalar_prefetch = 0 : i64, scratch_operands = 3 : i64, tpu.core_type = #tpu.core_type<tc>} {
    %get3A = arith.constant 0 : index
    %get3A_0 = arith.constant 0 : index
    %get3A_1 = vector.load %arg2[%get3A, %get3A_0] : memref<32768x67xf32, #tpu.memory_space<vmem>>, vector<32768x67xf32>
    %get3A_2 = arith.constant 0 : index
    %get3A_3 = arith.constant 0 : index
    %get3A_4 = vector.load %arg3[%get3A_2, %get3A_3] : memref<67x128xf32, #tpu.memory_space<vmem>>, vector<67x128xf32>
    %dot_general3A = arith.constant dense<0.000000e+00> : vector<32768x128xf32>
    %dot_general3A_5 = tpu.matmul %get3A_1, %get3A_4, %dot_general3A {dimension_numbers = #tpu.dot_dimension_numbers<[1], [0], [0], [1], [0, 0, 1, 1], [], []>, transpose_lhs_hint = false} : vector<32768x67xf32>, vector<67x128xf32>, vector<32768x128xf32> -> vector<32768x128xf32>
    %swap3A = arith.constant 0 : index
    %swap3A_6 = arith.constant 0 : index
    %swap3A_7 = vector.load %arg8[%swap3A, %swap3A_6] : memref<32768x128xf32, #tpu.memory_space<vmem>>, vector<32768x128xf32>
    tpu.vector_store %arg8[%swap3A, %swap3A_6], %dot_general3A_5 {strides = array<i32>} : memref<32768x128xf32, #tpu.memory_space<vmem>>, vector<32768x128xf32>,
    %get3A_8 = arith.constant 0 : index
    %get3A_9 = arith.constant 0 : index
    %get3A_10 = arith.constant 0 : index
    %get3A_11 = vector.load %arg0[%get3A_8, %get3A_9, %get3A_10] : memref<8x3x4096xf32, #tpu.memory_space<vmem>>, vector<8x1x4096xf32>
    %get3A_12 = vector.shape_cast %get3A_11 : vector<8x1x4096xf32> to vector<8x4096xf32>
    %get3A_13 = arith.constant 0 : index
    %get3A_14 = arith.constant 1 : index
    %get3A_15 = arith.constant 0 : index
    %get3A_16 = vector.load %arg0[%get3A_13, %get3A_14, %get3A_15] : memref<8x3x4096xf32, #tpu.memory_space<vmem>>, vector<8x1x4096xf32>
    %get3A_17 = vector.shape_cast %get3A_16 : vector<8x1x4096xf32> to vector<8x4096xf32>
    %get3A_18 = arith.constant 0 : index
    %get3A_19 = arith.constant 2 : index
    %get3A_20 = arith.constant 0 : index
    %get3A_21 = vector.load %arg0[%get3A_18, %get3A_19, %get3A_20] : memref<8x3x4096xf32, #tpu.memory_space<vmem>>, vector<8x1x4096xf32>
    %get3A_22 = vector.shape_cast %get3A_21 : vector<8x1x4096xf32> to vector<8x4096xf32>
    %iota3A = tpu.iota {dimensions = array<i32: 1>} : vector<8x4096xi32>
    %iota3A_23 = tpu.iota {dimensions = array<i32: 1>} : vector<8x512xi32>
    %broadcast_in_dim3A = arith.constant 0.000000e+00 : f32
    %broadcast_in_dim3A_24 = vector.broadcast %broadcast_in_dim3A : f32 to vector<8x4096xf32>
    %broadcast_in_dim3A_25 = arith.constant 0.000000e+00 : f32
    %broadcast_in_dim3A_26 = vector.broadcast %broadcast_in_dim3A_25 : f32 to vector<8x512xf32>
    %get3A_27 = arith.constant 0 : index
    %get3A_28 = arith.constant 0 : index
    %get3A_29 = vector.load %arg1[%get3A_27, %get3A_28] : memref<8x1xf32, #tpu.memory_space<vmem>>, vector<8x1xf32>
    %convert_element_type3A = arith.fptosi %get3A_29 : vector<8x1xf32> to vector<8x1xi32>
    %eq3A = vector.broadcast %convert_element_type3A : vector<8x1xi32> to vector<8x4096xi32>
    %eq3A_30 = arith.cmpi eq, %iota3A, %eq3A : vector<8x4096xi32>
    %select_n3A = arith.select %eq3A_30, %get3A_12, %broadcast_in_dim3A_24 : vector<8x4096xi1>, vector<8x4096xf32>
    %reduce_sum3A = arith.constant dense<0.000000e+00> : vector<8xf32>
    %reduce_sum3A_31 = vector.multi_reduction <add>, %select_n3A, %reduce_sum3A [1] : vector<8x4096xf32> to vector<8xf32>
    %broadcast_in_dim3A_32 = vector.shape_cast %reduce_sum3A_31 : vector<8xf32> to vector<8x1xf32>
    %select_n3A_33 = arith.select %eq3A_30, %get3A_17, %broadcast_in_dim3A_24 : vector<8x4096xi1>, vector<8x4096xf32>
    %reduce_sum3A_34 = arith.constant dense<0.000000e+00> : vector<8xf32>
    %reduce_sum3A_35 = vector.multi_reduction <add>, %select_n3A_33, %reduce_sum3A_34 [1] : vector<8x4096xf32> to vector<8xf32>
    %broadcast_in_dim3A_36 = vector.shape_cast %reduce_sum3A_35 : vector<8xf32> to vector<8x1xf32>
    %select_n3A_37 = arith.select %eq3A_30, %get3A_22, %broadcast_in_dim3A_24 : vector<8x4096xi1>, vector<8x4096xf32>
    %reduce_sum3A_38 = arith.constant dense<0.000000e+00> : vector<8xf32>
    %reduce_sum3A_39 = vector.multi_reduction <add>, %select_n3A_37, %reduce_sum3A_38 [1] : vector<8x4096xf32> to vector<8xf32>
    %broadcast_in_dim3A_40 = vector.shape_cast %reduce_sum3A_39 : vector<8xf32> to vector<8x1xf32>
    %eq3A_41 = arith.constant 0 : i32
    %eq3A_42 = vector.broadcast %eq3A_41 : i32 to vector<8x512xi32>
    %eq3A_43 = arith.cmpi eq, %iota3A_23, %eq3A_42 : vector<8x512xi32>
    %broadcast_in_dim3A_44 = vector.shape_cast %broadcast_in_dim3A_32 : vector<8x1xf32> to vector<8x1xf32>
    %broadcast_in_dim3A_45 = vector.broadcast %broadcast_in_dim3A_44 : vector<8x1xf32> to vector<8x512xf32>
    %select_n3A_46 = arith.select %eq3A_43, %broadcast_in_dim3A_45, %broadcast_in_dim3A_26 : vector<8x512xi1>, vector<8x512xf32>
    %eq3A_47 = arith.constant 0 : i32
    %eq3A_48 = vector.broadcast %eq3A_47 : i32 to vector<8x512xi32>
    %eq3A_49 = arith.cmpi eq, %iota3A_23, %eq3A_48 : vector<8x512xi32>
    %broadcast_in_dim3A_50 = vector.shape_cast %broadcast_in_dim3A_36 : vector<8x1xf32> to vector<8x1xf32>
    %broadcast_in_dim3A_51 = vector.broadcast %broadcast_in_dim3A_50 : vector<8x1xf32> to vector<8x512xf32>
    %select_n3A_52 = arith.select %eq3A_49, %broadcast_in_dim3A_51, %broadcast_in_dim3A_26 : vector<8x512xi1>, vector<8x512xf32>
    %eq3A_53 = arith.constant 0 : i32
    %eq3A_54 = vector.broadcast %eq3A_53 : i32 to vector<8x512xi32>
    %eq3A_55 = arith.cmpi eq, %iota3A_23, %eq3A_54 : vector<8x512xi32>
    %broadcast_in_dim3A_56 = vector.shape_cast %broadcast_in_dim3A_40 : vector<8x1xf32> to vector<8x1xf32>
    %broadcast_in_dim3A_57 = vector.broadcast %broadcast_in_dim3A_56 : vector<8x1xf32> to vector<8x512xf32>
    %select_n3A_58 = arith.select %eq3A_55, %broadcast_in_dim3A_57, %broadcast_in_dim3A_26 : vector<8x512xi1>, vector<8x512xf32>
    %broadcast_in_dim3A_59 = arith.constant 1.000000e+00 : f32
    %broadcast_in_dim3A_60 = vector.broadcast %broadcast_in_dim3A_59 : f32 to vector<8x4096xf32>
    %scan3A = arith.constant 0 : i32
    %scan3A_61 = arith.constant 511 : i32
    %scan3A_62 = arith.addi %scan3A, %scan3A_61 : i32
    %scan3A_63 = arith.constant 1 : i32
    %scan3A_64:7 = scf.for %scan3A_116 = %scan3A to %scan3A_62 step %scan3A_63 iter_args(%scan3A_117 = %broadcast_in_dim3A_32, %scan3A_118 = %broadcast_in_dim3A_36, %scan3A_119 = %broadcast_in_dim3A_40, %scan3A_120 = %select_n3A_46, %scan3A_121 = %select_n3A_52, %scan3A_122 = %select_n3A_58, %scan3A_123 = %broadcast_in_dim3A_60) -> (vector<8x1xf32>, vector<8x1xf32>, vector<8x1xf32>, vector<8x512xf32>, vector<8x512xf32>, vector<8x512xf32>, vector<8x4096xf32>)  : i32 {
      %sub3A_124 = vector.broadcast %scan3A_117 : vector<8x1xf32> to vector<8x4096xf32>
      %sub3A_125 = arith.subf %get3A_12, %sub3A_124 : vector<8x4096xf32>
      %sub3A_126 = vector.broadcast %scan3A_118 : vector<8x1xf32> to vector<8x4096xf32>
      %sub3A_127 = arith.subf %get3A_17, %sub3A_126 : vector<8x4096xf32>
      %sub3A_128 = vector.broadcast %scan3A_119 : vector<8x1xf32> to vector<8x4096xf32>
      %sub3A_129 = arith.subf %get3A_22, %sub3A_128 : vector<8x4096xf32>
      %mul3A_130 = arith.mulf %sub3A_125, %sub3A_125 : vector<8x4096xf32>
      %mul3A_131 = arith.mulf %sub3A_127, %sub3A_127 : vector<8x4096xf32>
      %add3A_132 = arith.addf %mul3A_130, %mul3A_131 : vector<8x4096xf32>
      %mul3A_133 = arith.mulf %sub3A_129, %sub3A_129 : vector<8x4096xf32>
      %add3A_134 = arith.addf %add3A_132, %mul3A_133 : vector<8x4096xf32>
      %sqrt3A_135 = math.sqrt %add3A_134 : vector<8x4096xf32>
      %rem3A = arith.constant 2 : i32
      %rem3A_136 = arith.remsi %scan3A_116, %rem3A : i32
      %eq3A_137 = arith.constant 0 : i32
      %eq3A_138 = arith.cmpi eq, %rem3A_136, %eq3A_137 : i32
      %ge3A = arith.constant 2 : i32
      %ge3A_139 = arith.cmpi sge, %scan3A_116, %ge3A : i32
      %and3A = arith.andi %eq3A_138, %ge3A_139 : i1
      %convert_element_type3A_140 = arith.extui %and3A : i1 to i32
      %cond3A = arith.constant 0 : i32
      %cond3A_141 = arith.cmpi ne, %convert_element_type3A_140, %cond3A : i32
      scf.if %cond3A_141 {
        %sub3A_201 = arith.constant 2 : i32
        %sub3A_202 = arith.subi %scan3A_116, %sub3A_201 : i32
        %dma_wait3A_203 = arith.constant 0 : i32
        %dma_wait3A_204 = tpu.memref_slice %arg11[%dma_wait3A_203] : memref<2x!tpu.dma_semaphore, #tpu.memory_space<semaphore_mem>> -> memref<1x!tpu.dma_semaphore, #tpu.memory_space<semaphore_mem>>
        %dma_wait3A_205 = tpu.memref_squeeze %dma_wait3A_204 : memref<1x!tpu.dma_semaphore, #tpu.memory_space<semaphore_mem>> -> memref<!tpu.dma_semaphore, #tpu.memory_space<semaphore_mem>>
        %dma_wait3A_206 = arith.constant 0 : i32
        %dma_wait3A_207 = arith.constant 0 : i32
        %dma_wait3A_208 = tpu.memref_slice %arg7[%dma_wait3A_206, %sub3A_202, %dma_wait3A_207] : memref<8x512x4096xf32, #tpu.memory_space<hbm>> -> memref<8x1x4096xf32, #tpu.memory_space<hbm>>
        tpu.wait_dma2 semaphore(%dma_wait3A_205 : memref<!tpu.dma_semaphore, #tpu.memory_space<semaphore_mem>>) src(%arg9 : memref<8x1x4096xf32, #tpu.memory_space<vmem>>) dst(%dma_wait3A_208 : memref<8x1x4096xf32, #tpu.memory_space<hbm>>)
      } else {
      }
      %eq3A_142 = arith.constant 0 : i32
      %eq3A_143 = arith.cmpi eq, %rem3A_136, %eq3A_142 : i32
      %convert_element_type3A_144 = arith.extui %eq3A_143 : i1 to i32
      %cond3A_145 = arith.constant 0 : i32
      %cond3A_146 = arith.cmpi ne, %convert_element_type3A_144, %cond3A_145 : i32
      scf.if %cond3A_146 {
        %min3A_201 = arith.constant 4.000000e-02 : f32
        %min3A_202 = vector.broadcast %min3A_201 : f32 to vector<8x4096xf32>
        %min3A_203 = arith.minimumf %sqrt3A_135, %min3A_202 : vector<8x4096xf32>
        %broadcast_in_dim3A_204 = vector.shape_cast %min3A_203 : vector<8x4096xf32> to vector<8x1x4096xf32>
        %swap3A_205 = arith.constant 0 : index
        %swap3A_206 = arith.constant 0 : index
        %swap3A_207 = arith.constant 0 : index
        %swap3A_208 = vector.load %arg9[%swap3A_205, %swap3A_206, %swap3A_207] : memref<8x1x4096xf32, #tpu.memory_space<vmem>>, vector<8x1x4096xf32>
        tpu.vector_store %arg9[%swap3A_205, %swap3A_206, %swap3A_207], %broadcast_in_dim3A_204 {strides = array<i32>} : memref<8x1x4096xf32, #tpu.memory_space<vmem>>, vector<8x1x4096xf32>,
        %dma_start3A_209 = arith.constant 0 : i32
        %dma_start3A_210 = tpu.memref_slice %arg11[%dma_start3A_209] : memref<2x!tpu.dma_semaphore, #tpu.memory_space<semaphore_mem>> -> memref<1x!tpu.dma_semaphore, #tpu.memory_space<semaphore_mem>>
        %dma_start3A_211 = tpu.memref_squeeze %dma_start3A_210 : memref<1x!tpu.dma_semaphore, #tpu.memory_space<semaphore_mem>> -> memref<!tpu.dma_semaphore, #tpu.memory_space<semaphore_mem>>
        %dma_start3A_212 = arith.constant 0 : i32
        %dma_start3A_213 = arith.constant 0 : i32
        %dma_start3A_214 = tpu.memref_slice %arg7[%dma_start3A_212, %scan3A_116, %dma_start3A_213] : memref<8x512x4096xf32, #tpu.memory_space<hbm>> -> memref<8x1x4096xf32, #tpu.memory_space<hbm>>
        tpu.enqueue_dma source(%arg9 : memref<8x1x4096xf32, #tpu.memory_space<vmem>>) target(%dma_start3A_214 : memref<8x1x4096xf32, #tpu.memory_space<hbm>>) target_semaphore(%dma_start3A_211 : memref<!tpu.dma_semaphore, #tpu.memory_space<semaphore_mem>>)
      } else {
      }
      %eq3A_147 = arith.constant 1 : i32
      %eq3A_148 = arith.cmpi eq, %rem3A_136, %eq3A_147 : i32
      %ge3A_149 = arith.constant 2 : i32
      %ge3A_150 = arith.cmpi sge, %scan3A_116, %ge3A_149 : i32
      %and3A_151 = arith.andi %eq3A_148, %ge3A_150 : i1
      %convert_element_type3A_152 = arith.extui %and3A_151 : i1 to i32
      %cond3A_153 = arith.constant 0 : i32
      %cond3A_154 = arith.cmpi ne, %convert_element_type3A_152, %cond3A_153 : i32
      scf.if %cond3A_154 {
        %sub3A_201 = arith.constant 2 : i32
        %sub3A_202 = arith.subi %scan3A_116, %sub3A_201 : i32
        %dma_wait3A_203 = arith.constant 1 : i32
        %dma_wait3A_204 = tpu.memref_slice %arg11[%dma_wait3A_203] : memref<2x!tpu.dma_semaphore, #tpu.memory_space<semaphore_mem>> -> memref<1x!tpu.dma_semaphore, #tpu.memory_space<semaphore_mem>>
        %dma_wait3A_205 = tpu.memref_squeeze %dma_wait3A_204 : memref<1x!tpu.dma_semaphore, #tpu.memory_space<semaphore_mem>> -> memref<!tpu.dma_semaphore, #tpu.memory_space<semaphore_mem>>
        %dma_wait3A_206 = arith.constant 0 : i32
        %dma_wait3A_207 = arith.constant 0 : i32
        %dma_wait3A_208 = tpu.memref_slice %arg7[%dma_wait3A_206, %sub3A_202, %dma_wait3A_207] : memref<8x512x4096xf32, #tpu.memory_space<hbm>> -> memref<8x1x4096xf32, #tpu.memory_space<hbm>>
        tpu.wait_dma2 semaphore(%dma_wait3A_205 : memref<!tpu.dma_semaphore, #tpu.memory_space<semaphore_mem>>) src(%arg10 : memref<8x1x4096xf32, #tpu.memory_space<vmem>>) dst(%dma_wait3A_208 : memref<8x1x4096xf32, #tpu.memory_space<hbm>>)
      } else {
      }
      %eq3A_155 = arith.constant 1 : i32
      %eq3A_156 = arith.cmpi eq, %rem3A_136, %eq3A_155 : i32
      %convert_element_type3A_157 = arith.extui %eq3A_156 : i1 to i32
      %cond3A_158 = arith.constant 0 : i32
      %cond3A_159 = arith.cmpi ne, %convert_element_type3A_157, %cond3A_158 : i32
      scf.if %cond3A_159 {
        %min3A_201 = arith.constant 4.000000e-02 : f32
        %min3A_202 = vector.broadcast %min3A_201 : f32 to vector<8x4096xf32>
        %min3A_203 = arith.minimumf %sqrt3A_135, %min3A_202 : vector<8x4096xf32>
        %broadcast_in_dim3A_204 = vector.shape_cast %min3A_203 : vector<8x4096xf32> to vector<8x1x4096xf32>
        %swap3A_205 = arith.constant 0 : index
        %swap3A_206 = arith.constant 0 : index
        %swap3A_207 = arith.constant 0 : index
        %swap3A_208 = vector.load %arg10[%swap3A_205, %swap3A_206, %swap3A_207] : memref<8x1x4096xf32, #tpu.memory_space<vmem>>, vector<8x1x4096xf32>
        tpu.vector_store %arg10[%swap3A_205, %swap3A_206, %swap3A_207], %broadcast_in_dim3A_204 {strides = array<i32>} : memref<8x1x4096xf32, #tpu.memory_space<vmem>>, vector<8x1x4096xf32>,
        %dma_start3A_209 = arith.constant 1 : i32
        %dma_start3A_210 = tpu.memref_slice %arg11[%dma_start3A_209] : memref<2x!tpu.dma_semaphore, #tpu.memory_space<semaphore_mem>> -> memref<1x!tpu.dma_semaphore, #tpu.memory_space<semaphore_mem>>
        %dma_start3A_211 = tpu.memref_squeeze %dma_start3A_210 : memref<1x!tpu.dma_semaphore, #tpu.memory_space<semaphore_mem>> -> memref<!tpu.dma_semaphore, #tpu.memory_space<semaphore_mem>>
        %dma_start3A_212 = arith.constant 0 : i32
        %dma_start3A_213 = arith.constant 0 : i32
        %dma_start3A_214 = tpu.memref_slice %arg7[%dma_start3A_212, %scan3A_116, %dma_start3A_213] : memref<8x512x4096xf32, #tpu.memory_space<hbm>> -> memref<8x1x4096xf32, #tpu.memory_space<hbm>>
        tpu.enqueue_dma source(%arg10 : memref<8x1x4096xf32, #tpu.memory_space<vmem>>) target(%dma_start3A_214 : memref<8x1x4096xf32, #tpu.memory_space<hbm>>) target_semaphore(%dma_start3A_211 : memref<!tpu.dma_semaphore, #tpu.memory_space<semaphore_mem>>)
      } else {
      }
      %mul3A_160 = arith.mulf %sqrt3A_135, %scan3A_123 : vector<8x4096xf32>
      %reduce_max3A = arith.constant dense<0xFF800000> : vector<8xf32>
      %reduce_max3A_161 = vector.multi_reduction <maximumf>, %mul3A_160, %reduce_max3A [1] : vector<8x4096xf32> to vector<8xf32>
      %broadcast_in_dim3A_162 = vector.shape_cast %reduce_max3A_161 : vector<8xf32> to vector<8x1xf32>
      %eq3A_163 = vector.broadcast %broadcast_in_dim3A_162 : vector<8x1xf32> to vector<8x4096xf32>
      %eq3A_164 = arith.cmpf oeq, %mul3A_160, %eq3A_163 : vector<8x4096xf32>
      %jit3A = arith.constant 4096 : i32
      %broadcast_in_dim3A_165 = vector.broadcast %jit3A : i32 to vector<8x4096xi32>
      %select_n3A_166 = arith.select %eq3A_164, %iota3A, %broadcast_in_dim3A_165 : vector<8x4096xi1>, vector<8x4096xi32>
      %reduce_min3A = arith.constant dense<2147483647> : vector<8xi32>
      %reduce_min3A_167 = vector.multi_reduction <minsi>, %select_n3A_166, %reduce_min3A [1] : vector<8x4096xi32> to vector<8xi32>
      %broadcast_in_dim3A_168 = vector.shape_cast %reduce_min3A_167 : vector<8xi32> to vector<8x1xi32>
      %eq3A_169 = vector.broadcast %broadcast_in_dim3A_168 : vector<8x1xi32> to vector<8x4096xi32>
      %eq3A_170 = arith.cmpi eq, %iota3A, %eq3A_169 : vector<8x4096xi32>
      %select_n3A_171 = arith.select %eq3A_170, %get3A_12, %broadcast_in_dim3A_24 : vector<8x4096xi1>, vector<8x4096xf32>
      %reduce_sum3A_172 = arith.constant dense<0.000000e+00> : vector<8xf32>
      %reduce_sum3A_173 = vector.multi_reduction <add>, %select_n3A_171, %reduce_sum3A_172 [1] : vector<8x4096xf32> to vector<8xf32>
      %broadcast_in_dim3A_174 = vector.shape_cast %reduce_sum3A_173 : vector<8xf32> to vector<8x1xf32>
      %select_n3A_175 = arith.select %eq3A_170, %get3A_17, %broadcast_in_dim3A_24 : vector<8x4096xi1>, vector<8x4096xf32>
      %reduce_sum3A_176 = arith.constant dense<0.000000e+00> : vector<8xf32>
      %reduce_sum3A_177 = vector.multi_reduction <add>, %select_n3A_175, %reduce_sum3A_176 [1] : vector<8x4096xf32> to vector<8xf32>
      %broadcast_in_dim3A_178 = vector.shape_cast %reduce_sum3A_177 : vector<8xf32> to vector<8x1xf32>
      %select_n3A_179 = arith.select %eq3A_170, %get3A_22, %broadcast_in_dim3A_24 : vector<8x4096xi1>, vector<8x4096xf32>
      %reduce_sum3A_180 = arith.constant dense<0.000000e+00> : vector<8xf32>
      %reduce_sum3A_181 = vector.multi_reduction <add>, %select_n3A_179, %reduce_sum3A_180 [1] : vector<8x4096xf32> to vector<8xf32>
      %broadcast_in_dim3A_182 = vector.shape_cast %reduce_sum3A_181 : vector<8xf32> to vector<8x1xf32>
      %mul3A_183 = arith.mulf %mul3A_160, %scan3A_123 : vector<8x4096xf32>
      %mul3A_184 = arith.constant 9.99999979E+10 : f32
      %mul3A_185 = vector.broadcast %mul3A_184 : f32 to vector<8x4096xf32>
      %mul3A_186 = arith.mulf %mul3A_183, %mul3A_185 : vector<8x4096xf32>
      %min3A_187 = arith.minimumf %mul3A_186, %scan3A_123 : vector<8x4096xf32>
      %add3A_188 = arith.constant 1 : i32
      %add3A_189 = arith.addi %scan3A_116, %add3A_188 : i32
      %eq3A_190 = vector.broadcast %add3A_189 : i32 to vector<8x512xi32>
      %eq3A_191 = arith.cmpi eq, %iota3A_23, %eq3A_190 : vector<8x512xi32>
      %broadcast_in_dim3A_192 = vector.shape_cast %broadcast_in_dim3A_174 : vector<8x1xf32> to vector<8x1xf32>
      %broadcast_in_dim3A_193 = vector.broadcast %broadcast_in_dim3A_192 : vector<8x1xf32> to vector<8x512xf32>
      %select_n3A_194 = arith.select %eq3A_191, %broadcast_in_dim3A_193, %scan3A_120 : vector<8x512xi1>, vector<8x512xf32>
      %broadcast_in_dim3A_195 = vector.shape_cast %broadcast_in_dim3A_178 : vector<8x1xf32> to vector<8x1xf32>
      %broadcast_in_dim3A_196 = vector.broadcast %broadcast_in_dim3A_195 : vector<8x1xf32> to vector<8x512xf32>
      %select_n3A_197 = arith.select %eq3A_191, %broadcast_in_dim3A_196, %scan3A_121 : vector<8x512xi1>, vector<8x512xf32>
      %broadcast_in_dim3A_198 = vector.shape_cast %broadcast_in_dim3A_182 : vector<8x1xf32> to vector<8x1xf32>
      %broadcast_in_dim3A_199 = vector.broadcast %broadcast_in_dim3A_198 : vector<8x1xf32> to vector<8x512xf32>
      %select_n3A_200 = arith.select %eq3A_191, %broadcast_in_dim3A_199, %scan3A_122 : vector<8x512xi1>, vector<8x512xf32>
      scf.yield %broadcast_in_dim3A_174, %broadcast_in_dim3A_178, %broadcast_in_dim3A_182, %select_n3A_194, %select_n3A_197, %select_n3A_200, %min3A_187 : vector<8x1xf32>, vector<8x1xf32>, vector<8x1xf32>, vector<8x512xf32>, vector<8x512xf32>, vector<8x512xf32>, vector<8x4096xf32>
    }
    %scan3A_65 = arith.constant 511 : i32
    %dma_wait3A = arith.constant 0 : i32
    %dma_wait3A_66 = tpu.memref_slice %arg11[%dma_wait3A] : memref<2x!tpu.dma_semaphore, #tpu.memory_space<semaphore_mem>> -> memref<1x!tpu.dma_semaphore, #tpu.memory_space<semaphore_mem>>
    %dma_wait3A_67 = tpu.memref_squeeze %dma_wait3A_66 : memref<1x!tpu.dma_semaphore, #tpu.memory_space<semaphore_mem>> -> memref<!tpu.dma_semaphore, #tpu.memory_space<semaphore_mem>>
    %dma_wait3A_68 = arith.constant 0 : i32
    %dma_wait3A_69 = arith.constant 510 : i32
    %dma_wait3A_70 = arith.constant 0 : i32
    %dma_wait3A_71 = tpu.memref_slice %arg7[%dma_wait3A_68, %dma_wait3A_69, %dma_wait3A_70] : memref<8x512x4096xf32, #tpu.memory_space<hbm>> -> memref<8x1x4096xf32, #tpu.memory_space<hbm>>
    tpu.wait_dma2 semaphore(%dma_wait3A_67 : memref<!tpu.dma_semaphore, #tpu.memory_space<semaphore_mem>>) src(%arg9 : memref<8x1x4096xf32, #tpu.memory_space<vmem>>) dst(%dma_wait3A_71 : memref<8x1x4096xf32, #tpu.memory_space<hbm>>)
    %dma_wait3A_72 = arith.constant 1 : i32
    %dma_wait3A_73 = tpu.memref_slice %arg11[%dma_wait3A_72] : memref<2x!tpu.dma_semaphore, #tpu.memory_space<semaphore_mem>> -> memref<1x!tpu.dma_semaphore, #tpu.memory_space<semaphore_mem>>
    %dma_wait3A_74 = tpu.memref_squeeze %dma_wait3A_73 : memref<1x!tpu.dma_semaphore, #tpu.memory_space<semaphore_mem>> -> memref<!tpu.dma_semaphore, #tpu.memory_space<semaphore_mem>>
    %dma_wait3A_75 = arith.constant 0 : i32
    %dma_wait3A_76 = arith.constant 509 : i32
    %dma_wait3A_77 = arith.constant 0 : i32
    %dma_wait3A_78 = tpu.memref_slice %arg7[%dma_wait3A_75, %dma_wait3A_76, %dma_wait3A_77] : memref<8x512x4096xf32, #tpu.memory_space<hbm>> -> memref<8x1x4096xf32, #tpu.memory_space<hbm>>
    tpu.wait_dma2 semaphore(%dma_wait3A_74 : memref<!tpu.dma_semaphore, #tpu.memory_space<semaphore_mem>>) src(%arg10 : memref<8x1x4096xf32, #tpu.memory_space<vmem>>) dst(%dma_wait3A_78 : memref<8x1x4096xf32, #tpu.memory_space<hbm>>)
    %sub3A = vector.broadcast %scan3A_64#0 : vector<8x1xf32> to vector<8x4096xf32>
    %sub3A_79 = arith.subf %get3A_12, %sub3A : vector<8x4096xf32>
    %sub3A_80 = vector.broadcast %scan3A_64#1 : vector<8x1xf32> to vector<8x4096xf32>
    %sub3A_81 = arith.subf %get3A_17, %sub3A_80 : vector<8x4096xf32>
    %sub3A_82 = vector.broadcast %scan3A_64#2 : vector<8x1xf32> to vector<8x4096xf32>
    %sub3A_83 = arith.subf %get3A_22, %sub3A_82 : vector<8x4096xf32>
    %mul3A = arith.mulf %sub3A_79, %sub3A_79 : vector<8x4096xf32>
    %mul3A_84 = arith.mulf %sub3A_81, %sub3A_81 : vector<8x4096xf32>
    %add3A = arith.addf %mul3A, %mul3A_84 : vector<8x4096xf32>
    %mul3A_85 = arith.mulf %sub3A_83, %sub3A_83 : vector<8x4096xf32>
    %add3A_86 = arith.addf %add3A, %mul3A_85 : vector<8x4096xf32>
    %sqrt3A = math.sqrt %add3A_86 : vector<8x4096xf32>
    %min3A = arith.constant 4.000000e-02 : f32
    %min3A_87 = vector.broadcast %min3A : f32 to vector<8x4096xf32>
    %min3A_88 = arith.minimumf %sqrt3A, %min3A_87 : vector<8x4096xf32>
    %broadcast_in_dim3A_89 = vector.shape_cast %min3A_88 : vector<8x4096xf32> to vector<8x1x4096xf32>
    %swap3A_90 = arith.constant 0 : index
    %swap3A_91 = arith.constant 0 : index
    %swap3A_92 = arith.constant 0 : index
    %swap3A_93 = vector.load %arg9[%swap3A_90, %swap3A_91, %swap3A_92] : memref<8x1x4096xf32, #tpu.memory_space<vmem>>, vector<8x1x4096xf32>
    tpu.vector_store %arg9[%swap3A_90, %swap3A_91, %swap3A_92], %broadcast_in_dim3A_89 {strides = array<i32>} : memref<8x1x4096xf32, #tpu.memory_space<vmem>>, vector<8x1x4096xf32>,
    %dma_start3A = arith.constant 0 : i32
    %dma_start3A_94 = tpu.memref_slice %arg11[%dma_start3A] : memref<2x!tpu.dma_semaphore, #tpu.memory_space<semaphore_mem>> -> memref<1x!tpu.dma_semaphore, #tpu.memory_space<semaphore_mem>>
    %dma_start3A_95 = tpu.memref_squeeze %dma_start3A_94 : memref<1x!tpu.dma_semaphore, #tpu.memory_space<semaphore_mem>> -> memref<!tpu.dma_semaphore, #tpu.memory_space<semaphore_mem>>
    %dma_start3A_96 = arith.constant 0 : i32
    %dma_start3A_97 = arith.constant 511 : i32
    %dma_start3A_98 = arith.constant 0 : i32
    %dma_start3A_99 = tpu.memref_slice %arg7[%dma_start3A_96, %dma_start3A_97, %dma_start3A_98] : memref<8x512x4096xf32, #tpu.memory_space<hbm>> -> memref<8x1x4096xf32, #tpu.memory_space<hbm>>
    tpu.enqueue_dma source(%arg9 : memref<8x1x4096xf32, #tpu.memory_space<vmem>>) target(%dma_start3A_99 : memref<8x1x4096xf32, #tpu.memory_space<hbm>>) target_semaphore(%dma_start3A_95 : memref<!tpu.dma_semaphore, #tpu.memory_space<semaphore_mem>>)
    %dma_wait3A_100 = arith.constant 0 : i32
    %dma_wait3A_101 = tpu.memref_slice %arg11[%dma_wait3A_100] : memref<2x!tpu.dma_semaphore, #tpu.memory_space<semaphore_mem>> -> memref<1x!tpu.dma_semaphore, #tpu.memory_space<semaphore_mem>>
    %dma_wait3A_102 = tpu.memref_squeeze %dma_wait3A_101 : memref<1x!tpu.dma_semaphore, #tpu.memory_space<semaphore_mem>> -> memref<!tpu.dma_semaphore, #tpu.memory_space<semaphore_mem>>
    %dma_wait3A_103 = arith.constant 0 : i32
    %dma_wait3A_104 = arith.constant 511 : i32
    %dma_wait3A_105 = arith.constant 0 : i32
    %dma_wait3A_106 = tpu.memref_slice %arg7[%dma_wait3A_103, %dma_wait3A_104, %dma_wait3A_105] : memref<8x512x4096xf32, #tpu.memory_space<hbm>> -> memref<8x1x4096xf32, #tpu.memory_space<hbm>>
    tpu.wait_dma2 semaphore(%dma_wait3A_102 : memref<!tpu.dma_semaphore, #tpu.memory_space<semaphore_mem>>) src(%arg9 : memref<8x1x4096xf32, #tpu.memory_space<vmem>>) dst(%dma_wait3A_106 : memref<8x1x4096xf32, #tpu.memory_space<hbm>>)
    %swap3A_107 = arith.constant 0 : index
    %swap3A_108 = arith.constant 0 : index
    %swap3A_109 = vector.load %arg4[%swap3A_107, %swap3A_108] : memref<8x512xf32, #tpu.memory_space<vmem>>, vector<8x512xf32>
    tpu.vector_store %arg4[%swap3A_107, %swap3A_108], %scan3A_64#3 {strides = array<i32>} : memref<8x512xf32, #tpu.memory_space<vmem>>, vector<8x512xf32>,
    %swap3A_110 = arith.constant 0 : index
    %swap3A_111 = arith.constant 0 : index
    %swap3A_112 = vector.load %arg5[%swap3A_110, %swap3A_111] : memref<8x512xf32, #tpu.memory_space<vmem>>, vector<8x512xf32>
    tpu.vector_store %arg5[%swap3A_110, %swap3A_111], %scan3A_64#4 {strides = array<i32>} : memref<8x512xf32, #tpu.memory_space<vmem>>, vector<8x512xf32>,
    %swap3A_113 = arith.constant 0 : index
    %swap3A_114 = arith.constant 0 : index
    %swap3A_115 = vector.load %arg6[%swap3A_113, %swap3A_114] : memref<8x512xf32, #tpu.memory_space<vmem>>, vector<8x512xf32>
    tpu.vector_store %arg6[%swap3A_113, %swap3A_114], %scan3A_64#5 {strides = array<i32>} : memref<8x512xf32, #tpu.memory_space<vmem>>, vector<8x512xf32>,
    return
  }
}

module attributes {stable_mosaic.version = 14 : i64} {
  func.func @_ballq_body(%arg0: i32, %arg1: i32, %arg2: memref<1x128x4096xf32, #tpu.memory_space<vmem>>, %arg3: memref<1x128x32xi32, #tpu.memory_space<vmem>>, %arg4: memref<128x4096xf32, #tpu.memory_space<vmem>>) attributes {dimension_semantics = [#tpu.dimension_semantics<arbitrary>, #tpu.dimension_semantics<arbitrary>], iteration_bounds = array<i64: 4, 4>, scalar_prefetch = 0 : i64, scratch_operands = 1 : i64, tpu.core_type = #tpu.core_type<tc>, window_params = [{transform_indices = @transform_0, window_bounds = array<i64: 1, 128, 4096>}, {transform_indices = @transform_1, window_bounds = array<i64: 1, 128, 32>}]} {
    %add3A = arith.constant 4 : i32
    %add3A_0 = arith.addi %arg0, %add3A : i32
    %get3A = arith.constant 0 : index
    %get3A_1 = arith.constant 0 : index
    %get3A_2 = arith.constant 0 : index
    %get3A_3 = vector.load %arg2[%get3A, %get3A_1, %get3A_2] : memref<1x128x4096xf32, #tpu.memory_space<vmem>>, vector<1x128x4096xf32>
    %get3A_4 = vector.shape_cast %get3A_3 : vector<1x128x4096xf32> to vector<128x4096xf32>
    %iota3A = tpu.iota {dimensions = array<i32: 1>} : vector<128x4096xi32>
    %lt3A = arith.constant 4.000000e-02 : f32
    %lt3A_5 = vector.broadcast %lt3A : f32 to vector<128x4096xf32>
    %lt3A_6 = arith.cmpf olt, %get3A_4, %lt3A_5 : vector<128x4096xf32>
    %convert_element_type3A = arith.sitofp %iota3A : vector<128x4096xi32> to vector<128x4096xf32>
    %add3A_7 = arith.constant 1.000000e+00 : f32
    %add3A_8 = vector.broadcast %add3A_7 : f32 to vector<128x4096xf32>
    %add3A_9 = arith.addf %add3A_8, %convert_element_type3A : vector<128x4096xf32>
    %select_n3A = arith.select %lt3A_6, %get3A_4, %add3A_9 : vector<128x4096xi1>, vector<128x4096xf32>
    %swap3A = arith.constant 0 : index
    %swap3A_10 = arith.constant 0 : index
    %swap3A_11 = vector.load %arg4[%swap3A, %swap3A_10] : memref<128x4096xf32, #tpu.memory_space<vmem>>, vector<128x4096xf32>
    tpu.vector_store %arg4[%swap3A, %swap3A_10], %select_n3A {strides = array<i32>} : memref<128x4096xf32, #tpu.memory_space<vmem>>, vector<128x4096xf32>,
    %mul3A = arith.constant 4096 : i32
    %mul3A_12 = arith.muli %add3A_0, %mul3A : i32
    %iota3A_13 = tpu.iota {dimensions = array<i32: 1>} : vector<128x32xi32>
    %broadcast_in_dim3A = arith.constant 0 : i32
    %broadcast_in_dim3A_14 = vector.broadcast %broadcast_in_dim3A : i32 to vector<128x32xi32>
    %broadcast_in_dim3A_15 = arith.constant 0 : i32
    %broadcast_in_dim3A_16 = vector.broadcast %broadcast_in_dim3A_15 : i32 to vector<128xi32>
    %reduce_min3A = arith.constant dense<0x7F800000> : vector<128xf32>
    %reduce_min3A_17 = vector.multi_reduction <minimumf>, %select_n3A, %reduce_min3A [1] : vector<128x4096xf32> to vector<128xf32>
    %while3A = arith.constant 1.000000e+00 : f32
    %while3A_18 = arith.constant 1.000000e+00 : f32
    %while3A_19 = arith.constant 0x7F800000 : f32
    %while3A_20:3 = scf.while (%while3A_775 = %broadcast_in_dim3A_14, %while3A_776 = %broadcast_in_dim3A_16, %while3A_777 = %reduce_min3A_17) : (vector<128x32xi32>, vector<128xi32>, vector<128xf32>) -> (vector<128x32xi32>, vector<128xi32>, vector<128xf32>) {
      %reduce_min3A_778 = vector.shape_cast %while3A_777 : vector<128xf32> to vector<1x128xf32>
      %reduce_min3A_779 = arith.constant dense<0x7F800000> : vector<1xf32>
      %reduce_min3A_780 = vector.multi_reduction <minimumf>, %reduce_min3A_778, %reduce_min3A_779 [1] : vector<1x128xf32> to vector<1xf32>
      %reduce_min3A_781 = vector.shape_cast %reduce_min3A_780 : vector<1xf32> to vector<1x1xf32>
      %reduce_min3A_782 = vector.extract %reduce_min3A_781[0, 0] : f32 from vector<1x1xf32>
      %lt3A_783 = arith.cmpf olt, %reduce_min3A_782, %while3A : f32
      scf.condition(%lt3A_783) %while3A_775, %while3A_776, %while3A_777 : vector<128x32xi32>, vector<128xi32>, vector<128xf32>
    } do {
    ^bb0(%while3A_775: vector<128x32xi32>, %while3A_776: vector<128xi32>, %while3A_777: vector<128xf32>):
      %get3A_778 = arith.constant 0 : index
      %get3A_779 = arith.constant 0 : index
      %get3A_780 = vector.load %arg4[%get3A_778, %get3A_779] : memref<128x4096xf32, #tpu.memory_space<vmem>>, vector<128x4096xf32>
      %broadcast_in_dim3A_781 = vector.shape_cast %while3A_777 : vector<128xf32> to vector<128x1xf32>
      %eq3A_782 = vector.broadcast %broadcast_in_dim3A_781 : vector<128x1xf32> to vector<128x4096xf32>
      %eq3A_783 = arith.cmpf oeq, %get3A_780, %eq3A_782 : vector<128x4096xf32>
      %jit3A_784 = arith.constant 4096 : i32
      %broadcast_in_dim3A_785 = vector.broadcast %jit3A_784 : i32 to vector<128x4096xi32>
      %select_n3A_786 = arith.select %eq3A_783, %iota3A, %broadcast_in_dim3A_785 : vector<128x4096xi1>, vector<128x4096xi32>
      %reduce_min3A_787 = arith.constant dense<2147483647> : vector<128xi32>
      %reduce_min3A_788 = vector.multi_reduction <minsi>, %select_n3A_786, %reduce_min3A_787 [1] : vector<128x4096xi32> to vector<128xi32>
      %lt3A_789 = vector.broadcast %while3A_18 : f32 to vector<128xf32>
      %lt3A_790 = arith.cmpf olt, %while3A_777, %lt3A_789 : vector<128xf32>
      %broadcast_in_dim3A_791 = vector.shape_cast %while3A_776 : vector<128xi32> to vector<128x1xi32>
      %eq3A_792 = vector.broadcast %broadcast_in_dim3A_791 : vector<128x1xi32> to vector<128x32xi32>
      %eq3A_793 = arith.cmpi eq, %iota3A_13, %eq3A_792 : vector<128x32xi32>
      %broadcast_in_dim3A_794 = vector.shape_cast %lt3A_790 : vector<128xi1> to vector<128x1xi1>
      %and3A_795 = vector.broadcast %broadcast_in_dim3A_794 : vector<128x1xi1> to vector<128x32xi1>
      %and3A_796 = arith.andi %eq3A_793, %and3A_795 : vector<128x32xi1>
      %add3A_797 = vector.broadcast %mul3A_12 : i32 to vector<128xi32>
      %add3A_798 = arith.addi %reduce_min3A_788, %add3A_797 : vector<128xi32>
      %broadcast_in_dim3A_799 = vector.shape_cast %add3A_798 : vector<128xi32> to vector<128x1xi32>
      %broadcast_in_dim3A_800 = vector.shape_cast %broadcast_in_dim3A_799 : vector<128x1xi32> to vector<128x1xi32>
      %broadcast_in_dim3A_801 = vector.broadcast %broadcast_in_dim3A_800 : vector<128x1xi32> to vector<128x32xi32>
      %select_n3A_802 = arith.select %and3A_796, %broadcast_in_dim3A_801, %while3A_775 : vector<128x32xi1>, vector<128x32xi32>
      %convert_element_type3A_803 = arith.extui %lt3A_790 : vector<128xi1> to vector<128xi32>
      %add3A_804 = arith.addi %while3A_776, %convert_element_type3A_803 : vector<128xi32>
      %broadcast_in_dim3A_805 = vector.shape_cast %reduce_min3A_788 : vector<128xi32> to vector<128x1xi32>
      %eq3A_806 = vector.broadcast %broadcast_in_dim3A_805 : vector<128x1xi32> to vector<128x4096xi32>
      %eq3A_807 = arith.cmpi eq, %iota3A, %eq3A_806 : vector<128x4096xi32>
      %broadcast_in_dim3A_808 = vector.shape_cast %lt3A_790 : vector<128xi1> to vector<128x1xi1>
      %and3A_809 = vector.broadcast %broadcast_in_dim3A_808 : vector<128x1xi1> to vector<128x4096xi1>
      %and3A_810 = arith.andi %eq3A_807, %and3A_809 : vector<128x4096xi1>
      %broadcast_in_dim3A_811 = vector.broadcast %while3A_19 : f32 to vector<128x4096xf32>
      %select_n3A_812 = arith.select %and3A_810, %broadcast_in_dim3A_811, %get3A_780 : vector<128x4096xi1>, vector<128x4096xf32>
      %swap3A_813 = arith.constant 0 : index
      %swap3A_814 = arith.constant 0 : index
      %swap3A_815 = vector.load %arg4[%swap3A_813, %swap3A_814] : memref<128x4096xf32, #tpu.memory_space<vmem>>, vector<128x4096xf32>
      tpu.vector_store %arg4[%swap3A_813, %swap3A_814], %select_n3A_812 {strides = array<i32>} : memref<128x4096xf32, #tpu.memory_space<vmem>>, vector<128x4096xf32>,
      %reduce_min3A_816 = arith.constant dense<0x7F800000> : vector<128xf32>
      %reduce_min3A_817 = vector.multi_reduction <minimumf>, %select_n3A_812, %reduce_min3A_816 [1] : vector<128x4096xf32> to vector<128xf32>
      scf.yield %select_n3A_802, %add3A_804, %reduce_min3A_817 : vector<128x32xi32>, vector<128xi32>, vector<128xf32>
    }
    %iota3A_21 = tpu.iota {dimensions = array<i32: 1>} : vector<128x64xi32>
    %get3A_22 = arith.constant 0 : index
    %get3A_23 = arith.constant 0 : index
    %get3A_24 = vector.load %arg4[%get3A_22, %get3A_23] : memref<128x4096xf32, #tpu.memory_space<vmem>>, vector<128x64xf32>
    %lt3A_25 = arith.constant 1.000000e+30 : f32
    %lt3A_26 = vector.broadcast %lt3A_25 : f32 to vector<128x64xf32>
    %lt3A_27 = arith.cmpf olt, %get3A_24, %lt3A_26 : vector<128x64xf32>
    %convert_element_type3A_28 = arith.extui %lt3A_27 : vector<128x64xi1> to vector<128x64xi32>
    %broadcast_in_dim3A_29 = arith.constant 0 : i32
    %broadcast_in_dim3A_30 = vector.broadcast %broadcast_in_dim3A_29 : i32 to vector<128x1xi32>
    %slice3A = vector.extract_strided_slice %convert_element_type3A_28 {offsets = [0, 0], sizes = [128, 63], strides = [1, 1]} : vector<128x64xi32> to vector<128x63xi32>
    %concatenate3A = tpu.concatenate %broadcast_in_dim3A_30, %slice3A in 1 : vector<128x1xi32>, vector<128x63xi32> -> vector<128x64xi32>
    %add3A_31 = arith.addi %convert_element_type3A_28, %concatenate3A : vector<128x64xi32>
    %broadcast_in_dim3A_32 = arith.constant 0 : i32
    %broadcast_in_dim3A_33 = vector.broadcast %broadcast_in_dim3A_32 : i32 to vector<128x2xi32>
    %slice3A_34 = vector.extract_strided_slice %add3A_31 {offsets = [0, 0], sizes = [128, 62], strides = [1, 1]} : vector<128x64xi32> to vector<128x62xi32>
    %concatenate3A_35 = tpu.concatenate %broadcast_in_dim3A_33, %slice3A_34 in 1 : vector<128x2xi32>, vector<128x62xi32> -> vector<128x64xi32>
    %add3A_36 = arith.addi %add3A_31, %concatenate3A_35 : vector<128x64xi32>
    %broadcast_in_dim3A_37 = arith.constant 0 : i32
    %broadcast_in_dim3A_38 = vector.broadcast %broadcast_in_dim3A_37 : i32 to vector<128x4xi32>
    %slice3A_39 = vector.extract_strided_slice %add3A_36 {offsets = [0, 0], sizes = [128, 60], strides = [1, 1]} : vector<128x64xi32> to vector<128x60xi32>
    %concatenate3A_40 = tpu.concatenate %broadcast_in_dim3A_38, %slice3A_39 in 1 : vector<128x4xi32>, vector<128x60xi32> -> vector<128x64xi32>
    %add3A_41 = arith.addi %add3A_36, %concatenate3A_40 : vector<128x64xi32>
    %broadcast_in_dim3A_42 = arith.constant 0 : i32
    %broadcast_in_dim3A_43 = vector.broadcast %broadcast_in_dim3A_42 : i32 to vector<128x8xi32>
    %slice3A_44 = vector.extract_strided_slice %add3A_41 {offsets = [0, 0], sizes = [128, 56], strides = [1, 1]} : vector<128x64xi32> to vector<128x56xi32>
    %concatenate3A_45 = tpu.concatenate %broadcast_in_dim3A_43, %slice3A_44 in 1 : vector<128x8xi32>, vector<128x56xi32> -> vector<128x64xi32>
    %add3A_46 = arith.addi %add3A_41, %concatenate3A_45 : vector<128x64xi32>
    %broadcast_in_dim3A_47 = arith.constant 0 : i32
    %broadcast_in_dim3A_48 = vector.broadcast %broadcast_in_dim3A_47 : i32 to vector<128x16xi32>
    %slice3A_49 = vector.extract_strided_slice %add3A_46 {offsets = [0, 0], sizes = [128, 48], strides = [1, 1]} : vector<128x64xi32> to vector<128x48xi32>
    %concatenate3A_50 = tpu.concatenate %broadcast_in_dim3A_48, %slice3A_49 in 1 : vector<128x16xi32>, vector<128x48xi32> -> vector<128x64xi32>
    %add3A_51 = arith.addi %add3A_46, %concatenate3A_50 : vector<128x64xi32>
    %broadcast_in_dim3A_52 = arith.constant 0 : i32
    %broadcast_in_dim3A_53 = vector.broadcast %broadcast_in_dim3A_52 : i32 to vector<128x32xi32>
    %slice3A_54 = vector.extract_strided_slice %add3A_51 {offsets = [0, 0], sizes = [128, 32], strides = [1, 1]} : vector<128x64xi32> to vector<128x32xi32>
    %concatenate3A_55 = tpu.concatenate %broadcast_in_dim3A_53, %slice3A_54 in 1 : vector<128x32xi32>, vector<128x32xi32> -> vector<128x64xi32>
    %add3A_56 = arith.addi %add3A_51, %concatenate3A_55 : vector<128x64xi32>
    %broadcast_in_dim3A_57 = vector.shape_cast %while3A_20#1 : vector<128xi32> to vector<128x1xi32>
    %sub3A = arith.subi %add3A_56, %convert_element_type3A_28 : vector<128x64xi32>
    %add3A_58 = vector.broadcast %broadcast_in_dim3A_57 : vector<128x1xi32> to vector<128x64xi32>
    %add3A_59 = arith.addi %add3A_58, %sub3A : vector<128x64xi32>
    %gt3A = arith.constant 0 : i32
    %gt3A_60 = vector.broadcast %gt3A : i32 to vector<128x64xi32>
    %gt3A_61 = arith.cmpi sgt, %convert_element_type3A_28, %gt3A_60 : vector<128x64xi32>
    %lt3A_62 = arith.constant 32 : i32
    %lt3A_63 = vector.broadcast %lt3A_62 : i32 to vector<128x64xi32>
    %lt3A_64 = arith.cmpi slt, %add3A_59, %lt3A_63 : vector<128x64xi32>
    %and3A = arith.andi %gt3A_61, %lt3A_64 : vector<128x64xi1>
    %add3A_65 = vector.broadcast %mul3A_12 : i32 to vector<128x64xi32>
    %add3A_66 = arith.addi %iota3A_21, %add3A_65 : vector<128x64xi32>
    %eq3A = arith.constant 0 : i32
    %eq3A_67 = vector.broadcast %eq3A : i32 to vector<128x64xi32>
    %eq3A_68 = arith.cmpi eq, %add3A_59, %eq3A_67 : vector<128x64xi32>
    %and3A_69 = arith.andi %and3A, %eq3A_68 : vector<128x64xi1>
    %jit3A = arith.constant 1073741824 : i32
    %broadcast_in_dim3A_70 = vector.broadcast %jit3A : i32 to vector<128x64xi32>
    %select_n3A_71 = arith.select %and3A_69, %add3A_66, %broadcast_in_dim3A_70 : vector<128x64xi1>, vector<128x64xi32>
    %reduce_min3A_72 = arith.constant dense<2147483647> : vector<128xi32>
    %reduce_min3A_73 = vector.multi_reduction <minsi>, %select_n3A_71, %reduce_min3A_72 [1] : vector<128x64xi32> to vector<128xi32>
    %eq3A_74 = arith.constant 0 : i32
    %eq3A_75 = vector.broadcast %eq3A_74 : i32 to vector<128x32xi32>
    %eq3A_76 = arith.cmpi eq, %iota3A_13, %eq3A_75 : vector<128x32xi32>
    %broadcast_in_dim3A_77 = vector.shape_cast %reduce_min3A_73 : vector<128xi32> to vector<128x1xi32>
    %lt3A_78 = arith.constant 1073741824 : i32
    %lt3A_79 = vector.broadcast %lt3A_78 : i32 to vector<128x1xi32>
    %lt3A_80 = arith.cmpi slt, %broadcast_in_dim3A_77, %lt3A_79 : vector<128x1xi32>
    %and3A_81 = vector.broadcast %lt3A_80 : vector<128x1xi1> to vector<128x32xi1>
    %and3A_82 = arith.andi %eq3A_76, %and3A_81 : vector<128x32xi1>
    %broadcast_in_dim3A_83 = vector.shape_cast %reduce_min3A_73 : vector<128xi32> to vector<128x1xi32>
    %broadcast_in_dim3A_84 = vector.shape_cast %broadcast_in_dim3A_83 : vector<128x1xi32> to vector<128x1xi32>
    %broadcast_in_dim3A_85 = vector.broadcast %broadcast_in_dim3A_84 : vector<128x1xi32> to vector<128x32xi32>
    %select_n3A_86 = arith.select %and3A_82, %broadcast_in_dim3A_85, %while3A_20#0 : vector<128x32xi1>, vector<128x32xi32>
    %eq3A_87 = arith.constant 1 : i32
    %eq3A_88 = vector.broadcast %eq3A_87 : i32 to vector<128x64xi32>
    %eq3A_89 = arith.cmpi eq, %add3A_59, %eq3A_88 : vector<128x64xi32>
    %and3A_90 = arith.andi %and3A, %eq3A_89 : vector<128x64xi1>
    %jit3A_91 = arith.constant 1073741824 : i32
    %broadcast_in_dim3A_92 = vector.broadcast %jit3A_91 : i32 to vector<128x64xi32>
    %select_n3A_93 = arith.select %and3A_90, %add3A_66, %broadcast_in_dim3A_92 : vector<128x64xi1>, vector<128x64xi32>
    %reduce_min3A_94 = arith.constant dense<2147483647> : vector<128xi32>
    %reduce_min3A_95 = vector.multi_reduction <minsi>, %select_n3A_93, %reduce_min3A_94 [1] : vector<128x64xi32> to vector<128xi32>
    %eq3A_96 = arith.constant 1 : i32
    %eq3A_97 = vector.broadcast %eq3A_96 : i32 to vector<128x32xi32>
    %eq3A_98 = arith.cmpi eq, %iota3A_13, %eq3A_97 : vector<128x32xi32>
    %broadcast_in_dim3A_99 = vector.shape_cast %reduce_min3A_95 : vector<128xi32> to vector<128x1xi32>
    %lt3A_100 = arith.constant 1073741824 : i32
    %lt3A_101 = vector.broadcast %lt3A_100 : i32 to vector<128x1xi32>
    %lt3A_102 = arith.cmpi slt, %broadcast_in_dim3A_99, %lt3A_101 : vector<128x1xi32>
    %and3A_103 = vector.broadcast %lt3A_102 : vector<128x1xi1> to vector<128x32xi1>
    %and3A_104 = arith.andi %eq3A_98, %and3A_103 : vector<128x32xi1>
    %broadcast_in_dim3A_105 = vector.shape_cast %reduce_min3A_95 : vector<128xi32> to vector<128x1xi32>
    %broadcast_in_dim3A_106 = vector.shape_cast %broadcast_in_dim3A_105 : vector<128x1xi32> to vector<128x1xi32>
    %broadcast_in_dim3A_107 = vector.broadcast %broadcast_in_dim3A_106 : vector<128x1xi32> to vector<128x32xi32>
    %select_n3A_108 = arith.select %and3A_104, %broadcast_in_dim3A_107, %select_n3A_86 : vector<128x32xi1>, vector<128x32xi32>
    %eq3A_109 = arith.constant 2 : i32
    %eq3A_110 = vector.broadcast %eq3A_109 : i32 to vector<128x64xi32>
    %eq3A_111 = arith.cmpi eq, %add3A_59, %eq3A_110 : vector<128x64xi32>
    %and3A_112 = arith.andi %and3A, %eq3A_111 : vector<128x64xi1>
    %jit3A_113 = arith.constant 1073741824 : i32
    %broadcast_in_dim3A_114 = vector.broadcast %jit3A_113 : i32 to vector<128x64xi32>
    %select_n3A_115 = arith.select %and3A_112, %add3A_66, %broadcast_in_dim3A_114 : vector<128x64xi1>, vector<128x64xi32>
    %reduce_min3A_116 = arith.constant dense<2147483647> : vector<128xi32>
    %reduce_min3A_117 = vector.multi_reduction <minsi>, %select_n3A_115, %reduce_min3A_116 [1] : vector<128x64xi32> to vector<128xi32>
    %eq3A_118 = arith.constant 2 : i32
    %eq3A_119 = vector.broadcast %eq3A_118 : i32 to vector<128x32xi32>
    %eq3A_120 = arith.cmpi eq, %iota3A_13, %eq3A_119 : vector<128x32xi32>
    %broadcast_in_dim3A_121 = vector.shape_cast %reduce_min3A_117 : vector<128xi32> to vector<128x1xi32>
    %lt3A_122 = arith.constant 1073741824 : i32
    %lt3A_123 = vector.broadcast %lt3A_122 : i32 to vector<128x1xi32>
    %lt3A_124 = arith.cmpi slt, %broadcast_in_dim3A_121, %lt3A_123 : vector<128x1xi32>
    %and3A_125 = vector.broadcast %lt3A_124 : vector<128x1xi1> to vector<128x32xi1>
    %and3A_126 = arith.andi %eq3A_120, %and3A_125 : vector<128x32xi1>
    %broadcast_in_dim3A_127 = vector.shape_cast %reduce_min3A_117 : vector<128xi32> to vector<128x1xi32>
    %broadcast_in_dim3A_128 = vector.shape_cast %broadcast_in_dim3A_127 : vector<128x1xi32> to vector<128x1xi32>
    %broadcast_in_dim3A_129 = vector.broadcast %broadcast_in_dim3A_128 : vector<128x1xi32> to vector<128x32xi32>
    %select_n3A_130 = arith.select %and3A_126, %broadcast_in_dim3A_129, %select_n3A_108 : vector<128x32xi1>, vector<128x32xi32>
    %eq3A_131 = arith.constant 3 : i32
    %eq3A_132 = vector.broadcast %eq3A_131 : i32 to vector<128x64xi32>
    %eq3A_133 = arith.cmpi eq, %add3A_59, %eq3A_132 : vector<128x64xi32>
    %and3A_134 = arith.andi %and3A, %eq3A_133 : vector<128x64xi1>
    %jit3A_135 = arith.constant 1073741824 : i32
    %broadcast_in_dim3A_136 = vector.broadcast %jit3A_135 : i32 to vector<128x64xi32>
    %select_n3A_137 = arith.select %and3A_134, %add3A_66, %broadcast_in_dim3A_136 : vector<128x64xi1>, vector<128x64xi32>
    %reduce_min3A_138 = arith.constant dense<2147483647> : vector<128xi32>
    %reduce_min3A_139 = vector.multi_reduction <minsi>, %select_n3A_137, %reduce_min3A_138 [1] : vector<128x64xi32> to vector<128xi32>
    %eq3A_140 = arith.constant 3 : i32
    %eq3A_141 = vector.broadcast %eq3A_140 : i32 to vector<128x32xi32>
    %eq3A_142 = arith.cmpi eq, %iota3A_13, %eq3A_141 : vector<128x32xi32>
    %broadcast_in_dim3A_143 = vector.shape_cast %reduce_min3A_139 : vector<128xi32> to vector<128x1xi32>
    %lt3A_144 = arith.constant 1073741824 : i32
    %lt3A_145 = vector.broadcast %lt3A_144 : i32 to vector<128x1xi32>
    %lt3A_146 = arith.cmpi slt, %broadcast_in_dim3A_143, %lt3A_145 : vector<128x1xi32>
    %and3A_147 = vector.broadcast %lt3A_146 : vector<128x1xi1> to vector<128x32xi1>
    %and3A_148 = arith.andi %eq3A_142, %and3A_147 : vector<128x32xi1>
    %broadcast_in_dim3A_149 = vector.shape_cast %reduce_min3A_139 : vector<128xi32> to vector<128x1xi32>
    %broadcast_in_dim3A_150 = vector.shape_cast %broadcast_in_dim3A_149 : vector<128x1xi32> to vector<128x1xi32>
    %broadcast_in_dim3A_151 = vector.broadcast %broadcast_in_dim3A_150 : vector<128x1xi32> to vector<128x32xi32>
    %select_n3A_152 = arith.select %and3A_148, %broadcast_in_dim3A_151, %select_n3A_130 : vector<128x32xi1>, vector<128x32xi32>
    %eq3A_153 = arith.constant 4 : i32
    %eq3A_154 = vector.broadcast %eq3A_153 : i32 to vector<128x64xi32>
    %eq3A_155 = arith.cmpi eq, %add3A_59, %eq3A_154 : vector<128x64xi32>
    %and3A_156 = arith.andi %and3A, %eq3A_155 : vector<128x64xi1>
    %jit3A_157 = arith.constant 1073741824 : i32
    %broadcast_in_dim3A_158 = vector.broadcast %jit3A_157 : i32 to vector<128x64xi32>
    %select_n3A_159 = arith.select %and3A_156, %add3A_66, %broadcast_in_dim3A_158 : vector<128x64xi1>, vector<128x64xi32>
    %reduce_min3A_160 = arith.constant dense<2147483647> : vector<128xi32>
    %reduce_min3A_161 = vector.multi_reduction <minsi>, %select_n3A_159, %reduce_min3A_160 [1] : vector<128x64xi32> to vector<128xi32>
    %eq3A_162 = arith.constant 4 : i32
    %eq3A_163 = vector.broadcast %eq3A_162 : i32 to vector<128x32xi32>
    %eq3A_164 = arith.cmpi eq, %iota3A_13, %eq3A_163 : vector<128x32xi32>
    %broadcast_in_dim3A_165 = vector.shape_cast %reduce_min3A_161 : vector<128xi32> to vector<128x1xi32>
    %lt3A_166 = arith.constant 1073741824 : i32
    %lt3A_167 = vector.broadcast %lt3A_166 : i32 to vector<128x1xi32>
    %lt3A_168 = arith.cmpi slt, %broadcast_in_dim3A_165, %lt3A_167 : vector<128x1xi32>
    %and3A_169 = vector.broadcast %lt3A_168 : vector<128x1xi1> to vector<128x32xi1>
    %and3A_170 = arith.andi %eq3A_164, %and3A_169 : vector<128x32xi1>
    %broadcast_in_dim3A_171 = vector.shape_cast %reduce_min3A_161 : vector<128xi32> to vector<128x1xi32>
    %broadcast_in_dim3A_172 = vector.shape_cast %broadcast_in_dim3A_171 : vector<128x1xi32> to vector<128x1xi32>
    %broadcast_in_dim3A_173 = vector.broadcast %broadcast_in_dim3A_172 : vector<128x1xi32> to vector<128x32xi32>
    %select_n3A_174 = arith.select %and3A_170, %broadcast_in_dim3A_173, %select_n3A_152 : vector<128x32xi1>, vector<128x32xi32>
    %eq3A_175 = arith.constant 5 : i32
    %eq3A_176 = vector.broadcast %eq3A_175 : i32 to vector<128x64xi32>
    %eq3A_177 = arith.cmpi eq, %add3A_59, %eq3A_176 : vector<128x64xi32>
    %and3A_178 = arith.andi %and3A, %eq3A_177 : vector<128x64xi1>
    %jit3A_179 = arith.constant 1073741824 : i32
    %broadcast_in_dim3A_180 = vector.broadcast %jit3A_179 : i32 to vector<128x64xi32>
    %select_n3A_181 = arith.select %and3A_178, %add3A_66, %broadcast_in_dim3A_180 : vector<128x64xi1>, vector<128x64xi32>
    %reduce_min3A_182 = arith.constant dense<2147483647> : vector<128xi32>
    %reduce_min3A_183 = vector.multi_reduction <minsi>, %select_n3A_181, %reduce_min3A_182 [1] : vector<128x64xi32> to vector<128xi32>
    %eq3A_184 = arith.constant 5 : i32
    %eq3A_185 = vector.broadcast %eq3A_184 : i32 to vector<128x32xi32>
    %eq3A_186 = arith.cmpi eq, %iota3A_13, %eq3A_185 : vector<128x32xi32>
    %broadcast_in_dim3A_187 = vector.shape_cast %reduce_min3A_183 : vector<128xi32> to vector<128x1xi32>
    %lt3A_188 = arith.constant 1073741824 : i32
    %lt3A_189 = vector.broadcast %lt3A_188 : i32 to vector<128x1xi32>
    %lt3A_190 = arith.cmpi slt, %broadcast_in_dim3A_187, %lt3A_189 : vector<128x1xi32>
    %and3A_191 = vector.broadcast %lt3A_190 : vector<128x1xi1> to vector<128x32xi1>
    %and3A_192 = arith.andi %eq3A_186, %and3A_191 : vector<128x32xi1>
    %broadcast_in_dim3A_193 = vector.shape_cast %reduce_min3A_183 : vector<128xi32> to vector<128x1xi32>
    %broadcast_in_dim3A_194 = vector.shape_cast %broadcast_in_dim3A_193 : vector<128x1xi32> to vector<128x1xi32>
    %broadcast_in_dim3A_195 = vector.broadcast %broadcast_in_dim3A_194 : vector<128x1xi32> to vector<128x32xi32>
    %select_n3A_196 = arith.select %and3A_192, %broadcast_in_dim3A_195, %select_n3A_174 : vector<128x32xi1>, vector<128x32xi32>
    %eq3A_197 = arith.constant 6 : i32
    %eq3A_198 = vector.broadcast %eq3A_197 : i32 to vector<128x64xi32>
    %eq3A_199 = arith.cmpi eq, %add3A_59, %eq3A_198 : vector<128x64xi32>
    %and3A_200 = arith.andi %and3A, %eq3A_199 : vector<128x64xi1>
    %jit3A_201 = arith.constant 1073741824 : i32
    %broadcast_in_dim3A_202 = vector.broadcast %jit3A_201 : i32 to vector<128x64xi32>
    %select_n3A_203 = arith.select %and3A_200, %add3A_66, %broadcast_in_dim3A_202 : vector<128x64xi1>, vector<128x64xi32>
    %reduce_min3A_204 = arith.constant dense<2147483647> : vector<128xi32>
    %reduce_min3A_205 = vector.multi_reduction <minsi>, %select_n3A_203, %reduce_min3A_204 [1] : vector<128x64xi32> to vector<128xi32>
    %eq3A_206 = arith.constant 6 : i32
    %eq3A_207 = vector.broadcast %eq3A_206 : i32 to vector<128x32xi32>
    %eq3A_208 = arith.cmpi eq, %iota3A_13, %eq3A_207 : vector<128x32xi32>
    %broadcast_in_dim3A_209 = vector.shape_cast %reduce_min3A_205 : vector<128xi32> to vector<128x1xi32>
    %lt3A_210 = arith.constant 1073741824 : i32
    %lt3A_211 = vector.broadcast %lt3A_210 : i32 to vector<128x1xi32>
    %lt3A_212 = arith.cmpi slt, %broadcast_in_dim3A_209, %lt3A_211 : vector<128x1xi32>
    %and3A_213 = vector.broadcast %lt3A_212 : vector<128x1xi1> to vector<128x32xi1>
    %and3A_214 = arith.andi %eq3A_208, %and3A_213 : vector<128x32xi1>
    %broadcast_in_dim3A_215 = vector.shape_cast %reduce_min3A_205 : vector<128xi32> to vector<128x1xi32>
    %broadcast_in_dim3A_216 = vector.shape_cast %broadcast_in_dim3A_215 : vector<128x1xi32> to vector<128x1xi32>
    %broadcast_in_dim3A_217 = vector.broadcast %broadcast_in_dim3A_216 : vector<128x1xi32> to vector<128x32xi32>
    %select_n3A_218 = arith.select %and3A_214, %broadcast_in_dim3A_217, %select_n3A_196 : vector<128x32xi1>, vector<128x32xi32>
    %eq3A_219 = arith.constant 7 : i32
    %eq3A_220 = vector.broadcast %eq3A_219 : i32 to vector<128x64xi32>
    %eq3A_221 = arith.cmpi eq, %add3A_59, %eq3A_220 : vector<128x64xi32>
    %and3A_222 = arith.andi %and3A, %eq3A_221 : vector<128x64xi1>
    %jit3A_223 = arith.constant 1073741824 : i32
    %broadcast_in_dim3A_224 = vector.broadcast %jit3A_223 : i32 to vector<128x64xi32>
    %select_n3A_225 = arith.select %and3A_222, %add3A_66, %broadcast_in_dim3A_224 : vector<128x64xi1>, vector<128x64xi32>
    %reduce_min3A_226 = arith.constant dense<2147483647> : vector<128xi32>
    %reduce_min3A_227 = vector.multi_reduction <minsi>, %select_n3A_225, %reduce_min3A_226 [1] : vector<128x64xi32> to vector<128xi32>
    %eq3A_228 = arith.constant 7 : i32
    %eq3A_229 = vector.broadcast %eq3A_228 : i32 to vector<128x32xi32>
    %eq3A_230 = arith.cmpi eq, %iota3A_13, %eq3A_229 : vector<128x32xi32>
    %broadcast_in_dim3A_231 = vector.shape_cast %reduce_min3A_227 : vector<128xi32> to vector<128x1xi32>
    %lt3A_232 = arith.constant 1073741824 : i32
    %lt3A_233 = vector.broadcast %lt3A_232 : i32 to vector<128x1xi32>
    %lt3A_234 = arith.cmpi slt, %broadcast_in_dim3A_231, %lt3A_233 : vector<128x1xi32>
    %and3A_235 = vector.broadcast %lt3A_234 : vector<128x1xi1> to vector<128x32xi1>
    %and3A_236 = arith.andi %eq3A_230, %and3A_235 : vector<128x32xi1>
    %broadcast_in_dim3A_237 = vector.shape_cast %reduce_min3A_227 : vector<128xi32> to vector<128x1xi32>
    %broadcast_in_dim3A_238 = vector.shape_cast %broadcast_in_dim3A_237 : vector<128x1xi32> to vector<128x1xi32>
    %broadcast_in_dim3A_239 = vector.broadcast %broadcast_in_dim3A_238 : vector<128x1xi32> to vector<128x32xi32>
    %select_n3A_240 = arith.select %and3A_236, %broadcast_in_dim3A_239, %select_n3A_218 : vector<128x32xi1>, vector<128x32xi32>
    %eq3A_241 = arith.constant 8 : i32
    %eq3A_242 = vector.broadcast %eq3A_241 : i32 to vector<128x64xi32>
    %eq3A_243 = arith.cmpi eq, %add3A_59, %eq3A_242 : vector<128x64xi32>
    %and3A_244 = arith.andi %and3A, %eq3A_243 : vector<128x64xi1>
    %jit3A_245 = arith.constant 1073741824 : i32
    %broadcast_in_dim3A_246 = vector.broadcast %jit3A_245 : i32 to vector<128x64xi32>
    %select_n3A_247 = arith.select %and3A_244, %add3A_66, %broadcast_in_dim3A_246 : vector<128x64xi1>, vector<128x64xi32>
    %reduce_min3A_248 = arith.constant dense<2147483647> : vector<128xi32>
    %reduce_min3A_249 = vector.multi_reduction <minsi>, %select_n3A_247, %reduce_min3A_248 [1] : vector<128x64xi32> to vector<128xi32>
    %eq3A_250 = arith.constant 8 : i32
    %eq3A_251 = vector.broadcast %eq3A_250 : i32 to vector<128x32xi32>
    %eq3A_252 = arith.cmpi eq, %iota3A_13, %eq3A_251 : vector<128x32xi32>
    %broadcast_in_dim3A_253 = vector.shape_cast %reduce_min3A_249 : vector<128xi32> to vector<128x1xi32>
    %lt3A_254 = arith.constant 1073741824 : i32
    %lt3A_255 = vector.broadcast %lt3A_254 : i32 to vector<128x1xi32>
    %lt3A_256 = arith.cmpi slt, %broadcast_in_dim3A_253, %lt3A_255 : vector<128x1xi32>
    %and3A_257 = vector.broadcast %lt3A_256 : vector<128x1xi1> to vector<128x32xi1>
    %and3A_258 = arith.andi %eq3A_252, %and3A_257 : vector<128x32xi1>
    %broadcast_in_dim3A_259 = vector.shape_cast %reduce_min3A_249 : vector<128xi32> to vector<128x1xi32>
    %broadcast_in_dim3A_260 = vector.shape_cast %broadcast_in_dim3A_259 : vector<128x1xi32> to vector<128x1xi32>
    %broadcast_in_dim3A_261 = vector.broadcast %broadcast_in_dim3A_260 : vector<128x1xi32> to vector<128x32xi32>
    %select_n3A_262 = arith.select %and3A_258, %broadcast_in_dim3A_261, %select_n3A_240 : vector<128x32xi1>, vector<128x32xi32>
    %eq3A_263 = arith.constant 9 : i32
    %eq3A_264 = vector.broadcast %eq3A_263 : i32 to vector<128x64xi32>
    %eq3A_265 = arith.cmpi eq, %add3A_59, %eq3A_264 : vector<128x64xi32>
    %and3A_266 = arith.andi %and3A, %eq3A_265 : vector<128x64xi1>
    %jit3A_267 = arith.constant 1073741824 : i32
    %broadcast_in_dim3A_268 = vector.broadcast %jit3A_267 : i32 to vector<128x64xi32>
    %select_n3A_269 = arith.select %and3A_266, %add3A_66, %broadcast_in_dim3A_268 : vector<128x64xi1>, vector<128x64xi32>
    %reduce_min3A_270 = arith.constant dense<2147483647> : vector<128xi32>
    %reduce_min3A_271 = vector.multi_reduction <minsi>, %select_n3A_269, %reduce_min3A_270 [1] : vector<128x64xi32> to vector<128xi32>
    %eq3A_272 = arith.constant 9 : i32
    %eq3A_273 = vector.broadcast %eq3A_272 : i32 to vector<128x32xi32>
    %eq3A_274 = arith.cmpi eq, %iota3A_13, %eq3A_273 : vector<128x32xi32>
    %broadcast_in_dim3A_275 = vector.shape_cast %reduce_min3A_271 : vector<128xi32> to vector<128x1xi32>
    %lt3A_276 = arith.constant 1073741824 : i32
    %lt3A_277 = vector.broadcast %lt3A_276 : i32 to vector<128x1xi32>
    %lt3A_278 = arith.cmpi slt, %broadcast_in_dim3A_275, %lt3A_277 : vector<128x1xi32>
    %and3A_279 = vector.broadcast %lt3A_278 : vector<128x1xi1> to vector<128x32xi1>
    %and3A_280 = arith.andi %eq3A_274, %and3A_279 : vector<128x32xi1>
    %broadcast_in_dim3A_281 = vector.shape_cast %reduce_min3A_271 : vector<128xi32> to vector<128x1xi32>
    %broadcast_in_dim3A_282 = vector.shape_cast %broadcast_in_dim3A_281 : vector<128x1xi32> to vector<128x1xi32>
    %broadcast_in_dim3A_283 = vector.broadcast %broadcast_in_dim3A_282 : vector<128x1xi32> to vector<128x32xi32>
    %select_n3A_284 = arith.select %and3A_280, %broadcast_in_dim3A_283, %select_n3A_262 : vector<128x32xi1>, vector<128x32xi32>
    %eq3A_285 = arith.constant 10 : i32
    %eq3A_286 = vector.broadcast %eq3A_285 : i32 to vector<128x64xi32>
    %eq3A_287 = arith.cmpi eq, %add3A_59, %eq3A_286 : vector<128x64xi32>
    %and3A_288 = arith.andi %and3A, %eq3A_287 : vector<128x64xi1>
    %jit3A_289 = arith.constant 1073741824 : i32
    %broadcast_in_dim3A_290 = vector.broadcast %jit3A_289 : i32 to vector<128x64xi32>
    %select_n3A_291 = arith.select %and3A_288, %add3A_66, %broadcast_in_dim3A_290 : vector<128x64xi1>, vector<128x64xi32>
    %reduce_min3A_292 = arith.constant dense<2147483647> : vector<128xi32>
    %reduce_min3A_293 = vector.multi_reduction <minsi>, %select_n3A_291, %reduce_min3A_292 [1] : vector<128x64xi32> to vector<128xi32>
    %eq3A_294 = arith.constant 10 : i32
    %eq3A_295 = vector.broadcast %eq3A_294 : i32 to vector<128x32xi32>
    %eq3A_296 = arith.cmpi eq, %iota3A_13, %eq3A_295 : vector<128x32xi32>
    %broadcast_in_dim3A_297 = vector.shape_cast %reduce_min3A_293 : vector<128xi32> to vector<128x1xi32>
    %lt3A_298 = arith.constant 1073741824 : i32
    %lt3A_299 = vector.broadcast %lt3A_298 : i32 to vector<128x1xi32>
    %lt3A_300 = arith.cmpi slt, %broadcast_in_dim3A_297, %lt3A_299 : vector<128x1xi32>
    %and3A_301 = vector.broadcast %lt3A_300 : vector<128x1xi1> to vector<128x32xi1>
    %and3A_302 = arith.andi %eq3A_296, %and3A_301 : vector<128x32xi1>
    %broadcast_in_dim3A_303 = vector.shape_cast %reduce_min3A_293 : vector<128xi32> to vector<128x1xi32>
    %broadcast_in_dim3A_304 = vector.shape_cast %broadcast_in_dim3A_303 : vector<128x1xi32> to vector<128x1xi32>
    %broadcast_in_dim3A_305 = vector.broadcast %broadcast_in_dim3A_304 : vector<128x1xi32> to vector<128x32xi32>
    %select_n3A_306 = arith.select %and3A_302, %broadcast_in_dim3A_305, %select_n3A_284 : vector<128x32xi1>, vector<128x32xi32>
    %eq3A_307 = arith.constant 11 : i32
    %eq3A_308 = vector.broadcast %eq3A_307 : i32 to vector<128x64xi32>
    %eq3A_309 = arith.cmpi eq, %add3A_59, %eq3A_308 : vector<128x64xi32>
    %and3A_310 = arith.andi %and3A, %eq3A_309 : vector<128x64xi1>
    %jit3A_311 = arith.constant 1073741824 : i32
    %broadcast_in_dim3A_312 = vector.broadcast %jit3A_311 : i32 to vector<128x64xi32>
    %select_n3A_313 = arith.select %and3A_310, %add3A_66, %broadcast_in_dim3A_312 : vector<128x64xi1>, vector<128x64xi32>
    %reduce_min3A_314 = arith.constant dense<2147483647> : vector<128xi32>
    %reduce_min3A_315 = vector.multi_reduction <minsi>, %select_n3A_313, %reduce_min3A_314 [1] : vector<128x64xi32> to vector<128xi32>
    %eq3A_316 = arith.constant 11 : i32
    %eq3A_317 = vector.broadcast %eq3A_316 : i32 to vector<128x32xi32>
    %eq3A_318 = arith.cmpi eq, %iota3A_13, %eq3A_317 : vector<128x32xi32>
    %broadcast_in_dim3A_319 = vector.shape_cast %reduce_min3A_315 : vector<128xi32> to vector<128x1xi32>
    %lt3A_320 = arith.constant 1073741824 : i32
    %lt3A_321 = vector.broadcast %lt3A_320 : i32 to vector<128x1xi32>
    %lt3A_322 = arith.cmpi slt, %broadcast_in_dim3A_319, %lt3A_321 : vector<128x1xi32>
    %and3A_323 = vector.broadcast %lt3A_322 : vector<128x1xi1> to vector<128x32xi1>
    %and3A_324 = arith.andi %eq3A_318, %and3A_323 : vector<128x32xi1>
    %broadcast_in_dim3A_325 = vector.shape_cast %reduce_min3A_315 : vector<128xi32> to vector<128x1xi32>
    %broadcast_in_dim3A_326 = vector.shape_cast %broadcast_in_dim3A_325 : vector<128x1xi32> to vector<128x1xi32>
    %broadcast_in_dim3A_327 = vector.broadcast %broadcast_in_dim3A_326 : vector<128x1xi32> to vector<128x32xi32>
    %select_n3A_328 = arith.select %and3A_324, %broadcast_in_dim3A_327, %select_n3A_306 : vector<128x32xi1>, vector<128x32xi32>
    %eq3A_329 = arith.constant 12 : i32
    %eq3A_330 = vector.broadcast %eq3A_329 : i32 to vector<128x64xi32>
    %eq3A_331 = arith.cmpi eq, %add3A_59, %eq3A_330 : vector<128x64xi32>
    %and3A_332 = arith.andi %and3A, %eq3A_331 : vector<128x64xi1>
    %jit3A_333 = arith.constant 1073741824 : i32
    %broadcast_in_dim3A_334 = vector.broadcast %jit3A_333 : i32 to vector<128x64xi32>
    %select_n3A_335 = arith.select %and3A_332, %add3A_66, %broadcast_in_dim3A_334 : vector<128x64xi1>, vector<128x64xi32>
    %reduce_min3A_336 = arith.constant dense<2147483647> : vector<128xi32>
    %reduce_min3A_337 = vector.multi_reduction <minsi>, %select_n3A_335, %reduce_min3A_336 [1] : vector<128x64xi32> to vector<128xi32>
    %eq3A_338 = arith.constant 12 : i32
    %eq3A_339 = vector.broadcast %eq3A_338 : i32 to vector<128x32xi32>
    %eq3A_340 = arith.cmpi eq, %iota3A_13, %eq3A_339 : vector<128x32xi32>
    %broadcast_in_dim3A_341 = vector.shape_cast %reduce_min3A_337 : vector<128xi32> to vector<128x1xi32>
    %lt3A_342 = arith.constant 1073741824 : i32
    %lt3A_343 = vector.broadcast %lt3A_342 : i32 to vector<128x1xi32>
    %lt3A_344 = arith.cmpi slt, %broadcast_in_dim3A_341, %lt3A_343 : vector<128x1xi32>
    %and3A_345 = vector.broadcast %lt3A_344 : vector<128x1xi1> to vector<128x32xi1>
    %and3A_346 = arith.andi %eq3A_340, %and3A_345 : vector<128x32xi1>
    %broadcast_in_dim3A_347 = vector.shape_cast %reduce_min3A_337 : vector<128xi32> to vector<128x1xi32>
    %broadcast_in_dim3A_348 = vector.shape_cast %broadcast_in_dim3A_347 : vector<128x1xi32> to vector<128x1xi32>
    %broadcast_in_dim3A_349 = vector.broadcast %broadcast_in_dim3A_348 : vector<128x1xi32> to vector<128x32xi32>
    %select_n3A_350 = arith.select %and3A_346, %broadcast_in_dim3A_349, %select_n3A_328 : vector<128x32xi1>, vector<128x32xi32>
    %eq3A_351 = arith.constant 13 : i32
    %eq3A_352 = vector.broadcast %eq3A_351 : i32 to vector<128x64xi32>
    %eq3A_353 = arith.cmpi eq, %add3A_59, %eq3A_352 : vector<128x64xi32>
    %and3A_354 = arith.andi %and3A, %eq3A_353 : vector<128x64xi1>
    %jit3A_355 = arith.constant 1073741824 : i32
    %broadcast_in_dim3A_356 = vector.broadcast %jit3A_355 : i32 to vector<128x64xi32>
    %select_n3A_357 = arith.select %and3A_354, %add3A_66, %broadcast_in_dim3A_356 : vector<128x64xi1>, vector<128x64xi32>
    %reduce_min3A_358 = arith.constant dense<2147483647> : vector<128xi32>
    %reduce_min3A_359 = vector.multi_reduction <minsi>, %select_n3A_357, %reduce_min3A_358 [1] : vector<128x64xi32> to vector<128xi32>
    %eq3A_360 = arith.constant 13 : i32
    %eq3A_361 = vector.broadcast %eq3A_360 : i32 to vector<128x32xi32>
    %eq3A_362 = arith.cmpi eq, %iota3A_13, %eq3A_361 : vector<128x32xi32>
    %broadcast_in_dim3A_363 = vector.shape_cast %reduce_min3A_359 : vector<128xi32> to vector<128x1xi32>
    %lt3A_364 = arith.constant 1073741824 : i32
    %lt3A_365 = vector.broadcast %lt3A_364 : i32 to vector<128x1xi32>
    %lt3A_366 = arith.cmpi slt, %broadcast_in_dim3A_363, %lt3A_365 : vector<128x1xi32>
    %and3A_367 = vector.broadcast %lt3A_366 : vector<128x1xi1> to vector<128x32xi1>
    %and3A_368 = arith.andi %eq3A_362, %and3A_367 : vector<128x32xi1>
    %broadcast_in_dim3A_369 = vector.shape_cast %reduce_min3A_359 : vector<128xi32> to vector<128x1xi32>
    %broadcast_in_dim3A_370 = vector.shape_cast %broadcast_in_dim3A_369 : vector<128x1xi32> to vector<128x1xi32>
    %broadcast_in_dim3A_371 = vector.broadcast %broadcast_in_dim3A_370 : vector<128x1xi32> to vector<128x32xi32>
    %select_n3A_372 = arith.select %and3A_368, %broadcast_in_dim3A_371, %select_n3A_350 : vector<128x32xi1>, vector<128x32xi32>
    %eq3A_373 = arith.constant 14 : i32
    %eq3A_374 = vector.broadcast %eq3A_373 : i32 to vector<128x64xi32>
    %eq3A_375 = arith.cmpi eq, %add3A_59, %eq3A_374 : vector<128x64xi32>
    %and3A_376 = arith.andi %and3A, %eq3A_375 : vector<128x64xi1>
    %jit3A_377 = arith.constant 1073741824 : i32
    %broadcast_in_dim3A_378 = vector.broadcast %jit3A_377 : i32 to vector<128x64xi32>
    %select_n3A_379 = arith.select %and3A_376, %add3A_66, %broadcast_in_dim3A_378 : vector<128x64xi1>, vector<128x64xi32>
    %reduce_min3A_380 = arith.constant dense<2147483647> : vector<128xi32>
    %reduce_min3A_381 = vector.multi_reduction <minsi>, %select_n3A_379, %reduce_min3A_380 [1] : vector<128x64xi32> to vector<128xi32>
    %eq3A_382 = arith.constant 14 : i32
    %eq3A_383 = vector.broadcast %eq3A_382 : i32 to vector<128x32xi32>
    %eq3A_384 = arith.cmpi eq, %iota3A_13, %eq3A_383 : vector<128x32xi32>
    %broadcast_in_dim3A_385 = vector.shape_cast %reduce_min3A_381 : vector<128xi32> to vector<128x1xi32>
    %lt3A_386 = arith.constant 1073741824 : i32
    %lt3A_387 = vector.broadcast %lt3A_386 : i32 to vector<128x1xi32>
    %lt3A_388 = arith.cmpi slt, %broadcast_in_dim3A_385, %lt3A_387 : vector<128x1xi32>
    %and3A_389 = vector.broadcast %lt3A_388 : vector<128x1xi1> to vector<128x32xi1>
    %and3A_390 = arith.andi %eq3A_384, %and3A_389 : vector<128x32xi1>
    %broadcast_in_dim3A_391 = vector.shape_cast %reduce_min3A_381 : vector<128xi32> to vector<128x1xi32>
    %broadcast_in_dim3A_392 = vector.shape_cast %broadcast_in_dim3A_391 : vector<128x1xi32> to vector<128x1xi32>
    %broadcast_in_dim3A_393 = vector.broadcast %broadcast_in_dim3A_392 : vector<128x1xi32> to vector<128x32xi32>
    %select_n3A_394 = arith.select %and3A_390, %broadcast_in_dim3A_393, %select_n3A_372 : vector<128x32xi1>, vector<128x32xi32>
    %eq3A_395 = arith.constant 15 : i32
    %eq3A_396 = vector.broadcast %eq3A_395 : i32 to vector<128x64xi32>
    %eq3A_397 = arith.cmpi eq, %add3A_59, %eq3A_396 : vector<128x64xi32>
    %and3A_398 = arith.andi %and3A, %eq3A_397 : vector<128x64xi1>
    %jit3A_399 = arith.constant 1073741824 : i32
    %broadcast_in_dim3A_400 = vector.broadcast %jit3A_399 : i32 to vector<128x64xi32>
    %select_n3A_401 = arith.select %and3A_398, %add3A_66, %broadcast_in_dim3A_400 : vector<128x64xi1>, vector<128x64xi32>
    %reduce_min3A_402 = arith.constant dense<2147483647> : vector<128xi32>
    %reduce_min3A_403 = vector.multi_reduction <minsi>, %select_n3A_401, %reduce_min3A_402 [1] : vector<128x64xi32> to vector<128xi32>
    %eq3A_404 = arith.constant 15 : i32
    %eq3A_405 = vector.broadcast %eq3A_404 : i32 to vector<128x32xi32>
    %eq3A_406 = arith.cmpi eq, %iota3A_13, %eq3A_405 : vector<128x32xi32>
    %broadcast_in_dim3A_407 = vector.shape_cast %reduce_min3A_403 : vector<128xi32> to vector<128x1xi32>
    %lt3A_408 = arith.constant 1073741824 : i32
    %lt3A_409 = vector.broadcast %lt3A_408 : i32 to vector<128x1xi32>
    %lt3A_410 = arith.cmpi slt, %broadcast_in_dim3A_407, %lt3A_409 : vector<128x1xi32>
    %and3A_411 = vector.broadcast %lt3A_410 : vector<128x1xi1> to vector<128x32xi1>
    %and3A_412 = arith.andi %eq3A_406, %and3A_411 : vector<128x32xi1>
    %broadcast_in_dim3A_413 = vector.shape_cast %reduce_min3A_403 : vector<128xi32> to vector<128x1xi32>
    %broadcast_in_dim3A_414 = vector.shape_cast %broadcast_in_dim3A_413 : vector<128x1xi32> to vector<128x1xi32>
    %broadcast_in_dim3A_415 = vector.broadcast %broadcast_in_dim3A_414 : vector<128x1xi32> to vector<128x32xi32>
    %select_n3A_416 = arith.select %and3A_412, %broadcast_in_dim3A_415, %select_n3A_394 : vector<128x32xi1>, vector<128x32xi32>
    %eq3A_417 = arith.constant 16 : i32
    %eq3A_418 = vector.broadcast %eq3A_417 : i32 to vector<128x64xi32>
    %eq3A_419 = arith.cmpi eq, %add3A_59, %eq3A_418 : vector<128x64xi32>
    %and3A_420 = arith.andi %and3A, %eq3A_419 : vector<128x64xi1>
    %jit3A_421 = arith.constant 1073741824 : i32
    %broadcast_in_dim3A_422 = vector.broadcast %jit3A_421 : i32 to vector<128x64xi32>
    %select_n3A_423 = arith.select %and3A_420, %add3A_66, %broadcast_in_dim3A_422 : vector<128x64xi1>, vector<128x64xi32>
    %reduce_min3A_424 = arith.constant dense<2147483647> : vector<128xi32>
    %reduce_min3A_425 = vector.multi_reduction <minsi>, %select_n3A_423, %reduce_min3A_424 [1] : vector<128x64xi32> to vector<128xi32>
    %eq3A_426 = arith.constant 16 : i32
    %eq3A_427 = vector.broadcast %eq3A_426 : i32 to vector<128x32xi32>
    %eq3A_428 = arith.cmpi eq, %iota3A_13, %eq3A_427 : vector<128x32xi32>
    %broadcast_in_dim3A_429 = vector.shape_cast %reduce_min3A_425 : vector<128xi32> to vector<128x1xi32>
    %lt3A_430 = arith.constant 1073741824 : i32
    %lt3A_431 = vector.broadcast %lt3A_430 : i32 to vector<128x1xi32>
    %lt3A_432 = arith.cmpi slt, %broadcast_in_dim3A_429, %lt3A_431 : vector<128x1xi32>
    %and3A_433 = vector.broadcast %lt3A_432 : vector<128x1xi1> to vector<128x32xi1>
    %and3A_434 = arith.andi %eq3A_428, %and3A_433 : vector<128x32xi1>
    %broadcast_in_dim3A_435 = vector.shape_cast %reduce_min3A_425 : vector<128xi32> to vector<128x1xi32>
    %broadcast_in_dim3A_436 = vector.shape_cast %broadcast_in_dim3A_435 : vector<128x1xi32> to vector<128x1xi32>
    %broadcast_in_dim3A_437 = vector.broadcast %broadcast_in_dim3A_436 : vector<128x1xi32> to vector<128x32xi32>
    %select_n3A_438 = arith.select %and3A_434, %broadcast_in_dim3A_437, %select_n3A_416 : vector<128x32xi1>, vector<128x32xi32>
    %eq3A_439 = arith.constant 17 : i32
    %eq3A_440 = vector.broadcast %eq3A_439 : i32 to vector<128x64xi32>
    %eq3A_441 = arith.cmpi eq, %add3A_59, %eq3A_440 : vector<128x64xi32>
    %and3A_442 = arith.andi %and3A, %eq3A_441 : vector<128x64xi1>
    %jit3A_443 = arith.constant 1073741824 : i32
    %broadcast_in_dim3A_444 = vector.broadcast %jit3A_443 : i32 to vector<128x64xi32>
    %select_n3A_445 = arith.select %and3A_442, %add3A_66, %broadcast_in_dim3A_444 : vector<128x64xi1>, vector<128x64xi32>
    %reduce_min3A_446 = arith.constant dense<2147483647> : vector<128xi32>
    %reduce_min3A_447 = vector.multi_reduction <minsi>, %select_n3A_445, %reduce_min3A_446 [1] : vector<128x64xi32> to vector<128xi32>
    %eq3A_448 = arith.constant 17 : i32
    %eq3A_449 = vector.broadcast %eq3A_448 : i32 to vector<128x32xi32>
    %eq3A_450 = arith.cmpi eq, %iota3A_13, %eq3A_449 : vector<128x32xi32>
    %broadcast_in_dim3A_451 = vector.shape_cast %reduce_min3A_447 : vector<128xi32> to vector<128x1xi32>
    %lt3A_452 = arith.constant 1073741824 : i32
    %lt3A_453 = vector.broadcast %lt3A_452 : i32 to vector<128x1xi32>
    %lt3A_454 = arith.cmpi slt, %broadcast_in_dim3A_451, %lt3A_453 : vector<128x1xi32>
    %and3A_455 = vector.broadcast %lt3A_454 : vector<128x1xi1> to vector<128x32xi1>
    %and3A_456 = arith.andi %eq3A_450, %and3A_455 : vector<128x32xi1>
    %broadcast_in_dim3A_457 = vector.shape_cast %reduce_min3A_447 : vector<128xi32> to vector<128x1xi32>
    %broadcast_in_dim3A_458 = vector.shape_cast %broadcast_in_dim3A_457 : vector<128x1xi32> to vector<128x1xi32>
    %broadcast_in_dim3A_459 = vector.broadcast %broadcast_in_dim3A_458 : vector<128x1xi32> to vector<128x32xi32>
    %select_n3A_460 = arith.select %and3A_456, %broadcast_in_dim3A_459, %select_n3A_438 : vector<128x32xi1>, vector<128x32xi32>
    %eq3A_461 = arith.constant 18 : i32
    %eq3A_462 = vector.broadcast %eq3A_461 : i32 to vector<128x64xi32>
    %eq3A_463 = arith.cmpi eq, %add3A_59, %eq3A_462 : vector<128x64xi32>
    %and3A_464 = arith.andi %and3A, %eq3A_463 : vector<128x64xi1>
    %jit3A_465 = arith.constant 1073741824 : i32
    %broadcast_in_dim3A_466 = vector.broadcast %jit3A_465 : i32 to vector<128x64xi32>
    %select_n3A_467 = arith.select %and3A_464, %add3A_66, %broadcast_in_dim3A_466 : vector<128x64xi1>, vector<128x64xi32>
    %reduce_min3A_468 = arith.constant dense<2147483647> : vector<128xi32>
    %reduce_min3A_469 = vector.multi_reduction <minsi>, %select_n3A_467, %reduce_min3A_468 [1] : vector<128x64xi32> to vector<128xi32>
    %eq3A_470 = arith.constant 18 : i32
    %eq3A_471 = vector.broadcast %eq3A_470 : i32 to vector<128x32xi32>
    %eq3A_472 = arith.cmpi eq, %iota3A_13, %eq3A_471 : vector<128x32xi32>
    %broadcast_in_dim3A_473 = vector.shape_cast %reduce_min3A_469 : vector<128xi32> to vector<128x1xi32>
    %lt3A_474 = arith.constant 1073741824 : i32
    %lt3A_475 = vector.broadcast %lt3A_474 : i32 to vector<128x1xi32>
    %lt3A_476 = arith.cmpi slt, %broadcast_in_dim3A_473, %lt3A_475 : vector<128x1xi32>
    %and3A_477 = vector.broadcast %lt3A_476 : vector<128x1xi1> to vector<128x32xi1>
    %and3A_478 = arith.andi %eq3A_472, %and3A_477 : vector<128x32xi1>
    %broadcast_in_dim3A_479 = vector.shape_cast %reduce_min3A_469 : vector<128xi32> to vector<128x1xi32>
    %broadcast_in_dim3A_480 = vector.shape_cast %broadcast_in_dim3A_479 : vector<128x1xi32> to vector<128x1xi32>
    %broadcast_in_dim3A_481 = vector.broadcast %broadcast_in_dim3A_480 : vector<128x1xi32> to vector<128x32xi32>
    %select_n3A_482 = arith.select %and3A_478, %broadcast_in_dim3A_481, %select_n3A_460 : vector<128x32xi1>, vector<128x32xi32>
    %eq3A_483 = arith.constant 19 : i32
    %eq3A_484 = vector.broadcast %eq3A_483 : i32 to vector<128x64xi32>
    %eq3A_485 = arith.cmpi eq, %add3A_59, %eq3A_484 : vector<128x64xi32>
    %and3A_486 = arith.andi %and3A, %eq3A_485 : vector<128x64xi1>
    %jit3A_487 = arith.constant 1073741824 : i32
    %broadcast_in_dim3A_488 = vector.broadcast %jit3A_487 : i32 to vector<128x64xi32>
    %select_n3A_489 = arith.select %and3A_486, %add3A_66, %broadcast_in_dim3A_488 : vector<128x64xi1>, vector<128x64xi32>
    %reduce_min3A_490 = arith.constant dense<2147483647> : vector<128xi32>
    %reduce_min3A_491 = vector.multi_reduction <minsi>, %select_n3A_489, %reduce_min3A_490 [1] : vector<128x64xi32> to vector<128xi32>
    %eq3A_492 = arith.constant 19 : i32
    %eq3A_493 = vector.broadcast %eq3A_492 : i32 to vector<128x32xi32>
    %eq3A_494 = arith.cmpi eq, %iota3A_13, %eq3A_493 : vector<128x32xi32>
    %broadcast_in_dim3A_495 = vector.shape_cast %reduce_min3A_491 : vector<128xi32> to vector<128x1xi32>
    %lt3A_496 = arith.constant 1073741824 : i32
    %lt3A_497 = vector.broadcast %lt3A_496 : i32 to vector<128x1xi32>
    %lt3A_498 = arith.cmpi slt, %broadcast_in_dim3A_495, %lt3A_497 : vector<128x1xi32>
    %and3A_499 = vector.broadcast %lt3A_498 : vector<128x1xi1> to vector<128x32xi1>
    %and3A_500 = arith.andi %eq3A_494, %and3A_499 : vector<128x32xi1>
    %broadcast_in_dim3A_501 = vector.shape_cast %reduce_min3A_491 : vector<128xi32> to vector<128x1xi32>
    %broadcast_in_dim3A_502 = vector.shape_cast %broadcast_in_dim3A_501 : vector<128x1xi32> to vector<128x1xi32>
    %broadcast_in_dim3A_503 = vector.broadcast %broadcast_in_dim3A_502 : vector<128x1xi32> to vector<128x32xi32>
    %select_n3A_504 = arith.select %and3A_500, %broadcast_in_dim3A_503, %select_n3A_482 : vector<128x32xi1>, vector<128x32xi32>
    %eq3A_505 = arith.constant 20 : i32
    %eq3A_506 = vector.broadcast %eq3A_505 : i32 to vector<128x64xi32>
    %eq3A_507 = arith.cmpi eq, %add3A_59, %eq3A_506 : vector<128x64xi32>
    %and3A_508 = arith.andi %and3A, %eq3A_507 : vector<128x64xi1>
    %jit3A_509 = arith.constant 1073741824 : i32
    %broadcast_in_dim3A_510 = vector.broadcast %jit3A_509 : i32 to vector<128x64xi32>
    %select_n3A_511 = arith.select %and3A_508, %add3A_66, %broadcast_in_dim3A_510 : vector<128x64xi1>, vector<128x64xi32>
    %reduce_min3A_512 = arith.constant dense<2147483647> : vector<128xi32>
    %reduce_min3A_513 = vector.multi_reduction <minsi>, %select_n3A_511, %reduce_min3A_512 [1] : vector<128x64xi32> to vector<128xi32>
    %eq3A_514 = arith.constant 20 : i32
    %eq3A_515 = vector.broadcast %eq3A_514 : i32 to vector<128x32xi32>
    %eq3A_516 = arith.cmpi eq, %iota3A_13, %eq3A_515 : vector<128x32xi32>
    %broadcast_in_dim3A_517 = vector.shape_cast %reduce_min3A_513 : vector<128xi32> to vector<128x1xi32>
    %lt3A_518 = arith.constant 1073741824 : i32
    %lt3A_519 = vector.broadcast %lt3A_518 : i32 to vector<128x1xi32>
    %lt3A_520 = arith.cmpi slt, %broadcast_in_dim3A_517, %lt3A_519 : vector<128x1xi32>
    %and3A_521 = vector.broadcast %lt3A_520 : vector<128x1xi1> to vector<128x32xi1>
    %and3A_522 = arith.andi %eq3A_516, %and3A_521 : vector<128x32xi1>
    %broadcast_in_dim3A_523 = vector.shape_cast %reduce_min3A_513 : vector<128xi32> to vector<128x1xi32>
    %broadcast_in_dim3A_524 = vector.shape_cast %broadcast_in_dim3A_523 : vector<128x1xi32> to vector<128x1xi32>
    %broadcast_in_dim3A_525 = vector.broadcast %broadcast_in_dim3A_524 : vector<128x1xi32> to vector<128x32xi32>
    %select_n3A_526 = arith.select %and3A_522, %broadcast_in_dim3A_525, %select_n3A_504 : vector<128x32xi1>, vector<128x32xi32>
    %eq3A_527 = arith.constant 21 : i32
    %eq3A_528 = vector.broadcast %eq3A_527 : i32 to vector<128x64xi32>
    %eq3A_529 = arith.cmpi eq, %add3A_59, %eq3A_528 : vector<128x64xi32>
    %and3A_530 = arith.andi %and3A, %eq3A_529 : vector<128x64xi1>
    %jit3A_531 = arith.constant 1073741824 : i32
    %broadcast_in_dim3A_532 = vector.broadcast %jit3A_531 : i32 to vector<128x64xi32>
    %select_n3A_533 = arith.select %and3A_530, %add3A_66, %broadcast_in_dim3A_532 : vector<128x64xi1>, vector<128x64xi32>
    %reduce_min3A_534 = arith.constant dense<2147483647> : vector<128xi32>
    %reduce_min3A_535 = vector.multi_reduction <minsi>, %select_n3A_533, %reduce_min3A_534 [1] : vector<128x64xi32> to vector<128xi32>
    %eq3A_536 = arith.constant 21 : i32
    %eq3A_537 = vector.broadcast %eq3A_536 : i32 to vector<128x32xi32>
    %eq3A_538 = arith.cmpi eq, %iota3A_13, %eq3A_537 : vector<128x32xi32>
    %broadcast_in_dim3A_539 = vector.shape_cast %reduce_min3A_535 : vector<128xi32> to vector<128x1xi32>
    %lt3A_540 = arith.constant 1073741824 : i32
    %lt3A_541 = vector.broadcast %lt3A_540 : i32 to vector<128x1xi32>
    %lt3A_542 = arith.cmpi slt, %broadcast_in_dim3A_539, %lt3A_541 : vector<128x1xi32>
    %and3A_543 = vector.broadcast %lt3A_542 : vector<128x1xi1> to vector<128x32xi1>
    %and3A_544 = arith.andi %eq3A_538, %and3A_543 : vector<128x32xi1>
    %broadcast_in_dim3A_545 = vector.shape_cast %reduce_min3A_535 : vector<128xi32> to vector<128x1xi32>
    %broadcast_in_dim3A_546 = vector.shape_cast %broadcast_in_dim3A_545 : vector<128x1xi32> to vector<128x1xi32>
    %broadcast_in_dim3A_547 = vector.broadcast %broadcast_in_dim3A_546 : vector<128x1xi32> to vector<128x32xi32>
    %select_n3A_548 = arith.select %and3A_544, %broadcast_in_dim3A_547, %select_n3A_526 : vector<128x32xi1>, vector<128x32xi32>
    %eq3A_549 = arith.constant 22 : i32
    %eq3A_550 = vector.broadcast %eq3A_549 : i32 to vector<128x64xi32>
    %eq3A_551 = arith.cmpi eq, %add3A_59, %eq3A_550 : vector<128x64xi32>
    %and3A_552 = arith.andi %and3A, %eq3A_551 : vector<128x64xi1>
    %jit3A_553 = arith.constant 1073741824 : i32
    %broadcast_in_dim3A_554 = vector.broadcast %jit3A_553 : i32 to vector<128x64xi32>
    %select_n3A_555 = arith.select %and3A_552, %add3A_66, %broadcast_in_dim3A_554 : vector<128x64xi1>, vector<128x64xi32>
    %reduce_min3A_556 = arith.constant dense<2147483647> : vector<128xi32>
    %reduce_min3A_557 = vector.multi_reduction <minsi>, %select_n3A_555, %reduce_min3A_556 [1] : vector<128x64xi32> to vector<128xi32>
    %eq3A_558 = arith.constant 22 : i32
    %eq3A_559 = vector.broadcast %eq3A_558 : i32 to vector<128x32xi32>
    %eq3A_560 = arith.cmpi eq, %iota3A_13, %eq3A_559 : vector<128x32xi32>
    %broadcast_in_dim3A_561 = vector.shape_cast %reduce_min3A_557 : vector<128xi32> to vector<128x1xi32>
    %lt3A_562 = arith.constant 1073741824 : i32
    %lt3A_563 = vector.broadcast %lt3A_562 : i32 to vector<128x1xi32>
    %lt3A_564 = arith.cmpi slt, %broadcast_in_dim3A_561, %lt3A_563 : vector<128x1xi32>
    %and3A_565 = vector.broadcast %lt3A_564 : vector<128x1xi1> to vector<128x32xi1>
    %and3A_566 = arith.andi %eq3A_560, %and3A_565 : vector<128x32xi1>
    %broadcast_in_dim3A_567 = vector.shape_cast %reduce_min3A_557 : vector<128xi32> to vector<128x1xi32>
    %broadcast_in_dim3A_568 = vector.shape_cast %broadcast_in_dim3A_567 : vector<128x1xi32> to vector<128x1xi32>
    %broadcast_in_dim3A_569 = vector.broadcast %broadcast_in_dim3A_568 : vector<128x1xi32> to vector<128x32xi32>
    %select_n3A_570 = arith.select %and3A_566, %broadcast_in_dim3A_569, %select_n3A_548 : vector<128x32xi1>, vector<128x32xi32>
    %eq3A_571 = arith.constant 23 : i32
    %eq3A_572 = vector.broadcast %eq3A_571 : i32 to vector<128x64xi32>
    %eq3A_573 = arith.cmpi eq, %add3A_59, %eq3A_572 : vector<128x64xi32>
    %and3A_574 = arith.andi %and3A, %eq3A_573 : vector<128x64xi1>
    %jit3A_575 = arith.constant 1073741824 : i32
    %broadcast_in_dim3A_576 = vector.broadcast %jit3A_575 : i32 to vector<128x64xi32>
    %select_n3A_577 = arith.select %and3A_574, %add3A_66, %broadcast_in_dim3A_576 : vector<128x64xi1>, vector<128x64xi32>
    %reduce_min3A_578 = arith.constant dense<2147483647> : vector<128xi32>
    %reduce_min3A_579 = vector.multi_reduction <minsi>, %select_n3A_577, %reduce_min3A_578 [1] : vector<128x64xi32> to vector<128xi32>
    %eq3A_580 = arith.constant 23 : i32
    %eq3A_581 = vector.broadcast %eq3A_580 : i32 to vector<128x32xi32>
    %eq3A_582 = arith.cmpi eq, %iota3A_13, %eq3A_581 : vector<128x32xi32>
    %broadcast_in_dim3A_583 = vector.shape_cast %reduce_min3A_579 : vector<128xi32> to vector<128x1xi32>
    %lt3A_584 = arith.constant 1073741824 : i32
    %lt3A_585 = vector.broadcast %lt3A_584 : i32 to vector<128x1xi32>
    %lt3A_586 = arith.cmpi slt, %broadcast_in_dim3A_583, %lt3A_585 : vector<128x1xi32>
    %and3A_587 = vector.broadcast %lt3A_586 : vector<128x1xi1> to vector<128x32xi1>
    %and3A_588 = arith.andi %eq3A_582, %and3A_587 : vector<128x32xi1>
    %broadcast_in_dim3A_589 = vector.shape_cast %reduce_min3A_579 : vector<128xi32> to vector<128x1xi32>
    %broadcast_in_dim3A_590 = vector.shape_cast %broadcast_in_dim3A_589 : vector<128x1xi32> to vector<128x1xi32>
    %broadcast_in_dim3A_591 = vector.broadcast %broadcast_in_dim3A_590 : vector<128x1xi32> to vector<128x32xi32>
    %select_n3A_592 = arith.select %and3A_588, %broadcast_in_dim3A_591, %select_n3A_570 : vector<128x32xi1>, vector<128x32xi32>
    %eq3A_593 = arith.constant 24 : i32
    %eq3A_594 = vector.broadcast %eq3A_593 : i32 to vector<128x64xi32>
    %eq3A_595 = arith.cmpi eq, %add3A_59, %eq3A_594 : vector<128x64xi32>
    %and3A_596 = arith.andi %and3A, %eq3A_595 : vector<128x64xi1>
    %jit3A_597 = arith.constant 1073741824 : i32
    %broadcast_in_dim3A_598 = vector.broadcast %jit3A_597 : i32 to vector<128x64xi32>
    %select_n3A_599 = arith.select %and3A_596, %add3A_66, %broadcast_in_dim3A_598 : vector<128x64xi1>, vector<128x64xi32>
    %reduce_min3A_600 = arith.constant dense<2147483647> : vector<128xi32>
    %reduce_min3A_601 = vector.multi_reduction <minsi>, %select_n3A_599, %reduce_min3A_600 [1] : vector<128x64xi32> to vector<128xi32>
    %eq3A_602 = arith.constant 24 : i32
    %eq3A_603 = vector.broadcast %eq3A_602 : i32 to vector<128x32xi32>
    %eq3A_604 = arith.cmpi eq, %iota3A_13, %eq3A_603 : vector<128x32xi32>
    %broadcast_in_dim3A_605 = vector.shape_cast %reduce_min3A_601 : vector<128xi32> to vector<128x1xi32>
    %lt3A_606 = arith.constant 1073741824 : i32
    %lt3A_607 = vector.broadcast %lt3A_606 : i32 to vector<128x1xi32>
    %lt3A_608 = arith.cmpi slt, %broadcast_in_dim3A_605, %lt3A_607 : vector<128x1xi32>
    %and3A_609 = vector.broadcast %lt3A_608 : vector<128x1xi1> to vector<128x32xi1>
    %and3A_610 = arith.andi %eq3A_604, %and3A_609 : vector<128x32xi1>
    %broadcast_in_dim3A_611 = vector.shape_cast %reduce_min3A_601 : vector<128xi32> to vector<128x1xi32>
    %broadcast_in_dim3A_612 = vector.shape_cast %broadcast_in_dim3A_611 : vector<128x1xi32> to vector<128x1xi32>
    %broadcast_in_dim3A_613 = vector.broadcast %broadcast_in_dim3A_612 : vector<128x1xi32> to vector<128x32xi32>
    %select_n3A_614 = arith.select %and3A_610, %broadcast_in_dim3A_613, %select_n3A_592 : vector<128x32xi1>, vector<128x32xi32>
    %eq3A_615 = arith.constant 25 : i32
    %eq3A_616 = vector.broadcast %eq3A_615 : i32 to vector<128x64xi32>
    %eq3A_617 = arith.cmpi eq, %add3A_59, %eq3A_616 : vector<128x64xi32>
    %and3A_618 = arith.andi %and3A, %eq3A_617 : vector<128x64xi1>
    %jit3A_619 = arith.constant 1073741824 : i32
    %broadcast_in_dim3A_620 = vector.broadcast %jit3A_619 : i32 to vector<128x64xi32>
    %select_n3A_621 = arith.select %and3A_618, %add3A_66, %broadcast_in_dim3A_620 : vector<128x64xi1>, vector<128x64xi32>
    %reduce_min3A_622 = arith.constant dense<2147483647> : vector<128xi32>
    %reduce_min3A_623 = vector.multi_reduction <minsi>, %select_n3A_621, %reduce_min3A_622 [1] : vector<128x64xi32> to vector<128xi32>
    %eq3A_624 = arith.constant 25 : i32
    %eq3A_625 = vector.broadcast %eq3A_624 : i32 to vector<128x32xi32>
    %eq3A_626 = arith.cmpi eq, %iota3A_13, %eq3A_625 : vector<128x32xi32>
    %broadcast_in_dim3A_627 = vector.shape_cast %reduce_min3A_623 : vector<128xi32> to vector<128x1xi32>
    %lt3A_628 = arith.constant 1073741824 : i32
    %lt3A_629 = vector.broadcast %lt3A_628 : i32 to vector<128x1xi32>
    %lt3A_630 = arith.cmpi slt, %broadcast_in_dim3A_627, %lt3A_629 : vector<128x1xi32>
    %and3A_631 = vector.broadcast %lt3A_630 : vector<128x1xi1> to vector<128x32xi1>
    %and3A_632 = arith.andi %eq3A_626, %and3A_631 : vector<128x32xi1>
    %broadcast_in_dim3A_633 = vector.shape_cast %reduce_min3A_623 : vector<128xi32> to vector<128x1xi32>
    %broadcast_in_dim3A_634 = vector.shape_cast %broadcast_in_dim3A_633 : vector<128x1xi32> to vector<128x1xi32>
    %broadcast_in_dim3A_635 = vector.broadcast %broadcast_in_dim3A_634 : vector<128x1xi32> to vector<128x32xi32>
    %select_n3A_636 = arith.select %and3A_632, %broadcast_in_dim3A_635, %select_n3A_614 : vector<128x32xi1>, vector<128x32xi32>
    %eq3A_637 = arith.constant 26 : i32
    %eq3A_638 = vector.broadcast %eq3A_637 : i32 to vector<128x64xi32>
    %eq3A_639 = arith.cmpi eq, %add3A_59, %eq3A_638 : vector<128x64xi32>
    %and3A_640 = arith.andi %and3A, %eq3A_639 : vector<128x64xi1>
    %jit3A_641 = arith.constant 1073741824 : i32
    %broadcast_in_dim3A_642 = vector.broadcast %jit3A_641 : i32 to vector<128x64xi32>
    %select_n3A_643 = arith.select %and3A_640, %add3A_66, %broadcast_in_dim3A_642 : vector<128x64xi1>, vector<128x64xi32>
    %reduce_min3A_644 = arith.constant dense<2147483647> : vector<128xi32>
    %reduce_min3A_645 = vector.multi_reduction <minsi>, %select_n3A_643, %reduce_min3A_644 [1] : vector<128x64xi32> to vector<128xi32>
    %eq3A_646 = arith.constant 26 : i32
    %eq3A_647 = vector.broadcast %eq3A_646 : i32 to vector<128x32xi32>
    %eq3A_648 = arith.cmpi eq, %iota3A_13, %eq3A_647 : vector<128x32xi32>
    %broadcast_in_dim3A_649 = vector.shape_cast %reduce_min3A_645 : vector<128xi32> to vector<128x1xi32>
    %lt3A_650 = arith.constant 1073741824 : i32
    %lt3A_651 = vector.broadcast %lt3A_650 : i32 to vector<128x1xi32>
    %lt3A_652 = arith.cmpi slt, %broadcast_in_dim3A_649, %lt3A_651 : vector<128x1xi32>
    %and3A_653 = vector.broadcast %lt3A_652 : vector<128x1xi1> to vector<128x32xi1>
    %and3A_654 = arith.andi %eq3A_648, %and3A_653 : vector<128x32xi1>
    %broadcast_in_dim3A_655 = vector.shape_cast %reduce_min3A_645 : vector<128xi32> to vector<128x1xi32>
    %broadcast_in_dim3A_656 = vector.shape_cast %broadcast_in_dim3A_655 : vector<128x1xi32> to vector<128x1xi32>
    %broadcast_in_dim3A_657 = vector.broadcast %broadcast_in_dim3A_656 : vector<128x1xi32> to vector<128x32xi32>
    %select_n3A_658 = arith.select %and3A_654, %broadcast_in_dim3A_657, %select_n3A_636 : vector<128x32xi1>, vector<128x32xi32>
    %eq3A_659 = arith.constant 27 : i32
    %eq3A_660 = vector.broadcast %eq3A_659 : i32 to vector<128x64xi32>
    %eq3A_661 = arith.cmpi eq, %add3A_59, %eq3A_660 : vector<128x64xi32>
    %and3A_662 = arith.andi %and3A, %eq3A_661 : vector<128x64xi1>
    %jit3A_663 = arith.constant 1073741824 : i32
    %broadcast_in_dim3A_664 = vector.broadcast %jit3A_663 : i32 to vector<128x64xi32>
    %select_n3A_665 = arith.select %and3A_662, %add3A_66, %broadcast_in_dim3A_664 : vector<128x64xi1>, vector<128x64xi32>
    %reduce_min3A_666 = arith.constant dense<2147483647> : vector<128xi32>
    %reduce_min3A_667 = vector.multi_reduction <minsi>, %select_n3A_665, %reduce_min3A_666 [1] : vector<128x64xi32> to vector<128xi32>
    %eq3A_668 = arith.constant 27 : i32
    %eq3A_669 = vector.broadcast %eq3A_668 : i32 to vector<128x32xi32>
    %eq3A_670 = arith.cmpi eq, %iota3A_13, %eq3A_669 : vector<128x32xi32>
    %broadcast_in_dim3A_671 = vector.shape_cast %reduce_min3A_667 : vector<128xi32> to vector<128x1xi32>
    %lt3A_672 = arith.constant 1073741824 : i32
    %lt3A_673 = vector.broadcast %lt3A_672 : i32 to vector<128x1xi32>
    %lt3A_674 = arith.cmpi slt, %broadcast_in_dim3A_671, %lt3A_673 : vector<128x1xi32>
    %and3A_675 = vector.broadcast %lt3A_674 : vector<128x1xi1> to vector<128x32xi1>
    %and3A_676 = arith.andi %eq3A_670, %and3A_675 : vector<128x32xi1>
    %broadcast_in_dim3A_677 = vector.shape_cast %reduce_min3A_667 : vector<128xi32> to vector<128x1xi32>
    %broadcast_in_dim3A_678 = vector.shape_cast %broadcast_in_dim3A_677 : vector<128x1xi32> to vector<128x1xi32>
    %broadcast_in_dim3A_679 = vector.broadcast %broadcast_in_dim3A_678 : vector<128x1xi32> to vector<128x32xi32>
    %select_n3A_680 = arith.select %and3A_676, %broadcast_in_dim3A_679, %select_n3A_658 : vector<128x32xi1>, vector<128x32xi32>
    %eq3A_681 = arith.constant 28 : i32
    %eq3A_682 = vector.broadcast %eq3A_681 : i32 to vector<128x64xi32>
    %eq3A_683 = arith.cmpi eq, %add3A_59, %eq3A_682 : vector<128x64xi32>
    %and3A_684 = arith.andi %and3A, %eq3A_683 : vector<128x64xi1>
    %jit3A_685 = arith.constant 1073741824 : i32
    %broadcast_in_dim3A_686 = vector.broadcast %jit3A_685 : i32 to vector<128x64xi32>
    %select_n3A_687 = arith.select %and3A_684, %add3A_66, %broadcast_in_dim3A_686 : vector<128x64xi1>, vector<128x64xi32>
    %reduce_min3A_688 = arith.constant dense<2147483647> : vector<128xi32>
    %reduce_min3A_689 = vector.multi_reduction <minsi>, %select_n3A_687, %reduce_min3A_688 [1] : vector<128x64xi32> to vector<128xi32>
    %eq3A_690 = arith.constant 28 : i32
    %eq3A_691 = vector.broadcast %eq3A_690 : i32 to vector<128x32xi32>
    %eq3A_692 = arith.cmpi eq, %iota3A_13, %eq3A_691 : vector<128x32xi32>
    %broadcast_in_dim3A_693 = vector.shape_cast %reduce_min3A_689 : vector<128xi32> to vector<128x1xi32>
    %lt3A_694 = arith.constant 1073741824 : i32
    %lt3A_695 = vector.broadcast %lt3A_694 : i32 to vector<128x1xi32>
    %lt3A_696 = arith.cmpi slt, %broadcast_in_dim3A_693, %lt3A_695 : vector<128x1xi32>
    %and3A_697 = vector.broadcast %lt3A_696 : vector<128x1xi1> to vector<128x32xi1>
    %and3A_698 = arith.andi %eq3A_692, %and3A_697 : vector<128x32xi1>
    %broadcast_in_dim3A_699 = vector.shape_cast %reduce_min3A_689 : vector<128xi32> to vector<128x1xi32>
    %broadcast_in_dim3A_700 = vector.shape_cast %broadcast_in_dim3A_699 : vector<128x1xi32> to vector<128x1xi32>
    %broadcast_in_dim3A_701 = vector.broadcast %broadcast_in_dim3A_700 : vector<128x1xi32> to vector<128x32xi32>
    %select_n3A_702 = arith.select %and3A_698, %broadcast_in_dim3A_701, %select_n3A_680 : vector<128x32xi1>, vector<128x32xi32>
    %eq3A_703 = arith.constant 29 : i32
    %eq3A_704 = vector.broadcast %eq3A_703 : i32 to vector<128x64xi32>
    %eq3A_705 = arith.cmpi eq, %add3A_59, %eq3A_704 : vector<128x64xi32>
    %and3A_706 = arith.andi %and3A, %eq3A_705 : vector<128x64xi1>
    %jit3A_707 = arith.constant 1073741824 : i32
    %broadcast_in_dim3A_708 = vector.broadcast %jit3A_707 : i32 to vector<128x64xi32>
    %select_n3A_709 = arith.select %and3A_706, %add3A_66, %broadcast_in_dim3A_708 : vector<128x64xi1>, vector<128x64xi32>
    %reduce_min3A_710 = arith.constant dense<2147483647> : vector<128xi32>
    %reduce_min3A_711 = vector.multi_reduction <minsi>, %select_n3A_709, %reduce_min3A_710 [1] : vector<128x64xi32> to vector<128xi32>
    %eq3A_712 = arith.constant 29 : i32
    %eq3A_713 = vector.broadcast %eq3A_712 : i32 to vector<128x32xi32>
    %eq3A_714 = arith.cmpi eq, %iota3A_13, %eq3A_713 : vector<128x32xi32>
    %broadcast_in_dim3A_715 = vector.shape_cast %reduce_min3A_711 : vector<128xi32> to vector<128x1xi32>
    %lt3A_716 = arith.constant 1073741824 : i32
    %lt3A_717 = vector.broadcast %lt3A_716 : i32 to vector<128x1xi32>
    %lt3A_718 = arith.cmpi slt, %broadcast_in_dim3A_715, %lt3A_717 : vector<128x1xi32>
    %and3A_719 = vector.broadcast %lt3A_718 : vector<128x1xi1> to vector<128x32xi1>
    %and3A_720 = arith.andi %eq3A_714, %and3A_719 : vector<128x32xi1>
    %broadcast_in_dim3A_721 = vector.shape_cast %reduce_min3A_711 : vector<128xi32> to vector<128x1xi32>
    %broadcast_in_dim3A_722 = vector.shape_cast %broadcast_in_dim3A_721 : vector<128x1xi32> to vector<128x1xi32>
    %broadcast_in_dim3A_723 = vector.broadcast %broadcast_in_dim3A_722 : vector<128x1xi32> to vector<128x32xi32>
    %select_n3A_724 = arith.select %and3A_720, %broadcast_in_dim3A_723, %select_n3A_702 : vector<128x32xi1>, vector<128x32xi32>
    %eq3A_725 = arith.constant 30 : i32
    %eq3A_726 = vector.broadcast %eq3A_725 : i32 to vector<128x64xi32>
    %eq3A_727 = arith.cmpi eq, %add3A_59, %eq3A_726 : vector<128x64xi32>
    %and3A_728 = arith.andi %and3A, %eq3A_727 : vector<128x64xi1>
    %jit3A_729 = arith.constant 1073741824 : i32
    %broadcast_in_dim3A_730 = vector.broadcast %jit3A_729 : i32 to vector<128x64xi32>
    %select_n3A_731 = arith.select %and3A_728, %add3A_66, %broadcast_in_dim3A_730 : vector<128x64xi1>, vector<128x64xi32>
    %reduce_min3A_732 = arith.constant dense<2147483647> : vector<128xi32>
    %reduce_min3A_733 = vector.multi_reduction <minsi>, %select_n3A_731, %reduce_min3A_732 [1] : vector<128x64xi32> to vector<128xi32>
    %eq3A_734 = arith.constant 30 : i32
    %eq3A_735 = vector.broadcast %eq3A_734 : i32 to vector<128x32xi32>
    %eq3A_736 = arith.cmpi eq, %iota3A_13, %eq3A_735 : vector<128x32xi32>
    %broadcast_in_dim3A_737 = vector.shape_cast %reduce_min3A_733 : vector<128xi32> to vector<128x1xi32>
    %lt3A_738 = arith.constant 1073741824 : i32
    %lt3A_739 = vector.broadcast %lt3A_738 : i32 to vector<128x1xi32>
    %lt3A_740 = arith.cmpi slt, %broadcast_in_dim3A_737, %lt3A_739 : vector<128x1xi32>
    %and3A_741 = vector.broadcast %lt3A_740 : vector<128x1xi1> to vector<128x32xi1>
    %and3A_742 = arith.andi %eq3A_736, %and3A_741 : vector<128x32xi1>
    %broadcast_in_dim3A_743 = vector.shape_cast %reduce_min3A_733 : vector<128xi32> to vector<128x1xi32>
    %broadcast_in_dim3A_744 = vector.shape_cast %broadcast_in_dim3A_743 : vector<128x1xi32> to vector<128x1xi32>
    %broadcast_in_dim3A_745 = vector.broadcast %broadcast_in_dim3A_744 : vector<128x1xi32> to vector<128x32xi32>
    %select_n3A_746 = arith.select %and3A_742, %broadcast_in_dim3A_745, %select_n3A_724 : vector<128x32xi1>, vector<128x32xi32>
    %eq3A_747 = arith.constant 31 : i32
    %eq3A_748 = vector.broadcast %eq3A_747 : i32 to vector<128x64xi32>
    %eq3A_749 = arith.cmpi eq, %add3A_59, %eq3A_748 : vector<128x64xi32>
    %and3A_750 = arith.andi %and3A, %eq3A_749 : vector<128x64xi1>
    %jit3A_751 = arith.constant 1073741824 : i32
    %broadcast_in_dim3A_752 = vector.broadcast %jit3A_751 : i32 to vector<128x64xi32>
    %select_n3A_753 = arith.select %and3A_750, %add3A_66, %broadcast_in_dim3A_752 : vector<128x64xi1>, vector<128x64xi32>
    %reduce_min3A_754 = arith.constant dense<2147483647> : vector<128xi32>
    %reduce_min3A_755 = vector.multi_reduction <minsi>, %select_n3A_753, %reduce_min3A_754 [1] : vector<128x64xi32> to vector<128xi32>
    %eq3A_756 = arith.constant 31 : i32
    %eq3A_757 = vector.broadcast %eq3A_756 : i32 to vector<128x32xi32>
    %eq3A_758 = arith.cmpi eq, %iota3A_13, %eq3A_757 : vector<128x32xi32>
    %broadcast_in_dim3A_759 = vector.shape_cast %reduce_min3A_755 : vector<128xi32> to vector<128x1xi32>
    %lt3A_760 = arith.constant 1073741824 : i32
    %lt3A_761 = vector.broadcast %lt3A_760 : i32 to vector<128x1xi32>
    %lt3A_762 = arith.cmpi slt, %broadcast_in_dim3A_759, %lt3A_761 : vector<128x1xi32>
    %and3A_763 = vector.broadcast %lt3A_762 : vector<128x1xi1> to vector<128x32xi1>
    %and3A_764 = arith.andi %eq3A_758, %and3A_763 : vector<128x32xi1>
    %broadcast_in_dim3A_765 = vector.shape_cast %reduce_min3A_755 : vector<128xi32> to vector<128x1xi32>
    %broadcast_in_dim3A_766 = vector.shape_cast %broadcast_in_dim3A_765 : vector<128x1xi32> to vector<128x1xi32>
    %broadcast_in_dim3A_767 = vector.broadcast %broadcast_in_dim3A_766 : vector<128x1xi32> to vector<128x32xi32>
    %select_n3A_768 = arith.select %and3A_764, %broadcast_in_dim3A_767, %select_n3A_746 : vector<128x32xi1>, vector<128x32xi32>
    %swap3A_769 = arith.constant 0 : index
    %swap3A_770 = arith.constant 0 : index
    %swap3A_771 = arith.constant 0 : index
    %swap3A_772 = vector.load %arg3[%swap3A_769, %swap3A_770, %swap3A_771] : memref<1x128x32xi32, #tpu.memory_space<vmem>>, vector<1x128x32xi32>
    %swap3A_773 = vector.shape_cast %swap3A_772 : vector<1x128x32xi32> to vector<128x32xi32>
    %swap3A_774 = vector.shape_cast %select_n3A_768 : vector<128x32xi32> to vector<1x128x32xi32>
    tpu.vector_store %arg3[%swap3A_769, %swap3A_770, %swap3A_771], %swap3A_774 {strides = array<i32>} : memref<1x128x32xi32, #tpu.memory_space<vmem>>, vector<1x128x32xi32>,
    return
  }
  func.func @transform_0(%arg0: i32, %arg1: i32) -> (i32, i32, i32) {
    %add3A = arith.constant 4 : i32
    %add3A_0 = arith.addi %arg0, %add3A : i32
    %c0_i32 = arith.constant 0 : i32
    %c0_i32_1 = arith.constant 0 : i32
    return %add3A_0, %arg1, %c0_i32 : i32, i32, i32
  }
  func.func @transform_1(%arg0: i32, %arg1: i32) -> (i32, i32, i32) {
    %c0_i32 = arith.constant 0 : i32
    %c0_i32_0 = arith.constant 0 : i32
    return %arg0, %arg1, %c0_i32 : i32, i32, i32
  }
}

module attributes {stable_mosaic.version = 14 : i64} {
  func.func @_ballq_body(%arg0: i32, %arg1: i32, %arg2: memref<1x128x4096xf32, #tpu.memory_space<vmem>>, %arg3: memref<1x128x32xi32, #tpu.memory_space<vmem>>, %arg4: memref<128x4096xf32, #tpu.memory_space<vmem>>) attributes {dimension_semantics = [#tpu.dimension_semantics<arbitrary>, #tpu.dimension_semantics<arbitrary>], iteration_bounds = array<i64: 4, 4>, scalar_prefetch = 0 : i64, scratch_operands = 1 : i64, tpu.core_type = #tpu.core_type<tc>, window_params = [{transform_indices = @transform_0, window_bounds = array<i64: 1, 128, 4096>}, {transform_indices = @transform_1, window_bounds = array<i64: 1, 128, 32>}]} {
    %add3A = arith.constant 0 : i32
    %add3A_0 = arith.addi %arg0, %add3A : i32
    %get3A = arith.constant 0 : index
    %get3A_1 = arith.constant 0 : index
    %get3A_2 = arith.constant 0 : index
    %get3A_3 = vector.load %arg2[%get3A, %get3A_1, %get3A_2] : memref<1x128x4096xf32, #tpu.memory_space<vmem>>, vector<1x128x4096xf32>
    %get3A_4 = vector.shape_cast %get3A_3 : vector<1x128x4096xf32> to vector<128x4096xf32>
    %iota3A = tpu.iota {dimensions = array<i32: 1>} : vector<128x4096xi32>
    %lt3A = arith.constant 4.000000e-02 : f32
    %lt3A_5 = vector.broadcast %lt3A : f32 to vector<128x4096xf32>
    %lt3A_6 = arith.cmpf olt, %get3A_4, %lt3A_5 : vector<128x4096xf32>
    %convert_element_type3A = arith.sitofp %iota3A : vector<128x4096xi32> to vector<128x4096xf32>
    %add3A_7 = arith.constant 1.000000e+00 : f32
    %add3A_8 = vector.broadcast %add3A_7 : f32 to vector<128x4096xf32>
    %add3A_9 = arith.addf %add3A_8, %convert_element_type3A : vector<128x4096xf32>
    %select_n3A = arith.select %lt3A_6, %get3A_4, %add3A_9 : vector<128x4096xi1>, vector<128x4096xf32>
    %swap3A = arith.constant 0 : index
    %swap3A_10 = arith.constant 0 : index
    %swap3A_11 = vector.load %arg4[%swap3A, %swap3A_10] : memref<128x4096xf32, #tpu.memory_space<vmem>>, vector<128x4096xf32>
    tpu.vector_store %arg4[%swap3A, %swap3A_10], %select_n3A {strides = array<i32>} : memref<128x4096xf32, #tpu.memory_space<vmem>>, vector<128x4096xf32>,
    %mul3A = arith.constant 4096 : i32
    %mul3A_12 = arith.muli %add3A_0, %mul3A : i32
    %iota3A_13 = tpu.iota {dimensions = array<i32: 1>} : vector<128x32xi32>
    %broadcast_in_dim3A = arith.constant 0 : i32
    %broadcast_in_dim3A_14 = vector.broadcast %broadcast_in_dim3A : i32 to vector<128x32xi32>
    %broadcast_in_dim3A_15 = arith.constant 0 : i32
    %broadcast_in_dim3A_16 = vector.broadcast %broadcast_in_dim3A_15 : i32 to vector<128xi32>
    %reduce_min3A = arith.constant dense<0x7F800000> : vector<128xf32>
    %reduce_min3A_17 = vector.multi_reduction <minimumf>, %select_n3A, %reduce_min3A [1] : vector<128x4096xf32> to vector<128xf32>
    %while3A = arith.constant 1.000000e+00 : f32
    %while3A_18 = arith.constant 1.000000e+00 : f32
    %while3A_19 = arith.constant 0x7F800000 : f32
    %while3A_20:3 = scf.while (%while3A_775 = %broadcast_in_dim3A_14, %while3A_776 = %broadcast_in_dim3A_16, %while3A_777 = %reduce_min3A_17) : (vector<128x32xi32>, vector<128xi32>, vector<128xf32>) -> (vector<128x32xi32>, vector<128xi32>, vector<128xf32>) {
      %reduce_min3A_778 = vector.shape_cast %while3A_777 : vector<128xf32> to vector<1x128xf32>
      %reduce_min3A_779 = arith.constant dense<0x7F800000> : vector<1xf32>
      %reduce_min3A_780 = vector.multi_reduction <minimumf>, %reduce_min3A_778, %reduce_min3A_779 [1] : vector<1x128xf32> to vector<1xf32>
      %reduce_min3A_781 = vector.shape_cast %reduce_min3A_780 : vector<1xf32> to vector<1x1xf32>
      %reduce_min3A_782 = vector.extract %reduce_min3A_781[0, 0] : f32 from vector<1x1xf32>
      %lt3A_783 = arith.cmpf olt, %reduce_min3A_782, %while3A : f32
      scf.condition(%lt3A_783) %while3A_775, %while3A_776, %while3A_777 : vector<128x32xi32>, vector<128xi32>, vector<128xf32>
    } do {
    ^bb0(%while3A_775: vector<128x32xi32>, %while3A_776: vector<128xi32>, %while3A_777: vector<128xf32>):
      %get3A_778 = arith.constant 0 : index
      %get3A_779 = arith.constant 0 : index
      %get3A_780 = vector.load %arg4[%get3A_778, %get3A_779] : memref<128x4096xf32, #tpu.memory_space<vmem>>, vector<128x4096xf32>
      %broadcast_in_dim3A_781 = vector.shape_cast %while3A_777 : vector<128xf32> to vector<128x1xf32>
      %eq3A_782 = vector.broadcast %broadcast_in_dim3A_781 : vector<128x1xf32> to vector<128x4096xf32>
      %eq3A_783 = arith.cmpf oeq, %get3A_780, %eq3A_782 : vector<128x4096xf32>
      %jit3A_784 = arith.constant 4096 : i32
      %broadcast_in_dim3A_785 = vector.broadcast %jit3A_784 : i32 to vector<128x4096xi32>
      %select_n3A_786 = arith.select %eq3A_783, %iota3A, %broadcast_in_dim3A_785 : vector<128x4096xi1>, vector<128x4096xi32>
      %reduce_min3A_787 = arith.constant dense<2147483647> : vector<128xi32>
      %reduce_min3A_788 = vector.multi_reduction <minsi>, %select_n3A_786, %reduce_min3A_787 [1] : vector<128x4096xi32> to vector<128xi32>
      %lt3A_789 = vector.broadcast %while3A_18 : f32 to vector<128xf32>
      %lt3A_790 = arith.cmpf olt, %while3A_777, %lt3A_789 : vector<128xf32>
      %broadcast_in_dim3A_791 = vector.shape_cast %while3A_776 : vector<128xi32> to vector<128x1xi32>
      %eq3A_792 = vector.broadcast %broadcast_in_dim3A_791 : vector<128x1xi32> to vector<128x32xi32>
      %eq3A_793 = arith.cmpi eq, %iota3A_13, %eq3A_792 : vector<128x32xi32>
      %broadcast_in_dim3A_794 = vector.shape_cast %lt3A_790 : vector<128xi1> to vector<128x1xi1>
      %and3A_795 = vector.broadcast %broadcast_in_dim3A_794 : vector<128x1xi1> to vector<128x32xi1>
      %and3A_796 = arith.andi %eq3A_793, %and3A_795 : vector<128x32xi1>
      %add3A_797 = vector.broadcast %mul3A_12 : i32 to vector<128xi32>
      %add3A_798 = arith.addi %reduce_min3A_788, %add3A_797 : vector<128xi32>
      %broadcast_in_dim3A_799 = vector.shape_cast %add3A_798 : vector<128xi32> to vector<128x1xi32>
      %broadcast_in_dim3A_800 = vector.shape_cast %broadcast_in_dim3A_799 : vector<128x1xi32> to vector<128x1xi32>
      %broadcast_in_dim3A_801 = vector.broadcast %broadcast_in_dim3A_800 : vector<128x1xi32> to vector<128x32xi32>
      %select_n3A_802 = arith.select %and3A_796, %broadcast_in_dim3A_801, %while3A_775 : vector<128x32xi1>, vector<128x32xi32>
      %convert_element_type3A_803 = arith.extui %lt3A_790 : vector<128xi1> to vector<128xi32>
      %add3A_804 = arith.addi %while3A_776, %convert_element_type3A_803 : vector<128xi32>
      %broadcast_in_dim3A_805 = vector.shape_cast %reduce_min3A_788 : vector<128xi32> to vector<128x1xi32>
      %eq3A_806 = vector.broadcast %broadcast_in_dim3A_805 : vector<128x1xi32> to vector<128x4096xi32>
      %eq3A_807 = arith.cmpi eq, %iota3A, %eq3A_806 : vector<128x4096xi32>
      %broadcast_in_dim3A_808 = vector.shape_cast %lt3A_790 : vector<128xi1> to vector<128x1xi1>
      %and3A_809 = vector.broadcast %broadcast_in_dim3A_808 : vector<128x1xi1> to vector<128x4096xi1>
      %and3A_810 = arith.andi %eq3A_807, %and3A_809 : vector<128x4096xi1>
      %broadcast_in_dim3A_811 = vector.broadcast %while3A_19 : f32 to vector<128x4096xf32>
      %select_n3A_812 = arith.select %and3A_810, %broadcast_in_dim3A_811, %get3A_780 : vector<128x4096xi1>, vector<128x4096xf32>
      %swap3A_813 = arith.constant 0 : index
      %swap3A_814 = arith.constant 0 : index
      %swap3A_815 = vector.load %arg4[%swap3A_813, %swap3A_814] : memref<128x4096xf32, #tpu.memory_space<vmem>>, vector<128x4096xf32>
      tpu.vector_store %arg4[%swap3A_813, %swap3A_814], %select_n3A_812 {strides = array<i32>} : memref<128x4096xf32, #tpu.memory_space<vmem>>, vector<128x4096xf32>,
      %reduce_min3A_816 = arith.constant dense<0x7F800000> : vector<128xf32>
      %reduce_min3A_817 = vector.multi_reduction <minimumf>, %select_n3A_812, %reduce_min3A_816 [1] : vector<128x4096xf32> to vector<128xf32>
      scf.yield %select_n3A_802, %add3A_804, %reduce_min3A_817 : vector<128x32xi32>, vector<128xi32>, vector<128xf32>
    }
    %iota3A_21 = tpu.iota {dimensions = array<i32: 1>} : vector<128x64xi32>
    %get3A_22 = arith.constant 0 : index
    %get3A_23 = arith.constant 0 : index
    %get3A_24 = vector.load %arg4[%get3A_22, %get3A_23] : memref<128x4096xf32, #tpu.memory_space<vmem>>, vector<128x64xf32>
    %lt3A_25 = arith.constant 1.000000e+30 : f32
    %lt3A_26 = vector.broadcast %lt3A_25 : f32 to vector<128x64xf32>
    %lt3A_27 = arith.cmpf olt, %get3A_24, %lt3A_26 : vector<128x64xf32>
    %convert_element_type3A_28 = arith.extui %lt3A_27 : vector<128x64xi1> to vector<128x64xi32>
    %broadcast_in_dim3A_29 = arith.constant 0 : i32
    %broadcast_in_dim3A_30 = vector.broadcast %broadcast_in_dim3A_29 : i32 to vector<128x1xi32>
    %slice3A = vector.extract_strided_slice %convert_element_type3A_28 {offsets = [0, 0], sizes = [128, 63], strides = [1, 1]} : vector<128x64xi32> to vector<128x63xi32>
    %concatenate3A = tpu.concatenate %broadcast_in_dim3A_30, %slice3A in 1 : vector<128x1xi32>, vector<128x63xi32> -> vector<128x64xi32>
    %add3A_31 = arith.addi %convert_element_type3A_28, %concatenate3A : vector<128x64xi32>
    %broadcast_in_dim3A_32 = arith.constant 0 : i32
    %broadcast_in_dim3A_33 = vector.broadcast %broadcast_in_dim3A_32 : i32 to vector<128x2xi32>
    %slice3A_34 = vector.extract_strided_slice %add3A_31 {offsets = [0, 0], sizes = [128, 62], strides = [1, 1]} : vector<128x64xi32> to vector<128x62xi32>
    %concatenate3A_35 = tpu.concatenate %broadcast_in_dim3A_33, %slice3A_34 in 1 : vector<128x2xi32>, vector<128x62xi32> -> vector<128x64xi32>
    %add3A_36 = arith.addi %add3A_31, %concatenate3A_35 : vector<128x64xi32>
    %broadcast_in_dim3A_37 = arith.constant 0 : i32
    %broadcast_in_dim3A_38 = vector.broadcast %broadcast_in_dim3A_37 : i32 to vector<128x4xi32>
    %slice3A_39 = vector.extract_strided_slice %add3A_36 {offsets = [0, 0], sizes = [128, 60], strides = [1, 1]} : vector<128x64xi32> to vector<128x60xi32>
    %concatenate3A_40 = tpu.concatenate %broadcast_in_dim3A_38, %slice3A_39 in 1 : vector<128x4xi32>, vector<128x60xi32> -> vector<128x64xi32>
    %add3A_41 = arith.addi %add3A_36, %concatenate3A_40 : vector<128x64xi32>
    %broadcast_in_dim3A_42 = arith.constant 0 : i32
    %broadcast_in_dim3A_43 = vector.broadcast %broadcast_in_dim3A_42 : i32 to vector<128x8xi32>
    %slice3A_44 = vector.extract_strided_slice %add3A_41 {offsets = [0, 0], sizes = [128, 56], strides = [1, 1]} : vector<128x64xi32> to vector<128x56xi32>
    %concatenate3A_45 = tpu.concatenate %broadcast_in_dim3A_43, %slice3A_44 in 1 : vector<128x8xi32>, vector<128x56xi32> -> vector<128x64xi32>
    %add3A_46 = arith.addi %add3A_41, %concatenate3A_45 : vector<128x64xi32>
    %broadcast_in_dim3A_47 = arith.constant 0 : i32
    %broadcast_in_dim3A_48 = vector.broadcast %broadcast_in_dim3A_47 : i32 to vector<128x16xi32>
    %slice3A_49 = vector.extract_strided_slice %add3A_46 {offsets = [0, 0], sizes = [128, 48], strides = [1, 1]} : vector<128x64xi32> to vector<128x48xi32>
    %concatenate3A_50 = tpu.concatenate %broadcast_in_dim3A_48, %slice3A_49 in 1 : vector<128x16xi32>, vector<128x48xi32> -> vector<128x64xi32>
    %add3A_51 = arith.addi %add3A_46, %concatenate3A_50 : vector<128x64xi32>
    %broadcast_in_dim3A_52 = arith.constant 0 : i32
    %broadcast_in_dim3A_53 = vector.broadcast %broadcast_in_dim3A_52 : i32 to vector<128x32xi32>
    %slice3A_54 = vector.extract_strided_slice %add3A_51 {offsets = [0, 0], sizes = [128, 32], strides = [1, 1]} : vector<128x64xi32> to vector<128x32xi32>
    %concatenate3A_55 = tpu.concatenate %broadcast_in_dim3A_53, %slice3A_54 in 1 : vector<128x32xi32>, vector<128x32xi32> -> vector<128x64xi32>
    %add3A_56 = arith.addi %add3A_51, %concatenate3A_55 : vector<128x64xi32>
    %broadcast_in_dim3A_57 = vector.shape_cast %while3A_20#1 : vector<128xi32> to vector<128x1xi32>
    %sub3A = arith.subi %add3A_56, %convert_element_type3A_28 : vector<128x64xi32>
    %add3A_58 = vector.broadcast %broadcast_in_dim3A_57 : vector<128x1xi32> to vector<128x64xi32>
    %add3A_59 = arith.addi %add3A_58, %sub3A : vector<128x64xi32>
    %gt3A = arith.constant 0 : i32
    %gt3A_60 = vector.broadcast %gt3A : i32 to vector<128x64xi32>
    %gt3A_61 = arith.cmpi sgt, %convert_element_type3A_28, %gt3A_60 : vector<128x64xi32>
    %lt3A_62 = arith.constant 32 : i32
    %lt3A_63 = vector.broadcast %lt3A_62 : i32 to vector<128x64xi32>
    %lt3A_64 = arith.cmpi slt, %add3A_59, %lt3A_63 : vector<128x64xi32>
    %and3A = arith.andi %gt3A_61, %lt3A_64 : vector<128x64xi1>
    %add3A_65 = vector.broadcast %mul3A_12 : i32 to vector<128x64xi32>
    %add3A_66 = arith.addi %iota3A_21, %add3A_65 : vector<128x64xi32>
    %eq3A = arith.constant 0 : i32
    %eq3A_67 = vector.broadcast %eq3A : i32 to vector<128x64xi32>
    %eq3A_68 = arith.cmpi eq, %add3A_59, %eq3A_67 : vector<128x64xi32>
    %and3A_69 = arith.andi %and3A, %eq3A_68 : vector<128x64xi1>
    %jit3A = arith.constant 1073741824 : i32
    %broadcast_in_dim3A_70 = vector.broadcast %jit3A : i32 to vector<128x64xi32>
    %select_n3A_71 = arith.select %and3A_69, %add3A_66, %broadcast_in_dim3A_70 : vector<128x64xi1>, vector<128x64xi32>
    %reduce_min3A_72 = arith.constant dense<2147483647> : vector<128xi32>
    %reduce_min3A_73 = vector.multi_reduction <minsi>, %select_n3A_71, %reduce_min3A_72 [1] : vector<128x64xi32> to vector<128xi32>
    %eq3A_74 = arith.constant 0 : i32
    %eq3A_75 = vector.broadcast %eq3A_74 : i32 to vector<128x32xi32>
    %eq3A_76 = arith.cmpi eq, %iota3A_13, %eq3A_75 : vector<128x32xi32>
    %broadcast_in_dim3A_77 = vector.shape_cast %reduce_min3A_73 : vector<128xi32> to vector<128x1xi32>
    %lt3A_78 = arith.constant 1073741824 : i32
    %lt3A_79 = vector.broadcast %lt3A_78 : i32 to vector<128x1xi32>
    %lt3A_80 = arith.cmpi slt, %broadcast_in_dim3A_77, %lt3A_79 : vector<128x1xi32>
    %and3A_81 = vector.broadcast %lt3A_80 : vector<128x1xi1> to vector<128x32xi1>
    %and3A_82 = arith.andi %eq3A_76, %and3A_81 : vector<128x32xi1>
    %broadcast_in_dim3A_83 = vector.shape_cast %reduce_min3A_73 : vector<128xi32> to vector<128x1xi32>
    %broadcast_in_dim3A_84 = vector.shape_cast %broadcast_in_dim3A_83 : vector<128x1xi32> to vector<128x1xi32>
    %broadcast_in_dim3A_85 = vector.broadcast %broadcast_in_dim3A_84 : vector<128x1xi32> to vector<128x32xi32>
    %select_n3A_86 = arith.select %and3A_82, %broadcast_in_dim3A_85, %while3A_20#0 : vector<128x32xi1>, vector<128x32xi32>
    %eq3A_87 = arith.constant 1 : i32
    %eq3A_88 = vector.broadcast %eq3A_87 : i32 to vector<128x64xi32>
    %eq3A_89 = arith.cmpi eq, %add3A_59, %eq3A_88 : vector<128x64xi32>
    %and3A_90 = arith.andi %and3A, %eq3A_89 : vector<128x64xi1>
    %jit3A_91 = arith.constant 1073741824 : i32
    %broadcast_in_dim3A_92 = vector.broadcast %jit3A_91 : i32 to vector<128x64xi32>
    %select_n3A_93 = arith.select %and3A_90, %add3A_66, %broadcast_in_dim3A_92 : vector<128x64xi1>, vector<128x64xi32>
    %reduce_min3A_94 = arith.constant dense<2147483647> : vector<128xi32>
    %reduce_min3A_95 = vector.multi_reduction <minsi>, %select_n3A_93, %reduce_min3A_94 [1] : vector<128x64xi32> to vector<128xi32>
    %eq3A_96 = arith.constant 1 : i32
    %eq3A_97 = vector.broadcast %eq3A_96 : i32 to vector<128x32xi32>
    %eq3A_98 = arith.cmpi eq, %iota3A_13, %eq3A_97 : vector<128x32xi32>
    %broadcast_in_dim3A_99 = vector.shape_cast %reduce_min3A_95 : vector<128xi32> to vector<128x1xi32>
    %lt3A_100 = arith.constant 1073741824 : i32
    %lt3A_101 = vector.broadcast %lt3A_100 : i32 to vector<128x1xi32>
    %lt3A_102 = arith.cmpi slt, %broadcast_in_dim3A_99, %lt3A_101 : vector<128x1xi32>
    %and3A_103 = vector.broadcast %lt3A_102 : vector<128x1xi1> to vector<128x32xi1>
    %and3A_104 = arith.andi %eq3A_98, %and3A_103 : vector<128x32xi1>
    %broadcast_in_dim3A_105 = vector.shape_cast %reduce_min3A_95 : vector<128xi32> to vector<128x1xi32>
    %broadcast_in_dim3A_106 = vector.shape_cast %broadcast_in_dim3A_105 : vector<128x1xi32> to vector<128x1xi32>
    %broadcast_in_dim3A_107 = vector.broadcast %broadcast_in_dim3A_106 : vector<128x1xi32> to vector<128x32xi32>
    %select_n3A_108 = arith.select %and3A_104, %broadcast_in_dim3A_107, %select_n3A_86 : vector<128x32xi1>, vector<128x32xi32>
    %eq3A_109 = arith.constant 2 : i32
    %eq3A_110 = vector.broadcast %eq3A_109 : i32 to vector<128x64xi32>
    %eq3A_111 = arith.cmpi eq, %add3A_59, %eq3A_110 : vector<128x64xi32>
    %and3A_112 = arith.andi %and3A, %eq3A_111 : vector<128x64xi1>
    %jit3A_113 = arith.constant 1073741824 : i32
    %broadcast_in_dim3A_114 = vector.broadcast %jit3A_113 : i32 to vector<128x64xi32>
    %select_n3A_115 = arith.select %and3A_112, %add3A_66, %broadcast_in_dim3A_114 : vector<128x64xi1>, vector<128x64xi32>
    %reduce_min3A_116 = arith.constant dense<2147483647> : vector<128xi32>
    %reduce_min3A_117 = vector.multi_reduction <minsi>, %select_n3A_115, %reduce_min3A_116 [1] : vector<128x64xi32> to vector<128xi32>
    %eq3A_118 = arith.constant 2 : i32
    %eq3A_119 = vector.broadcast %eq3A_118 : i32 to vector<128x32xi32>
    %eq3A_120 = arith.cmpi eq, %iota3A_13, %eq3A_119 : vector<128x32xi32>
    %broadcast_in_dim3A_121 = vector.shape_cast %reduce_min3A_117 : vector<128xi32> to vector<128x1xi32>
    %lt3A_122 = arith.constant 1073741824 : i32
    %lt3A_123 = vector.broadcast %lt3A_122 : i32 to vector<128x1xi32>
    %lt3A_124 = arith.cmpi slt, %broadcast_in_dim3A_121, %lt3A_123 : vector<128x1xi32>
    %and3A_125 = vector.broadcast %lt3A_124 : vector<128x1xi1> to vector<128x32xi1>
    %and3A_126 = arith.andi %eq3A_120, %and3A_125 : vector<128x32xi1>
    %broadcast_in_dim3A_127 = vector.shape_cast %reduce_min3A_117 : vector<128xi32> to vector<128x1xi32>
    %broadcast_in_dim3A_128 = vector.shape_cast %broadcast_in_dim3A_127 : vector<128x1xi32> to vector<128x1xi32>
    %broadcast_in_dim3A_129 = vector.broadcast %broadcast_in_dim3A_128 : vector<128x1xi32> to vector<128x32xi32>
    %select_n3A_130 = arith.select %and3A_126, %broadcast_in_dim3A_129, %select_n3A_108 : vector<128x32xi1>, vector<128x32xi32>
    %eq3A_131 = arith.constant 3 : i32
    %eq3A_132 = vector.broadcast %eq3A_131 : i32 to vector<128x64xi32>
    %eq3A_133 = arith.cmpi eq, %add3A_59, %eq3A_132 : vector<128x64xi32>
    %and3A_134 = arith.andi %and3A, %eq3A_133 : vector<128x64xi1>
    %jit3A_135 = arith.constant 1073741824 : i32
    %broadcast_in_dim3A_136 = vector.broadcast %jit3A_135 : i32 to vector<128x64xi32>
    %select_n3A_137 = arith.select %and3A_134, %add3A_66, %broadcast_in_dim3A_136 : vector<128x64xi1>, vector<128x64xi32>
    %reduce_min3A_138 = arith.constant dense<2147483647> : vector<128xi32>
    %reduce_min3A_139 = vector.multi_reduction <minsi>, %select_n3A_137, %reduce_min3A_138 [1] : vector<128x64xi32> to vector<128xi32>
    %eq3A_140 = arith.constant 3 : i32
    %eq3A_141 = vector.broadcast %eq3A_140 : i32 to vector<128x32xi32>
    %eq3A_142 = arith.cmpi eq, %iota3A_13, %eq3A_141 : vector<128x32xi32>
    %broadcast_in_dim3A_143 = vector.shape_cast %reduce_min3A_139 : vector<128xi32> to vector<128x1xi32>
    %lt3A_144 = arith.constant 1073741824 : i32
    %lt3A_145 = vector.broadcast %lt3A_144 : i32 to vector<128x1xi32>
    %lt3A_146 = arith.cmpi slt, %broadcast_in_dim3A_143, %lt3A_145 : vector<128x1xi32>
    %and3A_147 = vector.broadcast %lt3A_146 : vector<128x1xi1> to vector<128x32xi1>
    %and3A_148 = arith.andi %eq3A_142, %and3A_147 : vector<128x32xi1>
    %broadcast_in_dim3A_149 = vector.shape_cast %reduce_min3A_139 : vector<128xi32> to vector<128x1xi32>
    %broadcast_in_dim3A_150 = vector.shape_cast %broadcast_in_dim3A_149 : vector<128x1xi32> to vector<128x1xi32>
    %broadcast_in_dim3A_151 = vector.broadcast %broadcast_in_dim3A_150 : vector<128x1xi32> to vector<128x32xi32>
    %select_n3A_152 = arith.select %and3A_148, %broadcast_in_dim3A_151, %select_n3A_130 : vector<128x32xi1>, vector<128x32xi32>
    %eq3A_153 = arith.constant 4 : i32
    %eq3A_154 = vector.broadcast %eq3A_153 : i32 to vector<128x64xi32>
    %eq3A_155 = arith.cmpi eq, %add3A_59, %eq3A_154 : vector<128x64xi32>
    %and3A_156 = arith.andi %and3A, %eq3A_155 : vector<128x64xi1>
    %jit3A_157 = arith.constant 1073741824 : i32
    %broadcast_in_dim3A_158 = vector.broadcast %jit3A_157 : i32 to vector<128x64xi32>
    %select_n3A_159 = arith.select %and3A_156, %add3A_66, %broadcast_in_dim3A_158 : vector<128x64xi1>, vector<128x64xi32>
    %reduce_min3A_160 = arith.constant dense<2147483647> : vector<128xi32>
    %reduce_min3A_161 = vector.multi_reduction <minsi>, %select_n3A_159, %reduce_min3A_160 [1] : vector<128x64xi32> to vector<128xi32>
    %eq3A_162 = arith.constant 4 : i32
    %eq3A_163 = vector.broadcast %eq3A_162 : i32 to vector<128x32xi32>
    %eq3A_164 = arith.cmpi eq, %iota3A_13, %eq3A_163 : vector<128x32xi32>
    %broadcast_in_dim3A_165 = vector.shape_cast %reduce_min3A_161 : vector<128xi32> to vector<128x1xi32>
    %lt3A_166 = arith.constant 1073741824 : i32
    %lt3A_167 = vector.broadcast %lt3A_166 : i32 to vector<128x1xi32>
    %lt3A_168 = arith.cmpi slt, %broadcast_in_dim3A_165, %lt3A_167 : vector<128x1xi32>
    %and3A_169 = vector.broadcast %lt3A_168 : vector<128x1xi1> to vector<128x32xi1>
    %and3A_170 = arith.andi %eq3A_164, %and3A_169 : vector<128x32xi1>
    %broadcast_in_dim3A_171 = vector.shape_cast %reduce_min3A_161 : vector<128xi32> to vector<128x1xi32>
    %broadcast_in_dim3A_172 = vector.shape_cast %broadcast_in_dim3A_171 : vector<128x1xi32> to vector<128x1xi32>
    %broadcast_in_dim3A_173 = vector.broadcast %broadcast_in_dim3A_172 : vector<128x1xi32> to vector<128x32xi32>
    %select_n3A_174 = arith.select %and3A_170, %broadcast_in_dim3A_173, %select_n3A_152 : vector<128x32xi1>, vector<128x32xi32>
    %eq3A_175 = arith.constant 5 : i32
    %eq3A_176 = vector.broadcast %eq3A_175 : i32 to vector<128x64xi32>
    %eq3A_177 = arith.cmpi eq, %add3A_59, %eq3A_176 : vector<128x64xi32>
    %and3A_178 = arith.andi %and3A, %eq3A_177 : vector<128x64xi1>
    %jit3A_179 = arith.constant 1073741824 : i32
    %broadcast_in_dim3A_180 = vector.broadcast %jit3A_179 : i32 to vector<128x64xi32>
    %select_n3A_181 = arith.select %and3A_178, %add3A_66, %broadcast_in_dim3A_180 : vector<128x64xi1>, vector<128x64xi32>
    %reduce_min3A_182 = arith.constant dense<2147483647> : vector<128xi32>
    %reduce_min3A_183 = vector.multi_reduction <minsi>, %select_n3A_181, %reduce_min3A_182 [1] : vector<128x64xi32> to vector<128xi32>
    %eq3A_184 = arith.constant 5 : i32
    %eq3A_185 = vector.broadcast %eq3A_184 : i32 to vector<128x32xi32>
    %eq3A_186 = arith.cmpi eq, %iota3A_13, %eq3A_185 : vector<128x32xi32>
    %broadcast_in_dim3A_187 = vector.shape_cast %reduce_min3A_183 : vector<128xi32> to vector<128x1xi32>
    %lt3A_188 = arith.constant 1073741824 : i32
    %lt3A_189 = vector.broadcast %lt3A_188 : i32 to vector<128x1xi32>
    %lt3A_190 = arith.cmpi slt, %broadcast_in_dim3A_187, %lt3A_189 : vector<128x1xi32>
    %and3A_191 = vector.broadcast %lt3A_190 : vector<128x1xi1> to vector<128x32xi1>
    %and3A_192 = arith.andi %eq3A_186, %and3A_191 : vector<128x32xi1>
    %broadcast_in_dim3A_193 = vector.shape_cast %reduce_min3A_183 : vector<128xi32> to vector<128x1xi32>
    %broadcast_in_dim3A_194 = vector.shape_cast %broadcast_in_dim3A_193 : vector<128x1xi32> to vector<128x1xi32>
    %broadcast_in_dim3A_195 = vector.broadcast %broadcast_in_dim3A_194 : vector<128x1xi32> to vector<128x32xi32>
    %select_n3A_196 = arith.select %and3A_192, %broadcast_in_dim3A_195, %select_n3A_174 : vector<128x32xi1>, vector<128x32xi32>
    %eq3A_197 = arith.constant 6 : i32
    %eq3A_198 = vector.broadcast %eq3A_197 : i32 to vector<128x64xi32>
    %eq3A_199 = arith.cmpi eq, %add3A_59, %eq3A_198 : vector<128x64xi32>
    %and3A_200 = arith.andi %and3A, %eq3A_199 : vector<128x64xi1>
    %jit3A_201 = arith.constant 1073741824 : i32
    %broadcast_in_dim3A_202 = vector.broadcast %jit3A_201 : i32 to vector<128x64xi32>
    %select_n3A_203 = arith.select %and3A_200, %add3A_66, %broadcast_in_dim3A_202 : vector<128x64xi1>, vector<128x64xi32>
    %reduce_min3A_204 = arith.constant dense<2147483647> : vector<128xi32>
    %reduce_min3A_205 = vector.multi_reduction <minsi>, %select_n3A_203, %reduce_min3A_204 [1] : vector<128x64xi32> to vector<128xi32>
    %eq3A_206 = arith.constant 6 : i32
    %eq3A_207 = vector.broadcast %eq3A_206 : i32 to vector<128x32xi32>
    %eq3A_208 = arith.cmpi eq, %iota3A_13, %eq3A_207 : vector<128x32xi32>
    %broadcast_in_dim3A_209 = vector.shape_cast %reduce_min3A_205 : vector<128xi32> to vector<128x1xi32>
    %lt3A_210 = arith.constant 1073741824 : i32
    %lt3A_211 = vector.broadcast %lt3A_210 : i32 to vector<128x1xi32>
    %lt3A_212 = arith.cmpi slt, %broadcast_in_dim3A_209, %lt3A_211 : vector<128x1xi32>
    %and3A_213 = vector.broadcast %lt3A_212 : vector<128x1xi1> to vector<128x32xi1>
    %and3A_214 = arith.andi %eq3A_208, %and3A_213 : vector<128x32xi1>
    %broadcast_in_dim3A_215 = vector.shape_cast %reduce_min3A_205 : vector<128xi32> to vector<128x1xi32>
    %broadcast_in_dim3A_216 = vector.shape_cast %broadcast_in_dim3A_215 : vector<128x1xi32> to vector<128x1xi32>
    %broadcast_in_dim3A_217 = vector.broadcast %broadcast_in_dim3A_216 : vector<128x1xi32> to vector<128x32xi32>
    %select_n3A_218 = arith.select %and3A_214, %broadcast_in_dim3A_217, %select_n3A_196 : vector<128x32xi1>, vector<128x32xi32>
    %eq3A_219 = arith.constant 7 : i32
    %eq3A_220 = vector.broadcast %eq3A_219 : i32 to vector<128x64xi32>
    %eq3A_221 = arith.cmpi eq, %add3A_59, %eq3A_220 : vector<128x64xi32>
    %and3A_222 = arith.andi %and3A, %eq3A_221 : vector<128x64xi1>
    %jit3A_223 = arith.constant 1073741824 : i32
    %broadcast_in_dim3A_224 = vector.broadcast %jit3A_223 : i32 to vector<128x64xi32>
    %select_n3A_225 = arith.select %and3A_222, %add3A_66, %broadcast_in_dim3A_224 : vector<128x64xi1>, vector<128x64xi32>
    %reduce_min3A_226 = arith.constant dense<2147483647> : vector<128xi32>
    %reduce_min3A_227 = vector.multi_reduction <minsi>, %select_n3A_225, %reduce_min3A_226 [1] : vector<128x64xi32> to vector<128xi32>
    %eq3A_228 = arith.constant 7 : i32
    %eq3A_229 = vector.broadcast %eq3A_228 : i32 to vector<128x32xi32>
    %eq3A_230 = arith.cmpi eq, %iota3A_13, %eq3A_229 : vector<128x32xi32>
    %broadcast_in_dim3A_231 = vector.shape_cast %reduce_min3A_227 : vector<128xi32> to vector<128x1xi32>
    %lt3A_232 = arith.constant 1073741824 : i32
    %lt3A_233 = vector.broadcast %lt3A_232 : i32 to vector<128x1xi32>
    %lt3A_234 = arith.cmpi slt, %broadcast_in_dim3A_231, %lt3A_233 : vector<128x1xi32>
    %and3A_235 = vector.broadcast %lt3A_234 : vector<128x1xi1> to vector<128x32xi1>
    %and3A_236 = arith.andi %eq3A_230, %and3A_235 : vector<128x32xi1>
    %broadcast_in_dim3A_237 = vector.shape_cast %reduce_min3A_227 : vector<128xi32> to vector<128x1xi32>
    %broadcast_in_dim3A_238 = vector.shape_cast %broadcast_in_dim3A_237 : vector<128x1xi32> to vector<128x1xi32>
    %broadcast_in_dim3A_239 = vector.broadcast %broadcast_in_dim3A_238 : vector<128x1xi32> to vector<128x32xi32>
    %select_n3A_240 = arith.select %and3A_236, %broadcast_in_dim3A_239, %select_n3A_218 : vector<128x32xi1>, vector<128x32xi32>
    %eq3A_241 = arith.constant 8 : i32
    %eq3A_242 = vector.broadcast %eq3A_241 : i32 to vector<128x64xi32>
    %eq3A_243 = arith.cmpi eq, %add3A_59, %eq3A_242 : vector<128x64xi32>
    %and3A_244 = arith.andi %and3A, %eq3A_243 : vector<128x64xi1>
    %jit3A_245 = arith.constant 1073741824 : i32
    %broadcast_in_dim3A_246 = vector.broadcast %jit3A_245 : i32 to vector<128x64xi32>
    %select_n3A_247 = arith.select %and3A_244, %add3A_66, %broadcast_in_dim3A_246 : vector<128x64xi1>, vector<128x64xi32>
    %reduce_min3A_248 = arith.constant dense<2147483647> : vector<128xi32>
    %reduce_min3A_249 = vector.multi_reduction <minsi>, %select_n3A_247, %reduce_min3A_248 [1] : vector<128x64xi32> to vector<128xi32>
    %eq3A_250 = arith.constant 8 : i32
    %eq3A_251 = vector.broadcast %eq3A_250 : i32 to vector<128x32xi32>
    %eq3A_252 = arith.cmpi eq, %iota3A_13, %eq3A_251 : vector<128x32xi32>
    %broadcast_in_dim3A_253 = vector.shape_cast %reduce_min3A_249 : vector<128xi32> to vector<128x1xi32>
    %lt3A_254 = arith.constant 1073741824 : i32
    %lt3A_255 = vector.broadcast %lt3A_254 : i32 to vector<128x1xi32>
    %lt3A_256 = arith.cmpi slt, %broadcast_in_dim3A_253, %lt3A_255 : vector<128x1xi32>
    %and3A_257 = vector.broadcast %lt3A_256 : vector<128x1xi1> to vector<128x32xi1>
    %and3A_258 = arith.andi %eq3A_252, %and3A_257 : vector<128x32xi1>
    %broadcast_in_dim3A_259 = vector.shape_cast %reduce_min3A_249 : vector<128xi32> to vector<128x1xi32>
    %broadcast_in_dim3A_260 = vector.shape_cast %broadcast_in_dim3A_259 : vector<128x1xi32> to vector<128x1xi32>
    %broadcast_in_dim3A_261 = vector.broadcast %broadcast_in_dim3A_260 : vector<128x1xi32> to vector<128x32xi32>
    %select_n3A_262 = arith.select %and3A_258, %broadcast_in_dim3A_261, %select_n3A_240 : vector<128x32xi1>, vector<128x32xi32>
    %eq3A_263 = arith.constant 9 : i32
    %eq3A_264 = vector.broadcast %eq3A_263 : i32 to vector<128x64xi32>
    %eq3A_265 = arith.cmpi eq, %add3A_59, %eq3A_264 : vector<128x64xi32>
    %and3A_266 = arith.andi %and3A, %eq3A_265 : vector<128x64xi1>
    %jit3A_267 = arith.constant 1073741824 : i32
    %broadcast_in_dim3A_268 = vector.broadcast %jit3A_267 : i32 to vector<128x64xi32>
    %select_n3A_269 = arith.select %and3A_266, %add3A_66, %broadcast_in_dim3A_268 : vector<128x64xi1>, vector<128x64xi32>
    %reduce_min3A_270 = arith.constant dense<2147483647> : vector<128xi32>
    %reduce_min3A_271 = vector.multi_reduction <minsi>, %select_n3A_269, %reduce_min3A_270 [1] : vector<128x64xi32> to vector<128xi32>
    %eq3A_272 = arith.constant 9 : i32
    %eq3A_273 = vector.broadcast %eq3A_272 : i32 to vector<128x32xi32>
    %eq3A_274 = arith.cmpi eq, %iota3A_13, %eq3A_273 : vector<128x32xi32>
    %broadcast_in_dim3A_275 = vector.shape_cast %reduce_min3A_271 : vector<128xi32> to vector<128x1xi32>
    %lt3A_276 = arith.constant 1073741824 : i32
    %lt3A_277 = vector.broadcast %lt3A_276 : i32 to vector<128x1xi32>
    %lt3A_278 = arith.cmpi slt, %broadcast_in_dim3A_275, %lt3A_277 : vector<128x1xi32>
    %and3A_279 = vector.broadcast %lt3A_278 : vector<128x1xi1> to vector<128x32xi1>
    %and3A_280 = arith.andi %eq3A_274, %and3A_279 : vector<128x32xi1>
    %broadcast_in_dim3A_281 = vector.shape_cast %reduce_min3A_271 : vector<128xi32> to vector<128x1xi32>
    %broadcast_in_dim3A_282 = vector.shape_cast %broadcast_in_dim3A_281 : vector<128x1xi32> to vector<128x1xi32>
    %broadcast_in_dim3A_283 = vector.broadcast %broadcast_in_dim3A_282 : vector<128x1xi32> to vector<128x32xi32>
    %select_n3A_284 = arith.select %and3A_280, %broadcast_in_dim3A_283, %select_n3A_262 : vector<128x32xi1>, vector<128x32xi32>
    %eq3A_285 = arith.constant 10 : i32
    %eq3A_286 = vector.broadcast %eq3A_285 : i32 to vector<128x64xi32>
    %eq3A_287 = arith.cmpi eq, %add3A_59, %eq3A_286 : vector<128x64xi32>
    %and3A_288 = arith.andi %and3A, %eq3A_287 : vector<128x64xi1>
    %jit3A_289 = arith.constant 1073741824 : i32
    %broadcast_in_dim3A_290 = vector.broadcast %jit3A_289 : i32 to vector<128x64xi32>
    %select_n3A_291 = arith.select %and3A_288, %add3A_66, %broadcast_in_dim3A_290 : vector<128x64xi1>, vector<128x64xi32>
    %reduce_min3A_292 = arith.constant dense<2147483647> : vector<128xi32>
    %reduce_min3A_293 = vector.multi_reduction <minsi>, %select_n3A_291, %reduce_min3A_292 [1] : vector<128x64xi32> to vector<128xi32>
    %eq3A_294 = arith.constant 10 : i32
    %eq3A_295 = vector.broadcast %eq3A_294 : i32 to vector<128x32xi32>
    %eq3A_296 = arith.cmpi eq, %iota3A_13, %eq3A_295 : vector<128x32xi32>
    %broadcast_in_dim3A_297 = vector.shape_cast %reduce_min3A_293 : vector<128xi32> to vector<128x1xi32>
    %lt3A_298 = arith.constant 1073741824 : i32
    %lt3A_299 = vector.broadcast %lt3A_298 : i32 to vector<128x1xi32>
    %lt3A_300 = arith.cmpi slt, %broadcast_in_dim3A_297, %lt3A_299 : vector<128x1xi32>
    %and3A_301 = vector.broadcast %lt3A_300 : vector<128x1xi1> to vector<128x32xi1>
    %and3A_302 = arith.andi %eq3A_296, %and3A_301 : vector<128x32xi1>
    %broadcast_in_dim3A_303 = vector.shape_cast %reduce_min3A_293 : vector<128xi32> to vector<128x1xi32>
    %broadcast_in_dim3A_304 = vector.shape_cast %broadcast_in_dim3A_303 : vector<128x1xi32> to vector<128x1xi32>
    %broadcast_in_dim3A_305 = vector.broadcast %broadcast_in_dim3A_304 : vector<128x1xi32> to vector<128x32xi32>
    %select_n3A_306 = arith.select %and3A_302, %broadcast_in_dim3A_305, %select_n3A_284 : vector<128x32xi1>, vector<128x32xi32>
    %eq3A_307 = arith.constant 11 : i32
    %eq3A_308 = vector.broadcast %eq3A_307 : i32 to vector<128x64xi32>
    %eq3A_309 = arith.cmpi eq, %add3A_59, %eq3A_308 : vector<128x64xi32>
    %and3A_310 = arith.andi %and3A, %eq3A_309 : vector<128x64xi1>
    %jit3A_311 = arith.constant 1073741824 : i32
    %broadcast_in_dim3A_312 = vector.broadcast %jit3A_311 : i32 to vector<128x64xi32>
    %select_n3A_313 = arith.select %and3A_310, %add3A_66, %broadcast_in_dim3A_312 : vector<128x64xi1>, vector<128x64xi32>
    %reduce_min3A_314 = arith.constant dense<2147483647> : vector<128xi32>
    %reduce_min3A_315 = vector.multi_reduction <minsi>, %select_n3A_313, %reduce_min3A_314 [1] : vector<128x64xi32> to vector<128xi32>
    %eq3A_316 = arith.constant 11 : i32
    %eq3A_317 = vector.broadcast %eq3A_316 : i32 to vector<128x32xi32>
    %eq3A_318 = arith.cmpi eq, %iota3A_13, %eq3A_317 : vector<128x32xi32>
    %broadcast_in_dim3A_319 = vector.shape_cast %reduce_min3A_315 : vector<128xi32> to vector<128x1xi32>
    %lt3A_320 = arith.constant 1073741824 : i32
    %lt3A_321 = vector.broadcast %lt3A_320 : i32 to vector<128x1xi32>
    %lt3A_322 = arith.cmpi slt, %broadcast_in_dim3A_319, %lt3A_321 : vector<128x1xi32>
    %and3A_323 = vector.broadcast %lt3A_322 : vector<128x1xi1> to vector<128x32xi1>
    %and3A_324 = arith.andi %eq3A_318, %and3A_323 : vector<128x32xi1>
    %broadcast_in_dim3A_325 = vector.shape_cast %reduce_min3A_315 : vector<128xi32> to vector<128x1xi32>
    %broadcast_in_dim3A_326 = vector.shape_cast %broadcast_in_dim3A_325 : vector<128x1xi32> to vector<128x1xi32>
    %broadcast_in_dim3A_327 = vector.broadcast %broadcast_in_dim3A_326 : vector<128x1xi32> to vector<128x32xi32>
    %select_n3A_328 = arith.select %and3A_324, %broadcast_in_dim3A_327, %select_n3A_306 : vector<128x32xi1>, vector<128x32xi32>
    %eq3A_329 = arith.constant 12 : i32
    %eq3A_330 = vector.broadcast %eq3A_329 : i32 to vector<128x64xi32>
    %eq3A_331 = arith.cmpi eq, %add3A_59, %eq3A_330 : vector<128x64xi32>
    %and3A_332 = arith.andi %and3A, %eq3A_331 : vector<128x64xi1>
    %jit3A_333 = arith.constant 1073741824 : i32
    %broadcast_in_dim3A_334 = vector.broadcast %jit3A_333 : i32 to vector<128x64xi32>
    %select_n3A_335 = arith.select %and3A_332, %add3A_66, %broadcast_in_dim3A_334 : vector<128x64xi1>, vector<128x64xi32>
    %reduce_min3A_336 = arith.constant dense<2147483647> : vector<128xi32>
    %reduce_min3A_337 = vector.multi_reduction <minsi>, %select_n3A_335, %reduce_min3A_336 [1] : vector<128x64xi32> to vector<128xi32>
    %eq3A_338 = arith.constant 12 : i32
    %eq3A_339 = vector.broadcast %eq3A_338 : i32 to vector<128x32xi32>
    %eq3A_340 = arith.cmpi eq, %iota3A_13, %eq3A_339 : vector<128x32xi32>
    %broadcast_in_dim3A_341 = vector.shape_cast %reduce_min3A_337 : vector<128xi32> to vector<128x1xi32>
    %lt3A_342 = arith.constant 1073741824 : i32
    %lt3A_343 = vector.broadcast %lt3A_342 : i32 to vector<128x1xi32>
    %lt3A_344 = arith.cmpi slt, %broadcast_in_dim3A_341, %lt3A_343 : vector<128x1xi32>
    %and3A_345 = vector.broadcast %lt3A_344 : vector<128x1xi1> to vector<128x32xi1>
    %and3A_346 = arith.andi %eq3A_340, %and3A_345 : vector<128x32xi1>
    %broadcast_in_dim3A_347 = vector.shape_cast %reduce_min3A_337 : vector<128xi32> to vector<128x1xi32>
    %broadcast_in_dim3A_348 = vector.shape_cast %broadcast_in_dim3A_347 : vector<128x1xi32> to vector<128x1xi32>
    %broadcast_in_dim3A_349 = vector.broadcast %broadcast_in_dim3A_348 : vector<128x1xi32> to vector<128x32xi32>
    %select_n3A_350 = arith.select %and3A_346, %broadcast_in_dim3A_349, %select_n3A_328 : vector<128x32xi1>, vector<128x32xi32>
    %eq3A_351 = arith.constant 13 : i32
    %eq3A_352 = vector.broadcast %eq3A_351 : i32 to vector<128x64xi32>
    %eq3A_353 = arith.cmpi eq, %add3A_59, %eq3A_352 : vector<128x64xi32>
    %and3A_354 = arith.andi %and3A, %eq3A_353 : vector<128x64xi1>
    %jit3A_355 = arith.constant 1073741824 : i32
    %broadcast_in_dim3A_356 = vector.broadcast %jit3A_355 : i32 to vector<128x64xi32>
    %select_n3A_357 = arith.select %and3A_354, %add3A_66, %broadcast_in_dim3A_356 : vector<128x64xi1>, vector<128x64xi32>
    %reduce_min3A_358 = arith.constant dense<2147483647> : vector<128xi32>
    %reduce_min3A_359 = vector.multi_reduction <minsi>, %select_n3A_357, %reduce_min3A_358 [1] : vector<128x64xi32> to vector<128xi32>
    %eq3A_360 = arith.constant 13 : i32
    %eq3A_361 = vector.broadcast %eq3A_360 : i32 to vector<128x32xi32>
    %eq3A_362 = arith.cmpi eq, %iota3A_13, %eq3A_361 : vector<128x32xi32>
    %broadcast_in_dim3A_363 = vector.shape_cast %reduce_min3A_359 : vector<128xi32> to vector<128x1xi32>
    %lt3A_364 = arith.constant 1073741824 : i32
    %lt3A_365 = vector.broadcast %lt3A_364 : i32 to vector<128x1xi32>
    %lt3A_366 = arith.cmpi slt, %broadcast_in_dim3A_363, %lt3A_365 : vector<128x1xi32>
    %and3A_367 = vector.broadcast %lt3A_366 : vector<128x1xi1> to vector<128x32xi1>
    %and3A_368 = arith.andi %eq3A_362, %and3A_367 : vector<128x32xi1>
    %broadcast_in_dim3A_369 = vector.shape_cast %reduce_min3A_359 : vector<128xi32> to vector<128x1xi32>
    %broadcast_in_dim3A_370 = vector.shape_cast %broadcast_in_dim3A_369 : vector<128x1xi32> to vector<128x1xi32>
    %broadcast_in_dim3A_371 = vector.broadcast %broadcast_in_dim3A_370 : vector<128x1xi32> to vector<128x32xi32>
    %select_n3A_372 = arith.select %and3A_368, %broadcast_in_dim3A_371, %select_n3A_350 : vector<128x32xi1>, vector<128x32xi32>
    %eq3A_373 = arith.constant 14 : i32
    %eq3A_374 = vector.broadcast %eq3A_373 : i32 to vector<128x64xi32>
    %eq3A_375 = arith.cmpi eq, %add3A_59, %eq3A_374 : vector<128x64xi32>
    %and3A_376 = arith.andi %and3A, %eq3A_375 : vector<128x64xi1>
    %jit3A_377 = arith.constant 1073741824 : i32
    %broadcast_in_dim3A_378 = vector.broadcast %jit3A_377 : i32 to vector<128x64xi32>
    %select_n3A_379 = arith.select %and3A_376, %add3A_66, %broadcast_in_dim3A_378 : vector<128x64xi1>, vector<128x64xi32>
    %reduce_min3A_380 = arith.constant dense<2147483647> : vector<128xi32>
    %reduce_min3A_381 = vector.multi_reduction <minsi>, %select_n3A_379, %reduce_min3A_380 [1] : vector<128x64xi32> to vector<128xi32>
    %eq3A_382 = arith.constant 14 : i32
    %eq3A_383 = vector.broadcast %eq3A_382 : i32 to vector<128x32xi32>
    %eq3A_384 = arith.cmpi eq, %iota3A_13, %eq3A_383 : vector<128x32xi32>
    %broadcast_in_dim3A_385 = vector.shape_cast %reduce_min3A_381 : vector<128xi32> to vector<128x1xi32>
    %lt3A_386 = arith.constant 1073741824 : i32
    %lt3A_387 = vector.broadcast %lt3A_386 : i32 to vector<128x1xi32>
    %lt3A_388 = arith.cmpi slt, %broadcast_in_dim3A_385, %lt3A_387 : vector<128x1xi32>
    %and3A_389 = vector.broadcast %lt3A_388 : vector<128x1xi1> to vector<128x32xi1>
    %and3A_390 = arith.andi %eq3A_384, %and3A_389 : vector<128x32xi1>
    %broadcast_in_dim3A_391 = vector.shape_cast %reduce_min3A_381 : vector<128xi32> to vector<128x1xi32>
    %broadcast_in_dim3A_392 = vector.shape_cast %broadcast_in_dim3A_391 : vector<128x1xi32> to vector<128x1xi32>
    %broadcast_in_dim3A_393 = vector.broadcast %broadcast_in_dim3A_392 : vector<128x1xi32> to vector<128x32xi32>
    %select_n3A_394 = arith.select %and3A_390, %broadcast_in_dim3A_393, %select_n3A_372 : vector<128x32xi1>, vector<128x32xi32>
    %eq3A_395 = arith.constant 15 : i32
    %eq3A_396 = vector.broadcast %eq3A_395 : i32 to vector<128x64xi32>
    %eq3A_397 = arith.cmpi eq, %add3A_59, %eq3A_396 : vector<128x64xi32>
    %and3A_398 = arith.andi %and3A, %eq3A_397 : vector<128x64xi1>
    %jit3A_399 = arith.constant 1073741824 : i32
    %broadcast_in_dim3A_400 = vector.broadcast %jit3A_399 : i32 to vector<128x64xi32>
    %select_n3A_401 = arith.select %and3A_398, %add3A_66, %broadcast_in_dim3A_400 : vector<128x64xi1>, vector<128x64xi32>
    %reduce_min3A_402 = arith.constant dense<2147483647> : vector<128xi32>
    %reduce_min3A_403 = vector.multi_reduction <minsi>, %select_n3A_401, %reduce_min3A_402 [1] : vector<128x64xi32> to vector<128xi32>
    %eq3A_404 = arith.constant 15 : i32
    %eq3A_405 = vector.broadcast %eq3A_404 : i32 to vector<128x32xi32>
    %eq3A_406 = arith.cmpi eq, %iota3A_13, %eq3A_405 : vector<128x32xi32>
    %broadcast_in_dim3A_407 = vector.shape_cast %reduce_min3A_403 : vector<128xi32> to vector<128x1xi32>
    %lt3A_408 = arith.constant 1073741824 : i32
    %lt3A_409 = vector.broadcast %lt3A_408 : i32 to vector<128x1xi32>
    %lt3A_410 = arith.cmpi slt, %broadcast_in_dim3A_407, %lt3A_409 : vector<128x1xi32>
    %and3A_411 = vector.broadcast %lt3A_410 : vector<128x1xi1> to vector<128x32xi1>
    %and3A_412 = arith.andi %eq3A_406, %and3A_411 : vector<128x32xi1>
    %broadcast_in_dim3A_413 = vector.shape_cast %reduce_min3A_403 : vector<128xi32> to vector<128x1xi32>
    %broadcast_in_dim3A_414 = vector.shape_cast %broadcast_in_dim3A_413 : vector<128x1xi32> to vector<128x1xi32>
    %broadcast_in_dim3A_415 = vector.broadcast %broadcast_in_dim3A_414 : vector<128x1xi32> to vector<128x32xi32>
    %select_n3A_416 = arith.select %and3A_412, %broadcast_in_dim3A_415, %select_n3A_394 : vector<128x32xi1>, vector<128x32xi32>
    %eq3A_417 = arith.constant 16 : i32
    %eq3A_418 = vector.broadcast %eq3A_417 : i32 to vector<128x64xi32>
    %eq3A_419 = arith.cmpi eq, %add3A_59, %eq3A_418 : vector<128x64xi32>
    %and3A_420 = arith.andi %and3A, %eq3A_419 : vector<128x64xi1>
    %jit3A_421 = arith.constant 1073741824 : i32
    %broadcast_in_dim3A_422 = vector.broadcast %jit3A_421 : i32 to vector<128x64xi32>
    %select_n3A_423 = arith.select %and3A_420, %add3A_66, %broadcast_in_dim3A_422 : vector<128x64xi1>, vector<128x64xi32>
    %reduce_min3A_424 = arith.constant dense<2147483647> : vector<128xi32>
    %reduce_min3A_425 = vector.multi_reduction <minsi>, %select_n3A_423, %reduce_min3A_424 [1] : vector<128x64xi32> to vector<128xi32>
    %eq3A_426 = arith.constant 16 : i32
    %eq3A_427 = vector.broadcast %eq3A_426 : i32 to vector<128x32xi32>
    %eq3A_428 = arith.cmpi eq, %iota3A_13, %eq3A_427 : vector<128x32xi32>
    %broadcast_in_dim3A_429 = vector.shape_cast %reduce_min3A_425 : vector<128xi32> to vector<128x1xi32>
    %lt3A_430 = arith.constant 1073741824 : i32
    %lt3A_431 = vector.broadcast %lt3A_430 : i32 to vector<128x1xi32>
    %lt3A_432 = arith.cmpi slt, %broadcast_in_dim3A_429, %lt3A_431 : vector<128x1xi32>
    %and3A_433 = vector.broadcast %lt3A_432 : vector<128x1xi1> to vector<128x32xi1>
    %and3A_434 = arith.andi %eq3A_428, %and3A_433 : vector<128x32xi1>
    %broadcast_in_dim3A_435 = vector.shape_cast %reduce_min3A_425 : vector<128xi32> to vector<128x1xi32>
    %broadcast_in_dim3A_436 = vector.shape_cast %broadcast_in_dim3A_435 : vector<128x1xi32> to vector<128x1xi32>
    %broadcast_in_dim3A_437 = vector.broadcast %broadcast_in_dim3A_436 : vector<128x1xi32> to vector<128x32xi32>
    %select_n3A_438 = arith.select %and3A_434, %broadcast_in_dim3A_437, %select_n3A_416 : vector<128x32xi1>, vector<128x32xi32>
    %eq3A_439 = arith.constant 17 : i32
    %eq3A_440 = vector.broadcast %eq3A_439 : i32 to vector<128x64xi32>
    %eq3A_441 = arith.cmpi eq, %add3A_59, %eq3A_440 : vector<128x64xi32>
    %and3A_442 = arith.andi %and3A, %eq3A_441 : vector<128x64xi1>
    %jit3A_443 = arith.constant 1073741824 : i32
    %broadcast_in_dim3A_444 = vector.broadcast %jit3A_443 : i32 to vector<128x64xi32>
    %select_n3A_445 = arith.select %and3A_442, %add3A_66, %broadcast_in_dim3A_444 : vector<128x64xi1>, vector<128x64xi32>
    %reduce_min3A_446 = arith.constant dense<2147483647> : vector<128xi32>
    %reduce_min3A_447 = vector.multi_reduction <minsi>, %select_n3A_445, %reduce_min3A_446 [1] : vector<128x64xi32> to vector<128xi32>
    %eq3A_448 = arith.constant 17 : i32
    %eq3A_449 = vector.broadcast %eq3A_448 : i32 to vector<128x32xi32>
    %eq3A_450 = arith.cmpi eq, %iota3A_13, %eq3A_449 : vector<128x32xi32>
    %broadcast_in_dim3A_451 = vector.shape_cast %reduce_min3A_447 : vector<128xi32> to vector<128x1xi32>
    %lt3A_452 = arith.constant 1073741824 : i32
    %lt3A_453 = vector.broadcast %lt3A_452 : i32 to vector<128x1xi32>
    %lt3A_454 = arith.cmpi slt, %broadcast_in_dim3A_451, %lt3A_453 : vector<128x1xi32>
    %and3A_455 = vector.broadcast %lt3A_454 : vector<128x1xi1> to vector<128x32xi1>
    %and3A_456 = arith.andi %eq3A_450, %and3A_455 : vector<128x32xi1>
    %broadcast_in_dim3A_457 = vector.shape_cast %reduce_min3A_447 : vector<128xi32> to vector<128x1xi32>
    %broadcast_in_dim3A_458 = vector.shape_cast %broadcast_in_dim3A_457 : vector<128x1xi32> to vector<128x1xi32>
    %broadcast_in_dim3A_459 = vector.broadcast %broadcast_in_dim3A_458 : vector<128x1xi32> to vector<128x32xi32>
    %select_n3A_460 = arith.select %and3A_456, %broadcast_in_dim3A_459, %select_n3A_438 : vector<128x32xi1>, vector<128x32xi32>
    %eq3A_461 = arith.constant 18 : i32
    %eq3A_462 = vector.broadcast %eq3A_461 : i32 to vector<128x64xi32>
    %eq3A_463 = arith.cmpi eq, %add3A_59, %eq3A_462 : vector<128x64xi32>
    %and3A_464 = arith.andi %and3A, %eq3A_463 : vector<128x64xi1>
    %jit3A_465 = arith.constant 1073741824 : i32
    %broadcast_in_dim3A_466 = vector.broadcast %jit3A_465 : i32 to vector<128x64xi32>
    %select_n3A_467 = arith.select %and3A_464, %add3A_66, %broadcast_in_dim3A_466 : vector<128x64xi1>, vector<128x64xi32>
    %reduce_min3A_468 = arith.constant dense<2147483647> : vector<128xi32>
    %reduce_min3A_469 = vector.multi_reduction <minsi>, %select_n3A_467, %reduce_min3A_468 [1] : vector<128x64xi32> to vector<128xi32>
    %eq3A_470 = arith.constant 18 : i32
    %eq3A_471 = vector.broadcast %eq3A_470 : i32 to vector<128x32xi32>
    %eq3A_472 = arith.cmpi eq, %iota3A_13, %eq3A_471 : vector<128x32xi32>
    %broadcast_in_dim3A_473 = vector.shape_cast %reduce_min3A_469 : vector<128xi32> to vector<128x1xi32>
    %lt3A_474 = arith.constant 1073741824 : i32
    %lt3A_475 = vector.broadcast %lt3A_474 : i32 to vector<128x1xi32>
    %lt3A_476 = arith.cmpi slt, %broadcast_in_dim3A_473, %lt3A_475 : vector<128x1xi32>
    %and3A_477 = vector.broadcast %lt3A_476 : vector<128x1xi1> to vector<128x32xi1>
    %and3A_478 = arith.andi %eq3A_472, %and3A_477 : vector<128x32xi1>
    %broadcast_in_dim3A_479 = vector.shape_cast %reduce_min3A_469 : vector<128xi32> to vector<128x1xi32>
    %broadcast_in_dim3A_480 = vector.shape_cast %broadcast_in_dim3A_479 : vector<128x1xi32> to vector<128x1xi32>
    %broadcast_in_dim3A_481 = vector.broadcast %broadcast_in_dim3A_480 : vector<128x1xi32> to vector<128x32xi32>
    %select_n3A_482 = arith.select %and3A_478, %broadcast_in_dim3A_481, %select_n3A_460 : vector<128x32xi1>, vector<128x32xi32>
    %eq3A_483 = arith.constant 19 : i32
    %eq3A_484 = vector.broadcast %eq3A_483 : i32 to vector<128x64xi32>
    %eq3A_485 = arith.cmpi eq, %add3A_59, %eq3A_484 : vector<128x64xi32>
    %and3A_486 = arith.andi %and3A, %eq3A_485 : vector<128x64xi1>
    %jit3A_487 = arith.constant 1073741824 : i32
    %broadcast_in_dim3A_488 = vector.broadcast %jit3A_487 : i32 to vector<128x64xi32>
    %select_n3A_489 = arith.select %and3A_486, %add3A_66, %broadcast_in_dim3A_488 : vector<128x64xi1>, vector<128x64xi32>
    %reduce_min3A_490 = arith.constant dense<2147483647> : vector<128xi32>
    %reduce_min3A_491 = vector.multi_reduction <minsi>, %select_n3A_489, %reduce_min3A_490 [1] : vector<128x64xi32> to vector<128xi32>
    %eq3A_492 = arith.constant 19 : i32
    %eq3A_493 = vector.broadcast %eq3A_492 : i32 to vector<128x32xi32>
    %eq3A_494 = arith.cmpi eq, %iota3A_13, %eq3A_493 : vector<128x32xi32>
    %broadcast_in_dim3A_495 = vector.shape_cast %reduce_min3A_491 : vector<128xi32> to vector<128x1xi32>
    %lt3A_496 = arith.constant 1073741824 : i32
    %lt3A_497 = vector.broadcast %lt3A_496 : i32 to vector<128x1xi32>
    %lt3A_498 = arith.cmpi slt, %broadcast_in_dim3A_495, %lt3A_497 : vector<128x1xi32>
    %and3A_499 = vector.broadcast %lt3A_498 : vector<128x1xi1> to vector<128x32xi1>
    %and3A_500 = arith.andi %eq3A_494, %and3A_499 : vector<128x32xi1>
    %broadcast_in_dim3A_501 = vector.shape_cast %reduce_min3A_491 : vector<128xi32> to vector<128x1xi32>
    %broadcast_in_dim3A_502 = vector.shape_cast %broadcast_in_dim3A_501 : vector<128x1xi32> to vector<128x1xi32>
    %broadcast_in_dim3A_503 = vector.broadcast %broadcast_in_dim3A_502 : vector<128x1xi32> to vector<128x32xi32>
    %select_n3A_504 = arith.select %and3A_500, %broadcast_in_dim3A_503, %select_n3A_482 : vector<128x32xi1>, vector<128x32xi32>
    %eq3A_505 = arith.constant 20 : i32
    %eq3A_506 = vector.broadcast %eq3A_505 : i32 to vector<128x64xi32>
    %eq3A_507 = arith.cmpi eq, %add3A_59, %eq3A_506 : vector<128x64xi32>
    %and3A_508 = arith.andi %and3A, %eq3A_507 : vector<128x64xi1>
    %jit3A_509 = arith.constant 1073741824 : i32
    %broadcast_in_dim3A_510 = vector.broadcast %jit3A_509 : i32 to vector<128x64xi32>
    %select_n3A_511 = arith.select %and3A_508, %add3A_66, %broadcast_in_dim3A_510 : vector<128x64xi1>, vector<128x64xi32>
    %reduce_min3A_512 = arith.constant dense<2147483647> : vector<128xi32>
    %reduce_min3A_513 = vector.multi_reduction <minsi>, %select_n3A_511, %reduce_min3A_512 [1] : vector<128x64xi32> to vector<128xi32>
    %eq3A_514 = arith.constant 20 : i32
    %eq3A_515 = vector.broadcast %eq3A_514 : i32 to vector<128x32xi32>
    %eq3A_516 = arith.cmpi eq, %iota3A_13, %eq3A_515 : vector<128x32xi32>
    %broadcast_in_dim3A_517 = vector.shape_cast %reduce_min3A_513 : vector<128xi32> to vector<128x1xi32>
    %lt3A_518 = arith.constant 1073741824 : i32
    %lt3A_519 = vector.broadcast %lt3A_518 : i32 to vector<128x1xi32>
    %lt3A_520 = arith.cmpi slt, %broadcast_in_dim3A_517, %lt3A_519 : vector<128x1xi32>
    %and3A_521 = vector.broadcast %lt3A_520 : vector<128x1xi1> to vector<128x32xi1>
    %and3A_522 = arith.andi %eq3A_516, %and3A_521 : vector<128x32xi1>
    %broadcast_in_dim3A_523 = vector.shape_cast %reduce_min3A_513 : vector<128xi32> to vector<128x1xi32>
    %broadcast_in_dim3A_524 = vector.shape_cast %broadcast_in_dim3A_523 : vector<128x1xi32> to vector<128x1xi32>
    %broadcast_in_dim3A_525 = vector.broadcast %broadcast_in_dim3A_524 : vector<128x1xi32> to vector<128x32xi32>
    %select_n3A_526 = arith.select %and3A_522, %broadcast_in_dim3A_525, %select_n3A_504 : vector<128x32xi1>, vector<128x32xi32>
    %eq3A_527 = arith.constant 21 : i32
    %eq3A_528 = vector.broadcast %eq3A_527 : i32 to vector<128x64xi32>
    %eq3A_529 = arith.cmpi eq, %add3A_59, %eq3A_528 : vector<128x64xi32>
    %and3A_530 = arith.andi %and3A, %eq3A_529 : vector<128x64xi1>
    %jit3A_531 = arith.constant 1073741824 : i32
    %broadcast_in_dim3A_532 = vector.broadcast %jit3A_531 : i32 to vector<128x64xi32>
    %select_n3A_533 = arith.select %and3A_530, %add3A_66, %broadcast_in_dim3A_532 : vector<128x64xi1>, vector<128x64xi32>
    %reduce_min3A_534 = arith.constant dense<2147483647> : vector<128xi32>
    %reduce_min3A_535 = vector.multi_reduction <minsi>, %select_n3A_533, %reduce_min3A_534 [1] : vector<128x64xi32> to vector<128xi32>
    %eq3A_536 = arith.constant 21 : i32
    %eq3A_537 = vector.broadcast %eq3A_536 : i32 to vector<128x32xi32>
    %eq3A_538 = arith.cmpi eq, %iota3A_13, %eq3A_537 : vector<128x32xi32>
    %broadcast_in_dim3A_539 = vector.shape_cast %reduce_min3A_535 : vector<128xi32> to vector<128x1xi32>
    %lt3A_540 = arith.constant 1073741824 : i32
    %lt3A_541 = vector.broadcast %lt3A_540 : i32 to vector<128x1xi32>
    %lt3A_542 = arith.cmpi slt, %broadcast_in_dim3A_539, %lt3A_541 : vector<128x1xi32>
    %and3A_543 = vector.broadcast %lt3A_542 : vector<128x1xi1> to vector<128x32xi1>
    %and3A_544 = arith.andi %eq3A_538, %and3A_543 : vector<128x32xi1>
    %broadcast_in_dim3A_545 = vector.shape_cast %reduce_min3A_535 : vector<128xi32> to vector<128x1xi32>
    %broadcast_in_dim3A_546 = vector.shape_cast %broadcast_in_dim3A_545 : vector<128x1xi32> to vector<128x1xi32>
    %broadcast_in_dim3A_547 = vector.broadcast %broadcast_in_dim3A_546 : vector<128x1xi32> to vector<128x32xi32>
    %select_n3A_548 = arith.select %and3A_544, %broadcast_in_dim3A_547, %select_n3A_526 : vector<128x32xi1>, vector<128x32xi32>
    %eq3A_549 = arith.constant 22 : i32
    %eq3A_550 = vector.broadcast %eq3A_549 : i32 to vector<128x64xi32>
    %eq3A_551 = arith.cmpi eq, %add3A_59, %eq3A_550 : vector<128x64xi32>
    %and3A_552 = arith.andi %and3A, %eq3A_551 : vector<128x64xi1>
    %jit3A_553 = arith.constant 1073741824 : i32
    %broadcast_in_dim3A_554 = vector.broadcast %jit3A_553 : i32 to vector<128x64xi32>
    %select_n3A_555 = arith.select %and3A_552, %add3A_66, %broadcast_in_dim3A_554 : vector<128x64xi1>, vector<128x64xi32>
    %reduce_min3A_556 = arith.constant dense<2147483647> : vector<128xi32>
    %reduce_min3A_557 = vector.multi_reduction <minsi>, %select_n3A_555, %reduce_min3A_556 [1] : vector<128x64xi32> to vector<128xi32>
    %eq3A_558 = arith.constant 22 : i32
    %eq3A_559 = vector.broadcast %eq3A_558 : i32 to vector<128x32xi32>
    %eq3A_560 = arith.cmpi eq, %iota3A_13, %eq3A_559 : vector<128x32xi32>
    %broadcast_in_dim3A_561 = vector.shape_cast %reduce_min3A_557 : vector<128xi32> to vector<128x1xi32>
    %lt3A_562 = arith.constant 1073741824 : i32
    %lt3A_563 = vector.broadcast %lt3A_562 : i32 to vector<128x1xi32>
    %lt3A_564 = arith.cmpi slt, %broadcast_in_dim3A_561, %lt3A_563 : vector<128x1xi32>
    %and3A_565 = vector.broadcast %lt3A_564 : vector<128x1xi1> to vector<128x32xi1>
    %and3A_566 = arith.andi %eq3A_560, %and3A_565 : vector<128x32xi1>
    %broadcast_in_dim3A_567 = vector.shape_cast %reduce_min3A_557 : vector<128xi32> to vector<128x1xi32>
    %broadcast_in_dim3A_568 = vector.shape_cast %broadcast_in_dim3A_567 : vector<128x1xi32> to vector<128x1xi32>
    %broadcast_in_dim3A_569 = vector.broadcast %broadcast_in_dim3A_568 : vector<128x1xi32> to vector<128x32xi32>
    %select_n3A_570 = arith.select %and3A_566, %broadcast_in_dim3A_569, %select_n3A_548 : vector<128x32xi1>, vector<128x32xi32>
    %eq3A_571 = arith.constant 23 : i32
    %eq3A_572 = vector.broadcast %eq3A_571 : i32 to vector<128x64xi32>
    %eq3A_573 = arith.cmpi eq, %add3A_59, %eq3A_572 : vector<128x64xi32>
    %and3A_574 = arith.andi %and3A, %eq3A_573 : vector<128x64xi1>
    %jit3A_575 = arith.constant 1073741824 : i32
    %broadcast_in_dim3A_576 = vector.broadcast %jit3A_575 : i32 to vector<128x64xi32>
    %select_n3A_577 = arith.select %and3A_574, %add3A_66, %broadcast_in_dim3A_576 : vector<128x64xi1>, vector<128x64xi32>
    %reduce_min3A_578 = arith.constant dense<2147483647> : vector<128xi32>
    %reduce_min3A_579 = vector.multi_reduction <minsi>, %select_n3A_577, %reduce_min3A_578 [1] : vector<128x64xi32> to vector<128xi32>
    %eq3A_580 = arith.constant 23 : i32
    %eq3A_581 = vector.broadcast %eq3A_580 : i32 to vector<128x32xi32>
    %eq3A_582 = arith.cmpi eq, %iota3A_13, %eq3A_581 : vector<128x32xi32>
    %broadcast_in_dim3A_583 = vector.shape_cast %reduce_min3A_579 : vector<128xi32> to vector<128x1xi32>
    %lt3A_584 = arith.constant 1073741824 : i32
    %lt3A_585 = vector.broadcast %lt3A_584 : i32 to vector<128x1xi32>
    %lt3A_586 = arith.cmpi slt, %broadcast_in_dim3A_583, %lt3A_585 : vector<128x1xi32>
    %and3A_587 = vector.broadcast %lt3A_586 : vector<128x1xi1> to vector<128x32xi1>
    %and3A_588 = arith.andi %eq3A_582, %and3A_587 : vector<128x32xi1>
    %broadcast_in_dim3A_589 = vector.shape_cast %reduce_min3A_579 : vector<128xi32> to vector<128x1xi32>
    %broadcast_in_dim3A_590 = vector.shape_cast %broadcast_in_dim3A_589 : vector<128x1xi32> to vector<128x1xi32>
    %broadcast_in_dim3A_591 = vector.broadcast %broadcast_in_dim3A_590 : vector<128x1xi32> to vector<128x32xi32>
    %select_n3A_592 = arith.select %and3A_588, %broadcast_in_dim3A_591, %select_n3A_570 : vector<128x32xi1>, vector<128x32xi32>
    %eq3A_593 = arith.constant 24 : i32
    %eq3A_594 = vector.broadcast %eq3A_593 : i32 to vector<128x64xi32>
    %eq3A_595 = arith.cmpi eq, %add3A_59, %eq3A_594 : vector<128x64xi32>
    %and3A_596 = arith.andi %and3A, %eq3A_595 : vector<128x64xi1>
    %jit3A_597 = arith.constant 1073741824 : i32
    %broadcast_in_dim3A_598 = vector.broadcast %jit3A_597 : i32 to vector<128x64xi32>
    %select_n3A_599 = arith.select %and3A_596, %add3A_66, %broadcast_in_dim3A_598 : vector<128x64xi1>, vector<128x64xi32>
    %reduce_min3A_600 = arith.constant dense<2147483647> : vector<128xi32>
    %reduce_min3A_601 = vector.multi_reduction <minsi>, %select_n3A_599, %reduce_min3A_600 [1] : vector<128x64xi32> to vector<128xi32>
    %eq3A_602 = arith.constant 24 : i32
    %eq3A_603 = vector.broadcast %eq3A_602 : i32 to vector<128x32xi32>
    %eq3A_604 = arith.cmpi eq, %iota3A_13, %eq3A_603 : vector<128x32xi32>
    %broadcast_in_dim3A_605 = vector.shape_cast %reduce_min3A_601 : vector<128xi32> to vector<128x1xi32>
    %lt3A_606 = arith.constant 1073741824 : i32
    %lt3A_607 = vector.broadcast %lt3A_606 : i32 to vector<128x1xi32>
    %lt3A_608 = arith.cmpi slt, %broadcast_in_dim3A_605, %lt3A_607 : vector<128x1xi32>
    %and3A_609 = vector.broadcast %lt3A_608 : vector<128x1xi1> to vector<128x32xi1>
    %and3A_610 = arith.andi %eq3A_604, %and3A_609 : vector<128x32xi1>
    %broadcast_in_dim3A_611 = vector.shape_cast %reduce_min3A_601 : vector<128xi32> to vector<128x1xi32>
    %broadcast_in_dim3A_612 = vector.shape_cast %broadcast_in_dim3A_611 : vector<128x1xi32> to vector<128x1xi32>
    %broadcast_in_dim3A_613 = vector.broadcast %broadcast_in_dim3A_612 : vector<128x1xi32> to vector<128x32xi32>
    %select_n3A_614 = arith.select %and3A_610, %broadcast_in_dim3A_613, %select_n3A_592 : vector<128x32xi1>, vector<128x32xi32>
    %eq3A_615 = arith.constant 25 : i32
    %eq3A_616 = vector.broadcast %eq3A_615 : i32 to vector<128x64xi32>
    %eq3A_617 = arith.cmpi eq, %add3A_59, %eq3A_616 : vector<128x64xi32>
    %and3A_618 = arith.andi %and3A, %eq3A_617 : vector<128x64xi1>
    %jit3A_619 = arith.constant 1073741824 : i32
    %broadcast_in_dim3A_620 = vector.broadcast %jit3A_619 : i32 to vector<128x64xi32>
    %select_n3A_621 = arith.select %and3A_618, %add3A_66, %broadcast_in_dim3A_620 : vector<128x64xi1>, vector<128x64xi32>
    %reduce_min3A_622 = arith.constant dense<2147483647> : vector<128xi32>
    %reduce_min3A_623 = vector.multi_reduction <minsi>, %select_n3A_621, %reduce_min3A_622 [1] : vector<128x64xi32> to vector<128xi32>
    %eq3A_624 = arith.constant 25 : i32
    %eq3A_625 = vector.broadcast %eq3A_624 : i32 to vector<128x32xi32>
    %eq3A_626 = arith.cmpi eq, %iota3A_13, %eq3A_625 : vector<128x32xi32>
    %broadcast_in_dim3A_627 = vector.shape_cast %reduce_min3A_623 : vector<128xi32> to vector<128x1xi32>
    %lt3A_628 = arith.constant 1073741824 : i32
    %lt3A_629 = vector.broadcast %lt3A_628 : i32 to vector<128x1xi32>
    %lt3A_630 = arith.cmpi slt, %broadcast_in_dim3A_627, %lt3A_629 : vector<128x1xi32>
    %and3A_631 = vector.broadcast %lt3A_630 : vector<128x1xi1> to vector<128x32xi1>
    %and3A_632 = arith.andi %eq3A_626, %and3A_631 : vector<128x32xi1>
    %broadcast_in_dim3A_633 = vector.shape_cast %reduce_min3A_623 : vector<128xi32> to vector<128x1xi32>
    %broadcast_in_dim3A_634 = vector.shape_cast %broadcast_in_dim3A_633 : vector<128x1xi32> to vector<128x1xi32>
    %broadcast_in_dim3A_635 = vector.broadcast %broadcast_in_dim3A_634 : vector<128x1xi32> to vector<128x32xi32>
    %select_n3A_636 = arith.select %and3A_632, %broadcast_in_dim3A_635, %select_n3A_614 : vector<128x32xi1>, vector<128x32xi32>
    %eq3A_637 = arith.constant 26 : i32
    %eq3A_638 = vector.broadcast %eq3A_637 : i32 to vector<128x64xi32>
    %eq3A_639 = arith.cmpi eq, %add3A_59, %eq3A_638 : vector<128x64xi32>
    %and3A_640 = arith.andi %and3A, %eq3A_639 : vector<128x64xi1>
    %jit3A_641 = arith.constant 1073741824 : i32
    %broadcast_in_dim3A_642 = vector.broadcast %jit3A_641 : i32 to vector<128x64xi32>
    %select_n3A_643 = arith.select %and3A_640, %add3A_66, %broadcast_in_dim3A_642 : vector<128x64xi1>, vector<128x64xi32>
    %reduce_min3A_644 = arith.constant dense<2147483647> : vector<128xi32>
    %reduce_min3A_645 = vector.multi_reduction <minsi>, %select_n3A_643, %reduce_min3A_644 [1] : vector<128x64xi32> to vector<128xi32>
    %eq3A_646 = arith.constant 26 : i32
    %eq3A_647 = vector.broadcast %eq3A_646 : i32 to vector<128x32xi32>
    %eq3A_648 = arith.cmpi eq, %iota3A_13, %eq3A_647 : vector<128x32xi32>
    %broadcast_in_dim3A_649 = vector.shape_cast %reduce_min3A_645 : vector<128xi32> to vector<128x1xi32>
    %lt3A_650 = arith.constant 1073741824 : i32
    %lt3A_651 = vector.broadcast %lt3A_650 : i32 to vector<128x1xi32>
    %lt3A_652 = arith.cmpi slt, %broadcast_in_dim3A_649, %lt3A_651 : vector<128x1xi32>
    %and3A_653 = vector.broadcast %lt3A_652 : vector<128x1xi1> to vector<128x32xi1>
    %and3A_654 = arith.andi %eq3A_648, %and3A_653 : vector<128x32xi1>
    %broadcast_in_dim3A_655 = vector.shape_cast %reduce_min3A_645 : vector<128xi32> to vector<128x1xi32>
    %broadcast_in_dim3A_656 = vector.shape_cast %broadcast_in_dim3A_655 : vector<128x1xi32> to vector<128x1xi32>
    %broadcast_in_dim3A_657 = vector.broadcast %broadcast_in_dim3A_656 : vector<128x1xi32> to vector<128x32xi32>
    %select_n3A_658 = arith.select %and3A_654, %broadcast_in_dim3A_657, %select_n3A_636 : vector<128x32xi1>, vector<128x32xi32>
    %eq3A_659 = arith.constant 27 : i32
    %eq3A_660 = vector.broadcast %eq3A_659 : i32 to vector<128x64xi32>
    %eq3A_661 = arith.cmpi eq, %add3A_59, %eq3A_660 : vector<128x64xi32>
    %and3A_662 = arith.andi %and3A, %eq3A_661 : vector<128x64xi1>
    %jit3A_663 = arith.constant 1073741824 : i32
    %broadcast_in_dim3A_664 = vector.broadcast %jit3A_663 : i32 to vector<128x64xi32>
    %select_n3A_665 = arith.select %and3A_662, %add3A_66, %broadcast_in_dim3A_664 : vector<128x64xi1>, vector<128x64xi32>
    %reduce_min3A_666 = arith.constant dense<2147483647> : vector<128xi32>
    %reduce_min3A_667 = vector.multi_reduction <minsi>, %select_n3A_665, %reduce_min3A_666 [1] : vector<128x64xi32> to vector<128xi32>
    %eq3A_668 = arith.constant 27 : i32
    %eq3A_669 = vector.broadcast %eq3A_668 : i32 to vector<128x32xi32>
    %eq3A_670 = arith.cmpi eq, %iota3A_13, %eq3A_669 : vector<128x32xi32>
    %broadcast_in_dim3A_671 = vector.shape_cast %reduce_min3A_667 : vector<128xi32> to vector<128x1xi32>
    %lt3A_672 = arith.constant 1073741824 : i32
    %lt3A_673 = vector.broadcast %lt3A_672 : i32 to vector<128x1xi32>
    %lt3A_674 = arith.cmpi slt, %broadcast_in_dim3A_671, %lt3A_673 : vector<128x1xi32>
    %and3A_675 = vector.broadcast %lt3A_674 : vector<128x1xi1> to vector<128x32xi1>
    %and3A_676 = arith.andi %eq3A_670, %and3A_675 : vector<128x32xi1>
    %broadcast_in_dim3A_677 = vector.shape_cast %reduce_min3A_667 : vector<128xi32> to vector<128x1xi32>
    %broadcast_in_dim3A_678 = vector.shape_cast %broadcast_in_dim3A_677 : vector<128x1xi32> to vector<128x1xi32>
    %broadcast_in_dim3A_679 = vector.broadcast %broadcast_in_dim3A_678 : vector<128x1xi32> to vector<128x32xi32>
    %select_n3A_680 = arith.select %and3A_676, %broadcast_in_dim3A_679, %select_n3A_658 : vector<128x32xi1>, vector<128x32xi32>
    %eq3A_681 = arith.constant 28 : i32
    %eq3A_682 = vector.broadcast %eq3A_681 : i32 to vector<128x64xi32>
    %eq3A_683 = arith.cmpi eq, %add3A_59, %eq3A_682 : vector<128x64xi32>
    %and3A_684 = arith.andi %and3A, %eq3A_683 : vector<128x64xi1>
    %jit3A_685 = arith.constant 1073741824 : i32
    %broadcast_in_dim3A_686 = vector.broadcast %jit3A_685 : i32 to vector<128x64xi32>
    %select_n3A_687 = arith.select %and3A_684, %add3A_66, %broadcast_in_dim3A_686 : vector<128x64xi1>, vector<128x64xi32>
    %reduce_min3A_688 = arith.constant dense<2147483647> : vector<128xi32>
    %reduce_min3A_689 = vector.multi_reduction <minsi>, %select_n3A_687, %reduce_min3A_688 [1] : vector<128x64xi32> to vector<128xi32>
    %eq3A_690 = arith.constant 28 : i32
    %eq3A_691 = vector.broadcast %eq3A_690 : i32 to vector<128x32xi32>
    %eq3A_692 = arith.cmpi eq, %iota3A_13, %eq3A_691 : vector<128x32xi32>
    %broadcast_in_dim3A_693 = vector.shape_cast %reduce_min3A_689 : vector<128xi32> to vector<128x1xi32>
    %lt3A_694 = arith.constant 1073741824 : i32
    %lt3A_695 = vector.broadcast %lt3A_694 : i32 to vector<128x1xi32>
    %lt3A_696 = arith.cmpi slt, %broadcast_in_dim3A_693, %lt3A_695 : vector<128x1xi32>
    %and3A_697 = vector.broadcast %lt3A_696 : vector<128x1xi1> to vector<128x32xi1>
    %and3A_698 = arith.andi %eq3A_692, %and3A_697 : vector<128x32xi1>
    %broadcast_in_dim3A_699 = vector.shape_cast %reduce_min3A_689 : vector<128xi32> to vector<128x1xi32>
    %broadcast_in_dim3A_700 = vector.shape_cast %broadcast_in_dim3A_699 : vector<128x1xi32> to vector<128x1xi32>
    %broadcast_in_dim3A_701 = vector.broadcast %broadcast_in_dim3A_700 : vector<128x1xi32> to vector<128x32xi32>
    %select_n3A_702 = arith.select %and3A_698, %broadcast_in_dim3A_701, %select_n3A_680 : vector<128x32xi1>, vector<128x32xi32>
    %eq3A_703 = arith.constant 29 : i32
    %eq3A_704 = vector.broadcast %eq3A_703 : i32 to vector<128x64xi32>
    %eq3A_705 = arith.cmpi eq, %add3A_59, %eq3A_704 : vector<128x64xi32>
    %and3A_706 = arith.andi %and3A, %eq3A_705 : vector<128x64xi1>
    %jit3A_707 = arith.constant 1073741824 : i32
    %broadcast_in_dim3A_708 = vector.broadcast %jit3A_707 : i32 to vector<128x64xi32>
    %select_n3A_709 = arith.select %and3A_706, %add3A_66, %broadcast_in_dim3A_708 : vector<128x64xi1>, vector<128x64xi32>
    %reduce_min3A_710 = arith.constant dense<2147483647> : vector<128xi32>
    %reduce_min3A_711 = vector.multi_reduction <minsi>, %select_n3A_709, %reduce_min3A_710 [1] : vector<128x64xi32> to vector<128xi32>
    %eq3A_712 = arith.constant 29 : i32
    %eq3A_713 = vector.broadcast %eq3A_712 : i32 to vector<128x32xi32>
    %eq3A_714 = arith.cmpi eq, %iota3A_13, %eq3A_713 : vector<128x32xi32>
    %broadcast_in_dim3A_715 = vector.shape_cast %reduce_min3A_711 : vector<128xi32> to vector<128x1xi32>
    %lt3A_716 = arith.constant 1073741824 : i32
    %lt3A_717 = vector.broadcast %lt3A_716 : i32 to vector<128x1xi32>
    %lt3A_718 = arith.cmpi slt, %broadcast_in_dim3A_715, %lt3A_717 : vector<128x1xi32>
    %and3A_719 = vector.broadcast %lt3A_718 : vector<128x1xi1> to vector<128x32xi1>
    %and3A_720 = arith.andi %eq3A_714, %and3A_719 : vector<128x32xi1>
    %broadcast_in_dim3A_721 = vector.shape_cast %reduce_min3A_711 : vector<128xi32> to vector<128x1xi32>
    %broadcast_in_dim3A_722 = vector.shape_cast %broadcast_in_dim3A_721 : vector<128x1xi32> to vector<128x1xi32>
    %broadcast_in_dim3A_723 = vector.broadcast %broadcast_in_dim3A_722 : vector<128x1xi32> to vector<128x32xi32>
    %select_n3A_724 = arith.select %and3A_720, %broadcast_in_dim3A_723, %select_n3A_702 : vector<128x32xi1>, vector<128x32xi32>
    %eq3A_725 = arith.constant 30 : i32
    %eq3A_726 = vector.broadcast %eq3A_725 : i32 to vector<128x64xi32>
    %eq3A_727 = arith.cmpi eq, %add3A_59, %eq3A_726 : vector<128x64xi32>
    %and3A_728 = arith.andi %and3A, %eq3A_727 : vector<128x64xi1>
    %jit3A_729 = arith.constant 1073741824 : i32
    %broadcast_in_dim3A_730 = vector.broadcast %jit3A_729 : i32 to vector<128x64xi32>
    %select_n3A_731 = arith.select %and3A_728, %add3A_66, %broadcast_in_dim3A_730 : vector<128x64xi1>, vector<128x64xi32>
    %reduce_min3A_732 = arith.constant dense<2147483647> : vector<128xi32>
    %reduce_min3A_733 = vector.multi_reduction <minsi>, %select_n3A_731, %reduce_min3A_732 [1] : vector<128x64xi32> to vector<128xi32>
    %eq3A_734 = arith.constant 30 : i32
    %eq3A_735 = vector.broadcast %eq3A_734 : i32 to vector<128x32xi32>
    %eq3A_736 = arith.cmpi eq, %iota3A_13, %eq3A_735 : vector<128x32xi32>
    %broadcast_in_dim3A_737 = vector.shape_cast %reduce_min3A_733 : vector<128xi32> to vector<128x1xi32>
    %lt3A_738 = arith.constant 1073741824 : i32
    %lt3A_739 = vector.broadcast %lt3A_738 : i32 to vector<128x1xi32>
    %lt3A_740 = arith.cmpi slt, %broadcast_in_dim3A_737, %lt3A_739 : vector<128x1xi32>
    %and3A_741 = vector.broadcast %lt3A_740 : vector<128x1xi1> to vector<128x32xi1>
    %and3A_742 = arith.andi %eq3A_736, %and3A_741 : vector<128x32xi1>
    %broadcast_in_dim3A_743 = vector.shape_cast %reduce_min3A_733 : vector<128xi32> to vector<128x1xi32>
    %broadcast_in_dim3A_744 = vector.shape_cast %broadcast_in_dim3A_743 : vector<128x1xi32> to vector<128x1xi32>
    %broadcast_in_dim3A_745 = vector.broadcast %broadcast_in_dim3A_744 : vector<128x1xi32> to vector<128x32xi32>
    %select_n3A_746 = arith.select %and3A_742, %broadcast_in_dim3A_745, %select_n3A_724 : vector<128x32xi1>, vector<128x32xi32>
    %eq3A_747 = arith.constant 31 : i32
    %eq3A_748 = vector.broadcast %eq3A_747 : i32 to vector<128x64xi32>
    %eq3A_749 = arith.cmpi eq, %add3A_59, %eq3A_748 : vector<128x64xi32>
    %and3A_750 = arith.andi %and3A, %eq3A_749 : vector<128x64xi1>
    %jit3A_751 = arith.constant 1073741824 : i32
    %broadcast_in_dim3A_752 = vector.broadcast %jit3A_751 : i32 to vector<128x64xi32>
    %select_n3A_753 = arith.select %and3A_750, %add3A_66, %broadcast_in_dim3A_752 : vector<128x64xi1>, vector<128x64xi32>
    %reduce_min3A_754 = arith.constant dense<2147483647> : vector<128xi32>
    %reduce_min3A_755 = vector.multi_reduction <minsi>, %select_n3A_753, %reduce_min3A_754 [1] : vector<128x64xi32> to vector<128xi32>
    %eq3A_756 = arith.constant 31 : i32
    %eq3A_757 = vector.broadcast %eq3A_756 : i32 to vector<128x32xi32>
    %eq3A_758 = arith.cmpi eq, %iota3A_13, %eq3A_757 : vector<128x32xi32>
    %broadcast_in_dim3A_759 = vector.shape_cast %reduce_min3A_755 : vector<128xi32> to vector<128x1xi32>
    %lt3A_760 = arith.constant 1073741824 : i32
    %lt3A_761 = vector.broadcast %lt3A_760 : i32 to vector<128x1xi32>
    %lt3A_762 = arith.cmpi slt, %broadcast_in_dim3A_759, %lt3A_761 : vector<128x1xi32>
    %and3A_763 = vector.broadcast %lt3A_762 : vector<128x1xi1> to vector<128x32xi1>
    %and3A_764 = arith.andi %eq3A_758, %and3A_763 : vector<128x32xi1>
    %broadcast_in_dim3A_765 = vector.shape_cast %reduce_min3A_755 : vector<128xi32> to vector<128x1xi32>
    %broadcast_in_dim3A_766 = vector.shape_cast %broadcast_in_dim3A_765 : vector<128x1xi32> to vector<128x1xi32>
    %broadcast_in_dim3A_767 = vector.broadcast %broadcast_in_dim3A_766 : vector<128x1xi32> to vector<128x32xi32>
    %select_n3A_768 = arith.select %and3A_764, %broadcast_in_dim3A_767, %select_n3A_746 : vector<128x32xi1>, vector<128x32xi32>
    %swap3A_769 = arith.constant 0 : index
    %swap3A_770 = arith.constant 0 : index
    %swap3A_771 = arith.constant 0 : index
    %swap3A_772 = vector.load %arg3[%swap3A_769, %swap3A_770, %swap3A_771] : memref<1x128x32xi32, #tpu.memory_space<vmem>>, vector<1x128x32xi32>
    %swap3A_773 = vector.shape_cast %swap3A_772 : vector<1x128x32xi32> to vector<128x32xi32>
    %swap3A_774 = vector.shape_cast %select_n3A_768 : vector<128x32xi32> to vector<1x128x32xi32>
    tpu.vector_store %arg3[%swap3A_769, %swap3A_770, %swap3A_771], %swap3A_774 {strides = array<i32>} : memref<1x128x32xi32, #tpu.memory_space<vmem>>, vector<1x128x32xi32>,
    return
  }
  func.func @transform_0(%arg0: i32, %arg1: i32) -> (i32, i32, i32) {
    %add3A = arith.constant 0 : i32
    %add3A_0 = arith.addi %arg0, %add3A : i32
    %c0_i32 = arith.constant 0 : i32
    %c0_i32_1 = arith.constant 0 : i32
    return %add3A_0, %arg1, %c0_i32 : i32, i32, i32
  }
  func.func @transform_1(%arg0: i32, %arg1: i32) -> (i32, i32, i32) {
    %c0_i32 = arith.constant 0 : i32
    %c0_i32_0 = arith.constant 0 : i32
    return %arg0, %arg1, %c0_i32 : i32, i32, i32
  }
}

module attributes {stable_mosaic.version = 14 : i64} {
  func.func @_mlp_body(%arg0: i32, %arg1: memref<4096x128xf32, #tpu.memory_space<vmem>>, %arg2: memref<1x128xf32, #tpu.memory_space<vmem>>, %arg3: memref<128x64xf32, #tpu.memory_space<vmem>>, %arg4: memref<1x64xf32, #tpu.memory_space<vmem>>, %arg5: memref<64x128xf32, #tpu.memory_space<vmem>>, %arg6: memref<1x128xf32, #tpu.memory_space<vmem>>, %arg7: memref<128x128xf32, #tpu.memory_space<vmem>>) attributes {dimension_semantics = [#tpu.dimension_semantics<arbitrary>], iteration_bounds = array<i64: 16>, scalar_prefetch = 0 : i64, scratch_operands = 0 : i64, tpu.core_type = #tpu.core_type<tc>, window_params = [{transform_indices = @transform_0, window_bounds = array<i64: 4096, 128>}, {pipeline_mode = #tpu.pipeline_mode<synchronous>, transform_indices = @transform_1, window_bounds = array<i64: 1, 128>}, {pipeline_mode = #tpu.pipeline_mode<synchronous>, transform_indices = @transform_2, window_bounds = array<i64: 128, 64>}, {pipeline_mode = #tpu.pipeline_mode<synchronous>, transform_indices = @transform_3, window_bounds = array<i64: 1, 64>}, {pipeline_mode = #tpu.pipeline_mode<synchronous>, transform_indices = @transform_4, window_bounds = array<i64: 64, 128>}, {pipeline_mode = #tpu.pipeline_mode<synchronous>, transform_indices = @transform_5, window_bounds = array<i64: 1, 128>}, {transform_indices = @transform_6, window_bounds = array<i64: 128, 128>}]} {
    %get3A = arith.constant 0 : index
    %get3A_0 = arith.constant 0 : index
    %get3A_1 = vector.load %arg1[%get3A, %get3A_0] : memref<4096x128xf32, #tpu.memory_space<vmem>>, vector<4096x128xf32>
    %get3A_2 = arith.constant 0 : index
    %get3A_3 = arith.constant 0 : index
    %get3A_4 = vector.load %arg2[%get3A_2, %get3A_3] : memref<1x128xf32, #tpu.memory_space<vmem>>, vector<1x128xf32>
    %add3A = vector.broadcast %get3A_4 : vector<1x128xf32> to vector<4096x128xf32>
    %add3A_5 = arith.addf %get3A_1, %add3A : vector<4096x128xf32>
    %max3A = arith.constant 0.000000e+00 : f32
    %max3A_6 = vector.broadcast %max3A : f32 to vector<4096x128xf32>
    %max3A_7 = arith.maximumf %add3A_5, %max3A_6 : vector<4096x128xf32>
    %get3A_8 = arith.constant 0 : index
    %get3A_9 = arith.constant 0 : index
    %get3A_10 = vector.load %arg3[%get3A_8, %get3A_9] : memref<128x64xf32, #tpu.memory_space<vmem>>, vector<128x64xf32>
    %dot_general3A = arith.constant dense<0.000000e+00> : vector<4096x64xf32>
    %dot_general3A_11 = tpu.matmul %max3A_7, %get3A_10, %dot_general3A {dimension_numbers = #tpu.dot_dimension_numbers<[1], [0], [0], [1], [0, 0, 1, 1], [], []>, transpose_lhs_hint = false} : vector<4096x128xf32>, vector<128x64xf32>, vector<4096x64xf32> -> vector<4096x64xf32>
    %get3A_12 = arith.constant 0 : index
    %get3A_13 = arith.constant 0 : index
    %get3A_14 = vector.load %arg4[%get3A_12, %get3A_13] : memref<1x64xf32, #tpu.memory_space<vmem>>, vector<1x64xf32>
    %add3A_15 = vector.broadcast %get3A_14 : vector<1x64xf32> to vector<4096x64xf32>
    %add3A_16 = arith.addf %dot_general3A_11, %add3A_15 : vector<4096x64xf32>
    %max3A_17 = arith.constant 0.000000e+00 : f32
    %max3A_18 = vector.broadcast %max3A_17 : f32 to vector<4096x64xf32>
    %max3A_19 = arith.maximumf %add3A_16, %max3A_18 : vector<4096x64xf32>
    %get3A_20 = arith.constant 0 : index
    %get3A_21 = arith.constant 0 : index
    %get3A_22 = vector.load %arg5[%get3A_20, %get3A_21] : memref<64x128xf32, #tpu.memory_space<vmem>>, vector<64x128xf32>
    %dot_general3A_23 = arith.constant dense<0.000000e+00> : vector<4096x128xf32>
    %dot_general3A_24 = tpu.matmul %max3A_19, %get3A_22, %dot_general3A_23 {dimension_numbers = #tpu.dot_dimension_numbers<[1], [0], [0], [1], [0, 0, 1, 1], [], []>, transpose_lhs_hint = false} : vector<4096x64xf32>, vector<64x128xf32>, vector<4096x128xf32> -> vector<4096x128xf32>
    %get3A_25 = arith.constant 0 : index
    %get3A_26 = arith.constant 0 : index
    %get3A_27 = vector.load %arg6[%get3A_25, %get3A_26] : memref<1x128xf32, #tpu.memory_space<vmem>>, vector<1x128xf32>
    %add3A_28 = vector.broadcast %get3A_27 : vector<1x128xf32> to vector<4096x128xf32>
    %add3A_29 = arith.addf %dot_general3A_24, %add3A_28 : vector<4096x128xf32>
    %max3A_30 = arith.constant 0.000000e+00 : f32
    %max3A_31 = vector.broadcast %max3A_30 : f32 to vector<4096x128xf32>
    %max3A_32 = arith.maximumf %add3A_29, %max3A_31 : vector<4096x128xf32>
    %reshape3A = vector.shape_cast %max3A_32 : vector<4096x128xf32> to vector<128x32x128xf32>
    %reduce_max3A = arith.constant dense<0xFF800000> : vector<128x128xf32>
    %reduce_max3A_33 = vector.multi_reduction <maximumf>, %reshape3A, %reduce_max3A [1] : vector<128x32x128xf32> to vector<128x128xf32>
    %swap3A = arith.constant 0 : index
    %swap3A_34 = arith.constant 0 : index
    %swap3A_35 = vector.load %arg7[%swap3A, %swap3A_34] : memref<128x128xf32, #tpu.memory_space<vmem>>, vector<128x128xf32>
    tpu.vector_store %arg7[%swap3A, %swap3A_34], %reduce_max3A_33 {strides = array<i32>} : memref<128x128xf32, #tpu.memory_space<vmem>>, vector<128x128xf32>,
    return
  }
  func.func @transform_0(%arg0: i32) -> (i32, i32) {
    %c0_i32 = arith.constant 0 : i32
    %c0_i32_0 = arith.constant 0 : i32
    return %arg0, %c0_i32 : i32, i32
  }
  func.func @transform_1(%arg0: i32) -> (i32, i32) {
    %c0_i32 = arith.constant 0 : i32
    %c0_i32_0 = arith.constant 0 : i32
    %c0_i32_1 = arith.constant 0 : i32
    return %c0_i32, %c0_i32_0 : i32, i32
  }
  func.func @transform_2(%arg0: i32) -> (i32, i32) {
    %c0_i32 = arith.constant 0 : i32
    %c0_i32_0 = arith.constant 0 : i32
    %c0_i32_1 = arith.constant 0 : i32
    return %c0_i32, %c0_i32_0 : i32, i32
  }
  func.func @transform_3(%arg0: i32) -> (i32, i32) {
    %c0_i32 = arith.constant 0 : i32
    %c0_i32_0 = arith.constant 0 : i32
    %c0_i32_1 = arith.constant 0 : i32
    return %c0_i32, %c0_i32_0 : i32, i32
  }
  func.func @transform_4(%arg0: i32) -> (i32, i32) {
    %c0_i32 = arith.constant 0 : i32
    %c0_i32_0 = arith.constant 0 : i32
    %c0_i32_1 = arith.constant 0 : i32
    return %c0_i32, %c0_i32_0 : i32, i32
  }
  func.func @transform_5(%arg0: i32) -> (i32, i32) {
    %c0_i32 = arith.constant 0 : i32
    %c0_i32_0 = arith.constant 0 : i32
    %c0_i32_1 = arith.constant 0 : i32
    return %c0_i32, %c0_i32_0 : i32, i32
  }
  func.func @transform_6(%arg0: i32) -> (i32, i32) {
    %c0_i32 = arith.constant 0 : i32
    %c0_i32_0 = arith.constant 0 : i32
    return %arg0, %c0_i32 : i32, i32
  }
}

</mosaic_0001>

<sc_bundles>
// kernel: kernel.12.cloned.1.call-start
scs
__scs_entry_jumppad:
0x0: {  	(pc) =	sbr.rel $0x88, $3  }
0x1: {  	(tag) =	ssettag $0x0;
	lr =	simm.s32 $0x1  }
0x2: {  	[smem:$0x3F99] =	sst lr;
	_ =	strace $0xD0000000  }
0x3: {  	_ = 	snop  }
0x4: {  	_ = 	snop  }
0x5: {  	_ = 	snop  }
0x6: {  	_ = 	snop  }
0x7: {  	_ = 	snop  }
__scs_overlays_trampoline_lowered:
0x8: {  	[smem:$0x3FA8] =	sst s0  }
0x9: {  	[smem:$0x3FA9] =	sst s1  }
0xa: {  	[smem:$0x3FAA] =	sst s2  }
0xb: {  	[smem:$0x3FAB] =	sst s3  }
0xc: {  	[smem:$0x3FAC] =	sst s4  }
0xd: {  	[smem:$0x3FAD] =	sst s5  }
0xe: {  	[smem:$0x3FAE] =	sst s6  }
0xf: {  	[smem:$0x3FAF] =	sst s7  }
0x10: {  	[smem:$0x3FB0] =	sst s8  }
0x11: {  	[smem:$0x3FB1] =	sst s9;
	s0 =	simm.s32 @!p0 $0x0  }
0x12: {  	s1 =	sld [smem:$0x3F97];
	s0 =	simm.s32 @p0 $0x1  }
0x13: {  	[smem:$0x3FB2] =	sst s0;
	s0 =	simm.s32 @!p1 $0x0  }
0x14: {  	s2 =	sld [smem:$0x3F96];
	s0 =	simm.s32 @p1 $0x1  }
0x15: {  	[smem:$0x3FB3] =	sst s0;
	s0 =	simm.s32 @!p2 $0x0  }
0x16: {  	s3 =	sld [smem:$0x3FDB];
	s0 =	simm.s32 @p2 $0x1  }
0x17: {  	s4 =	simm.s32 $0x1BF5;
	[smem:$0x3FB5] =	sst s0  }
0x18: {  	s0 =	sld [smem:$0x3F98];
	_ =	swait.ge [sflag:s4], $0x0  }
0x19: {  	s7 =	sld [smem:$0x3F99]  }
0x1a: {  	s8 =	sadd.s32 $0xFFFFE003, lr  }
0x1b: {  	s9 =	sadd.s32 $0xFFFFFEF7, lr;
	s5 =	simm.s32 $0xFFFFFFFF;
	p2 =	slt.u32 s8, $0xFFFFF086  }
0x1c: {  	p1 =	slt.u32 s9, $0xF7A;
	s5 =	simm.s32 @!p2 $0x0  }
0x1d: {  	s5 =	simm.s32 @p1 $0x1;
	p0 =	seq.s32 s7, s2  }
0x1e: {  	s7 =	smul.u32 @!p0 $0xF7A, s2;
	p2 =	seq.s32 @!p0 s5, $0x0  }
0x1f: {  	s9 =	smul.u32 $0xF7A, s1;
	s8 =	simm.s32 @!p0 $0x1BF5;
	p2 =	por !p2, p0  }
0x20: {  	[sflag:s8] =	ssyncset.s32 @!p0 $0xFFFFF086;
	s6 =	sadd.s32 @!p0 s3, s7;
	s7 =	simm.s32 @!p0 $0x108  }
0x21: {  	s3 =	sadd.s32 s3, s9;
	s6 =	sadd.s32 @!p0 $0x88, s6;
	s7 =	simm.s32 @p2 $0x1082  }
0x22: {  	[simem:s7], [sflag:s8] =	dma.local @!p0 [hbm:s6], $0xF7A  }
0x23: {  	s9 =	sor.u32 $0xD0000000, s2;
	s6 =	simm.s32 $0x108;
	_ =	swait.ge @!p0 [sflag:s8], $0x0  }
0x24: {  	s3 =	sadd.s32 $0x88, s3;
	s6 =	simm.s32 @!p1 $0x1082;
	[sflag:s4] =	ssyncset.s32 $0xFFFFF086  }
0x25: {  	[simem:s6], [sflag:s4] =	dma.local [hbm:s3], $0xF7A  }
0x26: {  	[smem:$0x3F99] =	sst s1;
	(tag) =	ssettag s2;
	_ =	strace s9  }
0x27: {  	s1 =	sld [smem:$0x3FA9]  }
0x28: {  	s2 =	sld [smem:$0x3FAA]  }
0x29: {  	s4 =	sld [smem:$0x3FAC]  }
0x2a: {  	p0 =	seq.s32 s5, $0x0;
	s5 =	sld [smem:$0x3FAD]  }
0x2b: {  	s6 =	sld [smem:$0x3FAE]  }
0x2c: {  	s7 =	sld [smem:$0x3FAF]  }
0x2d: {  	s3 =	simm.s32 $0x108;
	s8 =	sld [smem:$0x3FB0]  }
0x2e: {  	s3 =	simm.s32 @!p0 $0x1082;
	s9 =	sld [smem:$0x3FB1]  }
0x2f: {  	lr =	sadd.s32 s0, s3;
	s0 =	sld [smem:$0x3FA8]  }
0x30: {  	s3 =	sld [smem:$0x3FAB]  }
0x31: {  	[smem:$0x3FB4] =	sst s10  }
0x32: {  	s10 =	sld [smem:$0x3FB2];
	_ =	sdelay $0x3  }
0x33: {  	p0 =	seq.s32 s10, $0x1;
	s10 =	sld [smem:$0x3FB4];
	_ =	sdelay $0x3  }
0x34: {  	[smem:$0x3FB4] =	sst s10  }
0x35: {  	s10 =	sld [smem:$0x3FB3];
	_ =	sdelay $0x3  }
0x36: {  	p1 =	seq.s32 s10, $0x1;
	s10 =	sld [smem:$0x3FB4];
	_ =	sdelay $0x3  }
0x37: {  	[smem:$0x3FB4] =	sst s10  }
0x38: {  	s10 =	sld [smem:$0x3FB5]  }
0x39: {  	_ = 	snop;
	(pc) =	sbr.ind lr, $3  }
0x3a: {  	_ = 	snop  }
0x3b: {  	_ = 	snop  }
0x3c: {  	p2 =	seq.s32 s10, $0x1;
	s10 =	sld [smem:$0x3FB4]  }
0x3d: {  	_ =	shalt  }
0x3e: {  	_ =	shalt  }
0x3f: {  	_ =	shalt  }
0x40: {  	_ =	shalt  }
0x41: {  	_ =	shalt  }
0x42: {  	_ =	shalt  }
0x43: {  	_ =	shalt  }
0x44: {  	_ =	shalt  }
0x45: {  	_ =	shalt  }
0x46: {  	_ =	shalt  }
0x47: {  	_ =	shalt  }
0x48: {  	_ =	shalt  }
0x49: {  	_ =	shalt  }
0x4a: {  	_ =	shalt  }
0x4b: {  	_ =	shalt  }
0x4c: {  	_ =	shalt  }
0x4d: {  	_ =	shalt  }
0x4e: {  	_ =	shalt  }
0x4f: {  	_ =	shalt  }
0x50: {  	_ =	shalt  }
0x51: {  	_ =	shalt  }
0x52: {  	_ =	shalt  }
0x53: {  	_ =	shalt  }
0x54: {  	_ =	shalt  }
0x55: {  	_ =	shalt  }
0x56: {  	_ =	shalt  }
0x57: {  	_ =	shalt  }
0x58: {  	_ =	shalt  }
0x59: {  	_ =	shalt  }
0x5a: {  	_ =	shalt  }
0x5b: {  	_ =	shalt  }
0x5c: {  	_ =	shalt  }
0x5d: {  	_ =	shalt  }
0x5e: {  	_ =	shalt  }
0x5f: {  	_ =	shalt  }
0x60: {  	_ =	shalt  }
0x61: {  	_ =	shalt  }
0x62: {  	_ =	shalt  }
0x63: {  	_ =	shalt  }
0x64: {  	_ =	shalt  }
0x65: {  	_ =	shalt  }
0x66: {  	_ =	shalt  }
0x67: {  	_ =	shalt  }
0x68: {  	_ =	shalt  }
0x69: {  	_ =	shalt  }
0x6a: {  	_ =	shalt  }
0x6b: {  	_ =	shalt  }
0x6c: {  	_ =	shalt  }
0x6d: {  	_ =	shalt  }
0x6e: {  	_ =	shalt  }
0x6f: {  	_ =	shalt  }
0x70: {  	_ =	shalt  }
0x71: {  	_ =	shalt  }
0x72: {  	_ =	shalt  }
0x73: {  	_ =	shalt  }
0x74: {  	_ =	shalt  }
0x75: {  	_ =	shalt  }
0x76: {  	_ =	shalt  }
0x77: {  	_ =	shalt  }
0x78: {  	_ =	shalt  }
0x79: {  	_ =	shalt  }
0x7a: {  	_ =	shalt  }
0x7b: {  	_ =	shalt  }
0x7c: {  	_ =	shalt  }
0x7d: {  	_ =	shalt  }
0x7e: {  	_ =	shalt  }
0x7f: {  	_ =	shalt  }
0x80: {  	_ =	shalt  }
0x81: {  	_ =	shalt  }
0x82: {  	_ =	shalt  }
0x83: {  	_ =	shalt  }
0x84: {  	_ =	shalt  }
0x85: {  	_ =	shalt  }
0x86: {  	_ =	shalt  }
0x87: {  	_ =	shalt  }
.Lfunc_end0:
.L_simem_size_0:
called_computation.1_lowered:
.L_overlay_start_0:
0x88: {  	s2 =	sld [smem:$0x3FD9]  }
0x89: {  	s3 =	sld [smem:$0x3FFE];
	_ =	sdelay $0x1  }
0x8a: {  	s1 =	srdreg.scid  }
0x8b: {  	s0 =	sand.u32 $0x1, s1  }
0x8c: {  	s14 =	sshll.u32 s0, $0xA;
	s2 =	sadd.s32 s3, s2  }
0x8d: {  	s2 =	sadd.s32 s2, s14  }
0x8e: {  	[smem:$0x3FC0] =	sst s2  }
0x8f: {  	_ = 	snop  }
0x90: {  	s2 =	sld [smem:$0x3FD0];
	_ =	sdelay $0x2  }
0x91: {  	s15 =	simm.s32 $0xB;
	s4 =	simm.s32 $0x10  }
0x92: {  	[smem:s4], [sflag:s15] =	dma.local [hbm:s2], $0x1  }
0x93: {  	_ =	swait.eq [sflag:s15], $0x1  }
0x94: {  	[sflag:s15] =	ssyncset.done $0x0  }
0x95: {  	[sflag:s15] =	ssyncadd.s32 $0xFFFFFFFF  }
0x96: {  	s16 =	sld [smem:$0x11];
	(tm) =	ssettm $0x1  }
0x97: {  	s17 =	sld [smem:$0x3FFB];
	_ =	sdelay $0x3  }
0x98: {  	_ =	strace s17  }
0x99: {  	s3 =	sld [smem:$0x3FFC];
	_ =	sdelay $0x3  }
0x9a: {  	_ =	strace s3  }
0x9b: {  	s3 =	sld [smem:$0x3FFD];
	_ =	sdelay $0x3  }
0x9c: {  	_ =	strace s3  }
0x9d: {  	_ =	strace $0x8FFFFFFF  }
0x9e: {  	s18 =	sld [smem:$0x3FDB];
	_ =	sdelay $0x1  }
0x9f: {  	s19 =	simm.s32 $_scs_section_size  }
0xa0: {  	s5 =	simm.s32 $_size__tile_overlayer_lowered;
	s6 =	simm.s32 $_tile_overlayer_lowered  }
0xa1: {  	s22 =	simm.s32 $0x1BFF;
	s21 =	sshll.u32 s6, $0x1;
	s3 =	sadd.s32 s19, s18  }
0xa2: {  	s7 =	simm.s32 $0x0;
	s20 =	sshll.u32 s5, $0x1;
	s5 =	sadd.s32 s21, s3  }
0xa3: {  	[timem:s7], [sflag:s22] =	dma.local [hbm:s5], s20  }
0xa4: {  	_ =	swait.ge [sflag:s22], s20  }
0xa5: {  	s4 =	ssub.s32 $0x0, s20;
	[sflag:s22] =	ssyncset.done $0x0  }
0xa6: {  	[sflag:s22] =	ssyncadd.s32 s4;
	_ =	sdelay $0x1  }
0xa7: {  	s23 =	simm.s32 $0x1B8B  }
0xa8: {  	_ =	swait.ge [sflag:s23], $0x1  }
0xa9: {  	[sflag:s23] =	ssyncset.done $0x0  }
0xaa: {  	s25 =	simm.s32 $0x1B8E;
	s24 =	sld [smem:$0x3FFE];
	[sflag:s23] =	ssyncadd.s32 $0xFFFFFFFF  }
0xab: {  	s26 =	simm.s32 $execute0_lowered;
	[smem:$0x3FD2] =	sst s25  }
0xac: {  	s5 =	sshll.u32 s26, $0x1;
	_ =	strace $0x80000046;
	[dreg:$0x1] =	wrdreg $0xFFFFFFFF  }
0xad: {  	s28 =	simm.s32 $_size_execute0_lowered;
	s3 =	sadd.s32 s3, s5;
	[dreg:$0x0] =	wrdreg $0x0  }
0xae: {  	s5 =	sshll.u32 s28, $0x1;
	[dreg:$0x2] =	wrdreg s3  }
0xaf: {  	[dreg:$0x3] =	wrdreg s5  }
0xb0: {  	[dreg:$0x4] =	wrdreg $0xC0  }
0xb1: {  	_ =	task [dreg:s7], $0x5FFFF  }
0xb2: {  	[dreg:$0x1] =	wrdreg $0xFFFFFFFF  }
0xb3: {  	[dreg:$0x0] =	wrdreg $0x60  }
0xb4: {  	[dreg:$0x2] =	wrdreg s24  }
0xb5: {  	[dreg:$0x3] =	wrdreg s16  }
0xb6: {  	[dreg:$0x4] =	wrdreg $0xA  }
0xb7: {  	_ =	task.clear_ibuf [dreg:s7], $0x5FFFF;
	_ =	strace $0x90000046  }
0xb8: {  	s29 =	simm.s32 $0xA;
	_ =	strace $0x80000048  }
0xb9: {  	_ =	swait.ge [sflag:s29], $0x1  }
0xba: {  	[sflag:s29] =	ssyncadd.s32 $0xFFFFFFFF  }
0xbb: {  	_ =	strace $0x90000048  }
0xbc: {  	_ =	sfence  }
0xbd: {  	s30 =	sld [smem:$0x0];
	_ =	sdelay $0x2  }
0xbe: {  	s31 =	sshll.u32 s1, $0xD;
	s1 =	sshrl.u32 s1, $0x2  }
0xbf: {  	s3 =	sand.u32 $0x4000, s31;
	s1 =	sadd.s32 s1, s30  }
0xc0: {  	s0 =	sor.u32 s3, s0;
	s1 =	sshll.u32 s1, $0x11  }
0xc1: {  	s0 =	sor.u32 s1, s0  }
0xc2: {  	s0 =	sadd.s32 $0x8F2B, s0  }
0xc3: {  	[sflag:s0] =	ssyncadd.remote.s32 $0x1  }
0xc4: {  	_ =	sfence.sel $0xFFFF  }
0xc5: {  	[dreg:$0x0] =	wrdreg $0xFFFFFFFF;
	(pc) =	sbr.abs _section_cstart, $3  }
0xc6: {  	[dreg:$0x1] =	wrdreg $0xFFFFFFFF  }
0xc7: {  	_ =	task.clear_ibuf [dreg:s7], $0x2FFFF;
	_ =	strace $0x9FFFFFFF  }
0xc8: {  	(tm) =	ssettm $0x7FFFFFFF  }
0xc9: {  	_ =	shalt  }
tec
execute0_lowered:
.L_overlay_start_1:
0x0: {  	(tag) =	ssettag $0x1  }
0x1: {  	s4 =	rddreg [dreg:$0x0]  }
0x2: {  	s1 =	srdreg.scid;
	s29 =	rddreg [dreg:$0x1];
	s2 =	simm.s32 $0x0  }
0x3: {  	s0 =	stileid.u32;
	s1 =	sand.u32 $0x1, s1;
	[smem:$0x7FF] =	sst s2  }
0x4: {  	s3 =	sshll.u32 s0, $0xC;
	[dreg:$0xe] =	wrdreg s1;
	s5 =	sshll.u32 s1, $0xB  }
0x5: {  	s1 =	sadd.s32 $0x281C00, s4;
	s30 =	sor.u32 s5, s3;
	_ =	strace $0x80000047  }
0x6: {  	s3 =	sshrl.u32 s30, $0x3;
	s5 =	sor.u32 $0x80, s30;
	s6 =	sshll.u32 s30, $0x4  }
0x7: {  	s7 =	sor.u32 $0x100, s30;
	s10 =	sor.u32 $0x200, s30;
	s3 =	sadd.s32 s29, s3  }
0x8: {  	s22 =	sshrl.u32 s5, $0x3;
	s23 =	sadd.s32 s1, s6;
	[dreg:$0x3] =	wrdreg s3  }
0x9: {  	s24 =	sshrl.u32 s7, $0x3;
	s3 =	sadd.s32 s29, s22;
	[dreg:$0x5] =	wrdreg s23  }
0xa: {  	s5 =	sshll.u32 s5, $0x4;
	s25 =	sadd.s32 s29, s24;
	[dreg:$0x4] =	wrdreg s3  }
0xb: {  	s9 =	sshll.u32 s7, $0x4;
	s26 =	sadd.s32 s1, s5;
	[dreg:$0x6] =	wrdreg s25  }
0xc: {  	s12 =	sshrl.u32 s10, $0x3;
	s11 =	sadd.s32 s1, s9;
	[dreg:$0x7] =	wrdreg s26  }
0xd: {  	s0 =	sor.u32 $0x180, s30;
	s13 =	sadd.s32 s29, s12;
	[dreg:$0x9] =	wrdreg s11  }
0xe: {  	s8 =	sshrl.u32 s0, $0x3;
	s16 =	sshll.u32 s10, $0x4;
	[dreg:$0xa] =	wrdreg s13  }
0xf: {  	s5 =	sshll.u32 s0, $0x4;
	s18 =	sadd.s32 s1, s16;
	s17 =	rddreg [dreg:$0x3]  }
0x10: {  	s3 =	sadd.s32 s29, s8;
	s11 =	sor.u32 $0x280, s30;
	[dreg:$0xd] =	wrdreg s18  }
0x11: {  	s14 =	sadd.s32 s1, s5;
	[dreg:$0x8] =	wrdreg s3;
	s15 =	sshrl.u32 s11, $0x3  }
0x12: {  	[tilespmem:s2], [sflag:$0x3] =	stream.linear.gather [hbm4b:s17+s2], $0x80, $0x38;
	[tilespmem:$0x8100] =	vst v63  }
0x13: {  	[dreg:$0xb] =	wrdreg s14;
	s3 =	sadd.s32 s29, s15  }
0x14: {  	[dreg:$0xc] =	wrdreg s3;
	s3 =	simm.s32 $0x3  }
0x15: {  	_ =	swait.ge [sflag:s3], $0x80  }
0x16: {  	s4 =	sadd.s32 $0x1C00, s4;
	[sflag:s3] =	ssyncset.done $0x0  }
0x17: {  	s6 =	simm.s32 $0x100;
	s5 =	simm.s32 $0x80;
	[sflag:s3] =	ssyncadd.s32 $0xFFFFFF80  }
0x18: {  	[tilespmem:s6], [sflag:$0x1] =	stream.indirect.gather [hbm4b:s4+s5], $0x80, s2, s5, $0xb8;
	[tilespmem:$0x8100] =	vst v63  }
0x19: {  	s19 =	rddreg [dreg:$0x4]  }
0x1a: {  	[tilespmem:s5], [sflag:$0x3] =	stream.linear.gather [hbm4b:s19+s2], $0x80, $0x38;
	[tilespmem:$0x8100] =	vst v63  }
0x1b: {  	_ =	swait.ge [sflag:s3], $0x80  }
0x1c: {  	[sflag:s3] =	ssyncset.done $0x0  }
0x1d: {  	s7 =	simm.s32 $0x1;
	[sflag:s3] =	ssyncadd.s32 $0xFFFFFF80  }
0x1e: {  	_ =	swait.ge [sflag:s7], $0x4000  }
0x1f: {  	[sflag:s7] =	ssyncset.done $0x0  }
0x20: {  	s8 =	simm.s32 $0x4100;
	[sflag:s7] =	ssyncadd.s32 $0xFFFFC000  }
0x21: {  	[tilespmem:s8], [sflag:$0x2] =	stream.indirect.gather [hbm4b:s4+s5], $0x80, s5, s5, $0xb8;
	[tilespmem:$0x8100] =	vst v63  }
0x22: {  	s9 =	rddreg [dreg:$0x5]  }
0x23: {  	[hbm4b:s9+s2] =	stream.linear.scatter [tilespmem:s6], [sflag:$0x3], $0x4000, $0x38;
	[tilespmem:$0x8100] =	vst v63  }
0x24: {  	_ =	swait.ge [sflag:s3], $0x4000  }
0x25: {  	[sflag:s3] =	ssyncset.done $0x0  }
0x26: {  	s20 =	rddreg [dreg:$0x6];
	[sflag:s3] =	ssyncadd.s32 $0xFFFFC000  }
0x27: {  	[tilespmem:s2], [sflag:$0x3] =	stream.linear.gather [hbm4b:s20+s2], $0x80, $0x38;
	[tilespmem:$0x8100] =	vst v63  }
0x28: {  	_ =	swait.ge [sflag:s3], $0x80  }
0x29: {  	[sflag:s3] =	ssyncset.done $0x0  }
0x2a: {  	s9 =	simm.s32 $0x2;
	[sflag:s3] =	ssyncadd.s32 $0xFFFFFF80  }
0x2b: {  	_ =	swait.ge [sflag:s9], $0x4000  }
0x2c: {  	[sflag:s9] =	ssyncset.done $0x0  }
0x2d: {  	[sflag:s9] =	ssyncadd.s32 $0xFFFFC000  }
0x2e: {  	[tilespmem:s6], [sflag:$0x1] =	stream.indirect.gather [hbm4b:s4+s5], $0x80, s2, s5, $0xb8;
	[tilespmem:$0x8100] =	vst v63  }
0x2f: {  	s10 =	rddreg [dreg:$0x7]  }
0x30: {  	[hbm4b:s10+s2] =	stream.linear.scatter [tilespmem:s8], [sflag:$0x3], $0x4000, $0x38;
	[tilespmem:$0x8100] =	vst v63  }
0x31: {  	_ =	swait.ge [sflag:s3], $0x4000  }
0x32: {  	[sflag:s3] =	ssyncset.done $0x0  }
0x33: {  	s21 =	rddreg [dreg:$0x8];
	[sflag:s3] =	ssyncadd.s32 $0xFFFFC000  }
0x34: {  	[tilespmem:s5], [sflag:$0x3] =	stream.linear.gather [hbm4b:s21+s2], $0x80, $0x38;
	[tilespmem:$0x8100] =	vst v63  }
0x35: {  	_ =	swait.ge [sflag:s3], $0x80  }
0x36: {  	[sflag:s3] =	ssyncset.done $0x0  }
0x37: {  	[sflag:s3] =	ssyncadd.s32 $0xFFFFFF80  }
0x38: {  	_ =	swait.ge [sflag:s7], $0x4000  }
0x39: {  	[sflag:s7] =	ssyncset.done $0x0  }
0x3a: {  	[sflag:s7] =	ssyncadd.s32 $0xFFFFC000  }
0x3b: {  	[tilespmem:s8], [sflag:$0x2] =	stream.indirect.gather [hbm4b:s4+s5], $0x80, s5, s5, $0xb8;
	[tilespmem:$0x8100] =	vst v63  }
0x3c: {  	s22 =	rddreg [dreg:$0x9]  }
0x3d: {  	[hbm4b:s22+s2] =	stream.linear.scatter [tilespmem:s6], [sflag:$0x3], $0x4000, $0x38;
	[tilespmem:$0x8100] =	vst v63  }
0x3e: {  	_ =	swait.ge [sflag:s3], $0x4000  }
0x3f: {  	[sflag:s3] =	ssyncset.done $0x0  }
0x40: {  	s23 =	rddreg [dreg:$0xa];
	[sflag:s3] =	ssyncadd.s32 $0xFFFFC000  }
0x41: {  	[tilespmem:s2], [sflag:$0x3] =	stream.linear.gather [hbm4b:s23+s2], $0x80, $0x38;
	[tilespmem:$0x8100] =	vst v63  }
0x42: {  	_ =	swait.ge [sflag:s3], $0x80  }
0x43: {  	[sflag:s3] =	ssyncset.done $0x0  }
0x44: {  	[sflag:s3] =	ssyncadd.s32 $0xFFFFFF80  }
0x45: {  	_ =	swait.ge [sflag:s9], $0x4000  }
0x46: {  	[sflag:s9] =	ssyncset.done $0x0  }
0x47: {  	[sflag:s9] =	ssyncadd.s32 $0xFFFFC000  }
0x48: {  	[tilespmem:s6], [sflag:$0x1] =	stream.indirect.gather [hbm4b:s4+s5], $0x80, s2, s5, $0xb8;
	[tilespmem:$0x8100] =	vst v63  }
0x49: {  	s24 =	rddreg [dreg:$0xb]  }
0x4a: {  	[hbm4b:s24+s2] =	stream.linear.scatter [tilespmem:s8], [sflag:$0x3], $0x4000, $0x38;
	[tilespmem:$0x8100] =	vst v63  }
0x4b: {  	_ =	swait.ge [sflag:s3], $0x4000  }
0x4c: {  	[sflag:s3] =	ssyncset.done $0x0  }
0x4d: {  	s25 =	rddreg [dreg:$0xc];
	[sflag:s3] =	ssyncadd.s32 $0xFFFFC000  }
0x4e: {  	[tilespmem:s5], [sflag:$0x3] =	stream.linear.gather [hbm4b:s25+s2], $0x80, $0x38;
	[tilespmem:$0x8100] =	vst v63  }
0x4f: {  	_ =	swait.ge [sflag:s3], $0x80  }
0x50: {  	[sflag:s3] =	ssyncset.done $0x0  }
0x51: {  	[sflag:s3] =	ssyncadd.s32 $0xFFFFFF80  }
0x52: {  	_ =	swait.ge [sflag:s7], $0x4000  }
0x53: {  	[sflag:s7] =	ssyncset.done $0x0  }
0x54: {  	[sflag:s7] =	ssyncadd.s32 $0xFFFFC000  }
0x55: {  	[tilespmem:s8], [sflag:$0x2] =	stream.indirect.gather [hbm4b:s4+s5], $0x80, s5, s5, $0xb8;
	[tilespmem:$0x8100] =	vst v63  }
0x56: {  	s26 =	rddreg [dreg:$0xd]  }
0x57: {  	[hbm4b:s26+s2] =	stream.linear.scatter [tilespmem:s6], [sflag:$0x3], $0x4000, $0x38;
	[tilespmem:$0x8100] =	vst v63  }
0x58: {  	s13 =	sor.u32 $0x300, s30;
	_ =	swait.ge [sflag:s3], $0x4000  }
0x59: {  	s0 =	sshrl.u32 s13, $0x3;
	[sflag:s3] =	ssyncset.done $0x0  }
0x5a: {  	s10 =	sadd.s32 s29, s0;
	[sflag:s3] =	ssyncadd.s32 $0xFFFFC000  }
0x5b: {  	[tilespmem:s2], [sflag:$0x3] =	stream.linear.gather [hbm4b:s10+s2], $0x80, $0x38;
	[tilespmem:$0x8100] =	vst v63  }
0x5c: {  	_ =	swait.ge [sflag:s3], $0x80  }
0x5d: {  	[sflag:s3] =	ssyncset.done $0x0  }
0x5e: {  	[sflag:s3] =	ssyncadd.s32 $0xFFFFFF80  }
0x5f: {  	_ =	swait.ge [sflag:s9], $0x4000  }
0x60: {  	[sflag:s9] =	ssyncset.done $0x0  }
0x61: {  	s11 =	sshll.u32 s11, $0x4;
	[sflag:s9] =	ssyncadd.s32 $0xFFFFC000  }
0x62: {  	[tilespmem:s6], [sflag:$0x1] =	stream.indirect.gather [hbm4b:s4+s5], $0x80, s2, s5, $0xb8;
	[tilespmem:$0x8100] =	vst v63  }
0x63: {  	s11 =	sadd.s32 s1, s11  }
0x64: {  	[hbm4b:s11+s2] =	stream.linear.scatter [tilespmem:s8], [sflag:$0x3], $0x4000, $0x38;
	[tilespmem:$0x8100] =	vst v63  }
0x65: {  	s15 =	sor.u32 $0x380, s30;
	_ =	swait.ge [sflag:s3], $0x4000  }
0x66: {  	s12 =	sshrl.u32 s15, $0x3;
	[sflag:s3] =	ssyncset.done $0x0  }
0x67: {  	s12 =	sadd.s32 s29, s12;
	[sflag:s3] =	ssyncadd.s32 $0xFFFFC000  }
0x68: {  	[tilespmem:s5], [sflag:$0x3] =	stream.linear.gather [hbm4b:s12+s2], $0x80, $0x38;
	[tilespmem:$0x8100] =	vst v63  }
0x69: {  	_ =	swait.ge [sflag:s3], $0x80  }
0x6a: {  	[sflag:s3] =	ssyncset.done $0x0  }
0x6b: {  	[sflag:s3] =	ssyncadd.s32 $0xFFFFFF80  }
0x6c: {  	_ =	swait.ge [sflag:s7], $0x4000  }
0x6d: {  	[sflag:s7] =	ssyncset.done $0x0  }
0x6e: {  	s13 =	sshll.u32 s13, $0x4;
	[sflag:s7] =	ssyncadd.s32 $0xFFFFC000  }
0x6f: {  	[tilespmem:s8], [sflag:$0x2] =	stream.indirect.gather [hbm4b:s4+s5], $0x80, s5, s5, $0xb8;
	[tilespmem:$0x8100] =	vst v63  }
0x70: {  	s13 =	sadd.s32 s1, s13  }
0x71: {  	[hbm4b:s13+s2] =	stream.linear.scatter [tilespmem:s6], [sflag:$0x3], $0x4000, $0x38;
	[tilespmem:$0x8100] =	vst v63  }
0x72: {  	s17 =	sor.u32 $0x400, s30;
	_ =	swait.ge [sflag:s3], $0x4000  }
0x73: {  	s14 =	sshrl.u32 s17, $0x3;
	[sflag:s3] =	ssyncset.done $0x0  }
0x74: {  	s14 =	sadd.s32 s29, s14;
	[sflag:s3] =	ssyncadd.s32 $0xFFFFC000  }
0x75: {  	[tilespmem:s2], [sflag:$0x3] =	stream.linear.gather [hbm4b:s14+s2], $0x80, $0x38;
	[tilespmem:$0x8100] =	vst v63  }
0x76: {  	_ =	swait.ge [sflag:s3], $0x80  }
0x77: {  	[sflag:s3] =	ssyncset.done $0x0  }
0x78: {  	[sflag:s3] =	ssyncadd.s32 $0xFFFFFF80  }
0x79: {  	_ =	swait.ge [sflag:s9], $0x4000  }
0x7a: {  	[sflag:s9] =	ssyncset.done $0x0  }
0x7b: {  	s15 =	sshll.u32 s15, $0x4;
	[sflag:s9] =	ssyncadd.s32 $0xFFFFC000  }
0x7c: {  	[tilespmem:s6], [sflag:$0x1] =	stream.indirect.gather [hbm4b:s4+s5], $0x80, s2, s5, $0xb8;
	[tilespmem:$0x8100] =	vst v63  }
0x7d: {  	s15 =	sadd.s32 s1, s15  }
0x7e: {  	[hbm4b:s15+s2] =	stream.linear.scatter [tilespmem:s8], [sflag:$0x3], $0x4000, $0x38;
	[tilespmem:$0x8100] =	vst v63  }
0x7f: {  	s19 =	sor.u32 $0x480, s30;
	_ =	swait.ge [sflag:s3], $0x4000  }
0x80: {  	s16 =	sshrl.u32 s19, $0x3;
	[sflag:s3] =	ssyncset.done $0x0  }
0x81: {  	s16 =	sadd.s32 s29, s16;
	[sflag:s3] =	ssyncadd.s32 $0xFFFFC000  }
0x82: {  	[tilespmem:s5], [sflag:$0x3] =	stream.linear.gather [hbm4b:s16+s2], $0x80, $0x38;
	[tilespmem:$0x8100] =	vst v63  }
0x83: {  	_ =	swait.ge [sflag:s3], $0x80  }
0x84: {  	[sflag:s3] =	ssyncset.done $0x0  }
0x85: {  	[sflag:s3] =	ssyncadd.s32 $0xFFFFFF80  }
0x86: {  	_ =	swait.ge [sflag:s7], $0x4000  }
0x87: {  	[sflag:s7] =	ssyncset.done $0x0  }
0x88: {  	s17 =	sshll.u32 s17, $0x4;
	[sflag:s7] =	ssyncadd.s32 $0xFFFFC000  }
0x89: {  	[tilespmem:s8], [sflag:$0x2] =	stream.indirect.gather [hbm4b:s4+s5], $0x80, s5, s5, $0xb8;
	[tilespmem:$0x8100] =	vst v63  }
0x8a: {  	s17 =	sadd.s32 s1, s17  }
0x8b: {  	[hbm4b:s17+s2] =	stream.linear.scatter [tilespmem:s6], [sflag:$0x3], $0x4000, $0x38;
	[tilespmem:$0x8100] =	vst v63  }
0x8c: {  	s21 =	sor.u32 $0x500, s30;
	_ =	swait.ge [sflag:s3], $0x4000  }
0x8d: {  	s18 =	sshrl.u32 s21, $0x3;
	[sflag:s3] =	ssyncset.done $0x0  }
0x8e: {  	s18 =	sadd.s32 s29, s18;
	[sflag:s3] =	ssyncadd.s32 $0xFFFFC000  }
0x8f: {  	[tilespmem:s2], [sflag:$0x3] =	stream.linear.gather [hbm4b:s18+s2], $0x80, $0x38;
	[tilespmem:$0x8100] =	vst v63  }
0x90: {  	_ =	swait.ge [sflag:s3], $0x80  }
0x91: {  	[sflag:s3] =	ssyncset.done $0x0  }
0x92: {  	[sflag:s3] =	ssyncadd.s32 $0xFFFFFF80  }
0x93: {  	_ =	swait.ge [sflag:s9], $0x4000  }
0x94: {  	[sflag:s9] =	ssyncset.done $0x0  }
0x95: {  	s19 =	sshll.u32 s19, $0x4;
	[sflag:s9] =	ssyncadd.s32 $0xFFFFC000  }
0x96: {  	[tilespmem:s6], [sflag:$0x1] =	stream.indirect.gather [hbm4b:s4+s5], $0x80, s2, s5, $0xb8;
	[tilespmem:$0x8100] =	vst v63  }
0x97: {  	s19 =	sadd.s32 s1, s19  }
0x98: {  	[hbm4b:s19+s2] =	stream.linear.scatter [tilespmem:s8], [sflag:$0x3], $0x4000, $0x38;
	[tilespmem:$0x8100] =	vst v63  }
0x99: {  	s23 =	sor.u32 $0x580, s30;
	_ =	swait.ge [sflag:s3], $0x4000  }
0x9a: {  	s20 =	sshrl.u32 s23, $0x3;
	[sflag:s3] =	ssyncset.done $0x0  }
0x9b: {  	s20 =	sadd.s32 s29, s20;
	[sflag:s3] =	ssyncadd.s32 $0xFFFFC000  }
0x9c: {  	[tilespmem:s5], [sflag:$0x3] =	stream.linear.gather [hbm4b:s20+s2], $0x80, $0x38;
	[tilespmem:$0x8100] =	vst v63  }
0x9d: {  	_ =	swait.ge [sflag:s3], $0x80  }
0x9e: {  	[sflag:s3] =	ssyncset.done $0x0  }
0x9f: {  	[sflag:s3] =	ssyncadd.s32 $0xFFFFFF80  }
0xa0: {  	_ =	swait.ge [sflag:s7], $0x4000  }
0xa1: {  	[sflag:s7] =	ssyncset.done $0x0  }
0xa2: {  	s21 =	sshll.u32 s21, $0x4;
	[sflag:s7] =	ssyncadd.s32 $0xFFFFC000  }
0xa3: {  	[tilespmem:s8], [sflag:$0x2] =	stream.indirect.gather [hbm4b:s4+s5], $0x80, s5, s5, $0xb8;
	[tilespmem:$0x8100] =	vst v63  }
0xa4: {  	s21 =	sadd.s32 s1, s21  }
0xa5: {  	[hbm4b:s21+s2] =	stream.linear.scatter [tilespmem:s6], [sflag:$0x3], $0x4000, $0x38;
	[tilespmem:$0x8100] =	vst v63  }
0xa6: {  	s25 =	sor.u32 $0x600, s30;
	_ =	swait.ge [sflag:s3], $0x4000  }
0xa7: {  	s22 =	sshrl.u32 s25, $0x3;
	[sflag:s3] =	ssyncset.done $0x0  }
0xa8: {  	s22 =	sadd.s32 s29, s22;
	[sflag:s3] =	ssyncadd.s32 $0xFFFFC000  }
0xa9: {  	[tilespmem:s2], [sflag:$0x3] =	stream.linear.gather [hbm4b:s22+s2], $0x80, $0x38;
	[tilespmem:$0x8100] =	vst v63  }
0xaa: {  	_ =	swait.ge [sflag:s3], $0x80  }
0xab: {  	[sflag:s3] =	ssyncset.done $0x0  }
0xac: {  	[sflag:s3] =	ssyncadd.s32 $0xFFFFFF80  }
0xad: {  	_ =	swait.ge [sflag:s9], $0x4000  }
0xae: {  	[sflag:s9] =	ssyncset.done $0x0  }
0xaf: {  	s23 =	sshll.u32 s23, $0x4;
	[sflag:s9] =	ssyncadd.s32 $0xFFFFC000  }
0xb0: {  	[tilespmem:s6], [sflag:$0x1] =	stream.indirect.gather [hbm4b:s4+s5], $0x80, s2, s5, $0xb8;
	[tilespmem:$0x8100] =	vst v63  }
0xb1: {  	s23 =	sadd.s32 s1, s23  }
0xb2: {  	[hbm4b:s23+s2] =	stream.linear.scatter [tilespmem:s8], [sflag:$0x3], $0x4000, $0x38;
	[tilespmem:$0x8100] =	vst v63  }
0xb3: {  	s28 =	sor.u32 $0x680, s30;
	_ =	swait.ge [sflag:s3], $0x4000  }
0xb4: {  	s24 =	sshrl.u32 s28, $0x3;
	[sflag:s3] =	ssyncset.done $0x0  }
0xb5: {  	s24 =	sadd.s32 s29, s24;
	[sflag:s3] =	ssyncadd.s32 $0xFFFFC000  }
0xb6: {  	[tilespmem:s5], [sflag:$0x3] =	stream.linear.gather [hbm4b:s24+s2], $0x80, $0x38;
	[tilespmem:$0x8100] =	vst v63  }
0xb7: {  	_ =	swait.ge [sflag:s3], $0x80  }
0xb8: {  	[sflag:s3] =	ssyncset.done $0x0  }
0xb9: {  	[sflag:s3] =	ssyncadd.s32 $0xFFFFFF80  }
0xba: {  	_ =	swait.ge [sflag:s7], $0x4000  }
0xbb: {  	[sflag:s7] =	ssyncset.done $0x0  }
0xbc: {  	s25 =	sshll.u32 s25, $0x4;
	[sflag:s7] =	ssyncadd.s32 $0xFFFFC000  }
0xbd: {  	[tilespmem:s8], [sflag:$0x2] =	stream.indirect.gather [hbm4b:s4+s5], $0x80, s5, s5, $0xb8;
	[tilespmem:$0x8100] =	vst v63  }
0xbe: {  	s25 =	sadd.s32 s1, s25  }
0xbf: {  	[hbm4b:s25+s2] =	stream.linear.scatter [tilespmem:s6], [sflag:$0x3], $0x4000, $0x38;
	[tilespmem:$0x8100] =	vst v63  }
0xc0: {  	s31 =	sor.u32 $0x700, s30;
	_ =	swait.ge [sflag:s3], $0x4000  }
0xc1: {  	s26 =	sshrl.u32 s31, $0x3;
	[sflag:s3] =	ssyncset.done $0x0  }
0xc2: {  	s26 =	sadd.s32 s29, s26;
	[sflag:s3] =	ssyncadd.s32 $0xFFFFC000  }
0xc3: {  	[tilespmem:s2], [sflag:$0x3] =	stream.linear.gather [hbm4b:s26+s2], $0x80, $0x38;
	[tilespmem:$0x8100] =	vst v63  }
0xc4: {  	_ =	swait.ge [sflag:s3], $0x80  }
0xc5: {  	[sflag:s3] =	ssyncset.done $0x0  }
0xc6: {  	[sflag:s3] =	ssyncadd.s32 $0xFFFFFF80  }
0xc7: {  	_ =	swait.ge [sflag:s9], $0x4000  }
0xc8: {  	[sflag:s9] =	ssyncset.done $0x0  }
0xc9: {  	s28 =	sshll.u32 s28, $0x4;
	[sflag:s9] =	ssyncadd.s32 $0xFFFFC000  }
0xca: {  	[tilespmem:s6], [sflag:$0x1] =	stream.indirect.gather [hbm4b:s4+s5], $0x80, s2, s5, $0xb8;
	[tilespmem:$0x8100] =	vst v63  }
0xcb: {  	s28 =	sadd.s32 s1, s28;
	[dreg:$0xf] =	wrdreg s1  }
0xcc: {  	[hbm4b:s28+s2] =	stream.linear.scatter [tilespmem:s8], [sflag:$0x3], $0x4000, $0x38;
	[tilespmem:$0x8100] =	vst v63  }
0xcd: {  	s0 =	sor.u32 $0x780, s30;
	_ =	swait.ge [sflag:s3], $0x4000  }
0xce: {  	s30 =	sshrl.u32 s0, $0x3;
	[sflag:s3] =	ssyncset.done $0x0  }
0xcf: {  	s29 =	sadd.s32 s29, s30;
	[sflag:s3] =	ssyncadd.s32 $0xFFFFC000  }
0xd0: {  	[tilespmem:s5], [sflag:$0x3] =	stream.linear.gather [hbm4b:s29+s2], $0x80, $0x38;
	[tilespmem:$0x8100] =	vst v63  }
0xd1: {  	_ =	swait.ge [sflag:s3], $0x80  }
0xd2: {  	[sflag:s3] =	ssyncset.done $0x0  }
0xd3: {  	[sflag:s3] =	ssyncadd.s32 $0xFFFFFF80  }
0xd4: {  	_ =	swait.ge [sflag:s7], $0x4000  }
0xd5: {  	[sflag:s7] =	ssyncset.done $0x0  }
0xd6: {  	s30 =	sshll.u32 s31, $0x4;
	[sflag:s7] =	ssyncadd.s32 $0xFFFFC000  }
0xd7: {  	[tilespmem:s8], [sflag:$0x2] =	stream.indirect.gather [hbm4b:s4+s5], $0x80, s5, s5, $0xb8;
	[tilespmem:$0x8100] =	vst v63  }
0xd8: {  	s30 =	sadd.s32 s1, s30  }
0xd9: {  	[hbm4b:s30+s2] =	stream.linear.scatter [tilespmem:s6], [sflag:$0x3], $0x4000, $0x38;
	[tilespmem:$0x8100] =	vst v63  }
0xda: {  	_ =	swait.ge [sflag:s3], $0x4000  }
0xdb: {  	s1 =	rddreg [dreg:$0xe]  }
0xdc: {  	s1 =	ssub.s32 $0x2, s1  }
0xdd: {  	s31 =	sshrl.u32 s1, $0x1  }
0xde: {  	s1 =	ssub.s32 s1, s31  }
0xdf: {  	[sflag:s3] =	ssyncset.done $0x0;
	s1 =	smax.u32 s1, $0x1  }
0xe0: {  	[sflag:s3] =	ssyncadd.s32 $0xFFFFC000;
	p0 =	sne.s32 s1, $0x1  }
.Ltmp0:
0xe1: {  	_ =	swait.ge [sflag:s9], $0x4000;
	(pc) =	sbr.rel @!p0 .LBB2_2-.Ltmp0, $4  }
0xe2: {  	s0 =	sshll.u32 s0, $0x4;
	[sflag:s9] =	ssyncset.done $0x0;
	s31 =	rddreg [dreg:$0xf]  }
0xe3: {  	s31 =	sadd.s32 s31, s0;
	[sflag:s9] =	ssyncadd.s32 $0xFFFFC000  }
0xe4: {  	[hbm4b:s31+s2] =	stream.linear.scatter [tilespmem:s8], [sflag:$0x3], $0x4000, $0x38;
	[tilespmem:$0x8100] =	vst v63  }
0xe5: {  	s1 =	sadd.s32 $0xFFFFFFFF, s1;
	_ =	swait.ge [sflag:s3], $0x4000  }
.LBB2_1:
0xe6: {  	[sflag:s3] =	ssyncset.done $0x0  }
0xe7: {  	s0 =	rddreg [dreg:$0x3];
	[sflag:s3] =	ssyncadd.s32 $0xFFFFC000  }
0xe8: {  	[tilespmem:s2], [sflag:$0x3] =	stream.linear.gather [hbm4b:s0+s2], $0x80, $0x38;
	[tilespmem:$0x8100] =	vst v63  }
0xe9: {  	_ =	swait.ge [sflag:s3], $0x80  }
0xea: {  	[sflag:s3] =	ssyncset.done $0x0  }
0xeb: {  	[sflag:s3] =	ssyncadd.s32 $0xFFFFFF80  }
0xec: {  	[tilespmem:s6], [sflag:$0x1] =	stream.indirect.gather [hbm4b:s4+s5], $0x80, s2, s5, $0xb8;
	[tilespmem:$0x8100] =	vst v63  }
0xed: {  	s0 =	rddreg [dreg:$0x4]  }
0xee: {  	[tilespmem:s5], [sflag:$0x3] =	stream.linear.gather [hbm4b:s0+s2], $0x80, $0x38;
	[tilespmem:$0x8100] =	vst v63  }
0xef: {  	_ =	swait.ge [sflag:s3], $0x80  }
0xf0: {  	[sflag:s3] =	ssyncset.done $0x0  }
0xf1: {  	[sflag:s3] =	ssyncadd.s32 $0xFFFFFF80  }
0xf2: {  	_ =	swait.ge [sflag:s7], $0x4000  }
0xf3: {  	[sflag:s7] =	ssyncset.done $0x0  }
0xf4: {  	[sflag:s7] =	ssyncadd.s32 $0xFFFFC000  }
0xf5: {  	[tilespmem:s8], [sflag:$0x2] =	stream.indirect.gather [hbm4b:s4+s5], $0x80, s5, s5, $0xb8;
	[tilespmem:$0x8100] =	vst v63  }
0xf6: {  	s0 =	rddreg [dreg:$0x5]  }
0xf7: {  	[hbm4b:s0+s2] =	stream.linear.scatter [tilespmem:s6], [sflag:$0x3], $0x4000, $0x38;
	[tilespmem:$0x8100] =	vst v63  }
0xf8: {  	_ =	swait.ge [sflag:s3], $0x4000  }
0xf9: {  	[sflag:s3] =	ssyncset.done $0x0  }
0xfa: {  	s0 =	rddreg [dreg:$0x6];
	[sflag:s3] =	ssyncadd.s32 $0xFFFFC000  }
0xfb: {  	[tilespmem:s2], [sflag:$0x3] =	stream.linear.gather [hbm4b:s0+s2], $0x80, $0x38;
	[tilespmem:$0x8100] =	vst v63  }
0xfc: {  	_ =	swait.ge [sflag:s3], $0x80  }
0xfd: {  	[sflag:s3] =	ssyncset.done $0x0  }
0xfe: {  	[sflag:s3] =	ssyncadd.s32 $0xFFFFFF80  }
0xff: {  	_ =	swait.ge [sflag:s9], $0x4000  }
0x100: {  	[sflag:s9] =	ssyncset.done $0x0  }
0x101: {  	[sflag:s9] =	ssyncadd.s32 $0xFFFFC000  }
0x102: {  	[tilespmem:s6], [sflag:$0x1] =	stream.indirect.gather [hbm4b:s4+s5], $0x80, s2, s5, $0xb8;
	[tilespmem:$0x8100] =	vst v63  }
0x103: {  	s0 =	rddreg [dreg:$0x7]  }
0x104: {  	[hbm4b:s0+s2] =	stream.linear.scatter [tilespmem:s8], [sflag:$0x3], $0x4000, $0x38;
	[tilespmem:$0x8100] =	vst v63  }
0x105: {  	_ =	swait.ge [sflag:s3], $0x4000  }
0x106: {  	[sflag:s3] =	ssyncset.done $0x0  }
0x107: {  	s0 =	rddreg [dreg:$0x8];
	[sflag:s3] =	ssyncadd.s32 $0xFFFFC000  }
0x108: {  	[tilespmem:s5], [sflag:$0x3] =	stream.linear.gather [hbm4b:s0+s2], $0x80, $0x38;
	[tilespmem:$0x8100] =	vst v63  }
0x109: {  	_ =	swait.ge [sflag:s3], $0x80  }
0x10a: {  	[sflag:s3] =	ssyncset.done $0x0  }
0x10b: {  	[sflag:s3] =	ssyncadd.s32 $0xFFFFFF80  }
0x10c: {  	_ =	swait.ge [sflag:s7], $0x4000  }
0x10d: {  	[sflag:s7] =	ssyncset.done $0x0  }
0x10e: {  	[sflag:s7] =	ssyncadd.s32 $0xFFFFC000  }
0x10f: {  	[tilespmem:s8], [sflag:$0x2] =	stream.indirect.gather [hbm4b:s4+s5], $0x80, s5, s5, $0xb8;
	[tilespmem:$0x8100] =	vst v63  }
0x110: {  	s0 =	rddreg [dreg:$0x9]  }
0x111: {  	[hbm4b:s0+s2] =	stream.linear.scatter [tilespmem:s6], [sflag:$0x3], $0x4000, $0x38;
	[tilespmem:$0x8100] =	vst v63  }
0x112: {  	_ =	swait.ge [sflag:s3], $0x4000  }
0x113: {  	[sflag:s3] =	ssyncset.done $0x0  }
0x114: {  	s0 =	rddreg [dreg:$0xa];
	[sflag:s3] =	ssyncadd.s32 $0xFFFFC000  }
0x115: {  	[tilespmem:s2], [sflag:$0x3] =	stream.linear.gather [hbm4b:s0+s2], $0x80, $0x38;
	[tilespmem:$0x8100] =	vst v63  }
0x116: {  	_ =	swait.ge [sflag:s3], $0x80  }
0x117: {  	[sflag:s3] =	ssyncset.done $0x0  }
0x118: {  	[sflag:s3] =	ssyncadd.s32 $0xFFFFFF80  }
0x119: {  	_ =	swait.ge [sflag:s9], $0x4000  }
0x11a: {  	[sflag:s9] =	ssyncset.done $0x0  }
0x11b: {  	[sflag:s9] =	ssyncadd.s32 $0xFFFFC000  }
0x11c: {  	[tilespmem:s6], [sflag:$0x1] =	stream.indirect.gather [hbm4b:s4+s5], $0x80, s2, s5, $0xb8;
	[tilespmem:$0x8100] =	vst v63  }
0x11d: {  	s0 =	rddreg [dreg:$0xb]  }
0x11e: {  	[hbm4b:s0+s2] =	stream.linear.scatter [tilespmem:s8], [sflag:$0x3], $0x4000, $0x38;
	[tilespmem:$0x8100] =	vst v63  }
0x11f: {  	_ =	swait.ge [sflag:s3], $0x4000  }
0x120: {  	[sflag:s3] =	ssyncset.done $0x0  }
0x121: {  	s0 =	rddreg [dreg:$0xc];
	[sflag:s3] =	ssyncadd.s32 $0xFFFFC000  }
0x122: {  	[tilespmem:s5], [sflag:$0x3] =	stream.linear.gather [hbm4b:s0+s2], $0x80, $0x38;
	[tilespmem:$0x8100] =	vst v63  }
0x123: {  	_ =	swait.ge [sflag:s3], $0x80  }
0x124: {  	[sflag:s3] =	ssyncset.done $0x0  }
0x125: {  	[sflag:s3] =	ssyncadd.s32 $0xFFFFFF80  }
0x126: {  	_ =	swait.ge [sflag:s7], $0x4000  }
0x127: {  	[sflag:s7] =	ssyncset.done $0x0  }
0x128: {  	[sflag:s7] =	ssyncadd.s32 $0xFFFFC000  }
0x129: {  	[tilespmem:s8], [sflag:$0x2] =	stream.indirect.gather [hbm4b:s4+s5], $0x80, s5, s5, $0xb8;
	[tilespmem:$0x8100] =	vst v63  }
0x12a: {  	s0 =	rddreg [dreg:$0xd]  }
0x12b: {  	[hbm4b:s0+s2] =	stream.linear.scatter [tilespmem:s6], [sflag:$0x3], $0x4000, $0x38;
	[tilespmem:$0x8100] =	vst v63  }
0x12c: {  	_ =	swait.ge [sflag:s3], $0x4000  }
0x12d: {  	[sflag:s3] =	ssyncset.done $0x0  }
0x12e: {  	[sflag:s3] =	ssyncadd.s32 $0xFFFFC000  }
0x12f: {  	[tilespmem:s2], [sflag:$0x3] =	stream.linear.gather [hbm4b:s10+s2], $0x80, $0x38;
	[tilespmem:$0x8100] =	vst v63  }
0x130: {  	_ =	swait.ge [sflag:s3], $0x80  }
0x131: {  	[sflag:s3] =	ssyncset.done $0x0  }
0x132: {  	[sflag:s3] =	ssyncadd.s32 $0xFFFFFF80  }
0x133: {  	_ =	swait.ge [sflag:s9], $0x4000  }
0x134: {  	[sflag:s9] =	ssyncset.done $0x0  }
0x135: {  	[sflag:s9] =	ssyncadd.s32 $0xFFFFC000  }
0x136: {  	[tilespmem:s6], [sflag:$0x1] =	stream.indirect.gather [hbm4b:s4+s5], $0x80, s2, s5, $0xb8;
	[tilespmem:$0x8100] =	vst v63  }
0x137: {  	_ = 	snop  }
0x138: {  	[hbm4b:s11+s2] =	stream.linear.scatter [tilespmem:s8], [sflag:$0x3], $0x4000, $0x38;
	[tilespmem:$0x8100] =	vst v63  }
0x139: {  	_ =	swait.ge [sflag:s3], $0x4000  }
0x13a: {  	[sflag:s3] =	ssyncset.done $0x0  }
0x13b: {  	[sflag:s3] =	ssyncadd.s32 $0xFFFFC000  }
0x13c: {  	[tilespmem:s5], [sflag:$0x3] =	stream.linear.gather [hbm4b:s12+s2], $0x80, $0x38;
	[tilespmem:$0x8100] =	vst v63  }
0x13d: {  	_ =	swait.ge [sflag:s3], $0x80  }
0x13e: {  	[sflag:s3] =	ssyncset.done $0x0  }
0x13f: {  	[sflag:s3] =	ssyncadd.s32 $0xFFFFFF80  }
0x140: {  	_ =	swait.ge [sflag:s7], $0x4000  }
0x141: {  	[sflag:s7] =	ssyncset.done $0x0  }
0x142: {  	[sflag:s7] =	ssyncadd.s32 $0xFFFFC000  }
0x143: {  	[tilespmem:s8], [sflag:$0x2] =	stream.indirect.gather [hbm4b:s4+s5], $0x80, s5, s5, $0xb8;
	[tilespmem:$0x8100] =	vst v63  }
0x144: {  	_ = 	snop  }
0x145: {  	[hbm4b:s13+s2] =	stream.linear.scatter [tilespmem:s6], [sflag:$0x3], $0x4000, $0x38;
	[tilespmem:$0x8100] =	vst v63  }
0x146: {  	_ =	swait.ge [sflag:s3], $0x4000  }
0x147: {  	[sflag:s3] =	ssyncset.done $0x0  }
0x148: {  	[sflag:s3] =	ssyncadd.s32 $0xFFFFC000  }
0x149: {  	[tilespmem:s2], [sflag:$0x3] =	stream.linear.gather [hbm4b:s14+s2], $0x80, $0x38;
	[tilespmem:$0x8100] =	vst v63  }
0x14a: {  	_ =	swait.ge [sflag:s3], $0x80  }
0x14b: {  	[sflag:s3] =	ssyncset.done $0x0  }
0x14c: {  	[sflag:s3] =	ssyncadd.s32 $0xFFFFFF80  }
0x14d: {  	_ =	swait.ge [sflag:s9], $0x4000  }
0x14e: {  	[sflag:s9] =	ssyncset.done $0x0  }
0x14f: {  	[sflag:s9] =	ssyncadd.s32 $0xFFFFC000  }
0x150: {  	[tilespmem:s6], [sflag:$0x1] =	stream.indirect.gather [hbm4b:s4+s5], $0x80, s2, s5, $0xb8;
	[tilespmem:$0x8100] =	vst v63  }
0x151: {  	_ = 	snop  }
0x152: {  	[hbm4b:s15+s2] =	stream.linear.scatter [tilespmem:s8], [sflag:$0x3], $0x4000, $0x38;
	[tilespmem:$0x8100] =	vst v63  }
0x153: {  	_ =	swait.ge [sflag:s3], $0x4000  }
0x154: {  	[sflag:s3] =	ssyncset.done $0x0  }
0x155: {  	[sflag:s3] =	ssyncadd.s32 $0xFFFFC000  }
0x156: {  	[tilespmem:s5], [sflag:$0x3] =	stream.linear.gather [hbm4b:s16+s2], $0x80, $0x38;
	[tilespmem:$0x8100] =	vst v63  }
0x157: {  	_ =	swait.ge [sflag:s3], $0x80  }
0x158: {  	[sflag:s3] =	ssyncset.done $0x0  }
0x159: {  	[sflag:s3] =	ssyncadd.s32 $0xFFFFFF80  }
0x15a: {  	_ =	swait.ge [sflag:s7], $0x4000  }
0x15b: {  	[sflag:s7] =	ssyncset.done $0x0  }
0x15c: {  	[sflag:s7] =	ssyncadd.s32 $0xFFFFC000  }
0x15d: {  	[tilespmem:s8], [sflag:$0x2] =	stream.indirect.gather [hbm4b:s4+s5], $0x80, s5, s5, $0xb8;
	[tilespmem:$0x8100] =	vst v63  }
0x15e: {  	_ = 	snop  }
0x15f: {  	[hbm4b:s17+s2] =	stream.linear.scatter [tilespmem:s6], [sflag:$0x3], $0x4000, $0x38;
	[tilespmem:$0x8100] =	vst v63  }
0x160: {  	_ =	swait.ge [sflag:s3], $0x4000  }
0x161: {  	[sflag:s3] =	ssyncset.done $0x0  }
0x162: {  	[sflag:s3] =	ssyncadd.s32 $0xFFFFC000  }
0x163: {  	[tilespmem:s2], [sflag:$0x3] =	stream.linear.gather [hbm4b:s18+s2], $0x80, $0x38;
	[tilespmem:$0x8100] =	vst v63  }
0x164: {  	_ =	swait.ge [sflag:s3], $0x80  }
0x165: {  	[sflag:s3] =	ssyncset.done $0x0  }
0x166: {  	[sflag:s3] =	ssyncadd.s32 $0xFFFFFF80  }
0x167: {  	_ =	swait.ge [sflag:s9], $0x4000  }
0x168: {  	[sflag:s9] =	ssyncset.done $0x0  }
0x169: {  	[sflag:s9] =	ssyncadd.s32 $0xFFFFC000  }
0x16a: {  	[tilespmem:s6], [sflag:$0x1] =	stream.indirect.gather [hbm4b:s4+s5], $0x80, s2, s5, $0xb8;
	[tilespmem:$0x8100] =	vst v63  }
0x16b: {  	_ = 	snop  }
0x16c: {  	[hbm4b:s19+s2] =	stream.linear.scatter [tilespmem:s8], [sflag:$0x3], $0x4000, $0x38;
	[tilespmem:$0x8100] =	vst v63  }
0x16d: {  	_ =	swait.ge [sflag:s3], $0x4000  }
0x16e: {  	[sflag:s3] =	ssyncset.done $0x0  }
0x16f: {  	[sflag:s3] =	ssyncadd.s32 $0xFFFFC000  }
0x170: {  	[tilespmem:s5], [sflag:$0x3] =	stream.linear.gather [hbm4b:s20+s2], $0x80, $0x38;
	[tilespmem:$0x8100] =	vst v63  }
0x171: {  	_ =	swait.ge [sflag:s3], $0x80  }
0x172: {  	[sflag:s3] =	ssyncset.done $0x0  }
0x173: {  	[sflag:s3] =	ssyncadd.s32 $0xFFFFFF80  }
0x174: {  	_ =	swait.ge [sflag:s7], $0x4000  }
0x175: {  	[sflag:s7] =	ssyncset.done $0x0  }
0x176: {  	[sflag:s7] =	ssyncadd.s32 $0xFFFFC000  }
0x177: {  	[tilespmem:s8], [sflag:$0x2] =	stream.indirect.gather [hbm4b:s4+s5], $0x80, s5, s5, $0xb8;
	[tilespmem:$0x8100] =	vst v63  }
0x178: {  	_ = 	snop  }
0x179: {  	[hbm4b:s21+s2] =	stream.linear.scatter [tilespmem:s6], [sflag:$0x3], $0x4000, $0x38;
	[tilespmem:$0x8100] =	vst v63  }
0x17a: {  	_ =	swait.ge [sflag:s3], $0x4000  }
0x17b: {  	[sflag:s3] =	ssyncset.done $0x0  }
0x17c: {  	[sflag:s3] =	ssyncadd.s32 $0xFFFFC000  }
0x17d: {  	[tilespmem:s2], [sflag:$0x3] =	stream.linear.gather [hbm4b:s22+s2], $0x80, $0x38;
	[tilespmem:$0x8100] =	vst v63  }
0x17e: {  	_ =	swait.ge [sflag:s3], $0x80  }
0x17f: {  	[sflag:s3] =	ssyncset.done $0x0  }
0x180: {  	[sflag:s3] =	ssyncadd.s32 $0xFFFFFF80  }
0x181: {  	_ =	swait.ge [sflag:s9], $0x4000  }
0x182: {  	[sflag:s9] =	ssyncset.done $0x0  }
0x183: {  	[sflag:s9] =	ssyncadd.s32 $0xFFFFC000  }
0x184: {  	[tilespmem:s6], [sflag:$0x1] =	stream.indirect.gather [hbm4b:s4+s5], $0x80, s2, s5, $0xb8;
	[tilespmem:$0x8100] =	vst v63  }
0x185: {  	_ = 	snop  }
0x186: {  	[hbm4b:s23+s2] =	stream.linear.scatter [tilespmem:s8], [sflag:$0x3], $0x4000, $0x38;
	[tilespmem:$0x8100] =	vst v63  }
0x187: {  	_ =	swait.ge [sflag:s3], $0x4000  }
0x188: {  	[sflag:s3] =	ssyncset.done $0x0  }
0x189: {  	[sflag:s3] =	ssyncadd.s32 $0xFFFFC000  }
0x18a: {  	[tilespmem:s5], [sflag:$0x3] =	stream.linear.gather [hbm4b:s24+s2], $0x80, $0x38;
	[tilespmem:$0x8100] =	vst v63  }
0x18b: {  	_ =	swait.ge [sflag:s3], $0x80  }
0x18c: {  	[sflag:s3] =	ssyncset.done $0x0  }
0x18d: {  	[sflag:s3] =	ssyncadd.s32 $0xFFFFFF80  }
0x18e: {  	_ =	swait.ge [sflag:s7], $0x4000  }
0x18f: {  	[sflag:s7] =	ssyncset.done $0x0  }
0x190: {  	[sflag:s7] =	ssyncadd.s32 $0xFFFFC000  }
0x191: {  	[tilespmem:s8], [sflag:$0x2] =	stream.indirect.gather [hbm4b:s4+s5], $0x80, s5, s5, $0xb8;
	[tilespmem:$0x8100] =	vst v63  }
0x192: {  	_ = 	snop  }
0x193: {  	[hbm4b:s25+s2] =	stream.linear.scatter [tilespmem:s6], [sflag:$0x3], $0x4000, $0x38;
	[tilespmem:$0x8100] =	vst v63  }
0x194: {  	_ =	swait.ge [sflag:s3], $0x4000  }
0x195: {  	[sflag:s3] =	ssyncset.done $0x0  }
0x196: {  	[sflag:s3] =	ssyncadd.s32 $0xFFFFC000  }
0x197: {  	[tilespmem:s2], [sflag:$0x3] =	stream.linear.gather [hbm4b:s26+s2], $0x80, $0x38;
	[tilespmem:$0x8100] =	vst v63  }
0x198: {  	_ =	swait.ge [sflag:s3], $0x80  }
0x199: {  	[sflag:s3] =	ssyncset.done $0x0  }
0x19a: {  	[sflag:s3] =	ssyncadd.s32 $0xFFFFFF80  }
0x19b: {  	_ =	swait.ge [sflag:s9], $0x4000  }
0x19c: {  	[sflag:s9] =	ssyncset.done $0x0  }
0x19d: {  	[sflag:s9] =	ssyncadd.s32 $0xFFFFC000  }
0x19e: {  	[tilespmem:s6], [sflag:$0x1] =	stream.indirect.gather [hbm4b:s4+s5], $0x80, s2, s5, $0xb8;
	[tilespmem:$0x8100] =	vst v63  }
0x19f: {  	_ = 	snop  }
0x1a0: {  	[hbm4b:s28+s2] =	stream.linear.scatter [tilespmem:s8], [sflag:$0x3], $0x4000, $0x38;
	[tilespmem:$0x8100] =	vst v63  }
0x1a1: {  	_ =	swait.ge [sflag:s3], $0x4000  }
0x1a2: {  	[sflag:s3] =	ssyncset.done $0x0  }
0x1a3: {  	[sflag:s3] =	ssyncadd.s32 $0xFFFFC000  }
0x1a4: {  	[tilespmem:s5], [sflag:$0x3] =	stream.linear.gather [hbm4b:s29+s2], $0x80, $0x38;
	[tilespmem:$0x8100] =	vst v63  }
0x1a5: {  	_ =	swait.ge [sflag:s3], $0x80  }
0x1a6: {  	[sflag:s3] =	ssyncset.done $0x0  }
0x1a7: {  	[sflag:s3] =	ssyncadd.s32 $0xFFFFFF80  }
0x1a8: {  	_ =	swait.ge [sflag:s7], $0x4000  }
0x1a9: {  	[sflag:s7] =	ssyncset.done $0x0  }
0x1aa: {  	[sflag:s7] =	ssyncadd.s32 $0xFFFFC000  }
0x1ab: {  	[tilespmem:s8], [sflag:$0x2] =	stream.indirect.gather [hbm4b:s4+s5], $0x80, s5, s5, $0xb8;
	[tilespmem:$0x8100] =	vst v63  }
0x1ac: {  	_ = 	snop  }
0x1ad: {  	[hbm4b:s30+s2] =	stream.linear.scatter [tilespmem:s6], [sflag:$0x3], $0x4000, $0x38;
	[tilespmem:$0x8100] =	vst v63  }
0x1ae: {  	_ =	swait.ge [sflag:s3], $0x4000  }
0x1af: {  	[sflag:s3] =	ssyncset.done $0x0  }
0x1b0: {  	p0 =	sne.s32 s1, $0x1;
	[sflag:s3] =	ssyncadd.s32 $0xFFFFC000  }
.Ltmp1:
0x1b1: {  	_ =	swait.ge [sflag:s9], $0x4000;
	(pc) =	sbr.rel @p0 .LBB2_1-.Ltmp1, $4  }
0x1b2: {  	[sflag:s9] =	ssyncset.done $0x0  }
0x1b3: {  	[sflag:s9] =	ssyncadd.s32 $0xFFFFC000  }
0x1b4: {  	[hbm4b:s31+s2] =	stream.linear.scatter [tilespmem:s8], [sflag:$0x3], $0x4000, $0x38;
	[tilespmem:$0x8100] =	vst v63  }
0x1b5: {  	s1 =	sadd.s32 $0xFFFFFFFF, s1;
	_ =	swait.ge [sflag:s3], $0x4000  }
.LBB2_2:
0x1b6: {  	[sflag:s3] =	ssyncset.done $0x0  }
0x1b7: {  	[sflag:s3] =	ssyncadd.s32 $0xFFFFC000  }
0x1b8: {  	_ =	sfence.sel $0x180000  }
0x1b9: {  	[bflag:$0x0] =	sbarrier.arrive $0xFFFF  }
0x1ba: {  	_ =	strace $0x90000047  }
0x1bb: {  	s0 =	stileid.u32;
	[bflag:$0x2] =	sbarrier.arrive $0xFFFF  }
0x1bc: {  	p0 =	sne.s32 s0, $0x0;
	s0 =	rddreg [dreg:$0x2]  }
0x1bd: {  	s0 =	sadd.s32 @!p0 $0x100000, s0  }
0x1be: {  	[sflag:s0] =	ssyncadd.tile.s32 @!p0 $0x1;
	_ =	shalt  }
.Lfunc_end2:
_tile_overlayer_lowered:
.L_overlay_start_2:
0x1bf: {  	(tag) =	ssettag $0x2  }
0x1c0: {  	s0 =	rddreg [dreg:$0x0];
	s2 =	stileid.u32  }
0x1c1: {  	s1 =	rddreg [dreg:$0x1];
	p0 =	sne.s32 s2, $0x0  }
0x1c2: {  	s3 =	rddreg [dreg:$0x2];
	[bflag:$0x3] =	sbarrier.arrive $0xFFFF;
	s2 =	simm.s32 @!p0 $0x1C03  }
0x1c3: {  	[timem:s3], [sflag:s2] =	dma.local @!p0 [hbm:s0], s1  }
0x1c4: {  	s0 =	simm.s32 @!p0 $0x3  }
0x1c5: {  	_ =	swait.ge @!p0 [sflag:s0], s1  }
0x1c6: {  	s1 =	ssub.s32 @!p0 $0x0, s1;
	[sflag:s0] =	ssyncset.done @!p0 $0x0  }
0x1c7: {  	[sflag:s0] =	ssyncadd.s32 @!p0 s1  }
0x1c8: {  	[bflag:$0x3] =	sbarrier.arrive $0xFFFF  }
0x1c9: {  	_ =	shalt  }

// kernel: kernel.9.cloned.1.call-start
scs
__scs_entry_jumppad:
0x0: {  	(pc) =	sbr.rel $0x88, $3  }
0x1: {  	(tag) =	ssettag $0x0;
	lr =	simm.s32 $0x1  }
0x2: {  	[smem:$0x3F99] =	sst lr;
	_ =	strace $0xD0000000  }
0x3: {  	_ = 	snop  }
0x4: {  	_ = 	snop  }
0x5: {  	_ = 	snop  }
0x6: {  	_ = 	snop  }
0x7: {  	_ = 	snop  }
__scs_overlays_trampoline_lowered:
0x8: {  	[smem:$0x3FA8] =	sst s0  }
0x9: {  	[smem:$0x3FA9] =	sst s1  }
0xa: {  	[smem:$0x3FAA] =	sst s2  }
0xb: {  	[smem:$0x3FAB] =	sst s3  }
0xc: {  	[smem:$0x3FAC] =	sst s4  }
0xd: {  	[smem:$0x3FAD] =	sst s5  }
0xe: {  	[smem:$0x3FAE] =	sst s6  }
0xf: {  	[smem:$0x3FAF] =	sst s7  }
0x10: {  	[smem:$0x3FB0] =	sst s8  }
0x11: {  	[smem:$0x3FB1] =	sst s9;
	s0 =	simm.s32 @!p0 $0x0  }
0x12: {  	s1 =	sld [smem:$0x3F97];
	s0 =	simm.s32 @p0 $0x1  }
0x13: {  	[smem:$0x3FB2] =	sst s0;
	s0 =	simm.s32 @!p1 $0x0  }
0x14: {  	s2 =	sld [smem:$0x3F96];
	s0 =	simm.s32 @p1 $0x1  }
0x15: {  	[smem:$0x3FB3] =	sst s0;
	s0 =	simm.s32 @!p2 $0x0  }
0x16: {  	s3 =	sld [smem:$0x3FDB];
	s0 =	simm.s32 @p2 $0x1  }
0x17: {  	s4 =	simm.s32 $0x1BF5;
	[smem:$0x3FB5] =	sst s0  }
0x18: {  	s0 =	sld [smem:$0x3F98];
	_ =	swait.ge [sflag:s4], $0x0  }
0x19: {  	s7 =	sld [smem:$0x3F99]  }
0x1a: {  	s8 =	sadd.s32 $0xFFFFE003, lr  }
0x1b: {  	s9 =	sadd.s32 $0xFFFFFEF7, lr;
	s5 =	simm.s32 $0xFFFFFFFF;
	p2 =	slt.u32 s8, $0xFFFFF086  }
0x1c: {  	p1 =	slt.u32 s9, $0xF7A;
	s5 =	simm.s32 @!p2 $0x0  }
0x1d: {  	s5 =	simm.s32 @p1 $0x1;
	p0 =	seq.s32 s7, s2  }
0x1e: {  	s7 =	smul.u32 @!p0 $0xF7A, s2;
	p2 =	seq.s32 @!p0 s5, $0x0  }
0x1f: {  	s9 =	smul.u32 $0xF7A, s1;
	s8 =	simm.s32 @!p0 $0x1BF5;
	p2 =	por !p2, p0  }
0x20: {  	[sflag:s8] =	ssyncset.s32 @!p0 $0xFFFFF086;
	s6 =	sadd.s32 @!p0 s3, s7;
	s7 =	simm.s32 @!p0 $0x108  }
0x21: {  	s3 =	sadd.s32 s3, s9;
	s6 =	sadd.s32 @!p0 $0x88, s6;
	s7 =	simm.s32 @p2 $0x1082  }
0x22: {  	[simem:s7], [sflag:s8] =	dma.local @!p0 [hbm:s6], $0xF7A  }
0x23: {  	s9 =	sor.u32 $0xD0000000, s2;
	s6 =	simm.s32 $0x108;
	_ =	swait.ge @!p0 [sflag:s8], $0x0  }
0x24: {  	s3 =	sadd.s32 $0x88, s3;
	s6 =	simm.s32 @!p1 $0x1082;
	[sflag:s4] =	ssyncset.s32 $0xFFFFF086  }
0x25: {  	[simem:s6], [sflag:s4] =	dma.local [hbm:s3], $0xF7A  }
0x26: {  	[smem:$0x3F99] =	sst s1;
	(tag) =	ssettag s2;
	_ =	strace s9  }
0x27: {  	s1 =	sld [smem:$0x3FA9]  }
0x28: {  	s2 =	sld [smem:$0x3FAA]  }
0x29: {  	s4 =	sld [smem:$0x3FAC]  }
0x2a: {  	p0 =	seq.s32 s5, $0x0;
	s5 =	sld [smem:$0x3FAD]  }
0x2b: {  	s6 =	sld [smem:$0x3FAE]  }
0x2c: {  	s7 =	sld [smem:$0x3FAF]  }
0x2d: {  	s3 =	simm.s32 $0x108;
	s8 =	sld [smem:$0x3FB0]  }
0x2e: {  	s3 =	simm.s32 @!p0 $0x1082;
	s9 =	sld [smem:$0x3FB1]  }
0x2f: {  	lr =	sadd.s32 s0, s3;
	s0 =	sld [smem:$0x3FA8]  }
0x30: {  	s3 =	sld [smem:$0x3FAB]  }
0x31: {  	[smem:$0x3FB4] =	sst s10  }
0x32: {  	s10 =	sld [smem:$0x3FB2];
	_ =	sdelay $0x3  }
0x33: {  	p0 =	seq.s32 s10, $0x1;
	s10 =	sld [smem:$0x3FB4];
	_ =	sdelay $0x3  }
0x34: {  	[smem:$0x3FB4] =	sst s10  }
0x35: {  	s10 =	sld [smem:$0x3FB3];
	_ =	sdelay $0x3  }
0x36: {  	p1 =	seq.s32 s10, $0x1;
	s10 =	sld [smem:$0x3FB4];
	_ =	sdelay $0x3  }
0x37: {  	[smem:$0x3FB4] =	sst s10  }
0x38: {  	s10 =	sld [smem:$0x3FB5]  }
0x39: {  	_ = 	snop;
	(pc) =	sbr.ind lr, $3  }
0x3a: {  	_ = 	snop  }
0x3b: {  	_ = 	snop  }
0x3c: {  	p2 =	seq.s32 s10, $0x1;
	s10 =	sld [smem:$0x3FB4]  }
0x3d: {  	_ =	shalt  }
0x3e: {  	_ =	shalt  }
0x3f: {  	_ =	shalt  }
0x40: {  	_ =	shalt  }
0x41: {  	_ =	shalt  }
0x42: {  	_ =	shalt  }
0x43: {  	_ =	shalt  }
0x44: {  	_ =	shalt  }
0x45: {  	_ =	shalt  }
0x46: {  	_ =	shalt  }
0x47: {  	_ =	shalt  }
0x48: {  	_ =	shalt  }
0x49: {  	_ =	shalt  }
0x4a: {  	_ =	shalt  }
0x4b: {  	_ =	shalt  }
0x4c: {  	_ =	shalt  }
0x4d: {  	_ =	shalt  }
0x4e: {  	_ =	shalt  }
0x4f: {  	_ =	shalt  }
0x50: {  	_ =	shalt  }
0x51: {  	_ =	shalt  }
0x52: {  	_ =	shalt  }
0x53: {  	_ =	shalt  }
0x54: {  	_ =	shalt  }
0x55: {  	_ =	shalt  }
0x56: {  	_ =	shalt  }
0x57: {  	_ =	shalt  }
0x58: {  	_ =	shalt  }
0x59: {  	_ =	shalt  }
0x5a: {  	_ =	shalt  }
0x5b: {  	_ =	shalt  }
0x5c: {  	_ =	shalt  }
0x5d: {  	_ =	shalt  }
0x5e: {  	_ =	shalt  }
0x5f: {  	_ =	shalt  }
0x60: {  	_ =	shalt  }
0x61: {  	_ =	shalt  }
0x62: {  	_ =	shalt  }
0x63: {  	_ =	shalt  }
0x64: {  	_ =	shalt  }
0x65: {  	_ =	shalt  }
0x66: {  	_ =	shalt  }
0x67: {  	_ =	shalt  }
0x68: {  	_ =	shalt  }
0x69: {  	_ =	shalt  }
0x6a: {  	_ =	shalt  }
0x6b: {  	_ =	shalt  }
0x6c: {  	_ =	shalt  }
0x6d: {  	_ =	shalt  }
0x6e: {  	_ =	shalt  }
0x6f: {  	_ =	shalt  }
0x70: {  	_ =	shalt  }
0x71: {  	_ =	shalt  }
0x72: {  	_ =	shalt  }
0x73: {  	_ =	shalt  }
0x74: {  	_ =	shalt  }
0x75: {  	_ =	shalt  }
0x76: {  	_ =	shalt  }
0x77: {  	_ =	shalt  }
0x78: {  	_ =	shalt  }
0x79: {  	_ =	shalt  }
0x7a: {  	_ =	shalt  }
0x7b: {  	_ =	shalt  }
0x7c: {  	_ =	shalt  }
0x7d: {  	_ =	shalt  }
0x7e: {  	_ =	shalt  }
0x7f: {  	_ =	shalt  }
0x80: {  	_ =	shalt  }
0x81: {  	_ =	shalt  }
0x82: {  	_ =	shalt  }
0x83: {  	_ =	shalt  }
0x84: {  	_ =	shalt  }
0x85: {  	_ =	shalt  }
0x86: {  	_ =	shalt  }
0x87: {  	_ =	shalt  }
.Lfunc_end0:
.L_simem_size_0:
called_computation_lowered:
.L_overlay_start_0:
0x88: {  	s2 =	sld [smem:$0x3FD9]  }
0x89: {  	s3 =	sld [smem:$0x3FFE];
	_ =	sdelay $0x1  }
0x8a: {  	s1 =	srdreg.scid  }
0x8b: {  	s0 =	sand.u32 $0x1, s1  }
0x8c: {  	s17 =	sshll.u32 s0, $0xA;
	s2 =	sadd.s32 s3, s2  }
0x8d: {  	s2 =	sadd.s32 s2, s17  }
0x8e: {  	[smem:$0x3FC0] =	sst s2  }
0x8f: {  	_ = 	snop  }
0x90: {  	(tm) =	ssettm $0x1  }
0x91: {  	s18 =	sld [smem:$0x3FFB];
	_ =	sdelay $0x3  }
0x92: {  	_ =	strace s18  }
0x93: {  	s2 =	sld [smem:$0x3FFC];
	_ =	sdelay $0x3  }
0x94: {  	_ =	strace s2  }
0x95: {  	s2 =	sld [smem:$0x3FFD];
	_ =	sdelay $0x3  }
0x96: {  	_ =	strace s2  }
0x97: {  	_ =	strace $0x8FFFFFFF  }
0x98: {  	s19 =	sld [smem:$0x3FDB];
	_ =	sdelay $0x1  }
0x99: {  	s20 =	simm.s32 $_scs_section_size  }
0x9a: {  	s4 =	simm.s32 $_size__tile_overlayer_lowered;
	s5 =	simm.s32 $_tile_overlayer_lowered  }
0x9b: {  	s6 =	simm.s32 $0x1BFF;
	s21 =	sshll.u32 s5, $0x1;
	s3 =	sadd.s32 s20, s19  }
0x9c: {  	s22 =	simm.s32 $0x0;
	s4 =	sshll.u32 s4, $0x1;
	s5 =	sadd.s32 s21, s3  }
0x9d: {  	[timem:s22], [sflag:s6] =	dma.local [hbm:s5], s4  }
0x9e: {  	_ =	swait.ge [sflag:s6], s4  }
0x9f: {  	s4 =	ssub.s32 $0x0, s4;
	[sflag:s6] =	ssyncset.done $0x0  }
0xa0: {  	[sflag:s6] =	ssyncadd.s32 s4;
	_ =	sdelay $0x1  }
0xa1: {  	s23 =	simm.s32 $0x1B8B  }
0xa2: {  	_ =	swait.ge [sflag:s23], $0x1  }
0xa3: {  	[sflag:s23] =	ssyncset.done $0x0  }
0xa4: {  	[sflag:s23] =	ssyncadd.s32 $0xFFFFFFFF  }
0xa5: {  	s4 =	sld [smem:$0x0]  }
0xa6: {  	s5 =	sand.u32 $0xFFFFFFFE, s1  }
0xa7: {  	p0 =	sne.s32 s1, s5  }
0xa8: {  	s5 =	sshll.u32 @p0 s5, $0xE  }
0xa9: {  	s5 =	sadd.s32 @p0 $0x11B8D, s5;
	s6 =	sshll.u32 @p0 s4, $0x11  }
0xaa: {  	s5 =	sor.u32 @p0 s6, s5  }
0xab: {  	[sflag:s5] =	ssyncadd.remote.s32 @p0 $0x1;
	_ =	sdelay $0x1  }
0xac: {  	s5 =	simm.s32 @p0 $0x1B8D  }
0xad: {  	_ =	swait.eq @p0 [sflag:s5], $0x1  }
0xae: {  	[sflag:s5] =	ssyncadd.s32 @p0 $0xFFFFFFFF  }
0xaf: {  	s6 =	sshll.u32 @!p0 s1, $0xE  }
0xb0: {  	s6 =	sor.u32 @!p0 $0x4000, s6;
	s5 =	simm.s32 @!p0 $0x1B8D  }
0xb1: {  	s4 =	sshll.u32 @!p0 s4, $0x11;
	s6 =	sadd.s32 @!p0 $0x11B8D, s6;
	_ =	swait.eq @!p0 [sflag:s5], $0x1  }
0xb2: {  	s4 =	sor.u32 @!p0 s4, s6;
	[sflag:s5] =	ssyncadd.s32 @!p0 $0xFFFFFFFF  }
0xb3: {  	s25 =	simm.s32 $0x1B8E;
	s24 =	sld [smem:$0x3FFE];
	[sflag:s4] =	ssyncadd.remote.s32 @!p0 $0x1  }
0xb4: {  	s26 =	simm.s32 $execute0_lowered;
	[smem:$0x3FD2] =	sst s25  }
0xb5: {  	s5 =	sshll.u32 s26, $0x1;
	_ =	strace $0x80000049;
	[dreg:$0x1] =	wrdreg $0xFFFFFFFF  }
0xb6: {  	s28 =	simm.s32 $_size_execute0_lowered;
	s3 =	sadd.s32 s3, s5;
	[dreg:$0x0] =	wrdreg $0x0  }
0xb7: {  	s5 =	sshll.u32 s28, $0x1;
	[dreg:$0x2] =	wrdreg s3  }
0xb8: {  	[dreg:$0x3] =	wrdreg s5  }
0xb9: {  	[dreg:$0x4] =	wrdreg $0xC0  }
0xba: {  	_ =	task [dreg:s22], $0x5FFFF  }
0xbb: {  	[dreg:$0x1] =	wrdreg $0xFFFFFFFF  }
0xbc: {  	[dreg:$0x0] =	wrdreg $0x60  }
0xbd: {  	[dreg:$0x2] =	wrdreg s24  }
0xbe: {  	[dreg:$0x3] =	wrdreg $0x9  }
0xbf: {  	_ =	task.clear_ibuf [dreg:s22], $0x4FFFF;
	_ =	strace $0x90000049  }
0xc0: {  	s29 =	simm.s32 $0x9;
	_ =	strace $0x8000004B  }
0xc1: {  	_ =	swait.ge [sflag:s29], $0x1  }
0xc2: {  	[sflag:s29] =	ssyncadd.s32 $0xFFFFFFFF  }
0xc3: {  	_ =	strace $0x9000004B  }
0xc4: {  	_ =	sfence  }
0xc5: {  	s30 =	sld [smem:$0x0];
	_ =	sdelay $0x2  }
0xc6: {  	s31 =	sshll.u32 s1, $0xD;
	s1 =	sshrl.u32 s1, $0x2  }
0xc7: {  	s4 =	sand.u32 $0x4000, s31;
	s1 =	sadd.s32 s1, s30  }
0xc8: {  	s0 =	sor.u32 s4, s0;
	s1 =	sshll.u32 s1, $0x11  }
0xc9: {  	s0 =	sor.u32 s1, s0  }
0xca: {  	s0 =	sadd.s32 $0x8F2B, s0  }
0xcb: {  	[sflag:s0] =	ssyncadd.remote.s32 $0x1  }
0xcc: {  	_ =	sfence.sel $0xFFFF  }
0xcd: {  	[dreg:$0x0] =	wrdreg $0xFFFFFFFF;
	(pc) =	sbr.abs _section_cstart, $3  }
0xce: {  	[dreg:$0x1] =	wrdreg $0xFFFFFFFF  }
0xcf: {  	_ =	task.clear_ibuf [dreg:s22], $0x2FFFF;
	_ =	strace $0x9FFFFFFF  }
0xd0: {  	(tm) =	ssettm $0x7FFFFFFF  }
0xd1: {  	_ =	shalt  }
tec
execute0_lowered:
.L_overlay_start_1:
0x0: {  	(tag) =	ssettag $0x1  }
0x1: {  	s1 =	srdreg.scid  }
0x2: {  	s0 =	stileid.u32;
	s4 =	rddreg [dreg:$0x0];
	s2 =	simm.s32 $0x0  }
0x3: {  	s1 =	sand.u32 $0x1, s1;
	s3 =	sshll.u32 s0, $0xC;
	[smem:$0x7FF] =	sst s2  }
0x4: {  	s29 =	sadd.s32 $0x81C00, s4;
	[dreg:$0xd] =	wrdreg s1;
	s5 =	sshll.u32 s1, $0xB  }
0x5: {  	s1 =	sadd.s32 $0x83C00, s4;
	s30 =	sor.u32 s5, s3;
	_ =	strace $0x8000004A  }
0x6: {  	s3 =	sshrl.u32 s30, $0x3;
	s5 =	sor.u32 $0x80, s30;
	s6 =	sshll.u32 s30, $0x4  }
0x7: {  	s7 =	sor.u32 $0x100, s30;
	s10 =	sor.u32 $0x200, s30;
	s3 =	sadd.s32 s29, s3  }
0x8: {  	s22 =	sshrl.u32 s5, $0x3;
	s23 =	sadd.s32 s1, s6;
	[dreg:$0x2] =	wrdreg s3  }
0x9: {  	s24 =	sshrl.u32 s7, $0x3;
	s3 =	sadd.s32 s29, s22;
	[dreg:$0x4] =	wrdreg s23  }
0xa: {  	s5 =	sshll.u32 s5, $0x4;
	s25 =	sadd.s32 s29, s24;
	[dreg:$0x3] =	wrdreg s3  }
0xb: {  	s9 =	sshll.u32 s7, $0x4;
	s26 =	sadd.s32 s1, s5;
	[dreg:$0x5] =	wrdreg s25  }
0xc: {  	s12 =	sshrl.u32 s10, $0x3;
	s11 =	sadd.s32 s1, s9;
	[dreg:$0x6] =	wrdreg s26  }
0xd: {  	s0 =	sor.u32 $0x180, s30;
	s13 =	sadd.s32 s29, s12;
	[dreg:$0x8] =	wrdreg s11  }
0xe: {  	s8 =	sshrl.u32 s0, $0x3;
	s16 =	sshll.u32 s10, $0x4;
	[dreg:$0x9] =	wrdreg s13  }
0xf: {  	s5 =	sshll.u32 s0, $0x4;
	s18 =	sadd.s32 s1, s16;
	s17 =	rddreg [dreg:$0x2]  }
0x10: {  	s3 =	sadd.s32 s29, s8;
	s11 =	sor.u32 $0x280, s30;
	[dreg:$0xc] =	wrdreg s18  }
0x11: {  	s14 =	sadd.s32 s1, s5;
	[dreg:$0x7] =	wrdreg s3;
	s15 =	sshrl.u32 s11, $0x3  }
0x12: {  	[tilespmem:s2], [sflag:$0x3] =	stream.linear.gather [hbm4b:s17+s2], $0x80, $0x38;
	[tilespmem:$0x8100] =	vst v63  }
0x13: {  	[dreg:$0xa] =	wrdreg s14;
	s3 =	sadd.s32 s29, s15  }
0x14: {  	[dreg:$0xb] =	wrdreg s3;
	s3 =	simm.s32 $0x3  }
0x15: {  	_ =	swait.ge [sflag:s3], $0x80  }
0x16: {  	s4 =	sadd.s32 $0x1C00, s4;
	[sflag:s3] =	ssyncset.done $0x0  }
0x17: {  	s6 =	simm.s32 $0x100;
	s5 =	simm.s32 $0x80;
	[sflag:s3] =	ssyncadd.s32 $0xFFFFFF80  }
0x18: {  	[tilespmem:s6], [sflag:$0x1] =	stream.indirect.gather [hbm4b:s4+s5], $0x80, s2, s5, $0xb8;
	[tilespmem:$0x8100] =	vst v63  }
0x19: {  	s19 =	rddreg [dreg:$0x3]  }
0x1a: {  	[tilespmem:s5], [sflag:$0x3] =	stream.linear.gather [hbm4b:s19+s2], $0x80, $0x38;
	[tilespmem:$0x8100] =	vst v63  }
0x1b: {  	_ =	swait.ge [sflag:s3], $0x80  }
0x1c: {  	[sflag:s3] =	ssyncset.done $0x0  }
0x1d: {  	s7 =	simm.s32 $0x1;
	[sflag:s3] =	ssyncadd.s32 $0xFFFFFF80  }
0x1e: {  	_ =	swait.ge [sflag:s7], $0x4000  }
0x1f: {  	[sflag:s7] =	ssyncset.done $0x0  }
0x20: {  	s8 =	simm.s32 $0x4100;
	[sflag:s7] =	ssyncadd.s32 $0xFFFFC000  }
0x21: {  	[tilespmem:s8], [sflag:$0x2] =	stream.indirect.gather [hbm4b:s4+s5], $0x80, s5, s5, $0xb8;
	[tilespmem:$0x8100] =	vst v63  }
0x22: {  	s9 =	rddreg [dreg:$0x4]  }
0x23: {  	[hbm4b:s9+s2] =	stream.linear.scatter [tilespmem:s6], [sflag:$0x3], $0x4000, $0x38;
	[tilespmem:$0x8100] =	vst v63  }
0x24: {  	_ =	swait.ge [sflag:s3], $0x4000  }
0x25: {  	[sflag:s3] =	ssyncset.done $0x0  }
0x26: {  	s20 =	rddreg [dreg:$0x5];
	[sflag:s3] =	ssyncadd.s32 $0xFFFFC000  }
0x27: {  	[tilespmem:s2], [sflag:$0x3] =	stream.linear.gather [hbm4b:s20+s2], $0x80, $0x38;
	[tilespmem:$0x8100] =	vst v63  }
0x28: {  	_ =	swait.ge [sflag:s3], $0x80  }
0x29: {  	[sflag:s3] =	ssyncset.done $0x0  }
0x2a: {  	s9 =	simm.s32 $0x2;
	[sflag:s3] =	ssyncadd.s32 $0xFFFFFF80  }
0x2b: {  	_ =	swait.ge [sflag:s9], $0x4000  }
0x2c: {  	[sflag:s9] =	ssyncset.done $0x0  }
0x2d: {  	[sflag:s9] =	ssyncadd.s32 $0xFFFFC000  }
0x2e: {  	[tilespmem:s6], [sflag:$0x1] =	stream.indirect.gather [hbm4b:s4+s5], $0x80, s2, s5, $0xb8;
	[tilespmem:$0x8100] =	vst v63  }
0x2f: {  	s10 =	rddreg [dreg:$0x6]  }
0x30: {  	[hbm4b:s10+s2] =	stream.linear.scatter [tilespmem:s8], [sflag:$0x3], $0x4000, $0x38;
	[tilespmem:$0x8100] =	vst v63  }
0x31: {  	_ =	swait.ge [sflag:s3], $0x4000  }
0x32: {  	[sflag:s3] =	ssyncset.done $0x0  }
0x33: {  	s21 =	rddreg [dreg:$0x7];
	[sflag:s3] =	ssyncadd.s32 $0xFFFFC000  }
0x34: {  	[tilespmem:s5], [sflag:$0x3] =	stream.linear.gather [hbm4b:s21+s2], $0x80, $0x38;
	[tilespmem:$0x8100] =	vst v63  }
0x35: {  	_ =	swait.ge [sflag:s3], $0x80  }
0x36: {  	[sflag:s3] =	ssyncset.done $0x0  }
0x37: {  	[sflag:s3] =	ssyncadd.s32 $0xFFFFFF80  }
0x38: {  	_ =	swait.ge [sflag:s7], $0x4000  }
0x39: {  	[sflag:s7] =	ssyncset.done $0x0  }
0x3a: {  	[sflag:s7] =	ssyncadd.s32 $0xFFFFC000  }
0x3b: {  	[tilespmem:s8], [sflag:$0x2] =	stream.indirect.gather [hbm4b:s4+s5], $0x80, s5, s5, $0xb8;
	[tilespmem:$0x8100] =	vst v63  }
0x3c: {  	s22 =	rddreg [dreg:$0x8]  }
0x3d: {  	[hbm4b:s22+s2] =	stream.linear.scatter [tilespmem:s6], [sflag:$0x3], $0x4000, $0x38;
	[tilespmem:$0x8100] =	vst v63  }
0x3e: {  	_ =	swait.ge [sflag:s3], $0x4000  }
0x3f: {  	[sflag:s3] =	ssyncset.done $0x0  }
0x40: {  	s23 =	rddreg [dreg:$0x9];
	[sflag:s3] =	ssyncadd.s32 $0xFFFFC000  }
0x41: {  	[tilespmem:s2], [sflag:$0x3] =	stream.linear.gather [hbm4b:s23+s2], $0x80, $0x38;
	[tilespmem:$0x8100] =	vst v63  }
0x42: {  	_ =	swait.ge [sflag:s3], $0x80  }
0x43: {  	[sflag:s3] =	ssyncset.done $0x0  }
0x44: {  	[sflag:s3] =	ssyncadd.s32 $0xFFFFFF80  }
0x45: {  	_ =	swait.ge [sflag:s9], $0x4000  }
0x46: {  	[sflag:s9] =	ssyncset.done $0x0  }
0x47: {  	[sflag:s9] =	ssyncadd.s32 $0xFFFFC000  }
0x48: {  	[tilespmem:s6], [sflag:$0x1] =	stream.indirect.gather [hbm4b:s4+s5], $0x80, s2, s5, $0xb8;
	[tilespmem:$0x8100] =	vst v63  }
0x49: {  	s24 =	rddreg [dreg:$0xa]  }
0x4a: {  	[hbm4b:s24+s2] =	stream.linear.scatter [tilespmem:s8], [sflag:$0x3], $0x4000, $0x38;
	[tilespmem:$0x8100] =	vst v63  }
0x4b: {  	_ =	swait.ge [sflag:s3], $0x4000  }
0x4c: {  	[sflag:s3] =	ssyncset.done $0x0  }
0x4d: {  	s25 =	rddreg [dreg:$0xb];
	[sflag:s3] =	ssyncadd.s32 $0xFFFFC000  }
0x4e: {  	[tilespmem:s5], [sflag:$0x3] =	stream.linear.gather [hbm4b:s25+s2], $0x80, $0x38;
	[tilespmem:$0x8100] =	vst v63  }
0x4f: {  	_ =	swait.ge [sflag:s3], $0x80  }
0x50: {  	[sflag:s3] =	ssyncset.done $0x0  }
0x51: {  	[sflag:s3] =	ssyncadd.s32 $0xFFFFFF80  }
0x52: {  	_ =	swait.ge [sflag:s7], $0x4000  }
0x53: {  	[sflag:s7] =	ssyncset.done $0x0  }
0x54: {  	[sflag:s7] =	ssyncadd.s32 $0xFFFFC000  }
0x55: {  	[tilespmem:s8], [sflag:$0x2] =	stream.indirect.gather [hbm4b:s4+s5], $0x80, s5, s5, $0xb8;
	[tilespmem:$0x8100] =	vst v63  }
0x56: {  	s26 =	rddreg [dreg:$0xc]  }
0x57: {  	[hbm4b:s26+s2] =	stream.linear.scatter [tilespmem:s6], [sflag:$0x3], $0x4000, $0x38;
	[tilespmem:$0x8100] =	vst v63  }
0x58: {  	s13 =	sor.u32 $0x300, s30;
	_ =	swait.ge [sflag:s3], $0x4000  }
0x59: {  	s0 =	sshrl.u32 s13, $0x3;
	[sflag:s3] =	ssyncset.done $0x0  }
0x5a: {  	s10 =	sadd.s32 s29, s0;
	[sflag:s3] =	ssyncadd.s32 $0xFFFFC000  }
0x5b: {  	[tilespmem:s2], [sflag:$0x3] =	stream.linear.gather [hbm4b:s10+s2], $0x80, $0x38;
	[tilespmem:$0x8100] =	vst v63  }
0x5c: {  	_ =	swait.ge [sflag:s3], $0x80  }
0x5d: {  	[sflag:s3] =	ssyncset.done $0x0  }
0x5e: {  	[sflag:s3] =	ssyncadd.s32 $0xFFFFFF80  }
0x5f: {  	_ =	swait.ge [sflag:s9], $0x4000  }
0x60: {  	[sflag:s9] =	ssyncset.done $0x0  }
0x61: {  	s11 =	sshll.u32 s11, $0x4;
	[sflag:s9] =	ssyncadd.s32 $0xFFFFC000  }
0x62: {  	[tilespmem:s6], [sflag:$0x1] =	stream.indirect.gather [hbm4b:s4+s5], $0x80, s2, s5, $0xb8;
	[tilespmem:$0x8100] =	vst v63  }
0x63: {  	s11 =	sadd.s32 s1, s11  }
0x64: {  	[hbm4b:s11+s2] =	stream.linear.scatter [tilespmem:s8], [sflag:$0x3], $0x4000, $0x38;
	[tilespmem:$0x8100] =	vst v63  }
0x65: {  	s15 =	sor.u32 $0x380, s30;
	_ =	swait.ge [sflag:s3], $0x4000  }
0x66: {  	s12 =	sshrl.u32 s15, $0x3;
	[sflag:s3] =	ssyncset.done $0x0  }
0x67: {  	s12 =	sadd.s32 s29, s12;
	[sflag:s3] =	ssyncadd.s32 $0xFFFFC000  }
0x68: {  	[tilespmem:s5], [sflag:$0x3] =	stream.linear.gather [hbm4b:s12+s2], $0x80, $0x38;
	[tilespmem:$0x8100] =	vst v63  }
0x69: {  	_ =	swait.ge [sflag:s3], $0x80  }
0x6a: {  	[sflag:s3] =	ssyncset.done $0x0  }
0x6b: {  	[sflag:s3] =	ssyncadd.s32 $0xFFFFFF80  }
0x6c: {  	_ =	swait.ge [sflag:s7], $0x4000  }
0x6d: {  	[sflag:s7] =	ssyncset.done $0x0  }
0x6e: {  	s13 =	sshll.u32 s13, $0x4;
	[sflag:s7] =	ssyncadd.s32 $0xFFFFC000  }
0x6f: {  	[tilespmem:s8], [sflag:$0x2] =	stream.indirect.gather [hbm4b:s4+s5], $0x80, s5, s5, $0xb8;
	[tilespmem:$0x8100] =	vst v63  }
0x70: {  	s13 =	sadd.s32 s1, s13  }
0x71: {  	[hbm4b:s13+s2] =	stream.linear.scatter [tilespmem:s6], [sflag:$0x3], $0x4000, $0x38;
	[tilespmem:$0x8100] =	vst v63  }
0x72: {  	s17 =	sor.u32 $0x400, s30;
	_ =	swait.ge [sflag:s3], $0x4000  }
0x73: {  	s14 =	sshrl.u32 s17, $0x3;
	[sflag:s3] =	ssyncset.done $0x0  }
0x74: {  	s14 =	sadd.s32 s29, s14;
	[sflag:s3] =	ssyncadd.s32 $0xFFFFC000  }
0x75: {  	[tilespmem:s2], [sflag:$0x3] =	stream.linear.gather [hbm4b:s14+s2], $0x80, $0x38;
	[tilespmem:$0x8100] =	vst v63  }
0x76: {  	_ =	swait.ge [sflag:s3], $0x80  }
0x77: {  	[sflag:s3] =	ssyncset.done $0x0  }
0x78: {  	[sflag:s3] =	ssyncadd.s32 $0xFFFFFF80  }
0x79: {  	_ =	swait.ge [sflag:s9], $0x4000  }
0x7a: {  	[sflag:s9] =	ssyncset.done $0x0  }
0x7b: {  	s15 =	sshll.u32 s15, $0x4;
	[sflag:s9] =	ssyncadd.s32 $0xFFFFC000  }
0x7c: {  	[tilespmem:s6], [sflag:$0x1] =	stream.indirect.gather [hbm4b:s4+s5], $0x80, s2, s5, $0xb8;
	[tilespmem:$0x8100] =	vst v63  }
0x7d: {  	s15 =	sadd.s32 s1, s15  }
0x7e: {  	[hbm4b:s15+s2] =	stream.linear.scatter [tilespmem:s8], [sflag:$0x3], $0x4000, $0x38;
	[tilespmem:$0x8100] =	vst v63  }
0x7f: {  	s19 =	sor.u32 $0x480, s30;
	_ =	swait.ge [sflag:s3], $0x4000  }
0x80: {  	s16 =	sshrl.u32 s19, $0x3;
	[sflag:s3] =	ssyncset.done $0x0  }
0x81: {  	s16 =	sadd.s32 s29, s16;
	[sflag:s3] =	ssyncadd.s32 $0xFFFFC000  }
0x82: {  	[tilespmem:s5], [sflag:$0x3] =	stream.linear.gather [hbm4b:s16+s2], $0x80, $0x38;
	[tilespmem:$0x8100] =	vst v63  }
0x83: {  	_ =	swait.ge [sflag:s3], $0x80  }
0x84: {  	[sflag:s3] =	ssyncset.done $0x0  }
0x85: {  	[sflag:s3] =	ssyncadd.s32 $0xFFFFFF80  }
0x86: {  	_ =	swait.ge [sflag:s7], $0x4000  }
0x87: {  	[sflag:s7] =	ssyncset.done $0x0  }
0x88: {  	s17 =	sshll.u32 s17, $0x4;
	[sflag:s7] =	ssyncadd.s32 $0xFFFFC000  }
0x89: {  	[tilespmem:s8], [sflag:$0x2] =	stream.indirect.gather [hbm4b:s4+s5], $0x80, s5, s5, $0xb8;
	[tilespmem:$0x8100] =	vst v63  }
0x8a: {  	s17 =	sadd.s32 s1, s17  }
0x8b: {  	[hbm4b:s17+s2] =	stream.linear.scatter [tilespmem:s6], [sflag:$0x3], $0x4000, $0x38;
	[tilespmem:$0x8100] =	vst v63  }
0x8c: {  	s21 =	sor.u32 $0x500, s30;
	_ =	swait.ge [sflag:s3], $0x4000  }
0x8d: {  	s18 =	sshrl.u32 s21, $0x3;
	[sflag:s3] =	ssyncset.done $0x0  }
0x8e: {  	s18 =	sadd.s32 s29, s18;
	[sflag:s3] =	ssyncadd.s32 $0xFFFFC000  }
0x8f: {  	[tilespmem:s2], [sflag:$0x3] =	stream.linear.gather [hbm4b:s18+s2], $0x80, $0x38;
	[tilespmem:$0x8100] =	vst v63  }
0x90: {  	_ =	swait.ge [sflag:s3], $0x80  }
0x91: {  	[sflag:s3] =	ssyncset.done $0x0  }
0x92: {  	[sflag:s3] =	ssyncadd.s32 $0xFFFFFF80  }
0x93: {  	_ =	swait.ge [sflag:s9], $0x4000  }
0x94: {  	[sflag:s9] =	ssyncset.done $0x0  }
0x95: {  	s19 =	sshll.u32 s19, $0x4;
	[sflag:s9] =	ssyncadd.s32 $0xFFFFC000  }
0x96: {  	[tilespmem:s6], [sflag:$0x1] =	stream.indirect.gather [hbm4b:s4+s5], $0x80, s2, s5, $0xb8;
	[tilespmem:$0x8100] =	vst v63  }
0x97: {  	s19 =	sadd.s32 s1, s19  }
0x98: {  	[hbm4b:s19+s2] =	stream.linear.scatter [tilespmem:s8], [sflag:$0x3], $0x4000, $0x38;
	[tilespmem:$0x8100] =	vst v63  }
0x99: {  	s23 =	sor.u32 $0x580, s30;
	_ =	swait.ge [sflag:s3], $0x4000  }
0x9a: {  	s20 =	sshrl.u32 s23, $0x3;
	[sflag:s3] =	ssyncset.done $0x0  }
0x9b: {  	s20 =	sadd.s32 s29, s20;
	[sflag:s3] =	ssyncadd.s32 $0xFFFFC000  }
0x9c: {  	[tilespmem:s5], [sflag:$0x3] =	stream.linear.gather [hbm4b:s20+s2], $0x80, $0x38;
	[tilespmem:$0x8100] =	vst v63  }
0x9d: {  	_ =	swait.ge [sflag:s3], $0x80  }
0x9e: {  	[sflag:s3] =	ssyncset.done $0x0  }
0x9f: {  	[sflag:s3] =	ssyncadd.s32 $0xFFFFFF80  }
0xa0: {  	_ =	swait.ge [sflag:s7], $0x4000  }
0xa1: {  	[sflag:s7] =	ssyncset.done $0x0  }
0xa2: {  	s21 =	sshll.u32 s21, $0x4;
	[sflag:s7] =	ssyncadd.s32 $0xFFFFC000  }
0xa3: {  	[tilespmem:s8], [sflag:$0x2] =	stream.indirect.gather [hbm4b:s4+s5], $0x80, s5, s5, $0xb8;
	[tilespmem:$0x8100] =	vst v63  }
0xa4: {  	s21 =	sadd.s32 s1, s21  }
0xa5: {  	[hbm4b:s21+s2] =	stream.linear.scatter [tilespmem:s6], [sflag:$0x3], $0x4000, $0x38;
	[tilespmem:$0x8100] =	vst v63  }
0xa6: {  	s25 =	sor.u32 $0x600, s30;
	_ =	swait.ge [sflag:s3], $0x4000  }
0xa7: {  	s22 =	sshrl.u32 s25, $0x3;
	[sflag:s3] =	ssyncset.done $0x0  }
0xa8: {  	s22 =	sadd.s32 s29, s22;
	[sflag:s3] =	ssyncadd.s32 $0xFFFFC000  }
0xa9: {  	[tilespmem:s2], [sflag:$0x3] =	stream.linear.gather [hbm4b:s22+s2], $0x80, $0x38;
	[tilespmem:$0x8100] =	vst v63  }
0xaa: {  	_ =	swait.ge [sflag:s3], $0x80  }
0xab: {  	[sflag:s3] =	ssyncset.done $0x0  }
0xac: {  	[sflag:s3] =	ssyncadd.s32 $0xFFFFFF80  }
0xad: {  	_ =	swait.ge [sflag:s9], $0x4000  }
0xae: {  	[sflag:s9] =	ssyncset.done $0x0  }
0xaf: {  	s23 =	sshll.u32 s23, $0x4;
	[sflag:s9] =	ssyncadd.s32 $0xFFFFC000  }
0xb0: {  	[tilespmem:s6], [sflag:$0x1] =	stream.indirect.gather [hbm4b:s4+s5], $0x80, s2, s5, $0xb8;
	[tilespmem:$0x8100] =	vst v63  }
0xb1: {  	s23 =	sadd.s32 s1, s23  }
0xb2: {  	[hbm4b:s23+s2] =	stream.linear.scatter [tilespmem:s8], [sflag:$0x3], $0x4000, $0x38;
	[tilespmem:$0x8100] =	vst v63  }
0xb3: {  	s28 =	sor.u32 $0x680, s30;
	_ =	swait.ge [sflag:s3], $0x4000  }
0xb4: {  	s24 =	sshrl.u32 s28, $0x3;
	[sflag:s3] =	ssyncset.done $0x0  }
0xb5: {  	s24 =	sadd.s32 s29, s24;
	[sflag:s3] =	ssyncadd.s32 $0xFFFFC000  }
0xb6: {  	[tilespmem:s5], [sflag:$0x3] =	stream.linear.gather [hbm4b:s24+s2], $0x80, $0x38;
	[tilespmem:$0x8100] =	vst v63  }
0xb7: {  	_ =	swait.ge [sflag:s3], $0x80  }
0xb8: {  	[sflag:s3] =	ssyncset.done $0x0  }
0xb9: {  	[sflag:s3] =	ssyncadd.s32 $0xFFFFFF80  }
0xba: {  	_ =	swait.ge [sflag:s7], $0x4000  }
0xbb: {  	[sflag:s7] =	ssyncset.done $0x0  }
0xbc: {  	s25 =	sshll.u32 s25, $0x4;
	[sflag:s7] =	ssyncadd.s32 $0xFFFFC000  }
0xbd: {  	[tilespmem:s8], [sflag:$0x2] =	stream.indirect.gather [hbm4b:s4+s5], $0x80, s5, s5, $0xb8;
	[tilespmem:$0x8100] =	vst v63  }
0xbe: {  	s25 =	sadd.s32 s1, s25  }
0xbf: {  	[hbm4b:s25+s2] =	stream.linear.scatter [tilespmem:s6], [sflag:$0x3], $0x4000, $0x38;
	[tilespmem:$0x8100] =	vst v63  }
0xc0: {  	s31 =	sor.u32 $0x700, s30;
	_ =	swait.ge [sflag:s3], $0x4000  }
0xc1: {  	s26 =	sshrl.u32 s31, $0x3;
	[sflag:s3] =	ssyncset.done $0x0  }
0xc2: {  	s26 =	sadd.s32 s29, s26;
	[sflag:s3] =	ssyncadd.s32 $0xFFFFC000  }
0xc3: {  	[tilespmem:s2], [sflag:$0x3] =	stream.linear.gather [hbm4b:s26+s2], $0x80, $0x38;
	[tilespmem:$0x8100] =	vst v63  }
0xc4: {  	_ =	swait.ge [sflag:s3], $0x80  }
0xc5: {  	[sflag:s3] =	ssyncset.done $0x0  }
0xc6: {  	[sflag:s3] =	ssyncadd.s32 $0xFFFFFF80  }
0xc7: {  	_ =	swait.ge [sflag:s9], $0x4000  }
0xc8: {  	[sflag:s9] =	ssyncset.done $0x0  }
0xc9: {  	s28 =	sshll.u32 s28, $0x4;
	[sflag:s9] =	ssyncadd.s32 $0xFFFFC000  }
0xca: {  	[tilespmem:s6], [sflag:$0x1] =	stream.indirect.gather [hbm4b:s4+s5], $0x80, s2, s5, $0xb8;
	[tilespmem:$0x8100] =	vst v63  }
0xcb: {  	s28 =	sadd.s32 s1, s28;
	[dreg:$0xe] =	wrdreg s1  }
0xcc: {  	[hbm4b:s28+s2] =	stream.linear.scatter [tilespmem:s8], [sflag:$0x3], $0x4000, $0x38;
	[tilespmem:$0x8100] =	vst v63  }
0xcd: {  	s0 =	sor.u32 $0x780, s30;
	_ =	swait.ge [sflag:s3], $0x4000  }
0xce: {  	s30 =	sshrl.u32 s0, $0x3;
	[sflag:s3] =	ssyncset.done $0x0  }
0xcf: {  	s29 =	sadd.s32 s29, s30;
	[sflag:s3] =	ssyncadd.s32 $0xFFFFC000  }
0xd0: {  	[tilespmem:s5], [sflag:$0x3] =	stream.linear.gather [hbm4b:s29+s2], $0x80, $0x38;
	[tilespmem:$0x8100] =	vst v63  }
0xd1: {  	_ =	swait.ge [sflag:s3], $0x80  }
0xd2: {  	[sflag:s3] =	ssyncset.done $0x0  }
0xd3: {  	[sflag:s3] =	ssyncadd.s32 $0xFFFFFF80  }
0xd4: {  	_ =	swait.ge [sflag:s7], $0x4000  }
0xd5: {  	[sflag:s7] =	ssyncset.done $0x0  }
0xd6: {  	s30 =	sshll.u32 s31, $0x4;
	[sflag:s7] =	ssyncadd.s32 $0xFFFFC000  }
0xd7: {  	[tilespmem:s8], [sflag:$0x2] =	stream.indirect.gather [hbm4b:s4+s5], $0x80, s5, s5, $0xb8;
	[tilespmem:$0x8100] =	vst v63  }
0xd8: {  	s30 =	sadd.s32 s1, s30  }
0xd9: {  	[hbm4b:s30+s2] =	stream.linear.scatter [tilespmem:s6], [sflag:$0x3], $0x4000, $0x38;
	[tilespmem:$0x8100] =	vst v63  }
0xda: {  	_ =	swait.ge [sflag:s3], $0x4000  }
0xdb: {  	s1 =	rddreg [dreg:$0xd]  }
0xdc: {  	s1 =	ssub.s32 $0x2, s1  }
0xdd: {  	s31 =	sshrl.u32 s1, $0x1  }
0xde: {  	s1 =	ssub.s32 s1, s31  }
0xdf: {  	[sflag:s3] =	ssyncset.done $0x0;
	s1 =	smax.u32 s1, $0x1  }
0xe0: {  	[sflag:s3] =	ssyncadd.s32 $0xFFFFC000;
	p0 =	sne.s32 s1, $0x1  }
.Ltmp0:
0xe1: {  	_ =	swait.ge [sflag:s9], $0x4000;
	(pc) =	sbr.rel @!p0 .LBB2_2-.Ltmp0, $4  }
0xe2: {  	s0 =	sshll.u32 s0, $0x4;
	[sflag:s9] =	ssyncset.done $0x0;
	s31 =	rddreg [dreg:$0xe]  }
0xe3: {  	s31 =	sadd.s32 s31, s0;
	[sflag:s9] =	ssyncadd.s32 $0xFFFFC000  }
0xe4: {  	[hbm4b:s31+s2] =	stream.linear.scatter [tilespmem:s8], [sflag:$0x3], $0x4000, $0x38;
	[tilespmem:$0x8100] =	vst v63  }
0xe5: {  	s1 =	sadd.s32 $0xFFFFFFFF, s1;
	_ =	swait.ge [sflag:s3], $0x4000  }
.LBB2_1:
0xe6: {  	[sflag:s3] =	ssyncset.done $0x0  }
0xe7: {  	s0 =	rddreg [dreg:$0x2];
	[sflag:s3] =	ssyncadd.s32 $0xFFFFC000  }
0xe8: {  	[tilespmem:s2], [sflag:$0x3] =	stream.linear.gather [hbm4b:s0+s2], $0x80, $0x38;
	[tilespmem:$0x8100] =	vst v63  }
0xe9: {  	_ =	swait.ge [sflag:s3], $0x80  }
0xea: {  	[sflag:s3] =	ssyncset.done $0x0  }
0xeb: {  	[sflag:s3] =	ssyncadd.s32 $0xFFFFFF80  }
0xec: {  	[tilespmem:s6], [sflag:$0x1] =	stream.indirect.gather [hbm4b:s4+s5], $0x80, s2, s5, $0xb8;
	[tilespmem:$0x8100] =	vst v63  }
0xed: {  	s0 =	rddreg [dreg:$0x3]  }
0xee: {  	[tilespmem:s5], [sflag:$0x3] =	stream.linear.gather [hbm4b:s0+s2], $0x80, $0x38;
	[tilespmem:$0x8100] =	vst v63  }
0xef: {  	_ =	swait.ge [sflag:s3], $0x80  }
0xf0: {  	[sflag:s3] =	ssyncset.done $0x0  }
0xf1: {  	[sflag:s3] =	ssyncadd.s32 $0xFFFFFF80  }
0xf2: {  	_ =	swait.ge [sflag:s7], $0x4000  }
0xf3: {  	[sflag:s7] =	ssyncset.done $0x0  }
0xf4: {  	[sflag:s7] =	ssyncadd.s32 $0xFFFFC000  }
0xf5: {  	[tilespmem:s8], [sflag:$0x2] =	stream.indirect.gather [hbm4b:s4+s5], $0x80, s5, s5, $0xb8;
	[tilespmem:$0x8100] =	vst v63  }
0xf6: {  	s0 =	rddreg [dreg:$0x4]  }
0xf7: {  	[hbm4b:s0+s2] =	stream.linear.scatter [tilespmem:s6], [sflag:$0x3], $0x4000, $0x38;
	[tilespmem:$0x8100] =	vst v63  }
0xf8: {  	_ =	swait.ge [sflag:s3], $0x4000  }
0xf9: {  	[sflag:s3] =	ssyncset.done $0x0  }
0xfa: {  	s0 =	rddreg [dreg:$0x5];
	[sflag:s3] =	ssyncadd.s32 $0xFFFFC000  }
0xfb: {  	[tilespmem:s2], [sflag:$0x3] =	stream.linear.gather [hbm4b:s0+s2], $0x80, $0x38;
	[tilespmem:$0x8100] =	vst v63  }
0xfc: {  	_ =	swait.ge [sflag:s3], $0x80  }
0xfd: {  	[sflag:s3] =	ssyncset.done $0x0  }
0xfe: {  	[sflag:s3] =	ssyncadd.s32 $0xFFFFFF80  }
0xff: {  	_ =	swait.ge [sflag:s9], $0x4000  }
0x100: {  	[sflag:s9] =	ssyncset.done $0x0  }
0x101: {  	[sflag:s9] =	ssyncadd.s32 $0xFFFFC000  }
0x102: {  	[tilespmem:s6], [sflag:$0x1] =	stream.indirect.gather [hbm4b:s4+s5], $0x80, s2, s5, $0xb8;
	[tilespmem:$0x8100] =	vst v63  }
0x103: {  	s0 =	rddreg [dreg:$0x6]  }
0x104: {  	[hbm4b:s0+s2] =	stream.linear.scatter [tilespmem:s8], [sflag:$0x3], $0x4000, $0x38;
	[tilespmem:$0x8100] =	vst v63  }
0x105: {  	_ =	swait.ge [sflag:s3], $0x4000  }
0x106: {  	[sflag:s3] =	ssyncset.done $0x0  }
0x107: {  	s0 =	rddreg [dreg:$0x7];
	[sflag:s3] =	ssyncadd.s32 $0xFFFFC000  }
0x108: {  	[tilespmem:s5], [sflag:$0x3] =	stream.linear.gather [hbm4b:s0+s2], $0x80, $0x38;
	[tilespmem:$0x8100] =	vst v63  }
0x109: {  	_ =	swait.ge [sflag:s3], $0x80  }
0x10a: {  	[sflag:s3] =	ssyncset.done $0x0  }
0x10b: {  	[sflag:s3] =	ssyncadd.s32 $0xFFFFFF80  }
0x10c: {  	_ =	swait.ge [sflag:s7], $0x4000  }
0x10d: {  	[sflag:s7] =	ssyncset.done $0x0  }
0x10e: {  	[sflag:s7] =	ssyncadd.s32 $0xFFFFC000  }
0x10f: {  	[tilespmem:s8], [sflag:$0x2] =	stream.indirect.gather [hbm4b:s4+s5], $0x80, s5, s5, $0xb8;
	[tilespmem:$0x8100] =	vst v63  }
0x110: {  	s0 =	rddreg [dreg:$0x8]  }
0x111: {  	[hbm4b:s0+s2] =	stream.linear.scatter [tilespmem:s6], [sflag:$0x3], $0x4000, $0x38;
	[tilespmem:$0x8100] =	vst v63  }
0x112: {  	_ =	swait.ge [sflag:s3], $0x4000  }
0x113: {  	[sflag:s3] =	ssyncset.done $0x0  }
0x114: {  	s0 =	rddreg [dreg:$0x9];
	[sflag:s3] =	ssyncadd.s32 $0xFFFFC000  }
0x115: {  	[tilespmem:s2], [sflag:$0x3] =	stream.linear.gather [hbm4b:s0+s2], $0x80, $0x38;
	[tilespmem:$0x8100] =	vst v63  }
0x116: {  	_ =	swait.ge [sflag:s3], $0x80  }
0x117: {  	[sflag:s3] =	ssyncset.done $0x0  }
0x118: {  	[sflag:s3] =	ssyncadd.s32 $0xFFFFFF80  }
0x119: {  	_ =	swait.ge [sflag:s9], $0x4000  }
0x11a: {  	[sflag:s9] =	ssyncset.done $0x0  }
0x11b: {  	[sflag:s9] =	ssyncadd.s32 $0xFFFFC000  }
0x11c: {  	[tilespmem:s6], [sflag:$0x1] =	stream.indirect.gather [hbm4b:s4+s5], $0x80, s2, s5, $0xb8;
	[tilespmem:$0x8100] =	vst v63  }
0x11d: {  	s0 =	rddreg [dreg:$0xa]  }
0x11e: {  	[hbm4b:s0+s2] =	stream.linear.scatter [tilespmem:s8], [sflag:$0x3], $0x4000, $0x38;
	[tilespmem:$0x8100] =	vst v63  }
0x11f: {  	_ =	swait.ge [sflag:s3], $0x4000  }
0x120: {  	[sflag:s3] =	ssyncset.done $0x0  }
0x121: {  	s0 =	rddreg [dreg:$0xb];
	[sflag:s3] =	ssyncadd.s32 $0xFFFFC000  }
0x122: {  	[tilespmem:s5], [sflag:$0x3] =	stream.linear.gather [hbm4b:s0+s2], $0x80, $0x38;
	[tilespmem:$0x8100] =	vst v63  }
0x123: {  	_ =	swait.ge [sflag:s3], $0x80  }
0x124: {  	[sflag:s3] =	ssyncset.done $0x0  }
0x125: {  	[sflag:s3] =	ssyncadd.s32 $0xFFFFFF80  }
0x126: {  	_ =	swait.ge [sflag:s7], $0x4000  }
0x127: {  	[sflag:s7] =	ssyncset.done $0x0  }
0x128: {  	[sflag:s7] =	ssyncadd.s32 $0xFFFFC000  }
0x129: {  	[tilespmem:s8], [sflag:$0x2] =	stream.indirect.gather [hbm4b:s4+s5], $0x80, s5, s5, $0xb8;
	[tilespmem:$0x8100] =	vst v63  }
0x12a: {  	s0 =	rddreg [dreg:$0xc]  }
0x12b: {  	[hbm4b:s0+s2] =	stream.linear.scatter [tilespmem:s6], [sflag:$0x3], $0x4000, $0x38;
	[tilespmem:$0x8100] =	vst v63  }
0x12c: {  	_ =	swait.ge [sflag:s3], $0x4000  }
0x12d: {  	[sflag:s3] =	ssyncset.done $0x0  }
0x12e: {  	[sflag:s3] =	ssyncadd.s32 $0xFFFFC000  }
0x12f: {  	[tilespmem:s2], [sflag:$0x3] =	stream.linear.gather [hbm4b:s10+s2], $0x80, $0x38;
	[tilespmem:$0x8100] =	vst v63  }
0x130: {  	_ =	swait.ge [sflag:s3], $0x80  }
0x131: {  	[sflag:s3] =	ssyncset.done $0x0  }
0x132: {  	[sflag:s3] =	ssyncadd.s32 $0xFFFFFF80  }
0x133: {  	_ =	swait.ge [sflag:s9], $0x4000  }
0x134: {  	[sflag:s9] =	ssyncset.done $0x0  }
0x135: {  	[sflag:s9] =	ssyncadd.s32 $0xFFFFC000  }
0x136: {  	[tilespmem:s6], [sflag:$0x1] =	stream.indirect.gather [hbm4b:s4+s5], $0x80, s2, s5, $0xb8;
	[tilespmem:$0x8100] =	vst v63  }
0x137: {  	_ = 	snop  }
0x138: {  	[hbm4b:s11+s2] =	stream.linear.scatter [tilespmem:s8], [sflag:$0x3], $0x4000, $0x38;
	[tilespmem:$0x8100] =	vst v63  }
0x139: {  	_ =	swait.ge [sflag:s3], $0x4000  }
0x13a: {  	[sflag:s3] =	ssyncset.done $0x0  }
0x13b: {  	[sflag:s3] =	ssyncadd.s32 $0xFFFFC000  }
0x13c: {  	[tilespmem:s5], [sflag:$0x3] =	stream.linear.gather [hbm4b:s12+s2], $0x80, $0x38;
	[tilespmem:$0x8100] =	vst v63  }
0x13d: {  	_ =	swait.ge [sflag:s3], $0x80  }
0x13e: {  	[sflag:s3] =	ssyncset.done $0x0  }
0x13f: {  	[sflag:s3] =	ssyncadd.s32 $0xFFFFFF80  }
0x140: {  	_ =	swait.ge [sflag:s7], $0x4000  }
0x141: {  	[sflag:s7] =	ssyncset.done $0x0  }
0x142: {  	[sflag:s7] =	ssyncadd.s32 $0xFFFFC000  }
0x143: {  	[tilespmem:s8], [sflag:$0x2] =	stream.indirect.gather [hbm4b:s4+s5], $0x80, s5, s5, $0xb8;
	[tilespmem:$0x8100] =	vst v63  }
0x144: {  	_ = 	snop  }
0x145: {  	[hbm4b:s13+s2] =	stream.linear.scatter [tilespmem:s6], [sflag:$0x3], $0x4000, $0x38;
	[tilespmem:$0x8100] =	vst v63  }
0x146: {  	_ =	swait.ge [sflag:s3], $0x4000  }
0x147: {  	[sflag:s3] =	ssyncset.done $0x0  }
0x148: {  	[sflag:s3] =	ssyncadd.s32 $0xFFFFC000  }
0x149: {  	[tilespmem:s2], [sflag:$0x3] =	stream.linear.gather [hbm4b:s14+s2], $0x80, $0x38;
	[tilespmem:$0x8100] =	vst v63  }
0x14a: {  	_ =	swait.ge [sflag:s3], $0x80  }
0x14b: {  	[sflag:s3] =	ssyncset.done $0x0  }
0x14c: {  	[sflag:s3] =	ssyncadd.s32 $0xFFFFFF80  }
0x14d: {  	_ =	swait.ge [sflag:s9], $0x4000  }
0x14e: {  	[sflag:s9] =	ssyncset.done $0x0  }
0x14f: {  	[sflag:s9] =	ssyncadd.s32 $0xFFFFC000  }
0x150: {  	[tilespmem:s6], [sflag:$0x1] =	stream.indirect.gather [hbm4b:s4+s5], $0x80, s2, s5, $0xb8;
	[tilespmem:$0x8100] =	vst v63  }
0x151: {  	_ = 	snop  }
0x152: {  	[hbm4b:s15+s2] =	stream.linear.scatter [tilespmem:s8], [sflag:$0x3], $0x4000, $0x38;
	[tilespmem:$0x8100] =	vst v63  }
0x153: {  	_ =	swait.ge [sflag:s3], $0x4000  }
0x154: {  	[sflag:s3] =	ssyncset.done $0x0  }
0x155: {  	[sflag:s3] =	ssyncadd.s32 $0xFFFFC000  }
0x156: {  	[tilespmem:s5], [sflag:$0x3] =	stream.linear.gather [hbm4b:s16+s2], $0x80, $0x38;
	[tilespmem:$0x8100] =	vst v63  }
0x157: {  	_ =	swait.ge [sflag:s3], $0x80  }
0x158: {  	[sflag:s3] =	ssyncset.done $0x0  }
0x159: {  	[sflag:s3] =	ssyncadd.s32 $0xFFFFFF80  }
0x15a: {  	_ =	swait.ge [sflag:s7], $0x4000  }
0x15b: {  	[sflag:s7] =	ssyncset.done $0x0  }
0x15c: {  	[sflag:s7] =	ssyncadd.s32 $0xFFFFC000  }
0x15d: {  	[tilespmem:s8], [sflag:$0x2] =	stream.indirect.gather [hbm4b:s4+s5], $0x80, s5, s5, $0xb8;
	[tilespmem:$0x8100] =	vst v63  }
0x15e: {  	_ = 	snop  }
0x15f: {  	[hbm4b:s17+s2] =	stream.linear.scatter [tilespmem:s6], [sflag:$0x3], $0x4000, $0x38;
	[tilespmem:$0x8100] =	vst v63  }
0x160: {  	_ =	swait.ge [sflag:s3], $0x4000  }
0x161: {  	[sflag:s3] =	ssyncset.done $0x0  }
0x162: {  	[sflag:s3] =	ssyncadd.s32 $0xFFFFC000  }
0x163: {  	[tilespmem:s2], [sflag:$0x3] =	stream.linear.gather [hbm4b:s18+s2], $0x80, $0x38;
	[tilespmem:$0x8100] =	vst v63  }
0x164: {  	_ =	swait.ge [sflag:s3], $0x80  }
0x165: {  	[sflag:s3] =	ssyncset.done $0x0  }
0x166: {  	[sflag:s3] =	ssyncadd.s32 $0xFFFFFF80  }
0x167: {  	_ =	swait.ge [sflag:s9], $0x4000  }
0x168: {  	[sflag:s9] =	ssyncset.done $0x0  }
0x169: {  	[sflag:s9] =	ssyncadd.s32 $0xFFFFC000  }
0x16a: {  	[tilespmem:s6], [sflag:$0x1] =	stream.indirect.gather [hbm4b:s4+s5], $0x80, s2, s5, $0xb8;
	[tilespmem:$0x8100] =	vst v63  }
0x16b: {  	_ = 	snop  }
0x16c: {  	[hbm4b:s19+s2] =	stream.linear.scatter [tilespmem:s8], [sflag:$0x3], $0x4000, $0x38;
	[tilespmem:$0x8100] =	vst v63  }
0x16d: {  	_ =	swait.ge [sflag:s3], $0x4000  }
0x16e: {  	[sflag:s3] =	ssyncset.done $0x0  }
0x16f: {  	[sflag:s3] =	ssyncadd.s32 $0xFFFFC000  }
0x170: {  	[tilespmem:s5], [sflag:$0x3] =	stream.linear.gather [hbm4b:s20+s2], $0x80, $0x38;
	[tilespmem:$0x8100] =	vst v63  }
0x171: {  	_ =	swait.ge [sflag:s3], $0x80  }
0x172: {  	[sflag:s3] =	ssyncset.done $0x0  }
0x173: {  	[sflag:s3] =	ssyncadd.s32 $0xFFFFFF80  }
0x174: {  	_ =	swait.ge [sflag:s7], $0x4000  }
0x175: {  	[sflag:s7] =	ssyncset.done $0x0  }
0x176: {  	[sflag:s7] =	ssyncadd.s32 $0xFFFFC000  }
0x177: {  	[tilespmem:s8], [sflag:$0x2] =	stream.indirect.gather [hbm4b:s4+s5], $0x80, s5, s5, $0xb8;
	[tilespmem:$0x8100] =	vst v63  }
0x178: {  	_ = 	snop  }
0x179: {  	[hbm4b:s21+s2] =	stream.linear.scatter [tilespmem:s6], [sflag:$0x3], $0x4000, $0x38;
	[tilespmem:$0x8100] =	vst v63  }
0x17a: {  	_ =	swait.ge [sflag:s3], $0x4000  }
0x17b: {  	[sflag:s3] =	ssyncset.done $0x0  }
0x17c: {  	[sflag:s3] =	ssyncadd.s32 $0xFFFFC000  }
0x17d: {  	[tilespmem:s2], [sflag:$0x3] =	stream.linear.gather [hbm4b:s22+s2], $0x80, $0x38;
	[tilespmem:$0x8100] =	vst v63  }
0x17e: {  	_ =	swait.ge [sflag:s3], $0x80  }
0x17f: {  	[sflag:s3] =	ssyncset.done $0x0  }
0x180: {  	[sflag:s3] =	ssyncadd.s32 $0xFFFFFF80  }
0x181: {  	_ =	swait.ge [sflag:s9], $0x4000  }
0x182: {  	[sflag:s9] =	ssyncset.done $0x0  }
0x183: {  	[sflag:s9] =	ssyncadd.s32 $0xFFFFC000  }
0x184: {  	[tilespmem:s6], [sflag:$0x1] =	stream.indirect.gather [hbm4b:s4+s5], $0x80, s2, s5, $0xb8;
	[tilespmem:$0x8100] =	vst v63  }
0x185: {  	_ = 	snop  }
0x186: {  	[hbm4b:s23+s2] =	stream.linear.scatter [tilespmem:s8], [sflag:$0x3], $0x4000, $0x38;
	[tilespmem:$0x8100] =	vst v63  }
0x187: {  	_ =	swait.ge [sflag:s3], $0x4000  }
0x188: {  	[sflag:s3] =	ssyncset.done $0x0  }
0x189: {  	[sflag:s3] =	ssyncadd.s32 $0xFFFFC000  }
0x18a: {  	[tilespmem:s5], [sflag:$0x3] =	stream.linear.gather [hbm4b:s24+s2], $0x80, $0x38;
	[tilespmem:$0x8100] =	vst v63  }
0x18b: {  	_ =	swait.ge [sflag:s3], $0x80  }
0x18c: {  	[sflag:s3] =	ssyncset.done $0x0  }
0x18d: {  	[sflag:s3] =	ssyncadd.s32 $0xFFFFFF80  }
0x18e: {  	_ =	swait.ge [sflag:s7], $0x4000  }
0x18f: {  	[sflag:s7] =	ssyncset.done $0x0  }
0x190: {  	[sflag:s7] =	ssyncadd.s32 $0xFFFFC000  }
0x191: {  	[tilespmem:s8], [sflag:$0x2] =	stream.indirect.gather [hbm4b:s4+s5], $0x80, s5, s5, $0xb8;
	[tilespmem:$0x8100] =	vst v63  }
0x192: {  	_ = 	snop  }
0x193: {  	[hbm4b:s25+s2] =	stream.linear.scatter [tilespmem:s6], [sflag:$0x3], $0x4000, $0x38;
	[tilespmem:$0x8100] =	vst v63  }
0x194: {  	_ =	swait.ge [sflag:s3], $0x4000  }
0x195: {  	[sflag:s3] =	ssyncset.done $0x0  }
0x196: {  	[sflag:s3] =	ssyncadd.s32 $0xFFFFC000  }
0x197: {  	[tilespmem:s2], [sflag:$0x3] =	stream.linear.gather [hbm4b:s26+s2], $0x80, $0x38;
	[tilespmem:$0x8100] =	vst v63  }
0x198: {  	_ =	swait.ge [sflag:s3], $0x80  }
0x199: {  	[sflag:s3] =	ssyncset.done $0x0  }
0x19a: {  	[sflag:s3] =	ssyncadd.s32 $0xFFFFFF80  }
0x19b: {  	_ =	swait.ge [sflag:s9], $0x4000  }
0x19c: {  	[sflag:s9] =	ssyncset.done $0x0  }
0x19d: {  	[sflag:s9] =	ssyncadd.s32 $0xFFFFC000  }
0x19e: {  	[tilespmem:s6], [sflag:$0x1] =	stream.indirect.gather [hbm4b:s4+s5], $0x80, s2, s5, $0xb8;
	[tilespmem:$0x8100] =	vst v63  }
0x19f: {  	_ = 	snop  }
0x1a0: {  	[hbm4b:s28+s2] =	stream.linear.scatter [tilespmem:s8], [sflag:$0x3], $0x4000, $0x38;
	[tilespmem:$0x8100] =	vst v63  }
0x1a1: {  	_ =	swait.ge [sflag:s3], $0x4000  }
0x1a2: {  	[sflag:s3] =	ssyncset.done $0x0  }
0x1a3: {  	[sflag:s3] =	ssyncadd.s32 $0xFFFFC000  }
0x1a4: {  	[tilespmem:s5], [sflag:$0x3] =	stream.linear.gather [hbm4b:s29+s2], $0x80, $0x38;
	[tilespmem:$0x8100] =	vst v63  }
0x1a5: {  	_ =	swait.ge [sflag:s3], $0x80  }
0x1a6: {  	[sflag:s3] =	ssyncset.done $0x0  }
0x1a7: {  	[sflag:s3] =	ssyncadd.s32 $0xFFFFFF80  }
0x1a8: {  	_ =	swait.ge [sflag:s7], $0x4000  }
0x1a9: {  	[sflag:s7] =	ssyncset.done $0x0  }
0x1aa: {  	[sflag:s7] =	ssyncadd.s32 $0xFFFFC000  }
0x1ab: {  	[tilespmem:s8], [sflag:$0x2] =	stream.indirect.gather [hbm4b:s4+s5], $0x80, s5, s5, $0xb8;
	[tilespmem:$0x8100] =	vst v63  }
0x1ac: {  	_ = 	snop  }
0x1ad: {  	[hbm4b:s30+s2] =	stream.linear.scatter [tilespmem:s6], [sflag:$0x3], $0x4000, $0x38;
	[tilespmem:$0x8100] =	vst v63  }
0x1ae: {  	_ =	swait.ge [sflag:s3], $0x4000  }
0x1af: {  	[sflag:s3] =	ssyncset.done $0x0  }
0x1b0: {  	p0 =	sne.s32 s1, $0x1;
	[sflag:s3] =	ssyncadd.s32 $0xFFFFC000  }
.Ltmp1:
0x1b1: {  	_ =	swait.ge [sflag:s9], $0x4000;
	(pc) =	sbr.rel @p0 .LBB2_1-.Ltmp1, $4  }
0x1b2: {  	[sflag:s9] =	ssyncset.done $0x0  }
0x1b3: {  	[sflag:s9] =	ssyncadd.s32 $0xFFFFC000  }
0x1b4: {  	[hbm4b:s31+s2] =	stream.linear.scatter [tilespmem:s8], [sflag:$0x3], $0x4000, $0x38;
	[tilespmem:$0x8100] =	vst v63  }
0x1b5: {  	s1 =	sadd.s32 $0xFFFFFFFF, s1;
	_ =	swait.ge [sflag:s3], $0x4000  }
.LBB2_2:
0x1b6: {  	[sflag:s3] =	ssyncset.done $0x0  }
0x1b7: {  	[sflag:s3] =	ssyncadd.s32 $0xFFFFC000  }
0x1b8: {  	_ =	sfence.sel $0x180000  }
0x1b9: {  	[bflag:$0x0] =	sbarrier.arrive $0xFFFF  }
0x1ba: {  	_ =	strace $0x9000004A  }
0x1bb: {  	s0 =	stileid.u32;
	[bflag:$0x2] =	sbarrier.arrive $0xFFFF  }
0x1bc: {  	p0 =	sne.s32 s0, $0x0;
	s0 =	rddreg [dreg:$0x1]  }
0x1bd: {  	s0 =	sadd.s32 @!p0 $0x100000, s0  }
0x1be: {  	[sflag:s0] =	ssyncadd.tile.s32 @!p0 $0x1;
	_ =	shalt  }
.Lfunc_end2:
_tile_overlayer_lowered:
.L_overlay_start_2:
0x1bf: {  	(tag) =	ssettag $0x2  }
0x1c0: {  	s0 =	rddreg [dreg:$0x0];
	s2 =	stileid.u32  }
0x1c1: {  	s1 =	rddreg [dreg:$0x1];
	p0 =	sne.s32 s2, $0x0  }
0x1c2: {  	s3 =	rddreg [dreg:$0x2];
	[bflag:$0x3] =	sbarrier.arrive $0xFFFF;
	s2 =	simm.s32 @!p0 $0x1C03  }
0x1c3: {  	[timem:s3], [sflag:s2] =	dma.local @!p0 [hbm:s0], s1  }
0x1c4: {  	s0 =	simm.s32 @!p0 $0x3  }
0x1c5: {  	_ =	swait.ge @!p0 [sflag:s0], s1  }
0x1c6: {  	s1 =	ssub.s32 @!p0 $0x0, s1;
	[sflag:s0] =	ssyncset.done @!p0 $0x0  }
0x1c7: {  	[sflag:s0] =	ssyncadd.s32 @!p0 s1  }
0x1c8: {  	[bflag:$0x3] =	sbarrier.arrive $0xFFFF  }
0x1c9: {  	_ =	shalt  }

</sc_bundles>
